<compile_context>
chip_gen: v7x
topology: tpu7x:2x2x1
jax: 0.10.2.dev20260603
libtpu: 0.0.44.dev20260713+nightly
codegen_flags: <defaults>
</compile_context>

<pallas_src>
import jax
import jax.numpy as jnp
from jax import lax
from jax.experimental import pallas as pl
from jax.experimental.pallas import tpu as pltpu
from jax.experimental.pallas import tpu_sc as plsc

N = 10000
E = 320000
D = 128

NC = 2
NS = 16
LANES = 16
STAGE = 80
SPLIT = 2
N_STAGES = E // STAGE
STAGES_PER_SC = N_STAGES // NC
TILE_STAGES = STAGES_PER_SC // NS
BATCH = 25
TRIPLES = (TILE_STAGES - 2) // 3
UNROLL = 4
NODE_BASE = 624
NODE_EXTRA_TILES = (N - NS * NODE_BASE) // 8


def _linear_body(x_ref, w_ref, b_ref, o_ref):
    o_ref[...] = lax.dot_general(
        x_ref[...], w_ref[...],
        dimension_numbers=(((1,), (1,)), ((), ())),
        preferred_element_type=jnp.float32,
    ) + b_ref[...]


def _linear(x, w, b2):
    blk = 1000
    return pl.pallas_call(
        _linear_body,
        out_shape=jax.ShapeDtypeStruct((N, D), jnp.float32),
        grid=(N // blk,),
        in_specs=[
            pl.BlockSpec((blk, D), lambda i: (i, 0)),
            pl.BlockSpec((D, D), lambda i: (0, 0)),
            pl.BlockSpec((1, D), lambda i: (0, 0)),
        ],
        out_specs=pl.BlockSpec((blk, D), lambda i: (i, 0)),
    )(x, w, b2)


def _add_body(a_ref, b_ref, o_ref):
    o_ref[...] = a_ref[...] + b_ref[...]


def _combine(p0, p1):
    blk = 1000
    return pl.pallas_call(
        _add_body,
        out_shape=jax.ShapeDtypeStruct((N, D), jnp.float32),
        grid=(N // blk,),
        in_specs=[
            pl.BlockSpec((blk, D), lambda i: (i, 0)),
            pl.BlockSpec((blk, D), lambda i: (i, 0)),
        ],
        out_specs=pl.BlockSpec((blk, D), lambda i: (i, 0)),
    )(p0, p1)


def _sc_body(hidden, src, dst3, w, zrows, out,
             sidx, didx, wbuf, rows0, rows1, rows2, acc,
             gsem0, gsem1, gsem2, ssem0, ssem1, ssem2):
    c = lax.axis_index("c")
    s = lax.axis_index("s")
    rows = (rows0, rows1, rows2)
    gsem = (gsem0, gsem1, gsem2)
    ssem = (ssem0, ssem1, ssem2)

    node_start = (s * (NODE_BASE // 8) + jnp.minimum(s, NODE_EXTRA_TILES)) * 8

    pltpu.sync_copy(zrows.at[pl.ds(0, NODE_BASE)],
                    acc.at[pl.ds(node_start, NODE_BASE)])

    @pl.when(s < NODE_EXTRA_TILES)
    def _():
        pltpu.sync_copy(zrows.at[pl.ds(NODE_BASE, 8)],
                        acc.at[pl.ds(node_start + NODE_BASE, 8)])

    row0 = c * STAGES_PER_SC + s * TILE_STAGES

    def stage_batch(j, half):
        grow = row0 + j * BATCH
        pltpu.sync_copy(src.at[pl.ds(grow * STAGE, BATCH * STAGE)],
                        sidx.at[pl.ds(half * BATCH * STAGE, BATCH * STAGE)])
        pltpu.sync_copy(dst3.at[pl.ds(grow, BATCH)], didx.at[half])
        pltpu.sync_copy(w.at[pl.ds(grow * STAGE, BATCH * STAGE)],
                        wbuf.at[pl.ds(half * BATCH * STAGE, BATCH * STAGE)])

    stage_batch(0, 0)
    plsc.subcore_barrier()

    SUB = STAGE // SPLIT

    def gather_start(i, buf, sem):
        h = (i // BATCH) % 2
        base = h * (BATCH * STAGE) + (i % BATCH) * STAGE
        for j in range(SPLIT):
            pltpu.async_copy(
                hidden.at[sidx.at[pl.ds(base + j * SUB, SUB)]],
                buf.at[pl.ds(j * SUB, SUB)], sem)

    def gather_wait(buf, sem):
        for j in range(SPLIT):
            pltpu.make_async_copy(hidden.at[sidx.at[pl.ds(0, SUB)]],
                                  buf.at[pl.ds(j * SUB, SUB)], sem).wait()

    def scatter_start(i, buf, sem):
        h = (i // BATCH) % 2
        lr = i % BATCH
        pltpu.async_copy(buf, acc.at[didx.at[h, lr, 0]], sem, add=True)

    def scatter_wait(buf, sem):
        pltpu.make_async_copy(buf, acc.at[didx.at[0, 0, 0]], sem).wait()

    def scale(buf, i):
        h = (i // BATCH) % 2
        base = h * (BATCH * STAGE) + (i % BATCH) * STAGE

        def edge_body(e4, carry):
            for u in range(UNROLL):
                e = e4 * UNROLL + u
                wb = plsc.load_gather(
                    wbuf, [jnp.full((LANES,), base + e, jnp.int32)])
                for k in range(D // LANES):
                    sl = pl.ds(k * LANES, LANES)
                    buf[e, sl] = buf[e, sl] * wb
            return carry

        lax.fori_loop(0, STAGE // UNROLL, edge_body, 0)

    gather_start(0, rows[0], gsem[0])
    gather_start(1, rows[1], gsem[1])

    def triple_body(t, carry):
        i0 = 3 * t
        for b in range(3):
            i = i0 + b
            buf, gs, cs = rows[b], gsem[b], ssem[b]
            gather_wait(buf, gs)
            scale(buf, i)
            if b == 0:
                @pl.when(t > 0)
                def _():
                    scatter_wait(rows[2], ssem[2])
            else:
                scatter_wait(rows[b - 1], ssem[b - 1])
            nxt = i + 2

            @pl.when(nxt % BATCH == 0)
            def _():
                stage_batch(nxt // BATCH, (nxt // BATCH) % 2)

            gather_start(nxt, rows[(b + 2) % 3], gsem[(b + 2) % 3])
            scatter_start(i, buf, cs)
        return carry

    lax.fori_loop(0, TRIPLES, triple_body, 0)

    gather_wait(rows[0], gsem[0])
    scale(rows[0], TILE_STAGES - 2)
    scatter_start(TILE_STAGES - 2, rows[0], ssem[0])
    gather_wait(rows[1], gsem[1])
    scale(rows[1], TILE_STAGES - 1)
    scatter_start(TILE_STAGES - 1, rows[1], ssem[1])
    scatter_wait(rows[2], ssem[2])
    scatter_wait(rows[0], ssem[0])
    scatter_wait(rows[1], ssem[1])

    plsc.subcore_barrier()
    pltpu.sync_copy(acc.at[pl.ds(node_start, NODE_BASE)],
                    out.at[c, pl.ds(node_start, NODE_BASE)])

    @pl.when(s < NODE_EXTRA_TILES)
    def _():
        pltpu.sync_copy(acc.at[pl.ds(node_start + NODE_BASE, 8)],
                        out.at[c, pl.ds(node_start + NODE_BASE, 8)])


_sc_scatter = pl.kernel(
    _sc_body,
    out_type=jax.ShapeDtypeStruct((NC, N, D), jnp.float32),
    mesh=plsc.VectorSubcoreMesh(core_axis_name="c", subcore_axis_name="s"),
    compiler_params=pltpu.CompilerParams(needs_layout_passes=False,
                                         skip_device_barrier=True),
    scratch_types=[
        pltpu.VMEM((2 * BATCH * STAGE,), jnp.int32),
        pltpu.VMEM((2, BATCH, 1, STAGE), jnp.int32),
        pltpu.VMEM((2 * BATCH * STAGE,), jnp.float32),
        pltpu.VMEM((STAGE, D), jnp.float32),
        pltpu.VMEM((STAGE, D), jnp.float32),
        pltpu.VMEM((STAGE, D), jnp.float32),
        pltpu.VMEM_SHARED((N, D), jnp.float32),
        pltpu.SemaphoreType.DMA,
        pltpu.SemaphoreType.DMA,
        pltpu.SemaphoreType.DMA,
        pltpu.SemaphoreType.DMA,
        pltpu.SemaphoreType.DMA,
        pltpu.SemaphoreType.DMA,
    ],
)


def kernel(ego_embedding, edge_index, edge_weight, W, b):
    hidden = _linear(ego_embedding, W, b.reshape(1, D))
    src = edge_index[0]
    dst3 = edge_index[1].reshape(N_STAGES, 1, STAGE)
    zrows = jnp.zeros((NODE_BASE + 8, D), jnp.float32)
    partials = _sc_scatter(hidden, src, dst3, edge_weight, zrows)
    return _combine(partials[0], partials[1])

# --- scband reference (transcript-rebuilt; emitter-appended) ---
"""Pipeline reference for scband-srgnnconv-30751965840098 (READ-ONLY COPY).

The authoritative reference and input builder live on the scoring server;
editing this copy changes nothing except your own understanding.
"""

import jax, jax.numpy as jnp
import numpy as np

N_NODES = 10000
N_EDGES = 320000
DIM = 128


def setup_inputs(seed: int = 0) -> dict:
    key = jax.random.key(seed)
    k1, k2, k3, k4, k5 = jax.random.split(key, 5)
    ego_embedding = jax.random.normal(k1, (N_NODES, DIM), dtype=jnp.float32)
    edge_index = jax.random.randint(k2, (2, N_EDGES), 0, N_NODES, dtype=jnp.int32)
    edge_weight = jax.random.uniform(k3, (N_EDGES,), dtype=jnp.float32)
    # nn.Linear(dim, dim) parameters: weight [out, in], bias [out]
    bound = 1.0 / np.sqrt(DIM)
    W = jax.random.uniform(k4, (DIM, DIM), dtype=jnp.float32, minval=-bound, maxval=bound)
    b = jax.random.uniform(k5, (DIM,), dtype=jnp.float32, minval=-bound, maxval=bound)
    return {"ego_embedding": ego_embedding, "edge_index": edge_index, "edge_weight": edge_weight, "W": W, "b": b}


def reference(ego_embedding, edge_index, edge_weight, W, b):
    # hidden = self.lin(ego_embedding)
    hidden = ego_embedding @ W.T + b
    # DGL update_all: message = u_mul_e('h', 'edge_weight', 'm'); reduce = sum
    src = edge_index[0]
    dst = edge_index[1]
    msg = hidden[src] * edge_weight[:, None]  # gather + elementwise mul
    out = jax.ops.segment_sum(msg, dst, num_segments=ego_embedding.shape[0])  # scatter-add
    return out

if __name__ == "__main__":
    import jax
    _d = setup_inputs()
    print(jax.jit(kernel)(*tuple(_d.values())))

</pallas_src>

<mosaic_0001>
#map = affine_map<(d0, d1) -> (0, 0)>
#map1 = affine_map<(d0, d1) -> (0)>
#map2 = affine_map<(d0, d1) -> (0, 0, 0)>
module attributes {stable_mosaic.version = 14 : i64} {
  func.func @_sc_body(%arg0: i32, %arg1: i32, %arg2: memref<10000x128xf32, #tpu.memory_space<hbm>>, %arg3: memref<320000xi32, #tpu.memory_space<hbm>>, %arg4: memref<4000x1x80xi32, #tpu.memory_space<hbm>>, %arg5: memref<320000xf32, #tpu.memory_space<hbm>>, %arg6: memref<632x128xf32, #tpu.memory_space<hbm>>, %arg7: memref<2x10000x128xf32, #tpu.memory_space<hbm>>, %arg8: memref<4000xi32, #tpu.memory_space<vmem>>, %arg9: memref<2x25x1x80xi32, #tpu.memory_space<vmem>>, %arg10: memref<4000xf32, #tpu.memory_space<vmem>>, %arg11: memref<80x128xf32, #tpu.memory_space<vmem>>, %arg12: memref<80x128xf32, #tpu.memory_space<vmem>>, %arg13: memref<80x128xf32, #tpu.memory_space<vmem>>, %arg14: memref<10000x128xf32, #tpu.memory_space<vmem_shared>>, %arg15: memref<!tpu.dma_semaphore, #tpu.memory_space<semaphore_mem>>, %arg16: memref<!tpu.dma_semaphore, #tpu.memory_space<semaphore_mem>>, %arg17: memref<!tpu.dma_semaphore, #tpu.memory_space<semaphore_mem>>, %arg18: memref<!tpu.dma_semaphore, #tpu.memory_space<semaphore_mem>>, %arg19: memref<!tpu.dma_semaphore, #tpu.memory_space<semaphore_mem>>, %arg20: memref<!tpu.dma_semaphore, #tpu.memory_space<semaphore_mem>>) attributes {dimension_semantics = [#tpu.dimension_semantics<core_parallel>, #tpu.dimension_semantics<subcore_parallel>], iteration_bounds = array<i64: 2, 16>, scalar_prefetch = 0 : i64, scratch_operands = 13 : i64, tpu.core_type = #tpu.core_type<sc_vector_subcore>, window_params = [{transform_indices = #map}, {transform_indices = #map1}, {transform_indices = #map2}, {transform_indices = #map1}, {transform_indices = #map}, {transform_indices = #map2}]} {
    %mul3A = arith.constant 78 : i32
    %mul3A_0 = arith.muli %arg1, %mul3A : i32
    %min3A = arith.constant 2 : i32
    %min3A_1 = arith.minsi %arg1, %min3A : i32
    %add3A = arith.addi %mul3A_0, %min3A_1 : i32
    %mul3A_2 = arith.constant 8 : i32
    %mul3A_3 = arith.muli %add3A, %mul3A_2 : i32
    "tpu.region"() ({
      %run_scoped3A_147 = tpu.sem_alloc : memref<!tpu.dma_semaphore, #tpu.memory_space<semaphore_mem>>
      %dma_start3A_148 = arith.constant 0 : i32
      %dma_start3A_149 = tpu.memref_slice %arg14[%mul3A_3, %dma_start3A_148] : memref<10000x128xf32, #tpu.memory_space<vmem_shared>> -> memref<624x128xf32, #tpu.memory_space<vmem_shared>>
      %dma_start3A_150 = arith.constant 0 : i32
      %dma_start3A_151 = arith.constant 0 : i32
      %dma_start3A_152 = tpu.memref_slice %arg6[%dma_start3A_150, %dma_start3A_151] : memref<632x128xf32, #tpu.memory_space<hbm>> -> memref<624x128xf32, #tpu.memory_space<hbm>>
      tpu.enqueue_dma source(%dma_start3A_152 : memref<624x128xf32, #tpu.memory_space<hbm>>) target(%dma_start3A_149 : memref<624x128xf32, #tpu.memory_space<vmem_shared>>) target_semaphore(%run_scoped3A_147 : memref<!tpu.dma_semaphore, #tpu.memory_space<semaphore_mem>>)
      %dma_wait3A_153 = arith.constant 0 : i32
      %dma_wait3A_154 = tpu.memref_slice %arg14[%mul3A_3, %dma_wait3A_153] : memref<10000x128xf32, #tpu.memory_space<vmem_shared>> -> memref<624x128xf32, #tpu.memory_space<vmem_shared>>
      %dma_wait3A_155 = arith.constant 0 : i32
      %dma_wait3A_156 = arith.constant 0 : i32
      %dma_wait3A_157 = tpu.memref_slice %arg6[%dma_wait3A_155, %dma_wait3A_156] : memref<632x128xf32, #tpu.memory_space<hbm>> -> memref<624x128xf32, #tpu.memory_space<hbm>>
      tpu.wait_dma2 semaphore(%run_scoped3A_147 : memref<!tpu.dma_semaphore, #tpu.memory_space<semaphore_mem>>) src(%dma_wait3A_157 : memref<624x128xf32, #tpu.memory_space<hbm>>) dst(%dma_wait3A_154 : memref<624x128xf32, #tpu.memory_space<vmem_shared>>)
      tpu.yield
    }) : () -> ()
    %lt3A = arith.constant 2 : i32
    %lt3A_4 = arith.cmpi slt, %arg1, %lt3A : i32
    %convert_element_type3A = arith.extui %lt3A_4 : i1 to i32
    %cond3A = arith.constant 0 : i32
    %cond3A_5 = arith.cmpi ne, %convert_element_type3A, %cond3A : i32
    scf.if %cond3A_5 {
      %add3A_147 = arith.constant 624 : i32
      %add3A_148 = arith.addi %mul3A_3, %add3A_147 : i32
      "tpu.region"() ({
        %run_scoped3A_149 = tpu.sem_alloc : memref<!tpu.dma_semaphore, #tpu.memory_space<semaphore_mem>>
        %dma_start3A_150 = arith.constant 0 : i32
        %dma_start3A_151 = tpu.memref_slice %arg14[%add3A_148, %dma_start3A_150] : memref<10000x128xf32, #tpu.memory_space<vmem_shared>> -> memref<8x128xf32, #tpu.memory_space<vmem_shared>>
        %dma_start3A_152 = arith.constant 624 : i32
        %dma_start3A_153 = arith.constant 0 : i32
        %dma_start3A_154 = tpu.memref_slice %arg6[%dma_start3A_152, %dma_start3A_153] : memref<632x128xf32, #tpu.memory_space<hbm>> -> memref<8x128xf32, #tpu.memory_space<hbm>>
        tpu.enqueue_dma source(%dma_start3A_154 : memref<8x128xf32, #tpu.memory_space<hbm>>) target(%dma_start3A_151 : memref<8x128xf32, #tpu.memory_space<vmem_shared>>) target_semaphore(%run_scoped3A_149 : memref<!tpu.dma_semaphore, #tpu.memory_space<semaphore_mem>>)
        %dma_wait3A_155 = arith.constant 0 : i32
        %dma_wait3A_156 = tpu.memref_slice %arg14[%add3A_148, %dma_wait3A_155] : memref<10000x128xf32, #tpu.memory_space<vmem_shared>> -> memref<8x128xf32, #tpu.memory_space<vmem_shared>>
        %dma_wait3A_157 = arith.constant 624 : i32
        %dma_wait3A_158 = arith.constant 0 : i32
        %dma_wait3A_159 = tpu.memref_slice %arg6[%dma_wait3A_157, %dma_wait3A_158] : memref<632x128xf32, #tpu.memory_space<hbm>> -> memref<8x128xf32, #tpu.memory_space<hbm>>
        tpu.wait_dma2 semaphore(%run_scoped3A_149 : memref<!tpu.dma_semaphore, #tpu.memory_space<semaphore_mem>>) src(%dma_wait3A_159 : memref<8x128xf32, #tpu.memory_space<hbm>>) dst(%dma_wait3A_156 : memref<8x128xf32, #tpu.memory_space<vmem_shared>>)
        tpu.yield
      }) : () -> ()
    } else {
    }
    %mul3A_6 = arith.constant 2000 : i32
    %mul3A_7 = arith.muli %arg0, %mul3A_6 : i32
    %mul3A_8 = arith.constant 125 : i32
    %mul3A_9 = arith.muli %arg1, %mul3A_8 : i32
    %add3A_10 = arith.addi %mul3A_7, %mul3A_9 : i32
    %add3A_11 = arith.constant 0 : i32
    %add3A_12 = arith.addi %add3A_10, %add3A_11 : i32
    %mul3A_13 = arith.constant 80 : i32
    %mul3A_14 = arith.muli %add3A_12, %mul3A_13 : i32
    "tpu.region"() ({
      %run_scoped3A_147 = tpu.sem_alloc : memref<!tpu.dma_semaphore, #tpu.memory_space<semaphore_mem>>
      %dma_start3A_148 = arith.constant 0 : i32
      %dma_start3A_149 = tpu.memref_slice %arg8[%dma_start3A_148] : memref<4000xi32, #tpu.memory_space<vmem>> -> memref<2000xi32, #tpu.memory_space<vmem>>
      %dma_start3A_150 = tpu.memref_slice %arg3[%mul3A_14] : memref<320000xi32, #tpu.memory_space<hbm>> -> memref<2000xi32, #tpu.memory_space<hbm>>
      %dma_start3A_151 = arith.constant 0 : i32
      %dma_start3A_152 = tpu.memref_slice %arg8[%dma_start3A_151] : memref<4000xi32, #tpu.memory_space<vmem>> -> memref<2000xi32, #tpu.memory_space<vmem>>
      %dma_start3A_153 = tpu.memref_slice %arg3[%mul3A_14] : memref<320000xi32, #tpu.memory_space<hbm>> -> memref<2000xi32, #tpu.memory_space<hbm>>
      tpu.enqueue_dma source(%dma_start3A_153 : memref<2000xi32, #tpu.memory_space<hbm>>) target(%dma_start3A_152 : memref<2000xi32, #tpu.memory_space<vmem>>) target_semaphore(%run_scoped3A_147 : memref<!tpu.dma_semaphore, #tpu.memory_space<semaphore_mem>>)
      %dma_wait3A_154 = arith.constant 0 : i32
      %dma_wait3A_155 = tpu.memref_slice %arg8[%dma_wait3A_154] : memref<4000xi32, #tpu.memory_space<vmem>> -> memref<2000xi32, #tpu.memory_space<vmem>>
      %dma_wait3A_156 = tpu.memref_slice %arg3[%mul3A_14] : memref<320000xi32, #tpu.memory_space<hbm>> -> memref<2000xi32, #tpu.memory_space<hbm>>
      %dma_wait3A_157 = arith.constant 0 : i32
      %dma_wait3A_158 = tpu.memref_slice %arg8[%dma_wait3A_157] : memref<4000xi32, #tpu.memory_space<vmem>> -> memref<2000xi32, #tpu.memory_space<vmem>>
      %dma_wait3A_159 = tpu.memref_slice %arg3[%mul3A_14] : memref<320000xi32, #tpu.memory_space<hbm>> -> memref<2000xi32, #tpu.memory_space<hbm>>
      tpu.wait_dma2 semaphore(%run_scoped3A_147 : memref<!tpu.dma_semaphore, #tpu.memory_space<semaphore_mem>>) src(%dma_wait3A_159 : memref<2000xi32, #tpu.memory_space<hbm>>) dst(%dma_wait3A_158 : memref<2000xi32, #tpu.memory_space<vmem>>)
      tpu.yield
    }) : () -> ()
    %run_scoped3A = arith.constant 0 : i32
    "tpu.region"() ({
      %run_scoped3A_147 = tpu.sem_alloc : memref<!tpu.dma_semaphore, #tpu.memory_space<semaphore_mem>>
      %dma_start3A_148 = arith.constant 0 : i32
      %dma_start3A_149 = arith.constant 0 : i32
      %dma_start3A_150 = arith.constant 0 : i32
      %dma_start3A_151 = tpu.memref_slice %arg9[%run_scoped3A, %dma_start3A_148, %dma_start3A_149, %dma_start3A_150] : memref<2x25x1x80xi32, #tpu.memory_space<vmem>> -> memref<1x25x1x80xi32, #tpu.memory_space<vmem>>
      %dma_start3A_152 = tpu.memref_squeeze %dma_start3A_151 : memref<1x25x1x80xi32, #tpu.memory_space<vmem>> -> memref<25x1x80xi32, #tpu.memory_space<vmem>>
      %dma_start3A_153 = arith.constant 0 : i32
      %dma_start3A_154 = arith.constant 0 : i32
      %dma_start3A_155 = tpu.memref_slice %arg4[%add3A_12, %dma_start3A_153, %dma_start3A_154] : memref<4000x1x80xi32, #tpu.memory_space<hbm>> -> memref<25x1x80xi32, #tpu.memory_space<hbm>>
      %dma_start3A_156 = arith.constant 0 : i32
      %dma_start3A_157 = arith.constant 0 : i32
      %dma_start3A_158 = arith.constant 0 : i32
      %dma_start3A_159 = tpu.memref_slice %arg9[%run_scoped3A, %dma_start3A_156, %dma_start3A_157, %dma_start3A_158] : memref<2x25x1x80xi32, #tpu.memory_space<vmem>> -> memref<1x25x1x80xi32, #tpu.memory_space<vmem>>
      %dma_start3A_160 = tpu.memref_squeeze %dma_start3A_159 : memref<1x25x1x80xi32, #tpu.memory_space<vmem>> -> memref<25x1x80xi32, #tpu.memory_space<vmem>>
      %dma_start3A_161 = arith.constant 0 : i32
      %dma_start3A_162 = arith.constant 0 : i32
      %dma_start3A_163 = tpu.memref_slice %arg4[%add3A_12, %dma_start3A_161, %dma_start3A_162] : memref<4000x1x80xi32, #tpu.memory_space<hbm>> -> memref<25x1x80xi32, #tpu.memory_space<hbm>>
      tpu.enqueue_dma source(%dma_start3A_163 : memref<25x1x80xi32, #tpu.memory_space<hbm>>) target(%dma_start3A_160 : memref<25x1x80xi32, #tpu.memory_space<vmem>>) target_semaphore(%run_scoped3A_147 : memref<!tpu.dma_semaphore, #tpu.memory_space<semaphore_mem>>)
      %dma_wait3A_164 = arith.constant 0 : i32
      %dma_wait3A_165 = arith.constant 0 : i32
      %dma_wait3A_166 = arith.constant 0 : i32
      %dma_wait3A_167 = tpu.memref_slice %arg9[%run_scoped3A, %dma_wait3A_164, %dma_wait3A_165, %dma_wait3A_166] : memref<2x25x1x80xi32, #tpu.memory_space<vmem>> -> memref<1x25x1x80xi32, #tpu.memory_space<vmem>>
      %dma_wait3A_168 = tpu.memref_squeeze %dma_wait3A_167 : memref<1x25x1x80xi32, #tpu.memory_space<vmem>> -> memref<25x1x80xi32, #tpu.memory_space<vmem>>
      %dma_wait3A_169 = arith.constant 0 : i32
      %dma_wait3A_170 = arith.constant 0 : i32
      %dma_wait3A_171 = tpu.memref_slice %arg4[%add3A_12, %dma_wait3A_169, %dma_wait3A_170] : memref<4000x1x80xi32, #tpu.memory_space<hbm>> -> memref<25x1x80xi32, #tpu.memory_space<hbm>>
      %dma_wait3A_172 = arith.constant 0 : i32
      %dma_wait3A_173 = arith.constant 0 : i32
      %dma_wait3A_174 = arith.constant 0 : i32
      %dma_wait3A_175 = tpu.memref_slice %arg9[%run_scoped3A, %dma_wait3A_172, %dma_wait3A_173, %dma_wait3A_174] : memref<2x25x1x80xi32, #tpu.memory_space<vmem>> -> memref<1x25x1x80xi32, #tpu.memory_space<vmem>>
      %dma_wait3A_176 = tpu.memref_squeeze %dma_wait3A_175 : memref<1x25x1x80xi32, #tpu.memory_space<vmem>> -> memref<25x1x80xi32, #tpu.memory_space<vmem>>
      %dma_wait3A_177 = arith.constant 0 : i32
      %dma_wait3A_178 = arith.constant 0 : i32
      %dma_wait3A_179 = tpu.memref_slice %arg4[%add3A_12, %dma_wait3A_177, %dma_wait3A_178] : memref<4000x1x80xi32, #tpu.memory_space<hbm>> -> memref<25x1x80xi32, #tpu.memory_space<hbm>>
      tpu.wait_dma2 semaphore(%run_scoped3A_147 : memref<!tpu.dma_semaphore, #tpu.memory_space<semaphore_mem>>) src(%dma_wait3A_179 : memref<25x1x80xi32, #tpu.memory_space<hbm>>) dst(%dma_wait3A_176 : memref<25x1x80xi32, #tpu.memory_space<vmem>>)
      tpu.yield
    }) : () -> ()
    %mul3A_15 = arith.constant 80 : i32
    %mul3A_16 = arith.muli %add3A_12, %mul3A_15 : i32
    "tpu.region"() ({
      %run_scoped3A_147 = tpu.sem_alloc : memref<!tpu.dma_semaphore, #tpu.memory_space<semaphore_mem>>
      %dma_start3A_148 = arith.constant 0 : i32
      %dma_start3A_149 = tpu.memref_slice %arg10[%dma_start3A_148] : memref<4000xf32, #tpu.memory_space<vmem>> -> memref<2000xf32, #tpu.memory_space<vmem>>
      %dma_start3A_150 = tpu.memref_slice %arg5[%mul3A_16] : memref<320000xf32, #tpu.memory_space<hbm>> -> memref<2000xf32, #tpu.memory_space<hbm>>
      %dma_start3A_151 = arith.constant 0 : i32
      %dma_start3A_152 = tpu.memref_slice %arg10[%dma_start3A_151] : memref<4000xf32, #tpu.memory_space<vmem>> -> memref<2000xf32, #tpu.memory_space<vmem>>
      %dma_start3A_153 = tpu.memref_slice %arg5[%mul3A_16] : memref<320000xf32, #tpu.memory_space<hbm>> -> memref<2000xf32, #tpu.memory_space<hbm>>
      tpu.enqueue_dma source(%dma_start3A_153 : memref<2000xf32, #tpu.memory_space<hbm>>) target(%dma_start3A_152 : memref<2000xf32, #tpu.memory_space<vmem>>) target_semaphore(%run_scoped3A_147 : memref<!tpu.dma_semaphore, #tpu.memory_space<semaphore_mem>>)
      %dma_wait3A_154 = arith.constant 0 : i32
      %dma_wait3A_155 = tpu.memref_slice %arg10[%dma_wait3A_154] : memref<4000xf32, #tpu.memory_space<vmem>> -> memref<2000xf32, #tpu.memory_space<vmem>>
      %dma_wait3A_156 = tpu.memref_slice %arg5[%mul3A_16] : memref<320000xf32, #tpu.memory_space<hbm>> -> memref<2000xf32, #tpu.memory_space<hbm>>
      %dma_wait3A_157 = arith.constant 0 : i32
      %dma_wait3A_158 = tpu.memref_slice %arg10[%dma_wait3A_157] : memref<4000xf32, #tpu.memory_space<vmem>> -> memref<2000xf32, #tpu.memory_space<vmem>>
      %dma_wait3A_159 = tpu.memref_slice %arg5[%mul3A_16] : memref<320000xf32, #tpu.memory_space<hbm>> -> memref<2000xf32, #tpu.memory_space<hbm>>
      tpu.wait_dma2 semaphore(%run_scoped3A_147 : memref<!tpu.dma_semaphore, #tpu.memory_space<semaphore_mem>>) src(%dma_wait3A_159 : memref<2000xf32, #tpu.memory_space<hbm>>) dst(%dma_wait3A_158 : memref<2000xf32, #tpu.memory_space<vmem>>)
      tpu.yield
    }) : () -> ()
    %barrier3A = arith.constant 0 : index
    tpu.barrier barrier_id(%barrier3A)
    %dma_start3A = arith.constant 0 : i32
    %dma_start3A_17 = arith.constant 0 : i32
    %dma_start3A_18 = tpu.memref_slice %arg11[%dma_start3A, %dma_start3A_17] : memref<80x128xf32, #tpu.memory_space<vmem>> -> memref<40x128xf32, #tpu.memory_space<vmem>>
    %dma_start3A_19 = arith.constant 0 : i32
    %dma_start3A_20 = tpu.memref_slice %arg8[%dma_start3A_19] : memref<4000xi32, #tpu.memory_space<vmem>> -> memref<40xi32, #tpu.memory_space<vmem>>
    %dma_start3A_21 = arith.constant 0 : i32
    %dma_start3A_22 = arith.constant 0 : i32
    %dma_start3A_23 = tpu.memref_slice %arg2[%dma_start3A_21, %dma_start3A_22] : memref<10000x128xf32, #tpu.memory_space<hbm>> -> memref<10000x128xf32, #tpu.memory_space<hbm>>
    tpu.enqueue_indirect_dma source(%dma_start3A_23 : memref<10000x128xf32, #tpu.memory_space<hbm>>) target(%dma_start3A_18 : memref<40x128xf32, #tpu.memory_space<vmem>>) offsets(%dma_start3A_20 : memref<40xi32, #tpu.memory_space<vmem>>) semaphore(%arg15 : memref<!tpu.dma_semaphore, #tpu.memory_space<semaphore_mem>>)
    %dma_start3A_24 = arith.constant 40 : i32
    %dma_start3A_25 = arith.constant 0 : i32
    %dma_start3A_26 = tpu.memref_slice %arg11[%dma_start3A_24, %dma_start3A_25] : memref<80x128xf32, #tpu.memory_space<vmem>> -> memref<40x128xf32, #tpu.memory_space<vmem>>
    %dma_start3A_27 = arith.constant 40 : i32
    %dma_start3A_28 = tpu.memref_slice %arg8[%dma_start3A_27] : memref<4000xi32, #tpu.memory_space<vmem>> -> memref<40xi32, #tpu.memory_space<vmem>>
    %dma_start3A_29 = arith.constant 0 : i32
    %dma_start3A_30 = arith.constant 0 : i32
    %dma_start3A_31 = tpu.memref_slice %arg2[%dma_start3A_29, %dma_start3A_30] : memref<10000x128xf32, #tpu.memory_space<hbm>> -> memref<10000x128xf32, #tpu.memory_space<hbm>>
    tpu.enqueue_indirect_dma source(%dma_start3A_31 : memref<10000x128xf32, #tpu.memory_space<hbm>>) target(%dma_start3A_26 : memref<40x128xf32, #tpu.memory_space<vmem>>) offsets(%dma_start3A_28 : memref<40xi32, #tpu.memory_space<vmem>>) semaphore(%arg15 : memref<!tpu.dma_semaphore, #tpu.memory_space<semaphore_mem>>)
    %dma_start3A_32 = arith.constant 0 : i32
    %dma_start3A_33 = arith.constant 0 : i32
    %dma_start3A_34 = tpu.memref_slice %arg12[%dma_start3A_32, %dma_start3A_33] : memref<80x128xf32, #tpu.memory_space<vmem>> -> memref<40x128xf32, #tpu.memory_space<vmem>>
    %dma_start3A_35 = arith.constant 80 : i32
    %dma_start3A_36 = tpu.memref_slice %arg8[%dma_start3A_35] : memref<4000xi32, #tpu.memory_space<vmem>> -> memref<40xi32, #tpu.memory_space<vmem>>
    %dma_start3A_37 = arith.constant 0 : i32
    %dma_start3A_38 = arith.constant 0 : i32
    %dma_start3A_39 = tpu.memref_slice %arg2[%dma_start3A_37, %dma_start3A_38] : memref<10000x128xf32, #tpu.memory_space<hbm>> -> memref<10000x128xf32, #tpu.memory_space<hbm>>
    tpu.enqueue_indirect_dma source(%dma_start3A_39 : memref<10000x128xf32, #tpu.memory_space<hbm>>) target(%dma_start3A_34 : memref<40x128xf32, #tpu.memory_space<vmem>>) offsets(%dma_start3A_36 : memref<40xi32, #tpu.memory_space<vmem>>) semaphore(%arg16 : memref<!tpu.dma_semaphore, #tpu.memory_space<semaphore_mem>>)
    %dma_start3A_40 = arith.constant 40 : i32
    %dma_start3A_41 = arith.constant 0 : i32
    %dma_start3A_42 = tpu.memref_slice %arg12[%dma_start3A_40, %dma_start3A_41] : memref<80x128xf32, #tpu.memory_space<vmem>> -> memref<40x128xf32, #tpu.memory_space<vmem>>
    %dma_start3A_43 = arith.constant 120 : i32
    %dma_start3A_44 = tpu.memref_slice %arg8[%dma_start3A_43] : memref<4000xi32, #tpu.memory_space<vmem>> -> memref<40xi32, #tpu.memory_space<vmem>>
    %dma_start3A_45 = arith.constant 0 : i32
    %dma_start3A_46 = arith.constant 0 : i32
    %dma_start3A_47 = tpu.memref_slice %arg2[%dma_start3A_45, %dma_start3A_46] : memref<10000x128xf32, #tpu.memory_space<hbm>> -> memref<10000x128xf32, #tpu.memory_space<hbm>>
    tpu.enqueue_indirect_dma source(%dma_start3A_47 : memref<10000x128xf32, #tpu.memory_space<hbm>>) target(%dma_start3A_42 : memref<40x128xf32, #tpu.memory_space<vmem>>) offsets(%dma_start3A_44 : memref<40xi32, #tpu.memory_space<vmem>>) semaphore(%arg16 : memref<!tpu.dma_semaphore, #tpu.memory_space<semaphore_mem>>)
    %scan3A = arith.constant 0 : i32
    %scan3A_48 = arith.constant 0 : i32
    %scan3A_49 = arith.constant 41 : i32
    %scan3A_50 = arith.addi %scan3A_48, %scan3A_49 : i32
    %scan3A_51 = arith.constant 1 : i32
    scf.for %scan3A_147 = %scan3A_48 to %scan3A_50 step %scan3A_51  : i32 {
      %mul3A_148 = arith.constant 3 : i32
      %mul3A_149 = arith.muli %mul3A_148, %scan3A_147 : i32
      %add3A_150 = arith.constant 0 : i32
      %add3A_151 = arith.addi %mul3A_149, %add3A_150 : i32
      %dma_wait3A_152 = arith.constant 0 : i32
      %dma_wait3A_153 = arith.constant 0 : i32
      %dma_wait3A_154 = tpu.memref_slice %arg11[%dma_wait3A_152, %dma_wait3A_153] : memref<80x128xf32, #tpu.memory_space<vmem>> -> memref<40x128xf32, #tpu.memory_space<vmem>>
      %dma_wait3A_155 = arith.constant 0 : i32
      %dma_wait3A_156 = tpu.memref_slice %arg8[%dma_wait3A_155] : memref<4000xi32, #tpu.memory_space<vmem>> -> memref<40xi32, #tpu.memory_space<vmem>>
      %dma_wait3A_157 = arith.constant 0 : i32
      %dma_wait3A_158 = arith.constant 0 : i32
      %dma_wait3A_159 = tpu.memref_slice %arg2[%dma_wait3A_157, %dma_wait3A_158] : memref<10000x128xf32, #tpu.memory_space<hbm>> -> memref<10000x128xf32, #tpu.memory_space<hbm>>
      tpu.wait_indirect_dma semaphore(%arg15 : memref<!tpu.dma_semaphore, #tpu.memory_space<semaphore_mem>>) src(%dma_wait3A_159 : memref<10000x128xf32, #tpu.memory_space<hbm>>) dst(%dma_wait3A_154 : memref<40x128xf32, #tpu.memory_space<vmem>>)
      %dma_wait3A_160 = arith.constant 40 : i32
      %dma_wait3A_161 = arith.constant 0 : i32
      %dma_wait3A_162 = tpu.memref_slice %arg11[%dma_wait3A_160, %dma_wait3A_161] : memref<80x128xf32, #tpu.memory_space<vmem>> -> memref<40x128xf32, #tpu.memory_space<vmem>>
      %dma_wait3A_163 = arith.constant 0 : i32
      %dma_wait3A_164 = tpu.memref_slice %arg8[%dma_wait3A_163] : memref<4000xi32, #tpu.memory_space<vmem>> -> memref<40xi32, #tpu.memory_space<vmem>>
      %dma_wait3A_165 = arith.constant 0 : i32
      %dma_wait3A_166 = arith.constant 0 : i32
      %dma_wait3A_167 = tpu.memref_slice %arg2[%dma_wait3A_165, %dma_wait3A_166] : memref<10000x128xf32, #tpu.memory_space<hbm>> -> memref<10000x128xf32, #tpu.memory_space<hbm>>
      tpu.wait_indirect_dma semaphore(%arg15 : memref<!tpu.dma_semaphore, #tpu.memory_space<semaphore_mem>>) src(%dma_wait3A_167 : memref<10000x128xf32, #tpu.memory_space<hbm>>) dst(%dma_wait3A_162 : memref<40x128xf32, #tpu.memory_space<vmem>>)
      %jit3A = arith.constant 25 : i32
      %div3A = arith.divsi %add3A_151, %jit3A : i32
      %sign3A = arith.constant 0 : i32
      %sign3A_168 = arith.cmpi sgt, %add3A_151, %sign3A : i32
      %sign3A_169 = arith.extui %sign3A_168 : i1 to i32
      %sign3A_170 = arith.constant 0 : i32
      %sign3A_171 = arith.cmpi slt, %add3A_151, %sign3A_170 : i32
      %sign3A_172 = arith.extui %sign3A_171 : i1 to i32
      %sign3A_173 = arith.subi %sign3A_169, %sign3A_172 : i32
      %sign3A_174 = arith.constant 0 : i32
      %sign3A_175 = arith.cmpi sgt, %jit3A, %sign3A_174 : i32
      %sign3A_176 = arith.extui %sign3A_175 : i1 to i32
      %sign3A_177 = arith.constant 0 : i32
      %sign3A_178 = arith.cmpi slt, %jit3A, %sign3A_177 : i32
      %sign3A_179 = arith.extui %sign3A_178 : i1 to i32
      %sign3A_180 = arith.subi %sign3A_176, %sign3A_179 : i32
      %ne3A = arith.cmpi ne, %sign3A_173, %sign3A_180 : i32
      %rem3A = arith.remsi %add3A_151, %jit3A : i32
      %ne3A_181 = arith.constant 0 : i32
      %ne3A_182 = arith.cmpi ne, %rem3A, %ne3A_181 : i32
      %and3A = arith.andi %ne3A, %ne3A_182 : i1
      %sub3A = arith.constant 1 : i32
      %sub3A_183 = arith.subi %div3A, %sub3A : i32
      %select_n3A = arith.select %and3A, %sub3A_183, %div3A : i32
      %jit3A_184 = arith.constant 2 : i32
      %eq3A = arith.constant 0 : i32
      %eq3A_185 = arith.cmpi eq, %jit3A_184, %eq3A : i32
      %jit3A_186 = arith.constant 1 : i32
      %select_n3A_187 = arith.select %eq3A_185, %jit3A_186, %jit3A_184 : i32
      %rem3A_188 = arith.remsi %select_n3A, %select_n3A_187 : i32
      %ne3A_189 = arith.constant 0 : i32
      %ne3A_190 = arith.cmpi ne, %rem3A_188, %ne3A_189 : i32
      %lt3A_191 = arith.constant 0 : i32
      %lt3A_192 = arith.cmpi slt, %rem3A_188, %lt3A_191 : i32
      %lt3A_193 = arith.constant 0 : i32
      %lt3A_194 = arith.cmpi slt, %select_n3A_187, %lt3A_193 : i32
      %ne3A_195 = arith.xori %lt3A_192, %lt3A_194 : i1
      %and3A_196 = arith.andi %ne3A_195, %ne3A_190 : i1
      %add3A_197 = arith.addi %rem3A_188, %select_n3A_187 : i32
      %select_n3A_198 = arith.select %and3A_196, %add3A_197, %rem3A_188 : i32
      %mul3A_199 = arith.constant 2000 : i32
      %mul3A_200 = arith.muli %select_n3A_198, %mul3A_199 : i32
      %jit3A_201 = arith.constant 25 : i32
      %eq3A_202 = arith.constant 0 : i32
      %eq3A_203 = arith.cmpi eq, %jit3A_201, %eq3A_202 : i32
      %jit3A_204 = arith.constant 1 : i32
      %select_n3A_205 = arith.select %eq3A_203, %jit3A_204, %jit3A_201 : i32
      %rem3A_206 = arith.remsi %add3A_151, %select_n3A_205 : i32
      %ne3A_207 = arith.constant 0 : i32
      %ne3A_208 = arith.cmpi ne, %rem3A_206, %ne3A_207 : i32
      %lt3A_209 = arith.constant 0 : i32
      %lt3A_210 = arith.cmpi slt, %rem3A_206, %lt3A_209 : i32
      %lt3A_211 = arith.constant 0 : i32
      %lt3A_212 = arith.cmpi slt, %select_n3A_205, %lt3A_211 : i32
      %ne3A_213 = arith.xori %lt3A_210, %lt3A_212 : i1
      %and3A_214 = arith.andi %ne3A_213, %ne3A_208 : i1
      %add3A_215 = arith.addi %rem3A_206, %select_n3A_205 : i32
      %select_n3A_216 = arith.select %and3A_214, %add3A_215, %rem3A_206 : i32
      %mul3A_217 = arith.constant 80 : i32
      %mul3A_218 = arith.muli %select_n3A_216, %mul3A_217 : i32
      %add3A_219 = arith.addi %mul3A_200, %mul3A_218 : i32
      %scan3A_220 = arith.constant 0 : i32
      %scan3A_221 = arith.constant 0 : i32
      %scan3A_222 = arith.constant 20 : i32
      %scan3A_223 = arith.addi %scan3A_221, %scan3A_222 : i32
      %scan3A_224 = arith.constant 1 : i32
      scf.for %scan3A_913 = %scan3A_221 to %scan3A_223 step %scan3A_224  : i32 {
        %mul3A_914 = arith.constant 4 : i32
        %mul3A_915 = arith.muli %scan3A_913, %mul3A_914 : i32
        %add3A_916 = arith.constant 0 : i32
        %add3A_917 = arith.addi %mul3A_915, %add3A_916 : i32
        %add3A_918 = arith.addi %add3A_219, %add3A_917 : i32
        %broadcast_in_dim3A = vector.broadcast %add3A_918 : i32 to vector<16xi32>
        %gather3A = tpu.vector_load_idx %arg10[%broadcast_in_dim3A] : memref<4000xf32, #tpu.memory_space<vmem>>[vector<16xi32>], vector<16xf32>,
        %get3A = arith.index_cast %add3A_917 : i32 to index
        %get3A_919 = arith.constant 0 : index
        %get3A_920 = tpu.vector_load %arg11[%get3A, %get3A_919] {strides = array<i32>} : memref<80x128xf32, #tpu.memory_space<vmem>>, vector<16xf32>,
        %mul3A_921 = arith.mulf %get3A_920, %gather3A : vector<16xf32>
        %swap3A = arith.index_cast %add3A_917 : i32 to index
        %swap3A_922 = arith.constant 0 : index
        %swap3A_923 = tpu.vector_load %arg11[%swap3A, %swap3A_922] {strides = array<i32>} : memref<80x128xf32, #tpu.memory_space<vmem>>, vector<16xf32>,
        tpu.vector_store %arg11[%swap3A, %swap3A_922], %mul3A_921 {strides = array<i32>} : memref<80x128xf32, #tpu.memory_space<vmem>>, vector<16xf32>,
        %get3A_924 = arith.index_cast %add3A_917 : i32 to index
        %get3A_925 = arith.constant 16 : index
        %get3A_926 = tpu.vector_load %arg11[%get3A_924, %get3A_925] {strides = array<i32>} : memref<80x128xf32, #tpu.memory_space<vmem>>, vector<16xf32>,
        %mul3A_927 = arith.mulf %get3A_926, %gather3A : vector<16xf32>
        %swap3A_928 = arith.index_cast %add3A_917 : i32 to index
        %swap3A_929 = arith.constant 16 : index
        %swap3A_930 = tpu.vector_load %arg11[%swap3A_928, %swap3A_929] {strides = array<i32>} : memref<80x128xf32, #tpu.memory_space<vmem>>, vector<16xf32>,
        tpu.vector_store %arg11[%swap3A_928, %swap3A_929], %mul3A_927 {strides = array<i32>} : memref<80x128xf32, #tpu.memory_space<vmem>>, vector<16xf32>,
        %get3A_931 = arith.index_cast %add3A_917 : i32 to index
        %get3A_932 = arith.constant 32 : index
        %get3A_933 = tpu.vector_load %arg11[%get3A_931, %get3A_932] {strides = array<i32>} : memref<80x128xf32, #tpu.memory_space<vmem>>, vector<16xf32>,
        %mul3A_934 = arith.mulf %get3A_933, %gather3A : vector<16xf32>
        %swap3A_935 = arith.index_cast %add3A_917 : i32 to index
        %swap3A_936 = arith.constant 32 : index
        %swap3A_937 = tpu.vector_load %arg11[%swap3A_935, %swap3A_936] {strides = array<i32>} : memref<80x128xf32, #tpu.memory_space<vmem>>, vector<16xf32>,
        tpu.vector_store %arg11[%swap3A_935, %swap3A_936], %mul3A_934 {strides = array<i32>} : memref<80x128xf32, #tpu.memory_space<vmem>>, vector<16xf32>,
        %get3A_938 = arith.index_cast %add3A_917 : i32 to index
        %get3A_939 = arith.constant 48 : index
        %get3A_940 = tpu.vector_load %arg11[%get3A_938, %get3A_939] {strides = array<i32>} : memref<80x128xf32, #tpu.memory_space<vmem>>, vector<16xf32>,
        %mul3A_941 = arith.mulf %get3A_940, %gather3A : vector<16xf32>
        %swap3A_942 = arith.index_cast %add3A_917 : i32 to index
        %swap3A_943 = arith.constant 48 : index
        %swap3A_944 = tpu.vector_load %arg11[%swap3A_942, %swap3A_943] {strides = array<i32>} : memref<80x128xf32, #tpu.memory_space<vmem>>, vector<16xf32>,
        tpu.vector_store %arg11[%swap3A_942, %swap3A_943], %mul3A_941 {strides = array<i32>} : memref<80x128xf32, #tpu.memory_space<vmem>>, vector<16xf32>,
        %get3A_945 = arith.index_cast %add3A_917 : i32 to index
        %get3A_946 = arith.constant 64 : index
        %get3A_947 = tpu.vector_load %arg11[%get3A_945, %get3A_946] {strides = array<i32>} : memref<80x128xf32, #tpu.memory_space<vmem>>, vector<16xf32>,
        %mul3A_948 = arith.mulf %get3A_947, %gather3A : vector<16xf32>
        %swap3A_949 = arith.index_cast %add3A_917 : i32 to index
        %swap3A_950 = arith.constant 64 : index
        %swap3A_951 = tpu.vector_load %arg11[%swap3A_949, %swap3A_950] {strides = array<i32>} : memref<80x128xf32, #tpu.memory_space<vmem>>, vector<16xf32>,
        tpu.vector_store %arg11[%swap3A_949, %swap3A_950], %mul3A_948 {strides = array<i32>} : memref<80x128xf32, #tpu.memory_space<vmem>>, vector<16xf32>,
        %get3A_952 = arith.index_cast %add3A_917 : i32 to index
        %get3A_953 = arith.constant 80 : index
        %get3A_954 = tpu.vector_load %arg11[%get3A_952, %get3A_953] {strides = array<i32>} : memref<80x128xf32, #tpu.memory_space<vmem>>, vector<16xf32>,
        %mul3A_955 = arith.mulf %get3A_954, %gather3A : vector<16xf32>
        %swap3A_956 = arith.index_cast %add3A_917 : i32 to index
        %swap3A_957 = arith.constant 80 : index
        %swap3A_958 = tpu.vector_load %arg11[%swap3A_956, %swap3A_957] {strides = array<i32>} : memref<80x128xf32, #tpu.memory_space<vmem>>, vector<16xf32>,
        tpu.vector_store %arg11[%swap3A_956, %swap3A_957], %mul3A_955 {strides = array<i32>} : memref<80x128xf32, #tpu.memory_space<vmem>>, vector<16xf32>,
        %get3A_959 = arith.index_cast %add3A_917 : i32 to index
        %get3A_960 = arith.constant 96 : index
        %get3A_961 = tpu.vector_load %arg11[%get3A_959, %get3A_960] {strides = array<i32>} : memref<80x128xf32, #tpu.memory_space<vmem>>, vector<16xf32>,
        %mul3A_962 = arith.mulf %get3A_961, %gather3A : vector<16xf32>
        %swap3A_963 = arith.index_cast %add3A_917 : i32 to index
        %swap3A_964 = arith.constant 96 : index
        %swap3A_965 = tpu.vector_load %arg11[%swap3A_963, %swap3A_964] {strides = array<i32>} : memref<80x128xf32, #tpu.memory_space<vmem>>, vector<16xf32>,
        tpu.vector_store %arg11[%swap3A_963, %swap3A_964], %mul3A_962 {strides = array<i32>} : memref<80x128xf32, #tpu.memory_space<vmem>>, vector<16xf32>,
        %get3A_966 = arith.index_cast %add3A_917 : i32 to index
        %get3A_967 = arith.constant 112 : index
        %get3A_968 = tpu.vector_load %arg11[%get3A_966, %get3A_967] {strides = array<i32>} : memref<80x128xf32, #tpu.memory_space<vmem>>, vector<16xf32>,
        %mul3A_969 = arith.mulf %get3A_968, %gather3A : vector<16xf32>
        %swap3A_970 = arith.index_cast %add3A_917 : i32 to index
        %swap3A_971 = arith.constant 112 : index
        %swap3A_972 = tpu.vector_load %arg11[%swap3A_970, %swap3A_971] {strides = array<i32>} : memref<80x128xf32, #tpu.memory_space<vmem>>, vector<16xf32>,
        tpu.vector_store %arg11[%swap3A_970, %swap3A_971], %mul3A_969 {strides = array<i32>} : memref<80x128xf32, #tpu.memory_space<vmem>>, vector<16xf32>,
        %mul3A_973 = arith.constant 4 : i32
        %mul3A_974 = arith.muli %scan3A_913, %mul3A_973 : i32
        %add3A_975 = arith.constant 1 : i32
        %add3A_976 = arith.addi %mul3A_974, %add3A_975 : i32
        %add3A_977 = arith.addi %add3A_219, %add3A_976 : i32
        %broadcast_in_dim3A_978 = vector.broadcast %add3A_977 : i32 to vector<16xi32>
        %gather3A_979 = tpu.vector_load_idx %arg10[%broadcast_in_dim3A_978] : memref<4000xf32, #tpu.memory_space<vmem>>[vector<16xi32>], vector<16xf32>,
        %get3A_980 = arith.index_cast %add3A_976 : i32 to index
        %get3A_981 = arith.constant 0 : index
        %get3A_982 = tpu.vector_load %arg11[%get3A_980, %get3A_981] {strides = array<i32>} : memref<80x128xf32, #tpu.memory_space<vmem>>, vector<16xf32>,
        %mul3A_983 = arith.mulf %get3A_982, %gather3A_979 : vector<16xf32>
        %swap3A_984 = arith.index_cast %add3A_976 : i32 to index
        %swap3A_985 = arith.constant 0 : index
        %swap3A_986 = tpu.vector_load %arg11[%swap3A_984, %swap3A_985] {strides = array<i32>} : memref<80x128xf32, #tpu.memory_space<vmem>>, vector<16xf32>,
        tpu.vector_store %arg11[%swap3A_984, %swap3A_985], %mul3A_983 {strides = array<i32>} : memref<80x128xf32, #tpu.memory_space<vmem>>, vector<16xf32>,
        %get3A_987 = arith.index_cast %add3A_976 : i32 to index
        %get3A_988 = arith.constant 16 : index
        %get3A_989 = tpu.vector_load %arg11[%get3A_987, %get3A_988] {strides = array<i32>} : memref<80x128xf32, #tpu.memory_space<vmem>>, vector<16xf32>,
        %mul3A_990 = arith.mulf %get3A_989, %gather3A_979 : vector<16xf32>
        %swap3A_991 = arith.index_cast %add3A_976 : i32 to index
        %swap3A_992 = arith.constant 16 : index
        %swap3A_993 = tpu.vector_load %arg11[%swap3A_991, %swap3A_992] {strides = array<i32>} : memref<80x128xf32, #tpu.memory_space<vmem>>, vector<16xf32>,
        tpu.vector_store %arg11[%swap3A_991, %swap3A_992], %mul3A_990 {strides = array<i32>} : memref<80x128xf32, #tpu.memory_space<vmem>>, vector<16xf32>,
        %get3A_994 = arith.index_cast %add3A_976 : i32 to index
        %get3A_995 = arith.constant 32 : index
        %get3A_996 = tpu.vector_load %arg11[%get3A_994, %get3A_995] {strides = array<i32>} : memref<80x128xf32, #tpu.memory_space<vmem>>, vector<16xf32>,
        %mul3A_997 = arith.mulf %get3A_996, %gather3A_979 : vector<16xf32>
        %swap3A_998 = arith.index_cast %add3A_976 : i32 to index
        %swap3A_999 = arith.constant 32 : index
        %swap3A_1000 = tpu.vector_load %arg11[%swap3A_998, %swap3A_999] {strides = array<i32>} : memref<80x128xf32, #tpu.memory_space<vmem>>, vector<16xf32>,
        tpu.vector_store %arg11[%swap3A_998, %swap3A_999], %mul3A_997 {strides = array<i32>} : memref<80x128xf32, #tpu.memory_space<vmem>>, vector<16xf32>,
        %get3A_1001 = arith.index_cast %add3A_976 : i32 to index
        %get3A_1002 = arith.constant 48 : index
        %get3A_1003 = tpu.vector_load %arg11[%get3A_1001, %get3A_1002] {strides = array<i32>} : memref<80x128xf32, #tpu.memory_space<vmem>>, vector<16xf32>,
        %mul3A_1004 = arith.mulf %get3A_1003, %gather3A_979 : vector<16xf32>
        %swap3A_1005 = arith.index_cast %add3A_976 : i32 to index
        %swap3A_1006 = arith.constant 48 : index
        %swap3A_1007 = tpu.vector_load %arg11[%swap3A_1005, %swap3A_1006] {strides = array<i32>} : memref<80x128xf32, #tpu.memory_space<vmem>>, vector<16xf32>,
        tpu.vector_store %arg11[%swap3A_1005, %swap3A_1006], %mul3A_1004 {strides = array<i32>} : memref<80x128xf32, #tpu.memory_space<vmem>>, vector<16xf32>,
        %get3A_1008 = arith.index_cast %add3A_976 : i32 to index
        %get3A_1009 = arith.constant 64 : index
        %get3A_1010 = tpu.vector_load %arg11[%get3A_1008, %get3A_1009] {strides = array<i32>} : memref<80x128xf32, #tpu.memory_space<vmem>>, vector<16xf32>,
        %mul3A_1011 = arith.mulf %get3A_1010, %gather3A_979 : vector<16xf32>
        %swap3A_1012 = arith.index_cast %add3A_976 : i32 to index
        %swap3A_1013 = arith.constant 64 : index
        %swap3A_1014 = tpu.vector_load %arg11[%swap3A_1012, %swap3A_1013] {strides = array<i32>} : memref<80x128xf32, #tpu.memory_space<vmem>>, vector<16xf32>,
        tpu.vector_store %arg11[%swap3A_1012, %swap3A_1013], %mul3A_1011 {strides = array<i32>} : memref<80x128xf32, #tpu.memory_space<vmem>>, vector<16xf32>,
        %get3A_1015 = arith.index_cast %add3A_976 : i32 to index
        %get3A_1016 = arith.constant 80 : index
        %get3A_1017 = tpu.vector_load %arg11[%get3A_1015, %get3A_1016] {strides = array<i32>} : memref<80x128xf32, #tpu.memory_space<vmem>>, vector<16xf32>,
        %mul3A_1018 = arith.mulf %get3A_1017, %gather3A_979 : vector<16xf32>
        %swap3A_1019 = arith.index_cast %add3A_976 : i32 to index
        %swap3A_1020 = arith.constant 80 : index
        %swap3A_1021 = tpu.vector_load %arg11[%swap3A_1019, %swap3A_1020] {strides = array<i32>} : memref<80x128xf32, #tpu.memory_space<vmem>>, vector<16xf32>,
        tpu.vector_store %arg11[%swap3A_1019, %swap3A_1020], %mul3A_1018 {strides = array<i32>} : memref<80x128xf32, #tpu.memory_space<vmem>>, vector<16xf32>,
        %get3A_1022 = arith.index_cast %add3A_976 : i32 to index
        %get3A_1023 = arith.constant 96 : index
        %get3A_1024 = tpu.vector_load %arg11[%get3A_1022, %get3A_1023] {strides = array<i32>} : memref<80x128xf32, #tpu.memory_space<vmem>>, vector<16xf32>,
        %mul3A_1025 = arith.mulf %get3A_1024, %gather3A_979 : vector<16xf32>
        %swap3A_1026 = arith.index_cast %add3A_976 : i32 to index
        %swap3A_1027 = arith.constant 96 : index
        %swap3A_1028 = tpu.vector_load %arg11[%swap3A_1026, %swap3A_1027] {strides = array<i32>} : memref<80x128xf32, #tpu.memory_space<vmem>>, vector<16xf32>,
        tpu.vector_store %arg11[%swap3A_1026, %swap3A_1027], %mul3A_1025 {strides = array<i32>} : memref<80x128xf32, #tpu.memory_space<vmem>>, vector<16xf32>,
        %get3A_1029 = arith.index_cast %add3A_976 : i32 to index
        %get3A_1030 = arith.constant 112 : index
        %get3A_1031 = tpu.vector_load %arg11[%get3A_1029, %get3A_1030] {strides = array<i32>} : memref<80x128xf32, #tpu.memory_space<vmem>>, vector<16xf32>,
        %mul3A_1032 = arith.mulf %get3A_1031, %gather3A_979 : vector<16xf32>
        %swap3A_1033 = arith.index_cast %add3A_976 : i32 to index
        %swap3A_1034 = arith.constant 112 : index
        %swap3A_1035 = tpu.vector_load %arg11[%swap3A_1033, %swap3A_1034] {strides = array<i32>} : memref<80x128xf32, #tpu.memory_space<vmem>>, vector<16xf32>,
        tpu.vector_store %arg11[%swap3A_1033, %swap3A_1034], %mul3A_1032 {strides = array<i32>} : memref<80x128xf32, #tpu.memory_space<vmem>>, vector<16xf32>,
        %mul3A_1036 = arith.constant 4 : i32
        %mul3A_1037 = arith.muli %scan3A_913, %mul3A_1036 : i32
        %add3A_1038 = arith.constant 2 : i32
        %add3A_1039 = arith.addi %mul3A_1037, %add3A_1038 : i32
        %add3A_1040 = arith.addi %add3A_219, %add3A_1039 : i32
        %broadcast_in_dim3A_1041 = vector.broadcast %add3A_1040 : i32 to vector<16xi32>
        %gather3A_1042 = tpu.vector_load_idx %arg10[%broadcast_in_dim3A_1041] : memref<4000xf32, #tpu.memory_space<vmem>>[vector<16xi32>], vector<16xf32>,
        %get3A_1043 = arith.index_cast %add3A_1039 : i32 to index
        %get3A_1044 = arith.constant 0 : index
        %get3A_1045 = tpu.vector_load %arg11[%get3A_1043, %get3A_1044] {strides = array<i32>} : memref<80x128xf32, #tpu.memory_space<vmem>>, vector<16xf32>,
        %mul3A_1046 = arith.mulf %get3A_1045, %gather3A_1042 : vector<16xf32>
        %swap3A_1047 = arith.index_cast %add3A_1039 : i32 to index
        %swap3A_1048 = arith.constant 0 : index
        %swap3A_1049 = tpu.vector_load %arg11[%swap3A_1047, %swap3A_1048] {strides = array<i32>} : memref<80x128xf32, #tpu.memory_space<vmem>>, vector<16xf32>,
        tpu.vector_store %arg11[%swap3A_1047, %swap3A_1048], %mul3A_1046 {strides = array<i32>} : memref<80x128xf32, #tpu.memory_space<vmem>>, vector<16xf32>,
        %get3A_1050 = arith.index_cast %add3A_1039 : i32 to index
        %get3A_1051 = arith.constant 16 : index
        %get3A_1052 = tpu.vector_load %arg11[%get3A_1050, %get3A_1051] {strides = array<i32>} : memref<80x128xf32, #tpu.memory_space<vmem>>, vector<16xf32>,
        %mul3A_1053 = arith.mulf %get3A_1052, %gather3A_1042 : vector<16xf32>
        %swap3A_1054 = arith.index_cast %add3A_1039 : i32 to index
        %swap3A_1055 = arith.constant 16 : index
        %swap3A_1056 = tpu.vector_load %arg11[%swap3A_1054, %swap3A_1055] {strides = array<i32>} : memref<80x128xf32, #tpu.memory_space<vmem>>, vector<16xf32>,
        tpu.vector_store %arg11[%swap3A_1054, %swap3A_1055], %mul3A_1053 {strides = array<i32>} : memref<80x128xf32, #tpu.memory_space<vmem>>, vector<16xf32>,
        %get3A_1057 = arith.index_cast %add3A_1039 : i32 to index
        %get3A_1058 = arith.constant 32 : index
        %get3A_1059 = tpu.vector_load %arg11[%get3A_1057, %get3A_1058] {strides = array<i32>} : memref<80x128xf32, #tpu.memory_space<vmem>>, vector<16xf32>,
        %mul3A_1060 = arith.mulf %get3A_1059, %gather3A_1042 : vector<16xf32>
        %swap3A_1061 = arith.index_cast %add3A_1039 : i32 to index
        %swap3A_1062 = arith.constant 32 : index
        %swap3A_1063 = tpu.vector_load %arg11[%swap3A_1061, %swap3A_1062] {strides = array<i32>} : memref<80x128xf32, #tpu.memory_space<vmem>>, vector<16xf32>,
        tpu.vector_store %arg11[%swap3A_1061, %swap3A_1062], %mul3A_1060 {strides = array<i32>} : memref<80x128xf32, #tpu.memory_space<vmem>>, vector<16xf32>,
        %get3A_1064 = arith.index_cast %add3A_1039 : i32 to index
        %get3A_1065 = arith.constant 48 : index
        %get3A_1066 = tpu.vector_load %arg11[%get3A_1064, %get3A_1065] {strides = array<i32>} : memref<80x128xf32, #tpu.memory_space<vmem>>, vector<16xf32>,
        %mul3A_1067 = arith.mulf %get3A_1066, %gather3A_1042 : vector<16xf32>
        %swap3A_1068 = arith.index_cast %add3A_1039 : i32 to index
        %swap3A_1069 = arith.constant 48 : index
        %swap3A_1070 = tpu.vector_load %arg11[%swap3A_1068, %swap3A_1069] {strides = array<i32>} : memref<80x128xf32, #tpu.memory_space<vmem>>, vector<16xf32>,
        tpu.vector_store %arg11[%swap3A_1068, %swap3A_1069], %mul3A_1067 {strides = array<i32>} : memref<80x128xf32, #tpu.memory_space<vmem>>, vector<16xf32>,
        %get3A_1071 = arith.index_cast %add3A_1039 : i32 to index
        %get3A_1072 = arith.constant 64 : index
        %get3A_1073 = tpu.vector_load %arg11[%get3A_1071, %get3A_1072] {strides = array<i32>} : memref<80x128xf32, #tpu.memory_space<vmem>>, vector<16xf32>,
        %mul3A_1074 = arith.mulf %get3A_1073, %gather3A_1042 : vector<16xf32>
        %swap3A_1075 = arith.index_cast %add3A_1039 : i32 to index
        %swap3A_1076 = arith.constant 64 : index
        %swap3A_1077 = tpu.vector_load %arg11[%swap3A_1075, %swap3A_1076] {strides = array<i32>} : memref<80x128xf32, #tpu.memory_space<vmem>>, vector<16xf32>,
        tpu.vector_store %arg11[%swap3A_1075, %swap3A_1076], %mul3A_1074 {strides = array<i32>} : memref<80x128xf32, #tpu.memory_space<vmem>>, vector<16xf32>,
        %get3A_1078 = arith.index_cast %add3A_1039 : i32 to index
        %get3A_1079 = arith.constant 80 : index
        %get3A_1080 = tpu.vector_load %arg11[%get3A_1078, %get3A_1079] {strides = array<i32>} : memref<80x128xf32, #tpu.memory_space<vmem>>, vector<16xf32>,
        %mul3A_1081 = arith.mulf %get3A_1080, %gather3A_1042 : vector<16xf32>
        %swap3A_1082 = arith.index_cast %add3A_1039 : i32 to index
        %swap3A_1083 = arith.constant 80 : index
        %swap3A_1084 = tpu.vector_load %arg11[%swap3A_1082, %swap3A_1083] {strides = array<i32>} : memref<80x128xf32, #tpu.memory_space<vmem>>, vector<16xf32>,
        tpu.vector_store %arg11[%swap3A_1082, %swap3A_1083], %mul3A_1081 {strides = array<i32>} : memref<80x128xf32, #tpu.memory_space<vmem>>, vector<16xf32>,
        %get3A_1085 = arith.index_cast %add3A_1039 : i32 to index
        %get3A_1086 = arith.constant 96 : index
        %get3A_1087 = tpu.vector_load %arg11[%get3A_1085, %get3A_1086] {strides = array<i32>} : memref<80x128xf32, #tpu.memory_space<vmem>>, vector<16xf32>,
        %mul3A_1088 = arith.mulf %get3A_1087, %gather3A_1042 : vector<16xf32>
        %swap3A_1089 = arith.index_cast %add3A_1039 : i32 to index
        %swap3A_1090 = arith.constant 96 : index
        %swap3A_1091 = tpu.vector_load %arg11[%swap3A_1089, %swap3A_1090] {strides = array<i32>} : memref<80x128xf32, #tpu.memory_space<vmem>>, vector<16xf32>,
        tpu.vector_store %arg11[%swap3A_1089, %swap3A_1090], %mul3A_1088 {strides = array<i32>} : memref<80x128xf32, #tpu.memory_space<vmem>>, vector<16xf32>,
        %get3A_1092 = arith.index_cast %add3A_1039 : i32 to index
        %get3A_1093 = arith.constant 112 : index
        %get3A_1094 = tpu.vector_load %arg11[%get3A_1092, %get3A_1093] {strides = array<i32>} : memref<80x128xf32, #tpu.memory_space<vmem>>, vector<16xf32>,
        %mul3A_1095 = arith.mulf %get3A_1094, %gather3A_1042 : vector<16xf32>
        %swap3A_1096 = arith.index_cast %add3A_1039 : i32 to index
        %swap3A_1097 = arith.constant 112 : index
        %swap3A_1098 = tpu.vector_load %arg11[%swap3A_1096, %swap3A_1097] {strides = array<i32>} : memref<80x128xf32, #tpu.memory_space<vmem>>, vector<16xf32>,
        tpu.vector_store %arg11[%swap3A_1096, %swap3A_1097], %mul3A_1095 {strides = array<i32>} : memref<80x128xf32, #tpu.memory_space<vmem>>, vector<16xf32>,
        %mul3A_1099 = arith.constant 4 : i32
        %mul3A_1100 = arith.muli %scan3A_913, %mul3A_1099 : i32
        %add3A_1101 = arith.constant 3 : i32
        %add3A_1102 = arith.addi %mul3A_1100, %add3A_1101 : i32
        %add3A_1103 = arith.addi %add3A_219, %add3A_1102 : i32
        %broadcast_in_dim3A_1104 = vector.broadcast %add3A_1103 : i32 to vector<16xi32>
        %gather3A_1105 = tpu.vector_load_idx %arg10[%broadcast_in_dim3A_1104] : memref<4000xf32, #tpu.memory_space<vmem>>[vector<16xi32>], vector<16xf32>,
        %get3A_1106 = arith.index_cast %add3A_1102 : i32 to index
        %get3A_1107 = arith.constant 0 : index
        %get3A_1108 = tpu.vector_load %arg11[%get3A_1106, %get3A_1107] {strides = array<i32>} : memref<80x128xf32, #tpu.memory_space<vmem>>, vector<16xf32>,
        %mul3A_1109 = arith.mulf %get3A_1108, %gather3A_1105 : vector<16xf32>
        %swap3A_1110 = arith.index_cast %add3A_1102 : i32 to index
        %swap3A_1111 = arith.constant 0 : index
        %swap3A_1112 = tpu.vector_load %arg11[%swap3A_1110, %swap3A_1111] {strides = array<i32>} : memref<80x128xf32, #tpu.memory_space<vmem>>, vector<16xf32>,
        tpu.vector_store %arg11[%swap3A_1110, %swap3A_1111], %mul3A_1109 {strides = array<i32>} : memref<80x128xf32, #tpu.memory_space<vmem>>, vector<16xf32>,
        %get3A_1113 = arith.index_cast %add3A_1102 : i32 to index
        %get3A_1114 = arith.constant 16 : index
        %get3A_1115 = tpu.vector_load %arg11[%get3A_1113, %get3A_1114] {strides = array<i32>} : memref<80x128xf32, #tpu.memory_space<vmem>>, vector<16xf32>,
        %mul3A_1116 = arith.mulf %get3A_1115, %gather3A_1105 : vector<16xf32>
        %swap3A_1117 = arith.index_cast %add3A_1102 : i32 to index
        %swap3A_1118 = arith.constant 16 : index
        %swap3A_1119 = tpu.vector_load %arg11[%swap3A_1117, %swap3A_1118] {strides = array<i32>} : memref<80x128xf32, #tpu.memory_space<vmem>>, vector<16xf32>,
        tpu.vector_store %arg11[%swap3A_1117, %swap3A_1118], %mul3A_1116 {strides = array<i32>} : memref<80x128xf32, #tpu.memory_space<vmem>>, vector<16xf32>,
        %get3A_1120 = arith.index_cast %add3A_1102 : i32 to index
        %get3A_1121 = arith.constant 32 : index
        %get3A_1122 = tpu.vector_load %arg11[%get3A_1120, %get3A_1121] {strides = array<i32>} : memref<80x128xf32, #tpu.memory_space<vmem>>, vector<16xf32>,
        %mul3A_1123 = arith.mulf %get3A_1122, %gather3A_1105 : vector<16xf32>
        %swap3A_1124 = arith.index_cast %add3A_1102 : i32 to index
        %swap3A_1125 = arith.constant 32 : index
        %swap3A_1126 = tpu.vector_load %arg11[%swap3A_1124, %swap3A_1125] {strides = array<i32>} : memref<80x128xf32, #tpu.memory_space<vmem>>, vector<16xf32>,
        tpu.vector_store %arg11[%swap3A_1124, %swap3A_1125], %mul3A_1123 {strides = array<i32>} : memref<80x128xf32, #tpu.memory_space<vmem>>, vector<16xf32>,
        %get3A_1127 = arith.index_cast %add3A_1102 : i32 to index
        %get3A_1128 = arith.constant 48 : index
        %get3A_1129 = tpu.vector_load %arg11[%get3A_1127, %get3A_1128] {strides = array<i32>} : memref<80x128xf32, #tpu.memory_space<vmem>>, vector<16xf32>,
        %mul3A_1130 = arith.mulf %get3A_1129, %gather3A_1105 : vector<16xf32>
        %swap3A_1131 = arith.index_cast %add3A_1102 : i32 to index
        %swap3A_1132 = arith.constant 48 : index
        %swap3A_1133 = tpu.vector_load %arg11[%swap3A_1131, %swap3A_1132] {strides = array<i32>} : memref<80x128xf32, #tpu.memory_space<vmem>>, vector<16xf32>,
        tpu.vector_store %arg11[%swap3A_1131, %swap3A_1132], %mul3A_1130 {strides = array<i32>} : memref<80x128xf32, #tpu.memory_space<vmem>>, vector<16xf32>,
        %get3A_1134 = arith.index_cast %add3A_1102 : i32 to index
        %get3A_1135 = arith.constant 64 : index
        %get3A_1136 = tpu.vector_load %arg11[%get3A_1134, %get3A_1135] {strides = array<i32>} : memref<80x128xf32, #tpu.memory_space<vmem>>, vector<16xf32>,
        %mul3A_1137 = arith.mulf %get3A_1136, %gather3A_1105 : vector<16xf32>
        %swap3A_1138 = arith.index_cast %add3A_1102 : i32 to index
        %swap3A_1139 = arith.constant 64 : index
        %swap3A_1140 = tpu.vector_load %arg11[%swap3A_1138, %swap3A_1139] {strides = array<i32>} : memref<80x128xf32, #tpu.memory_space<vmem>>, vector<16xf32>,
        tpu.vector_store %arg11[%swap3A_1138, %swap3A_1139], %mul3A_1137 {strides = array<i32>} : memref<80x128xf32, #tpu.memory_space<vmem>>, vector<16xf32>,
        %get3A_1141 = arith.index_cast %add3A_1102 : i32 to index
        %get3A_1142 = arith.constant 80 : index
        %get3A_1143 = tpu.vector_load %arg11[%get3A_1141, %get3A_1142] {strides = array<i32>} : memref<80x128xf32, #tpu.memory_space<vmem>>, vector<16xf32>,
        %mul3A_1144 = arith.mulf %get3A_1143, %gather3A_1105 : vector<16xf32>
        %swap3A_1145 = arith.index_cast %add3A_1102 : i32 to index
        %swap3A_1146 = arith.constant 80 : index
        %swap3A_1147 = tpu.vector_load %arg11[%swap3A_1145, %swap3A_1146] {strides = array<i32>} : memref<80x128xf32, #tpu.memory_space<vmem>>, vector<16xf32>,
        tpu.vector_store %arg11[%swap3A_1145, %swap3A_1146], %mul3A_1144 {strides = array<i32>} : memref<80x128xf32, #tpu.memory_space<vmem>>, vector<16xf32>,
        %get3A_1148 = arith.index_cast %add3A_1102 : i32 to index
        %get3A_1149 = arith.constant 96 : index
        %get3A_1150 = tpu.vector_load %arg11[%get3A_1148, %get3A_1149] {strides = array<i32>} : memref<80x128xf32, #tpu.memory_space<vmem>>, vector<16xf32>,
        %mul3A_1151 = arith.mulf %get3A_1150, %gather3A_1105 : vector<16xf32>
        %swap3A_1152 = arith.index_cast %add3A_1102 : i32 to index
        %swap3A_1153 = arith.constant 96 : index
        %swap3A_1154 = tpu.vector_load %arg11[%swap3A_1152, %swap3A_1153] {strides = array<i32>} : memref<80x128xf32, #tpu.memory_space<vmem>>, vector<16xf32>,
        tpu.vector_store %arg11[%swap3A_1152, %swap3A_1153], %mul3A_1151 {strides = array<i32>} : memref<80x128xf32, #tpu.memory_space<vmem>>, vector<16xf32>,
        %get3A_1155 = arith.index_cast %add3A_1102 : i32 to index
        %get3A_1156 = arith.constant 112 : index
        %get3A_1157 = tpu.vector_load %arg11[%get3A_1155, %get3A_1156] {strides = array<i32>} : memref<80x128xf32, #tpu.memory_space<vmem>>, vector<16xf32>,
        %mul3A_1158 = arith.mulf %get3A_1157, %gather3A_1105 : vector<16xf32>
        %swap3A_1159 = arith.index_cast %add3A_1102 : i32 to index
        %swap3A_1160 = arith.constant 112 : index
        %swap3A_1161 = tpu.vector_load %arg11[%swap3A_1159, %swap3A_1160] {strides = array<i32>} : memref<80x128xf32, #tpu.memory_space<vmem>>, vector<16xf32>,
        tpu.vector_store %arg11[%swap3A_1159, %swap3A_1160], %mul3A_1158 {strides = array<i32>} : memref<80x128xf32, #tpu.memory_space<vmem>>, vector<16xf32>,
      }
      %scan3A_225 = arith.constant 20 : i32
      %gt3A = arith.constant 0 : i32
      %gt3A_226 = arith.cmpi sgt, %scan3A_147, %gt3A : i32
      %convert_element_type3A_227 = arith.extui %gt3A_226 : i1 to i32
      %cond3A_228 = arith.constant 0 : i32
      %cond3A_229 = arith.cmpi ne, %convert_element_type3A_227, %cond3A_228 : i32
      scf.if %cond3A_229 {
        %dma_wait3A_913 = arith.constant 0 : i32
        %dma_wait3A_914 = arith.constant 0 : i32
        %dma_wait3A_915 = arith.constant 0 : i32
        %dma_wait3A_916 = arith.constant 0 : i32
        %dma_wait3A_917 = tpu.memref_slice %arg9[%dma_wait3A_913, %dma_wait3A_914, %dma_wait3A_915, %dma_wait3A_916] : memref<2x25x1x80xi32, #tpu.memory_space<vmem>> -> memref<1x1x1x80xi32, #tpu.memory_space<vmem>>
        %dma_wait3A_918 = tpu.memref_squeeze %dma_wait3A_917 : memref<1x1x1x80xi32, #tpu.memory_space<vmem>> -> memref<80xi32, #tpu.memory_space<vmem>>
        %dma_wait3A_919 = arith.constant 0 : i32
        %dma_wait3A_920 = arith.constant 0 : i32
        %dma_wait3A_921 = tpu.memref_slice %arg14[%dma_wait3A_919, %dma_wait3A_920] : memref<10000x128xf32, #tpu.memory_space<vmem_shared>> -> memref<10000x128xf32, #tpu.memory_space<vmem_shared>>
        tpu.wait_indirect_dma semaphore(%arg20 : memref<!tpu.dma_semaphore, #tpu.memory_space<semaphore_mem>>) src(%arg13 : memref<80x128xf32, #tpu.memory_space<vmem>>) dst(%dma_wait3A_921 : memref<10000x128xf32, #tpu.memory_space<vmem_shared>>)
      } else {
      }
      %add3A_230 = arith.constant 2 : i32
      %add3A_231 = arith.addi %add3A_151, %add3A_230 : i32
      %jit3A_232 = arith.constant 25 : i32
      %eq3A_233 = arith.constant 0 : i32
      %eq3A_234 = arith.cmpi eq, %jit3A_232, %eq3A_233 : i32
      %jit3A_235 = arith.constant 1 : i32
      %select_n3A_236 = arith.select %eq3A_234, %jit3A_235, %jit3A_232 : i32
      %rem3A_237 = arith.remsi %add3A_231, %select_n3A_236 : i32
      %ne3A_238 = arith.constant 0 : i32
      %ne3A_239 = arith.cmpi ne, %rem3A_237, %ne3A_238 : i32
      %lt3A_240 = arith.constant 0 : i32
      %lt3A_241 = arith.cmpi slt, %rem3A_237, %lt3A_240 : i32
      %lt3A_242 = arith.constant 0 : i32
      %lt3A_243 = arith.cmpi slt, %select_n3A_236, %lt3A_242 : i32
      %ne3A_244 = arith.xori %lt3A_241, %lt3A_243 : i1
      %and3A_245 = arith.andi %ne3A_244, %ne3A_239 : i1
      %add3A_246 = arith.addi %rem3A_237, %select_n3A_236 : i32
      %select_n3A_247 = arith.select %and3A_245, %add3A_246, %rem3A_237 : i32
      %eq3A_248 = arith.constant 0 : i32
      %eq3A_249 = arith.cmpi eq, %select_n3A_247, %eq3A_248 : i32
      %convert_element_type3A_250 = arith.extui %eq3A_249 : i1 to i32
      %cond3A_251 = arith.constant 0 : i32
      %cond3A_252 = arith.cmpi ne, %convert_element_type3A_250, %cond3A_251 : i32
      scf.if %cond3A_252 {
        %jit3A_913 = arith.constant 25 : i32
        %div3A_914 = arith.divsi %add3A_231, %jit3A_913 : i32
        %sign3A_915 = arith.constant 0 : i32
        %sign3A_916 = arith.cmpi sgt, %add3A_231, %sign3A_915 : i32
        %sign3A_917 = arith.extui %sign3A_916 : i1 to i32
        %sign3A_918 = arith.constant 0 : i32
        %sign3A_919 = arith.cmpi slt, %add3A_231, %sign3A_918 : i32
        %sign3A_920 = arith.extui %sign3A_919 : i1 to i32
        %sign3A_921 = arith.subi %sign3A_917, %sign3A_920 : i32
        %sign3A_922 = arith.constant 0 : i32
        %sign3A_923 = arith.cmpi sgt, %jit3A_913, %sign3A_922 : i32
        %sign3A_924 = arith.extui %sign3A_923 : i1 to i32
        %sign3A_925 = arith.constant 0 : i32
        %sign3A_926 = arith.cmpi slt, %jit3A_913, %sign3A_925 : i32
        %sign3A_927 = arith.extui %sign3A_926 : i1 to i32
        %sign3A_928 = arith.subi %sign3A_924, %sign3A_927 : i32
        %ne3A_929 = arith.cmpi ne, %sign3A_921, %sign3A_928 : i32
        %rem3A_930 = arith.remsi %add3A_231, %jit3A_913 : i32
        %ne3A_931 = arith.constant 0 : i32
        %ne3A_932 = arith.cmpi ne, %rem3A_930, %ne3A_931 : i32
        %and3A_933 = arith.andi %ne3A_929, %ne3A_932 : i1
        %sub3A_934 = arith.constant 1 : i32
        %sub3A_935 = arith.subi %div3A_914, %sub3A_934 : i32
        %select_n3A_936 = arith.select %and3A_933, %sub3A_935, %div3A_914 : i32
        %jit3A_937 = arith.constant 25 : i32
        %div3A_938 = arith.divsi %add3A_231, %jit3A_937 : i32
        %sign3A_939 = arith.constant 0 : i32
        %sign3A_940 = arith.cmpi sgt, %add3A_231, %sign3A_939 : i32
        %sign3A_941 = arith.extui %sign3A_940 : i1 to i32
        %sign3A_942 = arith.constant 0 : i32
        %sign3A_943 = arith.cmpi slt, %add3A_231, %sign3A_942 : i32
        %sign3A_944 = arith.extui %sign3A_943 : i1 to i32
        %sign3A_945 = arith.subi %sign3A_941, %sign3A_944 : i32
        %sign3A_946 = arith.constant 0 : i32
        %sign3A_947 = arith.cmpi sgt, %jit3A_937, %sign3A_946 : i32
        %sign3A_948 = arith.extui %sign3A_947 : i1 to i32
        %sign3A_949 = arith.constant 0 : i32
        %sign3A_950 = arith.cmpi slt, %jit3A_937, %sign3A_949 : i32
        %sign3A_951 = arith.extui %sign3A_950 : i1 to i32
        %sign3A_952 = arith.subi %sign3A_948, %sign3A_951 : i32
        %ne3A_953 = arith.cmpi ne, %sign3A_945, %sign3A_952 : i32
        %rem3A_954 = arith.remsi %add3A_231, %jit3A_937 : i32
        %ne3A_955 = arith.constant 0 : i32
        %ne3A_956 = arith.cmpi ne, %rem3A_954, %ne3A_955 : i32
        %and3A_957 = arith.andi %ne3A_953, %ne3A_956 : i1
        %sub3A_958 = arith.constant 1 : i32
        %sub3A_959 = arith.subi %div3A_938, %sub3A_958 : i32
        %select_n3A_960 = arith.select %and3A_957, %sub3A_959, %div3A_938 : i32
        %jit3A_961 = arith.constant 2 : i32
        %eq3A_962 = arith.constant 0 : i32
        %eq3A_963 = arith.cmpi eq, %jit3A_961, %eq3A_962 : i32
        %jit3A_964 = arith.constant 1 : i32
        %select_n3A_965 = arith.select %eq3A_963, %jit3A_964, %jit3A_961 : i32
        %rem3A_966 = arith.remsi %select_n3A_960, %select_n3A_965 : i32
        %ne3A_967 = arith.constant 0 : i32
        %ne3A_968 = arith.cmpi ne, %rem3A_966, %ne3A_967 : i32
        %lt3A_969 = arith.constant 0 : i32
        %lt3A_970 = arith.cmpi slt, %rem3A_966, %lt3A_969 : i32
        %lt3A_971 = arith.constant 0 : i32
        %lt3A_972 = arith.cmpi slt, %select_n3A_965, %lt3A_971 : i32
        %ne3A_973 = arith.xori %lt3A_970, %lt3A_972 : i1
        %and3A_974 = arith.andi %ne3A_973, %ne3A_968 : i1
        %add3A_975 = arith.addi %rem3A_966, %select_n3A_965 : i32
        %select_n3A_976 = arith.select %and3A_974, %add3A_975, %rem3A_966 : i32
        %mul3A_977 = arith.constant 25 : i32
        %mul3A_978 = arith.muli %select_n3A_936, %mul3A_977 : i32
        %add3A_979 = arith.addi %add3A_10, %mul3A_978 : i32
        %mul3A_980 = arith.constant 80 : i32
        %mul3A_981 = arith.muli %add3A_979, %mul3A_980 : i32
        %mul3A_982 = arith.constant 25 : i32
        %mul3A_983 = arith.muli %select_n3A_976, %mul3A_982 : i32
        %mul3A_984 = arith.constant 80 : i32
        %mul3A_985 = arith.muli %mul3A_983, %mul3A_984 : i32
        "tpu.region"() ({
          %run_scoped3A_992 = tpu.sem_alloc : memref<!tpu.dma_semaphore, #tpu.memory_space<semaphore_mem>>
          %dma_start3A_993 = tpu.memref_slice %arg8[%mul3A_985] : memref<4000xi32, #tpu.memory_space<vmem>> -> memref<2000xi32, #tpu.memory_space<vmem>>
          %dma_start3A_994 = tpu.memref_slice %arg3[%mul3A_981] : memref<320000xi32, #tpu.memory_space<hbm>> -> memref<2000xi32, #tpu.memory_space<hbm>>
          %dma_start3A_995 = tpu.memref_slice %arg8[%mul3A_985] : memref<4000xi32, #tpu.memory_space<vmem>> -> memref<2000xi32, #tpu.memory_space<vmem>>
          %dma_start3A_996 = tpu.memref_slice %arg3[%mul3A_981] : memref<320000xi32, #tpu.memory_space<hbm>> -> memref<2000xi32, #tpu.memory_space<hbm>>
          tpu.enqueue_dma source(%dma_start3A_996 : memref<2000xi32, #tpu.memory_space<hbm>>) target(%dma_start3A_995 : memref<2000xi32, #tpu.memory_space<vmem>>) target_semaphore(%run_scoped3A_992 : memref<!tpu.dma_semaphore, #tpu.memory_space<semaphore_mem>>)
          %dma_wait3A_997 = tpu.memref_slice %arg8[%mul3A_985] : memref<4000xi32, #tpu.memory_space<vmem>> -> memref<2000xi32, #tpu.memory_space<vmem>>
          %dma_wait3A_998 = tpu.memref_slice %arg3[%mul3A_981] : memref<320000xi32, #tpu.memory_space<hbm>> -> memref<2000xi32, #tpu.memory_space<hbm>>
          %dma_wait3A_999 = tpu.memref_slice %arg8[%mul3A_985] : memref<4000xi32, #tpu.memory_space<vmem>> -> memref<2000xi32, #tpu.memory_space<vmem>>
          %dma_wait3A_1000 = tpu.memref_slice %arg3[%mul3A_981] : memref<320000xi32, #tpu.memory_space<hbm>> -> memref<2000xi32, #tpu.memory_space<hbm>>
          tpu.wait_dma2 semaphore(%run_scoped3A_992 : memref<!tpu.dma_semaphore, #tpu.memory_space<semaphore_mem>>) src(%dma_wait3A_1000 : memref<2000xi32, #tpu.memory_space<hbm>>) dst(%dma_wait3A_999 : memref<2000xi32, #tpu.memory_space<vmem>>)
          tpu.yield
        }) : () -> ()
        "tpu.region"() ({
          %run_scoped3A_992 = tpu.sem_alloc : memref<!tpu.dma_semaphore, #tpu.memory_space<semaphore_mem>>
          %dma_start3A_993 = arith.constant 0 : i32
          %dma_start3A_994 = arith.constant 0 : i32
          %dma_start3A_995 = arith.constant 0 : i32
          %dma_start3A_996 = tpu.memref_slice %arg9[%select_n3A_976, %dma_start3A_993, %dma_start3A_994, %dma_start3A_995] : memref<2x25x1x80xi32, #tpu.memory_space<vmem>> -> memref<1x25x1x80xi32, #tpu.memory_space<vmem>>
          %dma_start3A_997 = tpu.memref_squeeze %dma_start3A_996 : memref<1x25x1x80xi32, #tpu.memory_space<vmem>> -> memref<25x1x80xi32, #tpu.memory_space<vmem>>
          %dma_start3A_998 = arith.constant 0 : i32
          %dma_start3A_999 = arith.constant 0 : i32
          %dma_start3A_1000 = tpu.memref_slice %arg4[%add3A_979, %dma_start3A_998, %dma_start3A_999] : memref<4000x1x80xi32, #tpu.memory_space<hbm>> -> memref<25x1x80xi32, #tpu.memory_space<hbm>>
          %dma_start3A_1001 = arith.constant 0 : i32
          %dma_start3A_1002 = arith.constant 0 : i32
          %dma_start3A_1003 = arith.constant 0 : i32
          %dma_start3A_1004 = tpu.memref_slice %arg9[%select_n3A_976, %dma_start3A_1001, %dma_start3A_1002, %dma_start3A_1003] : memref<2x25x1x80xi32, #tpu.memory_space<vmem>> -> memref<1x25x1x80xi32, #tpu.memory_space<vmem>>
          %dma_start3A_1005 = tpu.memref_squeeze %dma_start3A_1004 : memref<1x25x1x80xi32, #tpu.memory_space<vmem>> -> memref<25x1x80xi32, #tpu.memory_space<vmem>>
          %dma_start3A_1006 = arith.constant 0 : i32
          %dma_start3A_1007 = arith.constant 0 : i32
          %dma_start3A_1008 = tpu.memref_slice %arg4[%add3A_979, %dma_start3A_1006, %dma_start3A_1007] : memref<4000x1x80xi32, #tpu.memory_space<hbm>> -> memref<25x1x80xi32, #tpu.memory_space<hbm>>
          tpu.enqueue_dma source(%dma_start3A_1008 : memref<25x1x80xi32, #tpu.memory_space<hbm>>) target(%dma_start3A_1005 : memref<25x1x80xi32, #tpu.memory_space<vmem>>) target_semaphore(%run_scoped3A_992 : memref<!tpu.dma_semaphore, #tpu.memory_space<semaphore_mem>>)
          %dma_wait3A_1009 = arith.constant 0 : i32
          %dma_wait3A_1010 = arith.constant 0 : i32
          %dma_wait3A_1011 = arith.constant 0 : i32
          %dma_wait3A_1012 = tpu.memref_slice %arg9[%select_n3A_976, %dma_wait3A_1009, %dma_wait3A_1010, %dma_wait3A_1011] : memref<2x25x1x80xi32, #tpu.memory_space<vmem>> -> memref<1x25x1x80xi32, #tpu.memory_space<vmem>>
          %dma_wait3A_1013 = tpu.memref_squeeze %dma_wait3A_1012 : memref<1x25x1x80xi32, #tpu.memory_space<vmem>> -> memref<25x1x80xi32, #tpu.memory_space<vmem>>
          %dma_wait3A_1014 = arith.constant 0 : i32
          %dma_wait3A_1015 = arith.constant 0 : i32
          %dma_wait3A_1016 = tpu.memref_slice %arg4[%add3A_979, %dma_wait3A_1014, %dma_wait3A_1015] : memref<4000x1x80xi32, #tpu.memory_space<hbm>> -> memref<25x1x80xi32, #tpu.memory_space<hbm>>
          %dma_wait3A_1017 = arith.constant 0 : i32
          %dma_wait3A_1018 = arith.constant 0 : i32
          %dma_wait3A_1019 = arith.constant 0 : i32
          %dma_wait3A_1020 = tpu.memref_slice %arg9[%select_n3A_976, %dma_wait3A_1017, %dma_wait3A_1018, %dma_wait3A_1019] : memref<2x25x1x80xi32, #tpu.memory_space<vmem>> -> memref<1x25x1x80xi32, #tpu.memory_space<vmem>>
          %dma_wait3A_1021 = tpu.memref_squeeze %dma_wait3A_1020 : memref<1x25x1x80xi32, #tpu.memory_space<vmem>> -> memref<25x1x80xi32, #tpu.memory_space<vmem>>
          %dma_wait3A_1022 = arith.constant 0 : i32
          %dma_wait3A_1023 = arith.constant 0 : i32
          %dma_wait3A_1024 = tpu.memref_slice %arg4[%add3A_979, %dma_wait3A_1022, %dma_wait3A_1023] : memref<4000x1x80xi32, #tpu.memory_space<hbm>> -> memref<25x1x80xi32, #tpu.memory_space<hbm>>
          tpu.wait_dma2 semaphore(%run_scoped3A_992 : memref<!tpu.dma_semaphore, #tpu.memory_space<semaphore_mem>>) src(%dma_wait3A_1024 : memref<25x1x80xi32, #tpu.memory_space<hbm>>) dst(%dma_wait3A_1021 : memref<25x1x80xi32, #tpu.memory_space<vmem>>)
          tpu.yield
        }) : () -> ()
        %mul3A_986 = arith.constant 80 : i32
        %mul3A_987 = arith.muli %add3A_979, %mul3A_986 : i32
        %mul3A_988 = arith.constant 25 : i32
        %mul3A_989 = arith.muli %select_n3A_976, %mul3A_988 : i32
        %mul3A_990 = arith.constant 80 : i32
        %mul3A_991 = arith.muli %mul3A_989, %mul3A_990 : i32
        "tpu.region"() ({
          %run_scoped3A_992 = tpu.sem_alloc : memref<!tpu.dma_semaphore, #tpu.memory_space<semaphore_mem>>
          %dma_start3A_993 = tpu.memref_slice %arg10[%mul3A_991] : memref<4000xf32, #tpu.memory_space<vmem>> -> memref<2000xf32, #tpu.memory_space<vmem>>
          %dma_start3A_994 = tpu.memref_slice %arg5[%mul3A_987] : memref<320000xf32, #tpu.memory_space<hbm>> -> memref<2000xf32, #tpu.memory_space<hbm>>
          %dma_start3A_995 = tpu.memref_slice %arg10[%mul3A_991] : memref<4000xf32, #tpu.memory_space<vmem>> -> memref<2000xf32, #tpu.memory_space<vmem>>
          %dma_start3A_996 = tpu.memref_slice %arg5[%mul3A_987] : memref<320000xf32, #tpu.memory_space<hbm>> -> memref<2000xf32, #tpu.memory_space<hbm>>
          tpu.enqueue_dma source(%dma_start3A_996 : memref<2000xf32, #tpu.memory_space<hbm>>) target(%dma_start3A_995 : memref<2000xf32, #tpu.memory_space<vmem>>) target_semaphore(%run_scoped3A_992 : memref<!tpu.dma_semaphore, #tpu.memory_space<semaphore_mem>>)
          %dma_wait3A_997 = tpu.memref_slice %arg10[%mul3A_991] : memref<4000xf32, #tpu.memory_space<vmem>> -> memref<2000xf32, #tpu.memory_space<vmem>>
          %dma_wait3A_998 = tpu.memref_slice %arg5[%mul3A_987] : memref<320000xf32, #tpu.memory_space<hbm>> -> memref<2000xf32, #tpu.memory_space<hbm>>
          %dma_wait3A_999 = tpu.memref_slice %arg10[%mul3A_991] : memref<4000xf32, #tpu.memory_space<vmem>> -> memref<2000xf32, #tpu.memory_space<vmem>>
          %dma_wait3A_1000 = tpu.memref_slice %arg5[%mul3A_987] : memref<320000xf32, #tpu.memory_space<hbm>> -> memref<2000xf32, #tpu.memory_space<hbm>>
          tpu.wait_dma2 semaphore(%run_scoped3A_992 : memref<!tpu.dma_semaphore, #tpu.memory_space<semaphore_mem>>) src(%dma_wait3A_1000 : memref<2000xf32, #tpu.memory_space<hbm>>) dst(%dma_wait3A_999 : memref<2000xf32, #tpu.memory_space<vmem>>)
          tpu.yield
        }) : () -> ()
      } else {
      }
      %jit3A_253 = arith.constant 25 : i32
      %div3A_254 = arith.divsi %add3A_231, %jit3A_253 : i32
      %sign3A_255 = arith.constant 0 : i32
      %sign3A_256 = arith.cmpi sgt, %add3A_231, %sign3A_255 : i32
      %sign3A_257 = arith.extui %sign3A_256 : i1 to i32
      %sign3A_258 = arith.constant 0 : i32
      %sign3A_259 = arith.cmpi slt, %add3A_231, %sign3A_258 : i32
      %sign3A_260 = arith.extui %sign3A_259 : i1 to i32
      %sign3A_261 = arith.subi %sign3A_257, %sign3A_260 : i32
      %sign3A_262 = arith.constant 0 : i32
      %sign3A_263 = arith.cmpi sgt, %jit3A_253, %sign3A_262 : i32
      %sign3A_264 = arith.extui %sign3A_263 : i1 to i32
      %sign3A_265 = arith.constant 0 : i32
      %sign3A_266 = arith.cmpi slt, %jit3A_253, %sign3A_265 : i32
      %sign3A_267 = arith.extui %sign3A_266 : i1 to i32
      %sign3A_268 = arith.subi %sign3A_264, %sign3A_267 : i32
      %ne3A_269 = arith.cmpi ne, %sign3A_261, %sign3A_268 : i32
      %rem3A_270 = arith.remsi %add3A_231, %jit3A_253 : i32
      %ne3A_271 = arith.constant 0 : i32
      %ne3A_272 = arith.cmpi ne, %rem3A_270, %ne3A_271 : i32
      %and3A_273 = arith.andi %ne3A_269, %ne3A_272 : i1
      %sub3A_274 = arith.constant 1 : i32
      %sub3A_275 = arith.subi %div3A_254, %sub3A_274 : i32
      %select_n3A_276 = arith.select %and3A_273, %sub3A_275, %div3A_254 : i32
      %jit3A_277 = arith.constant 2 : i32
      %eq3A_278 = arith.constant 0 : i32
      %eq3A_279 = arith.cmpi eq, %jit3A_277, %eq3A_278 : i32
      %jit3A_280 = arith.constant 1 : i32
      %select_n3A_281 = arith.select %eq3A_279, %jit3A_280, %jit3A_277 : i32
      %rem3A_282 = arith.remsi %select_n3A_276, %select_n3A_281 : i32
      %ne3A_283 = arith.constant 0 : i32
      %ne3A_284 = arith.cmpi ne, %rem3A_282, %ne3A_283 : i32
      %lt3A_285 = arith.constant 0 : i32
      %lt3A_286 = arith.cmpi slt, %rem3A_282, %lt3A_285 : i32
      %lt3A_287 = arith.constant 0 : i32
      %lt3A_288 = arith.cmpi slt, %select_n3A_281, %lt3A_287 : i32
      %ne3A_289 = arith.xori %lt3A_286, %lt3A_288 : i1
      %and3A_290 = arith.andi %ne3A_289, %ne3A_284 : i1
      %add3A_291 = arith.addi %rem3A_282, %select_n3A_281 : i32
      %select_n3A_292 = arith.select %and3A_290, %add3A_291, %rem3A_282 : i32
      %mul3A_293 = arith.constant 2000 : i32
      %mul3A_294 = arith.muli %select_n3A_292, %mul3A_293 : i32
      %jit3A_295 = arith.constant 25 : i32
      %eq3A_296 = arith.constant 0 : i32
      %eq3A_297 = arith.cmpi eq, %jit3A_295, %eq3A_296 : i32
      %jit3A_298 = arith.constant 1 : i32
      %select_n3A_299 = arith.select %eq3A_297, %jit3A_298, %jit3A_295 : i32
      %rem3A_300 = arith.remsi %add3A_231, %select_n3A_299 : i32
      %ne3A_301 = arith.constant 0 : i32
      %ne3A_302 = arith.cmpi ne, %rem3A_300, %ne3A_301 : i32
      %lt3A_303 = arith.constant 0 : i32
      %lt3A_304 = arith.cmpi slt, %rem3A_300, %lt3A_303 : i32
      %lt3A_305 = arith.constant 0 : i32
      %lt3A_306 = arith.cmpi slt, %select_n3A_299, %lt3A_305 : i32
      %ne3A_307 = arith.xori %lt3A_304, %lt3A_306 : i1
      %and3A_308 = arith.andi %ne3A_307, %ne3A_302 : i1
      %add3A_309 = arith.addi %rem3A_300, %select_n3A_299 : i32
      %select_n3A_310 = arith.select %and3A_308, %add3A_309, %rem3A_300 : i32
      %mul3A_311 = arith.constant 80 : i32
      %mul3A_312 = arith.muli %select_n3A_310, %mul3A_311 : i32
      %add3A_313 = arith.addi %mul3A_294, %mul3A_312 : i32
      %add3A_314 = arith.constant 0 : i32
      %add3A_315 = arith.addi %add3A_313, %add3A_314 : i32
      %dma_start3A_316 = arith.constant 0 : i32
      %dma_start3A_317 = arith.constant 0 : i32
      %dma_start3A_318 = tpu.memref_slice %arg13[%dma_start3A_316, %dma_start3A_317] : memref<80x128xf32, #tpu.memory_space<vmem>> -> memref<40x128xf32, #tpu.memory_space<vmem>>
      %dma_start3A_319 = tpu.memref_slice %arg8[%add3A_315] : memref<4000xi32, #tpu.memory_space<vmem>> -> memref<40xi32, #tpu.memory_space<vmem>>
      %dma_start3A_320 = arith.constant 0 : i32
      %dma_start3A_321 = arith.constant 0 : i32
      %dma_start3A_322 = tpu.memref_slice %arg2[%dma_start3A_320, %dma_start3A_321] : memref<10000x128xf32, #tpu.memory_space<hbm>> -> memref<10000x128xf32, #tpu.memory_space<hbm>>
      tpu.enqueue_indirect_dma source(%dma_start3A_322 : memref<10000x128xf32, #tpu.memory_space<hbm>>) target(%dma_start3A_318 : memref<40x128xf32, #tpu.memory_space<vmem>>) offsets(%dma_start3A_319 : memref<40xi32, #tpu.memory_space<vmem>>) semaphore(%arg17 : memref<!tpu.dma_semaphore, #tpu.memory_space<semaphore_mem>>)
      %add3A_323 = arith.constant 40 : i32
      %add3A_324 = arith.addi %add3A_313, %add3A_323 : i32
      %dma_start3A_325 = arith.constant 40 : i32
      %dma_start3A_326 = arith.constant 0 : i32
      %dma_start3A_327 = tpu.memref_slice %arg13[%dma_start3A_325, %dma_start3A_326] : memref<80x128xf32, #tpu.memory_space<vmem>> -> memref<40x128xf32, #tpu.memory_space<vmem>>
      %dma_start3A_328 = tpu.memref_slice %arg8[%add3A_324] : memref<4000xi32, #tpu.memory_space<vmem>> -> memref<40xi32, #tpu.memory_space<vmem>>
      %dma_start3A_329 = arith.constant 0 : i32
      %dma_start3A_330 = arith.constant 0 : i32
      %dma_start3A_331 = tpu.memref_slice %arg2[%dma_start3A_329, %dma_start3A_330] : memref<10000x128xf32, #tpu.memory_space<hbm>> -> memref<10000x128xf32, #tpu.memory_space<hbm>>
      tpu.enqueue_indirect_dma source(%dma_start3A_331 : memref<10000x128xf32, #tpu.memory_space<hbm>>) target(%dma_start3A_327 : memref<40x128xf32, #tpu.memory_space<vmem>>) offsets(%dma_start3A_328 : memref<40xi32, #tpu.memory_space<vmem>>) semaphore(%arg17 : memref<!tpu.dma_semaphore, #tpu.memory_space<semaphore_mem>>)
      %jit3A_332 = arith.constant 25 : i32
      %div3A_333 = arith.divsi %add3A_151, %jit3A_332 : i32
      %sign3A_334 = arith.constant 0 : i32
      %sign3A_335 = arith.cmpi sgt, %add3A_151, %sign3A_334 : i32
      %sign3A_336 = arith.extui %sign3A_335 : i1 to i32
      %sign3A_337 = arith.constant 0 : i32
      %sign3A_338 = arith.cmpi slt, %add3A_151, %sign3A_337 : i32
      %sign3A_339 = arith.extui %sign3A_338 : i1 to i32
      %sign3A_340 = arith.subi %sign3A_336, %sign3A_339 : i32
      %sign3A_341 = arith.constant 0 : i32
      %sign3A_342 = arith.cmpi sgt, %jit3A_332, %sign3A_341 : i32
      %sign3A_343 = arith.extui %sign3A_342 : i1 to i32
      %sign3A_344 = arith.constant 0 : i32
      %sign3A_345 = arith.cmpi slt, %jit3A_332, %sign3A_344 : i32
      %sign3A_346 = arith.extui %sign3A_345 : i1 to i32
      %sign3A_347 = arith.subi %sign3A_343, %sign3A_346 : i32
      %ne3A_348 = arith.cmpi ne, %sign3A_340, %sign3A_347 : i32
      %rem3A_349 = arith.remsi %add3A_151, %jit3A_332 : i32
      %ne3A_350 = arith.constant 0 : i32
      %ne3A_351 = arith.cmpi ne, %rem3A_349, %ne3A_350 : i32
      %and3A_352 = arith.andi %ne3A_348, %ne3A_351 : i1
      %sub3A_353 = arith.constant 1 : i32
      %sub3A_354 = arith.subi %div3A_333, %sub3A_353 : i32
      %select_n3A_355 = arith.select %and3A_352, %sub3A_354, %div3A_333 : i32
      %jit3A_356 = arith.constant 2 : i32
      %eq3A_357 = arith.constant 0 : i32
      %eq3A_358 = arith.cmpi eq, %jit3A_356, %eq3A_357 : i32
      %jit3A_359 = arith.constant 1 : i32
      %select_n3A_360 = arith.select %eq3A_358, %jit3A_359, %jit3A_356 : i32
      %rem3A_361 = arith.remsi %select_n3A_355, %select_n3A_360 : i32
      %ne3A_362 = arith.constant 0 : i32
      %ne3A_363 = arith.cmpi ne, %rem3A_361, %ne3A_362 : i32
      %lt3A_364 = arith.constant 0 : i32
      %lt3A_365 = arith.cmpi slt, %rem3A_361, %lt3A_364 : i32
      %lt3A_366 = arith.constant 0 : i32
      %lt3A_367 = arith.cmpi slt, %select_n3A_360, %lt3A_366 : i32
      %ne3A_368 = arith.xori %lt3A_365, %lt3A_367 : i1
      %and3A_369 = arith.andi %ne3A_368, %ne3A_363 : i1
      %add3A_370 = arith.addi %rem3A_361, %select_n3A_360 : i32
      %select_n3A_371 = arith.select %and3A_369, %add3A_370, %rem3A_361 : i32
      %jit3A_372 = arith.constant 25 : i32
      %eq3A_373 = arith.constant 0 : i32
      %eq3A_374 = arith.cmpi eq, %jit3A_372, %eq3A_373 : i32
      %jit3A_375 = arith.constant 1 : i32
      %select_n3A_376 = arith.select %eq3A_374, %jit3A_375, %jit3A_372 : i32
      %rem3A_377 = arith.remsi %add3A_151, %select_n3A_376 : i32
      %ne3A_378 = arith.constant 0 : i32
      %ne3A_379 = arith.cmpi ne, %rem3A_377, %ne3A_378 : i32
      %lt3A_380 = arith.constant 0 : i32
      %lt3A_381 = arith.cmpi slt, %rem3A_377, %lt3A_380 : i32
      %lt3A_382 = arith.constant 0 : i32
      %lt3A_383 = arith.cmpi slt, %select_n3A_376, %lt3A_382 : i32
      %ne3A_384 = arith.xori %lt3A_381, %lt3A_383 : i1
      %and3A_385 = arith.andi %ne3A_384, %ne3A_379 : i1
      %add3A_386 = arith.addi %rem3A_377, %select_n3A_376 : i32
      %select_n3A_387 = arith.select %and3A_385, %add3A_386, %rem3A_377 : i32
      %dma_start3A_388 = arith.constant 0 : i32
      %dma_start3A_389 = arith.constant 0 : i32
      %dma_start3A_390 = tpu.memref_slice %arg9[%select_n3A_371, %select_n3A_387, %dma_start3A_388, %dma_start3A_389] : memref<2x25x1x80xi32, #tpu.memory_space<vmem>> -> memref<1x1x1x80xi32, #tpu.memory_space<vmem>>
      %dma_start3A_391 = tpu.memref_squeeze %dma_start3A_390 : memref<1x1x1x80xi32, #tpu.memory_space<vmem>> -> memref<80xi32, #tpu.memory_space<vmem>>
      %dma_start3A_392 = arith.constant 0 : i32
      %dma_start3A_393 = arith.constant 0 : i32
      %dma_start3A_394 = tpu.memref_slice %arg14[%dma_start3A_392, %dma_start3A_393] : memref<10000x128xf32, #tpu.memory_space<vmem_shared>> -> memref<10000x128xf32, #tpu.memory_space<vmem_shared>>
      tpu.enqueue_indirect_dma source(%arg11 : memref<80x128xf32, #tpu.memory_space<vmem>>) target(%dma_start3A_394 : memref<10000x128xf32, #tpu.memory_space<vmem_shared>>) offsets(%dma_start3A_391 : memref<80xi32, #tpu.memory_space<vmem>>) semaphore(%arg18 : memref<!tpu.dma_semaphore, #tpu.memory_space<semaphore_mem>>) {add = true}
      %add3A_395 = arith.constant 1 : i32
      %add3A_396 = arith.addi %mul3A_149, %add3A_395 : i32
      %dma_wait3A_397 = arith.constant 0 : i32
      %dma_wait3A_398 = arith.constant 0 : i32
      %dma_wait3A_399 = tpu.memref_slice %arg12[%dma_wait3A_397, %dma_wait3A_398] : memref<80x128xf32, #tpu.memory_space<vmem>> -> memref<40x128xf32, #tpu.memory_space<vmem>>
      %dma_wait3A_400 = arith.constant 0 : i32
      %dma_wait3A_401 = tpu.memref_slice %arg8[%dma_wait3A_400] : memref<4000xi32, #tpu.memory_space<vmem>> -> memref<40xi32, #tpu.memory_space<vmem>>
      %dma_wait3A_402 = arith.constant 0 : i32
      %dma_wait3A_403 = arith.constant 0 : i32
      %dma_wait3A_404 = tpu.memref_slice %arg2[%dma_wait3A_402, %dma_wait3A_403] : memref<10000x128xf32, #tpu.memory_space<hbm>> -> memref<10000x128xf32, #tpu.memory_space<hbm>>
      tpu.wait_indirect_dma semaphore(%arg16 : memref<!tpu.dma_semaphore, #tpu.memory_space<semaphore_mem>>) src(%dma_wait3A_404 : memref<10000x128xf32, #tpu.memory_space<hbm>>) dst(%dma_wait3A_399 : memref<40x128xf32, #tpu.memory_space<vmem>>)
      %dma_wait3A_405 = arith.constant 40 : i32
      %dma_wait3A_406 = arith.constant 0 : i32
      %dma_wait3A_407 = tpu.memref_slice %arg12[%dma_wait3A_405, %dma_wait3A_406] : memref<80x128xf32, #tpu.memory_space<vmem>> -> memref<40x128xf32, #tpu.memory_space<vmem>>
      %dma_wait3A_408 = arith.constant 0 : i32
      %dma_wait3A_409 = tpu.memref_slice %arg8[%dma_wait3A_408] : memref<4000xi32, #tpu.memory_space<vmem>> -> memref<40xi32, #tpu.memory_space<vmem>>
      %dma_wait3A_410 = arith.constant 0 : i32
      %dma_wait3A_411 = arith.constant 0 : i32
      %dma_wait3A_412 = tpu.memref_slice %arg2[%dma_wait3A_410, %dma_wait3A_411] : memref<10000x128xf32, #tpu.memory_space<hbm>> -> memref<10000x128xf32, #tpu.memory_space<hbm>>
      tpu.wait_indirect_dma semaphore(%arg16 : memref<!tpu.dma_semaphore, #tpu.memory_space<semaphore_mem>>) src(%dma_wait3A_412 : memref<10000x128xf32, #tpu.memory_space<hbm>>) dst(%dma_wait3A_407 : memref<40x128xf32, #tpu.memory_space<vmem>>)
      %jit3A_413 = arith.constant 25 : i32
      %div3A_414 = arith.divsi %add3A_396, %jit3A_413 : i32
      %sign3A_415 = arith.constant 0 : i32
      %sign3A_416 = arith.cmpi sgt, %add3A_396, %sign3A_415 : i32
      %sign3A_417 = arith.extui %sign3A_416 : i1 to i32
      %sign3A_418 = arith.constant 0 : i32
      %sign3A_419 = arith.cmpi slt, %add3A_396, %sign3A_418 : i32
      %sign3A_420 = arith.extui %sign3A_419 : i1 to i32
      %sign3A_421 = arith.subi %sign3A_417, %sign3A_420 : i32
      %sign3A_422 = arith.constant 0 : i32
      %sign3A_423 = arith.cmpi sgt, %jit3A_413, %sign3A_422 : i32
      %sign3A_424 = arith.extui %sign3A_423 : i1 to i32
      %sign3A_425 = arith.constant 0 : i32
      %sign3A_426 = arith.cmpi slt, %jit3A_413, %sign3A_425 : i32
      %sign3A_427 = arith.extui %sign3A_426 : i1 to i32
      %sign3A_428 = arith.subi %sign3A_424, %sign3A_427 : i32
      %ne3A_429 = arith.cmpi ne, %sign3A_421, %sign3A_428 : i32
      %rem3A_430 = arith.remsi %add3A_396, %jit3A_413 : i32
      %ne3A_431 = arith.constant 0 : i32
      %ne3A_432 = arith.cmpi ne, %rem3A_430, %ne3A_431 : i32
      %and3A_433 = arith.andi %ne3A_429, %ne3A_432 : i1
      %sub3A_434 = arith.constant 1 : i32
      %sub3A_435 = arith.subi %div3A_414, %sub3A_434 : i32
      %select_n3A_436 = arith.select %and3A_433, %sub3A_435, %div3A_414 : i32
      %jit3A_437 = arith.constant 2 : i32
      %eq3A_438 = arith.constant 0 : i32
      %eq3A_439 = arith.cmpi eq, %jit3A_437, %eq3A_438 : i32
      %jit3A_440 = arith.constant 1 : i32
      %select_n3A_441 = arith.select %eq3A_439, %jit3A_440, %jit3A_437 : i32
      %rem3A_442 = arith.remsi %select_n3A_436, %select_n3A_441 : i32
      %ne3A_443 = arith.constant 0 : i32
      %ne3A_444 = arith.cmpi ne, %rem3A_442, %ne3A_443 : i32
      %lt3A_445 = arith.constant 0 : i32
      %lt3A_446 = arith.cmpi slt, %rem3A_442, %lt3A_445 : i32
      %lt3A_447 = arith.constant 0 : i32
      %lt3A_448 = arith.cmpi slt, %select_n3A_441, %lt3A_447 : i32
      %ne3A_449 = arith.xori %lt3A_446, %lt3A_448 : i1
      %and3A_450 = arith.andi %ne3A_449, %ne3A_444 : i1
      %add3A_451 = arith.addi %rem3A_442, %select_n3A_441 : i32
      %select_n3A_452 = arith.select %and3A_450, %add3A_451, %rem3A_442 : i32
      %mul3A_453 = arith.constant 2000 : i32
      %mul3A_454 = arith.muli %select_n3A_452, %mul3A_453 : i32
      %jit3A_455 = arith.constant 25 : i32
      %eq3A_456 = arith.constant 0 : i32
      %eq3A_457 = arith.cmpi eq, %jit3A_455, %eq3A_456 : i32
      %jit3A_458 = arith.constant 1 : i32
      %select_n3A_459 = arith.select %eq3A_457, %jit3A_458, %jit3A_455 : i32
      %rem3A_460 = arith.remsi %add3A_396, %select_n3A_459 : i32
      %ne3A_461 = arith.constant 0 : i32
      %ne3A_462 = arith.cmpi ne, %rem3A_460, %ne3A_461 : i32
      %lt3A_463 = arith.constant 0 : i32
      %lt3A_464 = arith.cmpi slt, %rem3A_460, %lt3A_463 : i32
      %lt3A_465 = arith.constant 0 : i32
      %lt3A_466 = arith.cmpi slt, %select_n3A_459, %lt3A_465 : i32
      %ne3A_467 = arith.xori %lt3A_464, %lt3A_466 : i1
      %and3A_468 = arith.andi %ne3A_467, %ne3A_462 : i1
      %add3A_469 = arith.addi %rem3A_460, %select_n3A_459 : i32
      %select_n3A_470 = arith.select %and3A_468, %add3A_469, %rem3A_460 : i32
      %mul3A_471 = arith.constant 80 : i32
      %mul3A_472 = arith.muli %select_n3A_470, %mul3A_471 : i32
      %add3A_473 = arith.addi %mul3A_454, %mul3A_472 : i32
      %scan3A_474 = arith.constant 0 : i32
      %scan3A_475 = arith.constant 0 : i32
      %scan3A_476 = arith.constant 20 : i32
      %scan3A_477 = arith.addi %scan3A_475, %scan3A_476 : i32
      %scan3A_478 = arith.constant 1 : i32
      scf.for %scan3A_913 = %scan3A_475 to %scan3A_477 step %scan3A_478  : i32 {
        %mul3A_914 = arith.constant 4 : i32
        %mul3A_915 = arith.muli %scan3A_913, %mul3A_914 : i32
        %add3A_916 = arith.constant 0 : i32
        %add3A_917 = arith.addi %mul3A_915, %add3A_916 : i32
        %add3A_918 = arith.addi %add3A_473, %add3A_917 : i32
        %broadcast_in_dim3A = vector.broadcast %add3A_918 : i32 to vector<16xi32>
        %gather3A = tpu.vector_load_idx %arg10[%broadcast_in_dim3A] : memref<4000xf32, #tpu.memory_space<vmem>>[vector<16xi32>], vector<16xf32>,
        %get3A = arith.index_cast %add3A_917 : i32 to index
        %get3A_919 = arith.constant 0 : index
        %get3A_920 = tpu.vector_load %arg12[%get3A, %get3A_919] {strides = array<i32>} : memref<80x128xf32, #tpu.memory_space<vmem>>, vector<16xf32>,
        %mul3A_921 = arith.mulf %get3A_920, %gather3A : vector<16xf32>
        %swap3A = arith.index_cast %add3A_917 : i32 to index
        %swap3A_922 = arith.constant 0 : index
        %swap3A_923 = tpu.vector_load %arg12[%swap3A, %swap3A_922] {strides = array<i32>} : memref<80x128xf32, #tpu.memory_space<vmem>>, vector<16xf32>,
        tpu.vector_store %arg12[%swap3A, %swap3A_922], %mul3A_921 {strides = array<i32>} : memref<80x128xf32, #tpu.memory_space<vmem>>, vector<16xf32>,
        %get3A_924 = arith.index_cast %add3A_917 : i32 to index
        %get3A_925 = arith.constant 16 : index
        %get3A_926 = tpu.vector_load %arg12[%get3A_924, %get3A_925] {strides = array<i32>} : memref<80x128xf32, #tpu.memory_space<vmem>>, vector<16xf32>,
        %mul3A_927 = arith.mulf %get3A_926, %gather3A : vector<16xf32>
        %swap3A_928 = arith.index_cast %add3A_917 : i32 to index
        %swap3A_929 = arith.constant 16 : index
        %swap3A_930 = tpu.vector_load %arg12[%swap3A_928, %swap3A_929] {strides = array<i32>} : memref<80x128xf32, #tpu.memory_space<vmem>>, vector<16xf32>,
        tpu.vector_store %arg12[%swap3A_928, %swap3A_929], %mul3A_927 {strides = array<i32>} : memref<80x128xf32, #tpu.memory_space<vmem>>, vector<16xf32>,
        %get3A_931 = arith.index_cast %add3A_917 : i32 to index
        %get3A_932 = arith.constant 32 : index
        %get3A_933 = tpu.vector_load %arg12[%get3A_931, %get3A_932] {strides = array<i32>} : memref<80x128xf32, #tpu.memory_space<vmem>>, vector<16xf32>,
        %mul3A_934 = arith.mulf %get3A_933, %gather3A : vector<16xf32>
        %swap3A_935 = arith.index_cast %add3A_917 : i32 to index
        %swap3A_936 = arith.constant 32 : index
        %swap3A_937 = tpu.vector_load %arg12[%swap3A_935, %swap3A_936] {strides = array<i32>} : memref<80x128xf32, #tpu.memory_space<vmem>>, vector<16xf32>,
        tpu.vector_store %arg12[%swap3A_935, %swap3A_936], %mul3A_934 {strides = array<i32>} : memref<80x128xf32, #tpu.memory_space<vmem>>, vector<16xf32>,
        %get3A_938 = arith.index_cast %add3A_917 : i32 to index
        %get3A_939 = arith.constant 48 : index
        %get3A_940 = tpu.vector_load %arg12[%get3A_938, %get3A_939] {strides = array<i32>} : memref<80x128xf32, #tpu.memory_space<vmem>>, vector<16xf32>,
        %mul3A_941 = arith.mulf %get3A_940, %gather3A : vector<16xf32>
        %swap3A_942 = arith.index_cast %add3A_917 : i32 to index
        %swap3A_943 = arith.constant 48 : index
        %swap3A_944 = tpu.vector_load %arg12[%swap3A_942, %swap3A_943] {strides = array<i32>} : memref<80x128xf32, #tpu.memory_space<vmem>>, vector<16xf32>,
        tpu.vector_store %arg12[%swap3A_942, %swap3A_943], %mul3A_941 {strides = array<i32>} : memref<80x128xf32, #tpu.memory_space<vmem>>, vector<16xf32>,
        %get3A_945 = arith.index_cast %add3A_917 : i32 to index
        %get3A_946 = arith.constant 64 : index
        %get3A_947 = tpu.vector_load %arg12[%get3A_945, %get3A_946] {strides = array<i32>} : memref<80x128xf32, #tpu.memory_space<vmem>>, vector<16xf32>,
        %mul3A_948 = arith.mulf %get3A_947, %gather3A : vector<16xf32>
        %swap3A_949 = arith.index_cast %add3A_917 : i32 to index
        %swap3A_950 = arith.constant 64 : index
        %swap3A_951 = tpu.vector_load %arg12[%swap3A_949, %swap3A_950] {strides = array<i32>} : memref<80x128xf32, #tpu.memory_space<vmem>>, vector<16xf32>,
        tpu.vector_store %arg12[%swap3A_949, %swap3A_950], %mul3A_948 {strides = array<i32>} : memref<80x128xf32, #tpu.memory_space<vmem>>, vector<16xf32>,
        %get3A_952 = arith.index_cast %add3A_917 : i32 to index
        %get3A_953 = arith.constant 80 : index
        %get3A_954 = tpu.vector_load %arg12[%get3A_952, %get3A_953] {strides = array<i32>} : memref<80x128xf32, #tpu.memory_space<vmem>>, vector<16xf32>,
        %mul3A_955 = arith.mulf %get3A_954, %gather3A : vector<16xf32>
        %swap3A_956 = arith.index_cast %add3A_917 : i32 to index
        %swap3A_957 = arith.constant 80 : index
        %swap3A_958 = tpu.vector_load %arg12[%swap3A_956, %swap3A_957] {strides = array<i32>} : memref<80x128xf32, #tpu.memory_space<vmem>>, vector<16xf32>,
        tpu.vector_store %arg12[%swap3A_956, %swap3A_957], %mul3A_955 {strides = array<i32>} : memref<80x128xf32, #tpu.memory_space<vmem>>, vector<16xf32>,
        %get3A_959 = arith.index_cast %add3A_917 : i32 to index
        %get3A_960 = arith.constant 96 : index
        %get3A_961 = tpu.vector_load %arg12[%get3A_959, %get3A_960] {strides = array<i32>} : memref<80x128xf32, #tpu.memory_space<vmem>>, vector<16xf32>,
        %mul3A_962 = arith.mulf %get3A_961, %gather3A : vector<16xf32>
        %swap3A_963 = arith.index_cast %add3A_917 : i32 to index
        %swap3A_964 = arith.constant 96 : index
        %swap3A_965 = tpu.vector_load %arg12[%swap3A_963, %swap3A_964] {strides = array<i32>} : memref<80x128xf32, #tpu.memory_space<vmem>>, vector<16xf32>,
        tpu.vector_store %arg12[%swap3A_963, %swap3A_964], %mul3A_962 {strides = array<i32>} : memref<80x128xf32, #tpu.memory_space<vmem>>, vector<16xf32>,
        %get3A_966 = arith.index_cast %add3A_917 : i32 to index
        %get3A_967 = arith.constant 112 : index
        %get3A_968 = tpu.vector_load %arg12[%get3A_966, %get3A_967] {strides = array<i32>} : memref<80x128xf32, #tpu.memory_space<vmem>>, vector<16xf32>,
        %mul3A_969 = arith.mulf %get3A_968, %gather3A : vector<16xf32>
        %swap3A_970 = arith.index_cast %add3A_917 : i32 to index
        %swap3A_971 = arith.constant 112 : index
        %swap3A_972 = tpu.vector_load %arg12[%swap3A_970, %swap3A_971] {strides = array<i32>} : memref<80x128xf32, #tpu.memory_space<vmem>>, vector<16xf32>,
        tpu.vector_store %arg12[%swap3A_970, %swap3A_971], %mul3A_969 {strides = array<i32>} : memref<80x128xf32, #tpu.memory_space<vmem>>, vector<16xf32>,
        %mul3A_973 = arith.constant 4 : i32
        %mul3A_974 = arith.muli %scan3A_913, %mul3A_973 : i32
        %add3A_975 = arith.constant 1 : i32
        %add3A_976 = arith.addi %mul3A_974, %add3A_975 : i32
        %add3A_977 = arith.addi %add3A_473, %add3A_976 : i32
        %broadcast_in_dim3A_978 = vector.broadcast %add3A_977 : i32 to vector<16xi32>
        %gather3A_979 = tpu.vector_load_idx %arg10[%broadcast_in_dim3A_978] : memref<4000xf32, #tpu.memory_space<vmem>>[vector<16xi32>], vector<16xf32>,
        %get3A_980 = arith.index_cast %add3A_976 : i32 to index
        %get3A_981 = arith.constant 0 : index
        %get3A_982 = tpu.vector_load %arg12[%get3A_980, %get3A_981] {strides = array<i32>} : memref<80x128xf32, #tpu.memory_space<vmem>>, vector<16xf32>,
        %mul3A_983 = arith.mulf %get3A_982, %gather3A_979 : vector<16xf32>
        %swap3A_984 = arith.index_cast %add3A_976 : i32 to index
        %swap3A_985 = arith.constant 0 : index
        %swap3A_986 = tpu.vector_load %arg12[%swap3A_984, %swap3A_985] {strides = array<i32>} : memref<80x128xf32, #tpu.memory_space<vmem>>, vector<16xf32>,
        tpu.vector_store %arg12[%swap3A_984, %swap3A_985], %mul3A_983 {strides = array<i32>} : memref<80x128xf32, #tpu.memory_space<vmem>>, vector<16xf32>,
        %get3A_987 = arith.index_cast %add3A_976 : i32 to index
        %get3A_988 = arith.constant 16 : index
        %get3A_989 = tpu.vector_load %arg12[%get3A_987, %get3A_988] {strides = array<i32>} : memref<80x128xf32, #tpu.memory_space<vmem>>, vector<16xf32>,
        %mul3A_990 = arith.mulf %get3A_989, %gather3A_979 : vector<16xf32>
        %swap3A_991 = arith.index_cast %add3A_976 : i32 to index
        %swap3A_992 = arith.constant 16 : index
        %swap3A_993 = tpu.vector_load %arg12[%swap3A_991, %swap3A_992] {strides = array<i32>} : memref<80x128xf32, #tpu.memory_space<vmem>>, vector<16xf32>,
        tpu.vector_store %arg12[%swap3A_991, %swap3A_992], %mul3A_990 {strides = array<i32>} : memref<80x128xf32, #tpu.memory_space<vmem>>, vector<16xf32>,
        %get3A_994 = arith.index_cast %add3A_976 : i32 to index
        %get3A_995 = arith.constant 32 : index
        %get3A_996 = tpu.vector_load %arg12[%get3A_994, %get3A_995] {strides = array<i32>} : memref<80x128xf32, #tpu.memory_space<vmem>>, vector<16xf32>,
        %mul3A_997 = arith.mulf %get3A_996, %gather3A_979 : vector<16xf32>
        %swap3A_998 = arith.index_cast %add3A_976 : i32 to index
        %swap3A_999 = arith.constant 32 : index
        %swap3A_1000 = tpu.vector_load %arg12[%swap3A_998, %swap3A_999] {strides = array<i32>} : memref<80x128xf32, #tpu.memory_space<vmem>>, vector<16xf32>,
        tpu.vector_store %arg12[%swap3A_998, %swap3A_999], %mul3A_997 {strides = array<i32>} : memref<80x128xf32, #tpu.memory_space<vmem>>, vector<16xf32>,
        %get3A_1001 = arith.index_cast %add3A_976 : i32 to index
        %get3A_1002 = arith.constant 48 : index
        %get3A_1003 = tpu.vector_load %arg12[%get3A_1001, %get3A_1002] {strides = array<i32>} : memref<80x128xf32, #tpu.memory_space<vmem>>, vector<16xf32>,
        %mul3A_1004 = arith.mulf %get3A_1003, %gather3A_979 : vector<16xf32>
        %swap3A_1005 = arith.index_cast %add3A_976 : i32 to index
        %swap3A_1006 = arith.constant 48 : index
        %swap3A_1007 = tpu.vector_load %arg12[%swap3A_1005, %swap3A_1006] {strides = array<i32>} : memref<80x128xf32, #tpu.memory_space<vmem>>, vector<16xf32>,
        tpu.vector_store %arg12[%swap3A_1005, %swap3A_1006], %mul3A_1004 {strides = array<i32>} : memref<80x128xf32, #tpu.memory_space<vmem>>, vector<16xf32>,
        %get3A_1008 = arith.index_cast %add3A_976 : i32 to index
        %get3A_1009 = arith.constant 64 : index
        %get3A_1010 = tpu.vector_load %arg12[%get3A_1008, %get3A_1009] {strides = array<i32>} : memref<80x128xf32, #tpu.memory_space<vmem>>, vector<16xf32>,
        %mul3A_1011 = arith.mulf %get3A_1010, %gather3A_979 : vector<16xf32>
        %swap3A_1012 = arith.index_cast %add3A_976 : i32 to index
        %swap3A_1013 = arith.constant 64 : index
        %swap3A_1014 = tpu.vector_load %arg12[%swap3A_1012, %swap3A_1013] {strides = array<i32>} : memref<80x128xf32, #tpu.memory_space<vmem>>, vector<16xf32>,
        tpu.vector_store %arg12[%swap3A_1012, %swap3A_1013], %mul3A_1011 {strides = array<i32>} : memref<80x128xf32, #tpu.memory_space<vmem>>, vector<16xf32>,
        %get3A_1015 = arith.index_cast %add3A_976 : i32 to index
        %get3A_1016 = arith.constant 80 : index
        %get3A_1017 = tpu.vector_load %arg12[%get3A_1015, %get3A_1016] {strides = array<i32>} : memref<80x128xf32, #tpu.memory_space<vmem>>, vector<16xf32>,
        %mul3A_1018 = arith.mulf %get3A_1017, %gather3A_979 : vector<16xf32>
        %swap3A_1019 = arith.index_cast %add3A_976 : i32 to index
        %swap3A_1020 = arith.constant 80 : index
        %swap3A_1021 = tpu.vector_load %arg12[%swap3A_1019, %swap3A_1020] {strides = array<i32>} : memref<80x128xf32, #tpu.memory_space<vmem>>, vector<16xf32>,
        tpu.vector_store %arg12[%swap3A_1019, %swap3A_1020], %mul3A_1018 {strides = array<i32>} : memref<80x128xf32, #tpu.memory_space<vmem>>, vector<16xf32>,
        %get3A_1022 = arith.index_cast %add3A_976 : i32 to index
        %get3A_1023 = arith.constant 96 : index
        %get3A_1024 = tpu.vector_load %arg12[%get3A_1022, %get3A_1023] {strides = array<i32>} : memref<80x128xf32, #tpu.memory_space<vmem>>, vector<16xf32>,
        %mul3A_1025 = arith.mulf %get3A_1024, %gather3A_979 : vector<16xf32>
        %swap3A_1026 = arith.index_cast %add3A_976 : i32 to index
        %swap3A_1027 = arith.constant 96 : index
        %swap3A_1028 = tpu.vector_load %arg12[%swap3A_1026, %swap3A_1027] {strides = array<i32>} : memref<80x128xf32, #tpu.memory_space<vmem>>, vector<16xf32>,
        tpu.vector_store %arg12[%swap3A_1026, %swap3A_1027], %mul3A_1025 {strides = array<i32>} : memref<80x128xf32, #tpu.memory_space<vmem>>, vector<16xf32>,
        %get3A_1029 = arith.index_cast %add3A_976 : i32 to index
        %get3A_1030 = arith.constant 112 : index
        %get3A_1031 = tpu.vector_load %arg12[%get3A_1029, %get3A_1030] {strides = array<i32>} : memref<80x128xf32, #tpu.memory_space<vmem>>, vector<16xf32>,
        %mul3A_1032 = arith.mulf %get3A_1031, %gather3A_979 : vector<16xf32>
        %swap3A_1033 = arith.index_cast %add3A_976 : i32 to index
        %swap3A_1034 = arith.constant 112 : index
        %swap3A_1035 = tpu.vector_load %arg12[%swap3A_1033, %swap3A_1034] {strides = array<i32>} : memref<80x128xf32, #tpu.memory_space<vmem>>, vector<16xf32>,
        tpu.vector_store %arg12[%swap3A_1033, %swap3A_1034], %mul3A_1032 {strides = array<i32>} : memref<80x128xf32, #tpu.memory_space<vmem>>, vector<16xf32>,
        %mul3A_1036 = arith.constant 4 : i32
        %mul3A_1037 = arith.muli %scan3A_913, %mul3A_1036 : i32
        %add3A_1038 = arith.constant 2 : i32
        %add3A_1039 = arith.addi %mul3A_1037, %add3A_1038 : i32
        %add3A_1040 = arith.addi %add3A_473, %add3A_1039 : i32
        %broadcast_in_dim3A_1041 = vector.broadcast %add3A_1040 : i32 to vector<16xi32>
        %gather3A_1042 = tpu.vector_load_idx %arg10[%broadcast_in_dim3A_1041] : memref<4000xf32, #tpu.memory_space<vmem>>[vector<16xi32>], vector<16xf32>,
        %get3A_1043 = arith.index_cast %add3A_1039 : i32 to index
        %get3A_1044 = arith.constant 0 : index
        %get3A_1045 = tpu.vector_load %arg12[%get3A_1043, %get3A_1044] {strides = array<i32>} : memref<80x128xf32, #tpu.memory_space<vmem>>, vector<16xf32>,
        %mul3A_1046 = arith.mulf %get3A_1045, %gather3A_1042 : vector<16xf32>
        %swap3A_1047 = arith.index_cast %add3A_1039 : i32 to index
        %swap3A_1048 = arith.constant 0 : index
        %swap3A_1049 = tpu.vector_load %arg12[%swap3A_1047, %swap3A_1048] {strides = array<i32>} : memref<80x128xf32, #tpu.memory_space<vmem>>, vector<16xf32>,
        tpu.vector_store %arg12[%swap3A_1047, %swap3A_1048], %mul3A_1046 {strides = array<i32>} : memref<80x128xf32, #tpu.memory_space<vmem>>, vector<16xf32>,
        %get3A_1050 = arith.index_cast %add3A_1039 : i32 to index
        %get3A_1051 = arith.constant 16 : index
        %get3A_1052 = tpu.vector_load %arg12[%get3A_1050, %get3A_1051] {strides = array<i32>} : memref<80x128xf32, #tpu.memory_space<vmem>>, vector<16xf32>,
        %mul3A_1053 = arith.mulf %get3A_1052, %gather3A_1042 : vector<16xf32>
        %swap3A_1054 = arith.index_cast %add3A_1039 : i32 to index
        %swap3A_1055 = arith.constant 16 : index
        %swap3A_1056 = tpu.vector_load %arg12[%swap3A_1054, %swap3A_1055] {strides = array<i32>} : memref<80x128xf32, #tpu.memory_space<vmem>>, vector<16xf32>,
        tpu.vector_store %arg12[%swap3A_1054, %swap3A_1055], %mul3A_1053 {strides = array<i32>} : memref<80x128xf32, #tpu.memory_space<vmem>>, vector<16xf32>,
        %get3A_1057 = arith.index_cast %add3A_1039 : i32 to index
        %get3A_1058 = arith.constant 32 : index
        %get3A_1059 = tpu.vector_load %arg12[%get3A_1057, %get3A_1058] {strides = array<i32>} : memref<80x128xf32, #tpu.memory_space<vmem>>, vector<16xf32>,
        %mul3A_1060 = arith.mulf %get3A_1059, %gather3A_1042 : vector<16xf32>
        %swap3A_1061 = arith.index_cast %add3A_1039 : i32 to index
        %swap3A_1062 = arith.constant 32 : index
        %swap3A_1063 = tpu.vector_load %arg12[%swap3A_1061, %swap3A_1062] {strides = array<i32>} : memref<80x128xf32, #tpu.memory_space<vmem>>, vector<16xf32>,
        tpu.vector_store %arg12[%swap3A_1061, %swap3A_1062], %mul3A_1060 {strides = array<i32>} : memref<80x128xf32, #tpu.memory_space<vmem>>, vector<16xf32>,
        %get3A_1064 = arith.index_cast %add3A_1039 : i32 to index
        %get3A_1065 = arith.constant 48 : index
        %get3A_1066 = tpu.vector_load %arg12[%get3A_1064, %get3A_1065] {strides = array<i32>} : memref<80x128xf32, #tpu.memory_space<vmem>>, vector<16xf32>,
        %mul3A_1067 = arith.mulf %get3A_1066, %gather3A_1042 : vector<16xf32>
        %swap3A_1068 = arith.index_cast %add3A_1039 : i32 to index
        %swap3A_1069 = arith.constant 48 : index
        %swap3A_1070 = tpu.vector_load %arg12[%swap3A_1068, %swap3A_1069] {strides = array<i32>} : memref<80x128xf32, #tpu.memory_space<vmem>>, vector<16xf32>,
        tpu.vector_store %arg12[%swap3A_1068, %swap3A_1069], %mul3A_1067 {strides = array<i32>} : memref<80x128xf32, #tpu.memory_space<vmem>>, vector<16xf32>,
        %get3A_1071 = arith.index_cast %add3A_1039 : i32 to index
        %get3A_1072 = arith.constant 64 : index
        %get3A_1073 = tpu.vector_load %arg12[%get3A_1071, %get3A_1072] {strides = array<i32>} : memref<80x128xf32, #tpu.memory_space<vmem>>, vector<16xf32>,
        %mul3A_1074 = arith.mulf %get3A_1073, %gather3A_1042 : vector<16xf32>
        %swap3A_1075 = arith.index_cast %add3A_1039 : i32 to index
        %swap3A_1076 = arith.constant 64 : index
        %swap3A_1077 = tpu.vector_load %arg12[%swap3A_1075, %swap3A_1076] {strides = array<i32>} : memref<80x128xf32, #tpu.memory_space<vmem>>, vector<16xf32>,
        tpu.vector_store %arg12[%swap3A_1075, %swap3A_1076], %mul3A_1074 {strides = array<i32>} : memref<80x128xf32, #tpu.memory_space<vmem>>, vector<16xf32>,
        %get3A_1078 = arith.index_cast %add3A_1039 : i32 to index
        %get3A_1079 = arith.constant 80 : index
        %get3A_1080 = tpu.vector_load %arg12[%get3A_1078, %get3A_1079] {strides = array<i32>} : memref<80x128xf32, #tpu.memory_space<vmem>>, vector<16xf32>,
        %mul3A_1081 = arith.mulf %get3A_1080, %gather3A_1042 : vector<16xf32>
        %swap3A_1082 = arith.index_cast %add3A_1039 : i32 to index
        %swap3A_1083 = arith.constant 80 : index
        %swap3A_1084 = tpu.vector_load %arg12[%swap3A_1082, %swap3A_1083] {strides = array<i32>} : memref<80x128xf32, #tpu.memory_space<vmem>>, vector<16xf32>,
        tpu.vector_store %arg12[%swap3A_1082, %swap3A_1083], %mul3A_1081 {strides = array<i32>} : memref<80x128xf32, #tpu.memory_space<vmem>>, vector<16xf32>,
        %get3A_1085 = arith.index_cast %add3A_1039 : i32 to index
        %get3A_1086 = arith.constant 96 : index
        %get3A_1087 = tpu.vector_load %arg12[%get3A_1085, %get3A_1086] {strides = array<i32>} : memref<80x128xf32, #tpu.memory_space<vmem>>, vector<16xf32>,
        %mul3A_1088 = arith.mulf %get3A_1087, %gather3A_1042 : vector<16xf32>
        %swap3A_1089 = arith.index_cast %add3A_1039 : i32 to index
        %swap3A_1090 = arith.constant 96 : index
        %swap3A_1091 = tpu.vector_load %arg12[%swap3A_1089, %swap3A_1090] {strides = array<i32>} : memref<80x128xf32, #tpu.memory_space<vmem>>, vector<16xf32>,
        tpu.vector_store %arg12[%swap3A_1089, %swap3A_1090], %mul3A_1088 {strides = array<i32>} : memref<80x128xf32, #tpu.memory_space<vmem>>, vector<16xf32>,
        %get3A_1092 = arith.index_cast %add3A_1039 : i32 to index
        %get3A_1093 = arith.constant 112 : index
        %get3A_1094 = tpu.vector_load %arg12[%get3A_1092, %get3A_1093] {strides = array<i32>} : memref<80x128xf32, #tpu.memory_space<vmem>>, vector<16xf32>,
        %mul3A_1095 = arith.mulf %get3A_1094, %gather3A_1042 : vector<16xf32>
        %swap3A_1096 = arith.index_cast %add3A_1039 : i32 to index
        %swap3A_1097 = arith.constant 112 : index
        %swap3A_1098 = tpu.vector_load %arg12[%swap3A_1096, %swap3A_1097] {strides = array<i32>} : memref<80x128xf32, #tpu.memory_space<vmem>>, vector<16xf32>,
        tpu.vector_store %arg12[%swap3A_1096, %swap3A_1097], %mul3A_1095 {strides = array<i32>} : memref<80x128xf32, #tpu.memory_space<vmem>>, vector<16xf32>,
        %mul3A_1099 = arith.constant 4 : i32
        %mul3A_1100 = arith.muli %scan3A_913, %mul3A_1099 : i32
        %add3A_1101 = arith.constant 3 : i32
        %add3A_1102 = arith.addi %mul3A_1100, %add3A_1101 : i32
        %add3A_1103 = arith.addi %add3A_473, %add3A_1102 : i32
        %broadcast_in_dim3A_1104 = vector.broadcast %add3A_1103 : i32 to vector<16xi32>
        %gather3A_1105 = tpu.vector_load_idx %arg10[%broadcast_in_dim3A_1104] : memref<4000xf32, #tpu.memory_space<vmem>>[vector<16xi32>], vector<16xf32>,
        %get3A_1106 = arith.index_cast %add3A_1102 : i32 to index
        %get3A_1107 = arith.constant 0 : index
        %get3A_1108 = tpu.vector_load %arg12[%get3A_1106, %get3A_1107] {strides = array<i32>} : memref<80x128xf32, #tpu.memory_space<vmem>>, vector<16xf32>,
        %mul3A_1109 = arith.mulf %get3A_1108, %gather3A_1105 : vector<16xf32>
        %swap3A_1110 = arith.index_cast %add3A_1102 : i32 to index
        %swap3A_1111 = arith.constant 0 : index
        %swap3A_1112 = tpu.vector_load %arg12[%swap3A_1110, %swap3A_1111] {strides = array<i32>} : memref<80x128xf32, #tpu.memory_space<vmem>>, vector<16xf32>,
        tpu.vector_store %arg12[%swap3A_1110, %swap3A_1111], %mul3A_1109 {strides = array<i32>} : memref<80x128xf32, #tpu.memory_space<vmem>>, vector<16xf32>,
        %get3A_1113 = arith.index_cast %add3A_1102 : i32 to index
        %get3A_1114 = arith.constant 16 : index
        %get3A_1115 = tpu.vector_load %arg12[%get3A_1113, %get3A_1114] {strides = array<i32>} : memref<80x128xf32, #tpu.memory_space<vmem>>, vector<16xf32>,
        %mul3A_1116 = arith.mulf %get3A_1115, %gather3A_1105 : vector<16xf32>
        %swap3A_1117 = arith.index_cast %add3A_1102 : i32 to index
        %swap3A_1118 = arith.constant 16 : index
        %swap3A_1119 = tpu.vector_load %arg12[%swap3A_1117, %swap3A_1118] {strides = array<i32>} : memref<80x128xf32, #tpu.memory_space<vmem>>, vector<16xf32>,
        tpu.vector_store %arg12[%swap3A_1117, %swap3A_1118], %mul3A_1116 {strides = array<i32>} : memref<80x128xf32, #tpu.memory_space<vmem>>, vector<16xf32>,
        %get3A_1120 = arith.index_cast %add3A_1102 : i32 to index
        %get3A_1121 = arith.constant 32 : index
        %get3A_1122 = tpu.vector_load %arg12[%get3A_1120, %get3A_1121] {strides = array<i32>} : memref<80x128xf32, #tpu.memory_space<vmem>>, vector<16xf32>,
        %mul3A_1123 = arith.mulf %get3A_1122, %gather3A_1105 : vector<16xf32>
        %swap3A_1124 = arith.index_cast %add3A_1102 : i32 to index
        %swap3A_1125 = arith.constant 32 : index
        %swap3A_1126 = tpu.vector_load %arg12[%swap3A_1124, %swap3A_1125] {strides = array<i32>} : memref<80x128xf32, #tpu.memory_space<vmem>>, vector<16xf32>,
        tpu.vector_store %arg12[%swap3A_1124, %swap3A_1125], %mul3A_1123 {strides = array<i32>} : memref<80x128xf32, #tpu.memory_space<vmem>>, vector<16xf32>,
        %get3A_1127 = arith.index_cast %add3A_1102 : i32 to index
        %get3A_1128 = arith.constant 48 : index
        %get3A_1129 = tpu.vector_load %arg12[%get3A_1127, %get3A_1128] {strides = array<i32>} : memref<80x128xf32, #tpu.memory_space<vmem>>, vector<16xf32>,
        %mul3A_1130 = arith.mulf %get3A_1129, %gather3A_1105 : vector<16xf32>
        %swap3A_1131 = arith.index_cast %add3A_1102 : i32 to index
        %swap3A_1132 = arith.constant 48 : index
        %swap3A_1133 = tpu.vector_load %arg12[%swap3A_1131, %swap3A_1132] {strides = array<i32>} : memref<80x128xf32, #tpu.memory_space<vmem>>, vector<16xf32>,
        tpu.vector_store %arg12[%swap3A_1131, %swap3A_1132], %mul3A_1130 {strides = array<i32>} : memref<80x128xf32, #tpu.memory_space<vmem>>, vector<16xf32>,
        %get3A_1134 = arith.index_cast %add3A_1102 : i32 to index
        %get3A_1135 = arith.constant 64 : index
        %get3A_1136 = tpu.vector_load %arg12[%get3A_1134, %get3A_1135] {strides = array<i32>} : memref<80x128xf32, #tpu.memory_space<vmem>>, vector<16xf32>,
        %mul3A_1137 = arith.mulf %get3A_1136, %gather3A_1105 : vector<16xf32>
        %swap3A_1138 = arith.index_cast %add3A_1102 : i32 to index
        %swap3A_1139 = arith.constant 64 : index
        %swap3A_1140 = tpu.vector_load %arg12[%swap3A_1138, %swap3A_1139] {strides = array<i32>} : memref<80x128xf32, #tpu.memory_space<vmem>>, vector<16xf32>,
        tpu.vector_store %arg12[%swap3A_1138, %swap3A_1139], %mul3A_1137 {strides = array<i32>} : memref<80x128xf32, #tpu.memory_space<vmem>>, vector<16xf32>,
        %get3A_1141 = arith.index_cast %add3A_1102 : i32 to index
        %get3A_1142 = arith.constant 80 : index
        %get3A_1143 = tpu.vector_load %arg12[%get3A_1141, %get3A_1142] {strides = array<i32>} : memref<80x128xf32, #tpu.memory_space<vmem>>, vector<16xf32>,
        %mul3A_1144 = arith.mulf %get3A_1143, %gather3A_1105 : vector<16xf32>
        %swap3A_1145 = arith.index_cast %add3A_1102 : i32 to index
        %swap3A_1146 = arith.constant 80 : index
        %swap3A_1147 = tpu.vector_load %arg12[%swap3A_1145, %swap3A_1146] {strides = array<i32>} : memref<80x128xf32, #tpu.memory_space<vmem>>, vector<16xf32>,
        tpu.vector_store %arg12[%swap3A_1145, %swap3A_1146], %mul3A_1144 {strides = array<i32>} : memref<80x128xf32, #tpu.memory_space<vmem>>, vector<16xf32>,
        %get3A_1148 = arith.index_cast %add3A_1102 : i32 to index
        %get3A_1149 = arith.constant 96 : index
        %get3A_1150 = tpu.vector_load %arg12[%get3A_1148, %get3A_1149] {strides = array<i32>} : memref<80x128xf32, #tpu.memory_space<vmem>>, vector<16xf32>,
        %mul3A_1151 = arith.mulf %get3A_1150, %gather3A_1105 : vector<16xf32>
        %swap3A_1152 = arith.index_cast %add3A_1102 : i32 to index
        %swap3A_1153 = arith.constant 96 : index
        %swap3A_1154 = tpu.vector_load %arg12[%swap3A_1152, %swap3A_1153] {strides = array<i32>} : memref<80x128xf32, #tpu.memory_space<vmem>>, vector<16xf32>,
        tpu.vector_store %arg12[%swap3A_1152, %swap3A_1153], %mul3A_1151 {strides = array<i32>} : memref<80x128xf32, #tpu.memory_space<vmem>>, vector<16xf32>,
        %get3A_1155 = arith.index_cast %add3A_1102 : i32 to index
        %get3A_1156 = arith.constant 112 : index
        %get3A_1157 = tpu.vector_load %arg12[%get3A_1155, %get3A_1156] {strides = array<i32>} : memref<80x128xf32, #tpu.memory_space<vmem>>, vector<16xf32>,
        %mul3A_1158 = arith.mulf %get3A_1157, %gather3A_1105 : vector<16xf32>
        %swap3A_1159 = arith.index_cast %add3A_1102 : i32 to index
        %swap3A_1160 = arith.constant 112 : index
        %swap3A_1161 = tpu.vector_load %arg12[%swap3A_1159, %swap3A_1160] {strides = array<i32>} : memref<80x128xf32, #tpu.memory_space<vmem>>, vector<16xf32>,
        tpu.vector_store %arg12[%swap3A_1159, %swap3A_1160], %mul3A_1158 {strides = array<i32>} : memref<80x128xf32, #tpu.memory_space<vmem>>, vector<16xf32>,
      }
      %scan3A_479 = arith.constant 20 : i32
      %dma_wait3A_480 = arith.constant 0 : i32
      %dma_wait3A_481 = arith.constant 0 : i32
      %dma_wait3A_482 = arith.constant 0 : i32
      %dma_wait3A_483 = arith.constant 0 : i32
      %dma_wait3A_484 = tpu.memref_slice %arg9[%dma_wait3A_480, %dma_wait3A_481, %dma_wait3A_482, %dma_wait3A_483] : memref<2x25x1x80xi32, #tpu.memory_space<vmem>> -> memref<1x1x1x80xi32, #tpu.memory_space<vmem>>
      %dma_wait3A_485 = tpu.memref_squeeze %dma_wait3A_484 : memref<1x1x1x80xi32, #tpu.memory_space<vmem>> -> memref<80xi32, #tpu.memory_space<vmem>>
      %dma_wait3A_486 = arith.constant 0 : i32
      %dma_wait3A_487 = arith.constant 0 : i32
      %dma_wait3A_488 = tpu.memref_slice %arg14[%dma_wait3A_486, %dma_wait3A_487] : memref<10000x128xf32, #tpu.memory_space<vmem_shared>> -> memref<10000x128xf32, #tpu.memory_space<vmem_shared>>
      tpu.wait_indirect_dma semaphore(%arg18 : memref<!tpu.dma_semaphore, #tpu.memory_space<semaphore_mem>>) src(%arg11 : memref<80x128xf32, #tpu.memory_space<vmem>>) dst(%dma_wait3A_488 : memref<10000x128xf32, #tpu.memory_space<vmem_shared>>)
      %add3A_489 = arith.constant 2 : i32
      %add3A_490 = arith.addi %add3A_396, %add3A_489 : i32
      %jit3A_491 = arith.constant 25 : i32
      %eq3A_492 = arith.constant 0 : i32
      %eq3A_493 = arith.cmpi eq, %jit3A_491, %eq3A_492 : i32
      %jit3A_494 = arith.constant 1 : i32
      %select_n3A_495 = arith.select %eq3A_493, %jit3A_494, %jit3A_491 : i32
      %rem3A_496 = arith.remsi %add3A_490, %select_n3A_495 : i32
      %ne3A_497 = arith.constant 0 : i32
      %ne3A_498 = arith.cmpi ne, %rem3A_496, %ne3A_497 : i32
      %lt3A_499 = arith.constant 0 : i32
      %lt3A_500 = arith.cmpi slt, %rem3A_496, %lt3A_499 : i32
      %lt3A_501 = arith.constant 0 : i32
      %lt3A_502 = arith.cmpi slt, %select_n3A_495, %lt3A_501 : i32
      %ne3A_503 = arith.xori %lt3A_500, %lt3A_502 : i1
      %and3A_504 = arith.andi %ne3A_503, %ne3A_498 : i1
      %add3A_505 = arith.addi %rem3A_496, %select_n3A_495 : i32
      %select_n3A_506 = arith.select %and3A_504, %add3A_505, %rem3A_496 : i32
      %eq3A_507 = arith.constant 0 : i32
      %eq3A_508 = arith.cmpi eq, %select_n3A_506, %eq3A_507 : i32
      %convert_element_type3A_509 = arith.extui %eq3A_508 : i1 to i32
      %cond3A_510 = arith.constant 0 : i32
      %cond3A_511 = arith.cmpi ne, %convert_element_type3A_509, %cond3A_510 : i32
      scf.if %cond3A_511 {
        %jit3A_913 = arith.constant 25 : i32
        %div3A_914 = arith.divsi %add3A_490, %jit3A_913 : i32
        %sign3A_915 = arith.constant 0 : i32
        %sign3A_916 = arith.cmpi sgt, %add3A_490, %sign3A_915 : i32
        %sign3A_917 = arith.extui %sign3A_916 : i1 to i32
        %sign3A_918 = arith.constant 0 : i32
        %sign3A_919 = arith.cmpi slt, %add3A_490, %sign3A_918 : i32
        %sign3A_920 = arith.extui %sign3A_919 : i1 to i32
        %sign3A_921 = arith.subi %sign3A_917, %sign3A_920 : i32
        %sign3A_922 = arith.constant 0 : i32
        %sign3A_923 = arith.cmpi sgt, %jit3A_913, %sign3A_922 : i32
        %sign3A_924 = arith.extui %sign3A_923 : i1 to i32
        %sign3A_925 = arith.constant 0 : i32
        %sign3A_926 = arith.cmpi slt, %jit3A_913, %sign3A_925 : i32
        %sign3A_927 = arith.extui %sign3A_926 : i1 to i32
        %sign3A_928 = arith.subi %sign3A_924, %sign3A_927 : i32
        %ne3A_929 = arith.cmpi ne, %sign3A_921, %sign3A_928 : i32
        %rem3A_930 = arith.remsi %add3A_490, %jit3A_913 : i32
        %ne3A_931 = arith.constant 0 : i32
        %ne3A_932 = arith.cmpi ne, %rem3A_930, %ne3A_931 : i32
        %and3A_933 = arith.andi %ne3A_929, %ne3A_932 : i1
        %sub3A_934 = arith.constant 1 : i32
        %sub3A_935 = arith.subi %div3A_914, %sub3A_934 : i32
        %select_n3A_936 = arith.select %and3A_933, %sub3A_935, %div3A_914 : i32
        %jit3A_937 = arith.constant 25 : i32
        %div3A_938 = arith.divsi %add3A_490, %jit3A_937 : i32
        %sign3A_939 = arith.constant 0 : i32
        %sign3A_940 = arith.cmpi sgt, %add3A_490, %sign3A_939 : i32
        %sign3A_941 = arith.extui %sign3A_940 : i1 to i32
        %sign3A_942 = arith.constant 0 : i32
        %sign3A_943 = arith.cmpi slt, %add3A_490, %sign3A_942 : i32
        %sign3A_944 = arith.extui %sign3A_943 : i1 to i32
        %sign3A_945 = arith.subi %sign3A_941, %sign3A_944 : i32
        %sign3A_946 = arith.constant 0 : i32
        %sign3A_947 = arith.cmpi sgt, %jit3A_937, %sign3A_946 : i32
        %sign3A_948 = arith.extui %sign3A_947 : i1 to i32
        %sign3A_949 = arith.constant 0 : i32
        %sign3A_950 = arith.cmpi slt, %jit3A_937, %sign3A_949 : i32
        %sign3A_951 = arith.extui %sign3A_950 : i1 to i32
        %sign3A_952 = arith.subi %sign3A_948, %sign3A_951 : i32
        %ne3A_953 = arith.cmpi ne, %sign3A_945, %sign3A_952 : i32
        %rem3A_954 = arith.remsi %add3A_490, %jit3A_937 : i32
        %ne3A_955 = arith.constant 0 : i32
        %ne3A_956 = arith.cmpi ne, %rem3A_954, %ne3A_955 : i32
        %and3A_957 = arith.andi %ne3A_953, %ne3A_956 : i1
        %sub3A_958 = arith.constant 1 : i32
        %sub3A_959 = arith.subi %div3A_938, %sub3A_958 : i32
        %select_n3A_960 = arith.select %and3A_957, %sub3A_959, %div3A_938 : i32
        %jit3A_961 = arith.constant 2 : i32
        %eq3A_962 = arith.constant 0 : i32
        %eq3A_963 = arith.cmpi eq, %jit3A_961, %eq3A_962 : i32
        %jit3A_964 = arith.constant 1 : i32
        %select_n3A_965 = arith.select %eq3A_963, %jit3A_964, %jit3A_961 : i32
        %rem3A_966 = arith.remsi %select_n3A_960, %select_n3A_965 : i32
        %ne3A_967 = arith.constant 0 : i32
        %ne3A_968 = arith.cmpi ne, %rem3A_966, %ne3A_967 : i32
        %lt3A_969 = arith.constant 0 : i32
        %lt3A_970 = arith.cmpi slt, %rem3A_966, %lt3A_969 : i32
        %lt3A_971 = arith.constant 0 : i32
        %lt3A_972 = arith.cmpi slt, %select_n3A_965, %lt3A_971 : i32
        %ne3A_973 = arith.xori %lt3A_970, %lt3A_972 : i1
        %and3A_974 = arith.andi %ne3A_973, %ne3A_968 : i1
        %add3A_975 = arith.addi %rem3A_966, %select_n3A_965 : i32
        %select_n3A_976 = arith.select %and3A_974, %add3A_975, %rem3A_966 : i32
        %mul3A_977 = arith.constant 25 : i32
        %mul3A_978 = arith.muli %select_n3A_936, %mul3A_977 : i32
        %add3A_979 = arith.addi %add3A_10, %mul3A_978 : i32
        %mul3A_980 = arith.constant 80 : i32
        %mul3A_981 = arith.muli %add3A_979, %mul3A_980 : i32
        %mul3A_982 = arith.constant 25 : i32
        %mul3A_983 = arith.muli %select_n3A_976, %mul3A_982 : i32
        %mul3A_984 = arith.constant 80 : i32
        %mul3A_985 = arith.muli %mul3A_983, %mul3A_984 : i32
        "tpu.region"() ({
          %run_scoped3A_992 = tpu.sem_alloc : memref<!tpu.dma_semaphore, #tpu.memory_space<semaphore_mem>>
          %dma_start3A_993 = tpu.memref_slice %arg8[%mul3A_985] : memref<4000xi32, #tpu.memory_space<vmem>> -> memref<2000xi32, #tpu.memory_space<vmem>>
          %dma_start3A_994 = tpu.memref_slice %arg3[%mul3A_981] : memref<320000xi32, #tpu.memory_space<hbm>> -> memref<2000xi32, #tpu.memory_space<hbm>>
          %dma_start3A_995 = tpu.memref_slice %arg8[%mul3A_985] : memref<4000xi32, #tpu.memory_space<vmem>> -> memref<2000xi32, #tpu.memory_space<vmem>>
          %dma_start3A_996 = tpu.memref_slice %arg3[%mul3A_981] : memref<320000xi32, #tpu.memory_space<hbm>> -> memref<2000xi32, #tpu.memory_space<hbm>>
          tpu.enqueue_dma source(%dma_start3A_996 : memref<2000xi32, #tpu.memory_space<hbm>>) target(%dma_start3A_995 : memref<2000xi32, #tpu.memory_space<vmem>>) target_semaphore(%run_scoped3A_992 : memref<!tpu.dma_semaphore, #tpu.memory_space<semaphore_mem>>)
          %dma_wait3A_997 = tpu.memref_slice %arg8[%mul3A_985] : memref<4000xi32, #tpu.memory_space<vmem>> -> memref<2000xi32, #tpu.memory_space<vmem>>
          %dma_wait3A_998 = tpu.memref_slice %arg3[%mul3A_981] : memref<320000xi32, #tpu.memory_space<hbm>> -> memref<2000xi32, #tpu.memory_space<hbm>>
          %dma_wait3A_999 = tpu.memref_slice %arg8[%mul3A_985] : memref<4000xi32, #tpu.memory_space<vmem>> -> memref<2000xi32, #tpu.memory_space<vmem>>
          %dma_wait3A_1000 = tpu.memref_slice %arg3[%mul3A_981] : memref<320000xi32, #tpu.memory_space<hbm>> -> memref<2000xi32, #tpu.memory_space<hbm>>
          tpu.wait_dma2 semaphore(%run_scoped3A_992 : memref<!tpu.dma_semaphore, #tpu.memory_space<semaphore_mem>>) src(%dma_wait3A_1000 : memref<2000xi32, #tpu.memory_space<hbm>>) dst(%dma_wait3A_999 : memref<2000xi32, #tpu.memory_space<vmem>>)
          tpu.yield
        }) : () -> ()
        "tpu.region"() ({
          %run_scoped3A_992 = tpu.sem_alloc : memref<!tpu.dma_semaphore, #tpu.memory_space<semaphore_mem>>
          %dma_start3A_993 = arith.constant 0 : i32
          %dma_start3A_994 = arith.constant 0 : i32
          %dma_start3A_995 = arith.constant 0 : i32
          %dma_start3A_996 = tpu.memref_slice %arg9[%select_n3A_976, %dma_start3A_993, %dma_start3A_994, %dma_start3A_995] : memref<2x25x1x80xi32, #tpu.memory_space<vmem>> -> memref<1x25x1x80xi32, #tpu.memory_space<vmem>>
          %dma_start3A_997 = tpu.memref_squeeze %dma_start3A_996 : memref<1x25x1x80xi32, #tpu.memory_space<vmem>> -> memref<25x1x80xi32, #tpu.memory_space<vmem>>
          %dma_start3A_998 = arith.constant 0 : i32
          %dma_start3A_999 = arith.constant 0 : i32
          %dma_start3A_1000 = tpu.memref_slice %arg4[%add3A_979, %dma_start3A_998, %dma_start3A_999] : memref<4000x1x80xi32, #tpu.memory_space<hbm>> -> memref<25x1x80xi32, #tpu.memory_space<hbm>>
          %dma_start3A_1001 = arith.constant 0 : i32
          %dma_start3A_1002 = arith.constant 0 : i32
          %dma_start3A_1003 = arith.constant 0 : i32
          %dma_start3A_1004 = tpu.memref_slice %arg9[%select_n3A_976, %dma_start3A_1001, %dma_start3A_1002, %dma_start3A_1003] : memref<2x25x1x80xi32, #tpu.memory_space<vmem>> -> memref<1x25x1x80xi32, #tpu.memory_space<vmem>>
          %dma_start3A_1005 = tpu.memref_squeeze %dma_start3A_1004 : memref<1x25x1x80xi32, #tpu.memory_space<vmem>> -> memref<25x1x80xi32, #tpu.memory_space<vmem>>
          %dma_start3A_1006 = arith.constant 0 : i32
          %dma_start3A_1007 = arith.constant 0 : i32
          %dma_start3A_1008 = tpu.memref_slice %arg4[%add3A_979, %dma_start3A_1006, %dma_start3A_1007] : memref<4000x1x80xi32, #tpu.memory_space<hbm>> -> memref<25x1x80xi32, #tpu.memory_space<hbm>>
          tpu.enqueue_dma source(%dma_start3A_1008 : memref<25x1x80xi32, #tpu.memory_space<hbm>>) target(%dma_start3A_1005 : memref<25x1x80xi32, #tpu.memory_space<vmem>>) target_semaphore(%run_scoped3A_992 : memref<!tpu.dma_semaphore, #tpu.memory_space<semaphore_mem>>)
          %dma_wait3A_1009 = arith.constant 0 : i32
          %dma_wait3A_1010 = arith.constant 0 : i32
          %dma_wait3A_1011 = arith.constant 0 : i32
          %dma_wait3A_1012 = tpu.memref_slice %arg9[%select_n3A_976, %dma_wait3A_1009, %dma_wait3A_1010, %dma_wait3A_1011] : memref<2x25x1x80xi32, #tpu.memory_space<vmem>> -> memref<1x25x1x80xi32, #tpu.memory_space<vmem>>
          %dma_wait3A_1013 = tpu.memref_squeeze %dma_wait3A_1012 : memref<1x25x1x80xi32, #tpu.memory_space<vmem>> -> memref<25x1x80xi32, #tpu.memory_space<vmem>>
          %dma_wait3A_1014 = arith.constant 0 : i32
          %dma_wait3A_1015 = arith.constant 0 : i32
          %dma_wait3A_1016 = tpu.memref_slice %arg4[%add3A_979, %dma_wait3A_1014, %dma_wait3A_1015] : memref<4000x1x80xi32, #tpu.memory_space<hbm>> -> memref<25x1x80xi32, #tpu.memory_space<hbm>>
          %dma_wait3A_1017 = arith.constant 0 : i32
          %dma_wait3A_1018 = arith.constant 0 : i32
          %dma_wait3A_1019 = arith.constant 0 : i32
          %dma_wait3A_1020 = tpu.memref_slice %arg9[%select_n3A_976, %dma_wait3A_1017, %dma_wait3A_1018, %dma_wait3A_1019] : memref<2x25x1x80xi32, #tpu.memory_space<vmem>> -> memref<1x25x1x80xi32, #tpu.memory_space<vmem>>
          %dma_wait3A_1021 = tpu.memref_squeeze %dma_wait3A_1020 : memref<1x25x1x80xi32, #tpu.memory_space<vmem>> -> memref<25x1x80xi32, #tpu.memory_space<vmem>>
          %dma_wait3A_1022 = arith.constant 0 : i32
          %dma_wait3A_1023 = arith.constant 0 : i32
          %dma_wait3A_1024 = tpu.memref_slice %arg4[%add3A_979, %dma_wait3A_1022, %dma_wait3A_1023] : memref<4000x1x80xi32, #tpu.memory_space<hbm>> -> memref<25x1x80xi32, #tpu.memory_space<hbm>>
          tpu.wait_dma2 semaphore(%run_scoped3A_992 : memref<!tpu.dma_semaphore, #tpu.memory_space<semaphore_mem>>) src(%dma_wait3A_1024 : memref<25x1x80xi32, #tpu.memory_space<hbm>>) dst(%dma_wait3A_1021 : memref<25x1x80xi32, #tpu.memory_space<vmem>>)
          tpu.yield
        }) : () -> ()
        %mul3A_986 = arith.constant 80 : i32
        %mul3A_987 = arith.muli %add3A_979, %mul3A_986 : i32
        %mul3A_988 = arith.constant 25 : i32
        %mul3A_989 = arith.muli %select_n3A_976, %mul3A_988 : i32
        %mul3A_990 = arith.constant 80 : i32
        %mul3A_991 = arith.muli %mul3A_989, %mul3A_990 : i32
        "tpu.region"() ({
          %run_scoped3A_992 = tpu.sem_alloc : memref<!tpu.dma_semaphore, #tpu.memory_space<semaphore_mem>>
          %dma_start3A_993 = tpu.memref_slice %arg10[%mul3A_991] : memref<4000xf32, #tpu.memory_space<vmem>> -> memref<2000xf32, #tpu.memory_space<vmem>>
          %dma_start3A_994 = tpu.memref_slice %arg5[%mul3A_987] : memref<320000xf32, #tpu.memory_space<hbm>> -> memref<2000xf32, #tpu.memory_space<hbm>>
          %dma_start3A_995 = tpu.memref_slice %arg10[%mul3A_991] : memref<4000xf32, #tpu.memory_space<vmem>> -> memref<2000xf32, #tpu.memory_space<vmem>>
          %dma_start3A_996 = tpu.memref_slice %arg5[%mul3A_987] : memref<320000xf32, #tpu.memory_space<hbm>> -> memref<2000xf32, #tpu.memory_space<hbm>>
          tpu.enqueue_dma source(%dma_start3A_996 : memref<2000xf32, #tpu.memory_space<hbm>>) target(%dma_start3A_995 : memref<2000xf32, #tpu.memory_space<vmem>>) target_semaphore(%run_scoped3A_992 : memref<!tpu.dma_semaphore, #tpu.memory_space<semaphore_mem>>)
          %dma_wait3A_997 = tpu.memref_slice %arg10[%mul3A_991] : memref<4000xf32, #tpu.memory_space<vmem>> -> memref<2000xf32, #tpu.memory_space<vmem>>
          %dma_wait3A_998 = tpu.memref_slice %arg5[%mul3A_987] : memref<320000xf32, #tpu.memory_space<hbm>> -> memref<2000xf32, #tpu.memory_space<hbm>>
          %dma_wait3A_999 = tpu.memref_slice %arg10[%mul3A_991] : memref<4000xf32, #tpu.memory_space<vmem>> -> memref<2000xf32, #tpu.memory_space<vmem>>
          %dma_wait3A_1000 = tpu.memref_slice %arg5[%mul3A_987] : memref<320000xf32, #tpu.memory_space<hbm>> -> memref<2000xf32, #tpu.memory_space<hbm>>
          tpu.wait_dma2 semaphore(%run_scoped3A_992 : memref<!tpu.dma_semaphore, #tpu.memory_space<semaphore_mem>>) src(%dma_wait3A_1000 : memref<2000xf32, #tpu.memory_space<hbm>>) dst(%dma_wait3A_999 : memref<2000xf32, #tpu.memory_space<vmem>>)
          tpu.yield
        }) : () -> ()
      } else {
      }
      %jit3A_512 = arith.constant 25 : i32
      %div3A_513 = arith.divsi %add3A_490, %jit3A_512 : i32
      %sign3A_514 = arith.constant 0 : i32
      %sign3A_515 = arith.cmpi sgt, %add3A_490, %sign3A_514 : i32
      %sign3A_516 = arith.extui %sign3A_515 : i1 to i32
      %sign3A_517 = arith.constant 0 : i32
      %sign3A_518 = arith.cmpi slt, %add3A_490, %sign3A_517 : i32
      %sign3A_519 = arith.extui %sign3A_518 : i1 to i32
      %sign3A_520 = arith.subi %sign3A_516, %sign3A_519 : i32
      %sign3A_521 = arith.constant 0 : i32
      %sign3A_522 = arith.cmpi sgt, %jit3A_512, %sign3A_521 : i32
      %sign3A_523 = arith.extui %sign3A_522 : i1 to i32
      %sign3A_524 = arith.constant 0 : i32
      %sign3A_525 = arith.cmpi slt, %jit3A_512, %sign3A_524 : i32
      %sign3A_526 = arith.extui %sign3A_525 : i1 to i32
      %sign3A_527 = arith.subi %sign3A_523, %sign3A_526 : i32
      %ne3A_528 = arith.cmpi ne, %sign3A_520, %sign3A_527 : i32
      %rem3A_529 = arith.remsi %add3A_490, %jit3A_512 : i32
      %ne3A_530 = arith.constant 0 : i32
      %ne3A_531 = arith.cmpi ne, %rem3A_529, %ne3A_530 : i32
      %and3A_532 = arith.andi %ne3A_528, %ne3A_531 : i1
      %sub3A_533 = arith.constant 1 : i32
      %sub3A_534 = arith.subi %div3A_513, %sub3A_533 : i32
      %select_n3A_535 = arith.select %and3A_532, %sub3A_534, %div3A_513 : i32
      %jit3A_536 = arith.constant 2 : i32
      %eq3A_537 = arith.constant 0 : i32
      %eq3A_538 = arith.cmpi eq, %jit3A_536, %eq3A_537 : i32
      %jit3A_539 = arith.constant 1 : i32
      %select_n3A_540 = arith.select %eq3A_538, %jit3A_539, %jit3A_536 : i32
      %rem3A_541 = arith.remsi %select_n3A_535, %select_n3A_540 : i32
      %ne3A_542 = arith.constant 0 : i32
      %ne3A_543 = arith.cmpi ne, %rem3A_541, %ne3A_542 : i32
      %lt3A_544 = arith.constant 0 : i32
      %lt3A_545 = arith.cmpi slt, %rem3A_541, %lt3A_544 : i32
      %lt3A_546 = arith.constant 0 : i32
      %lt3A_547 = arith.cmpi slt, %select_n3A_540, %lt3A_546 : i32
      %ne3A_548 = arith.xori %lt3A_545, %lt3A_547 : i1
      %and3A_549 = arith.andi %ne3A_548, %ne3A_543 : i1
      %add3A_550 = arith.addi %rem3A_541, %select_n3A_540 : i32
      %select_n3A_551 = arith.select %and3A_549, %add3A_550, %rem3A_541 : i32
      %mul3A_552 = arith.constant 2000 : i32
      %mul3A_553 = arith.muli %select_n3A_551, %mul3A_552 : i32
      %jit3A_554 = arith.constant 25 : i32
      %eq3A_555 = arith.constant 0 : i32
      %eq3A_556 = arith.cmpi eq, %jit3A_554, %eq3A_555 : i32
      %jit3A_557 = arith.constant 1 : i32
      %select_n3A_558 = arith.select %eq3A_556, %jit3A_557, %jit3A_554 : i32
      %rem3A_559 = arith.remsi %add3A_490, %select_n3A_558 : i32
      %ne3A_560 = arith.constant 0 : i32
      %ne3A_561 = arith.cmpi ne, %rem3A_559, %ne3A_560 : i32
      %lt3A_562 = arith.constant 0 : i32
      %lt3A_563 = arith.cmpi slt, %rem3A_559, %lt3A_562 : i32
      %lt3A_564 = arith.constant 0 : i32
      %lt3A_565 = arith.cmpi slt, %select_n3A_558, %lt3A_564 : i32
      %ne3A_566 = arith.xori %lt3A_563, %lt3A_565 : i1
      %and3A_567 = arith.andi %ne3A_566, %ne3A_561 : i1
      %add3A_568 = arith.addi %rem3A_559, %select_n3A_558 : i32
      %select_n3A_569 = arith.select %and3A_567, %add3A_568, %rem3A_559 : i32
      %mul3A_570 = arith.constant 80 : i32
      %mul3A_571 = arith.muli %select_n3A_569, %mul3A_570 : i32
      %add3A_572 = arith.addi %mul3A_553, %mul3A_571 : i32
      %add3A_573 = arith.constant 0 : i32
      %add3A_574 = arith.addi %add3A_572, %add3A_573 : i32
      %dma_start3A_575 = arith.constant 0 : i32
      %dma_start3A_576 = arith.constant 0 : i32
      %dma_start3A_577 = tpu.memref_slice %arg11[%dma_start3A_575, %dma_start3A_576] : memref<80x128xf32, #tpu.memory_space<vmem>> -> memref<40x128xf32, #tpu.memory_space<vmem>>
      %dma_start3A_578 = tpu.memref_slice %arg8[%add3A_574] : memref<4000xi32, #tpu.memory_space<vmem>> -> memref<40xi32, #tpu.memory_space<vmem>>
      %dma_start3A_579 = arith.constant 0 : i32
      %dma_start3A_580 = arith.constant 0 : i32
      %dma_start3A_581 = tpu.memref_slice %arg2[%dma_start3A_579, %dma_start3A_580] : memref<10000x128xf32, #tpu.memory_space<hbm>> -> memref<10000x128xf32, #tpu.memory_space<hbm>>
      tpu.enqueue_indirect_dma source(%dma_start3A_581 : memref<10000x128xf32, #tpu.memory_space<hbm>>) target(%dma_start3A_577 : memref<40x128xf32, #tpu.memory_space<vmem>>) offsets(%dma_start3A_578 : memref<40xi32, #tpu.memory_space<vmem>>) semaphore(%arg15 : memref<!tpu.dma_semaphore, #tpu.memory_space<semaphore_mem>>)
      %add3A_582 = arith.constant 40 : i32
      %add3A_583 = arith.addi %add3A_572, %add3A_582 : i32
      %dma_start3A_584 = arith.constant 40 : i32
      %dma_start3A_585 = arith.constant 0 : i32
      %dma_start3A_586 = tpu.memref_slice %arg11[%dma_start3A_584, %dma_start3A_585] : memref<80x128xf32, #tpu.memory_space<vmem>> -> memref<40x128xf32, #tpu.memory_space<vmem>>
      %dma_start3A_587 = tpu.memref_slice %arg8[%add3A_583] : memref<4000xi32, #tpu.memory_space<vmem>> -> memref<40xi32, #tpu.memory_space<vmem>>
      %dma_start3A_588 = arith.constant 0 : i32
      %dma_start3A_589 = arith.constant 0 : i32
      %dma_start3A_590 = tpu.memref_slice %arg2[%dma_start3A_588, %dma_start3A_589] : memref<10000x128xf32, #tpu.memory_space<hbm>> -> memref<10000x128xf32, #tpu.memory_space<hbm>>
      tpu.enqueue_indirect_dma source(%dma_start3A_590 : memref<10000x128xf32, #tpu.memory_space<hbm>>) target(%dma_start3A_586 : memref<40x128xf32, #tpu.memory_space<vmem>>) offsets(%dma_start3A_587 : memref<40xi32, #tpu.memory_space<vmem>>) semaphore(%arg15 : memref<!tpu.dma_semaphore, #tpu.memory_space<semaphore_mem>>)
      %jit3A_591 = arith.constant 25 : i32
      %div3A_592 = arith.divsi %add3A_396, %jit3A_591 : i32
      %sign3A_593 = arith.constant 0 : i32
      %sign3A_594 = arith.cmpi sgt, %add3A_396, %sign3A_593 : i32
      %sign3A_595 = arith.extui %sign3A_594 : i1 to i32
      %sign3A_596 = arith.constant 0 : i32
      %sign3A_597 = arith.cmpi slt, %add3A_396, %sign3A_596 : i32
      %sign3A_598 = arith.extui %sign3A_597 : i1 to i32
      %sign3A_599 = arith.subi %sign3A_595, %sign3A_598 : i32
      %sign3A_600 = arith.constant 0 : i32
      %sign3A_601 = arith.cmpi sgt, %jit3A_591, %sign3A_600 : i32
      %sign3A_602 = arith.extui %sign3A_601 : i1 to i32
      %sign3A_603 = arith.constant 0 : i32
      %sign3A_604 = arith.cmpi slt, %jit3A_591, %sign3A_603 : i32
      %sign3A_605 = arith.extui %sign3A_604 : i1 to i32
      %sign3A_606 = arith.subi %sign3A_602, %sign3A_605 : i32
      %ne3A_607 = arith.cmpi ne, %sign3A_599, %sign3A_606 : i32
      %rem3A_608 = arith.remsi %add3A_396, %jit3A_591 : i32
      %ne3A_609 = arith.constant 0 : i32
      %ne3A_610 = arith.cmpi ne, %rem3A_608, %ne3A_609 : i32
      %and3A_611 = arith.andi %ne3A_607, %ne3A_610 : i1
      %sub3A_612 = arith.constant 1 : i32
      %sub3A_613 = arith.subi %div3A_592, %sub3A_612 : i32
      %select_n3A_614 = arith.select %and3A_611, %sub3A_613, %div3A_592 : i32
      %jit3A_615 = arith.constant 2 : i32
      %eq3A_616 = arith.constant 0 : i32
      %eq3A_617 = arith.cmpi eq, %jit3A_615, %eq3A_616 : i32
      %jit3A_618 = arith.constant 1 : i32
      %select_n3A_619 = arith.select %eq3A_617, %jit3A_618, %jit3A_615 : i32
      %rem3A_620 = arith.remsi %select_n3A_614, %select_n3A_619 : i32
      %ne3A_621 = arith.constant 0 : i32
      %ne3A_622 = arith.cmpi ne, %rem3A_620, %ne3A_621 : i32
      %lt3A_623 = arith.constant 0 : i32
      %lt3A_624 = arith.cmpi slt, %rem3A_620, %lt3A_623 : i32
      %lt3A_625 = arith.constant 0 : i32
      %lt3A_626 = arith.cmpi slt, %select_n3A_619, %lt3A_625 : i32
      %ne3A_627 = arith.xori %lt3A_624, %lt3A_626 : i1
      %and3A_628 = arith.andi %ne3A_627, %ne3A_622 : i1
      %add3A_629 = arith.addi %rem3A_620, %select_n3A_619 : i32
      %select_n3A_630 = arith.select %and3A_628, %add3A_629, %rem3A_620 : i32
      %jit3A_631 = arith.constant 25 : i32
      %eq3A_632 = arith.constant 0 : i32
      %eq3A_633 = arith.cmpi eq, %jit3A_631, %eq3A_632 : i32
      %jit3A_634 = arith.constant 1 : i32
      %select_n3A_635 = arith.select %eq3A_633, %jit3A_634, %jit3A_631 : i32
      %rem3A_636 = arith.remsi %add3A_396, %select_n3A_635 : i32
      %ne3A_637 = arith.constant 0 : i32
      %ne3A_638 = arith.cmpi ne, %rem3A_636, %ne3A_637 : i32
      %lt3A_639 = arith.constant 0 : i32
      %lt3A_640 = arith.cmpi slt, %rem3A_636, %lt3A_639 : i32
      %lt3A_641 = arith.constant 0 : i32
      %lt3A_642 = arith.cmpi slt, %select_n3A_635, %lt3A_641 : i32
      %ne3A_643 = arith.xori %lt3A_640, %lt3A_642 : i1
      %and3A_644 = arith.andi %ne3A_643, %ne3A_638 : i1
      %add3A_645 = arith.addi %rem3A_636, %select_n3A_635 : i32
      %select_n3A_646 = arith.select %and3A_644, %add3A_645, %rem3A_636 : i32
      %dma_start3A_647 = arith.constant 0 : i32
      %dma_start3A_648 = arith.constant 0 : i32
      %dma_start3A_649 = tpu.memref_slice %arg9[%select_n3A_630, %select_n3A_646, %dma_start3A_647, %dma_start3A_648] : memref<2x25x1x80xi32, #tpu.memory_space<vmem>> -> memref<1x1x1x80xi32, #tpu.memory_space<vmem>>
      %dma_start3A_650 = tpu.memref_squeeze %dma_start3A_649 : memref<1x1x1x80xi32, #tpu.memory_space<vmem>> -> memref<80xi32, #tpu.memory_space<vmem>>
      %dma_start3A_651 = arith.constant 0 : i32
      %dma_start3A_652 = arith.constant 0 : i32
      %dma_start3A_653 = tpu.memref_slice %arg14[%dma_start3A_651, %dma_start3A_652] : memref<10000x128xf32, #tpu.memory_space<vmem_shared>> -> memref<10000x128xf32, #tpu.memory_space<vmem_shared>>
      tpu.enqueue_indirect_dma source(%arg12 : memref<80x128xf32, #tpu.memory_space<vmem>>) target(%dma_start3A_653 : memref<10000x128xf32, #tpu.memory_space<vmem_shared>>) offsets(%dma_start3A_650 : memref<80xi32, #tpu.memory_space<vmem>>) semaphore(%arg19 : memref<!tpu.dma_semaphore, #tpu.memory_space<semaphore_mem>>) {add = true}
      %add3A_654 = arith.constant 2 : i32
      %add3A_655 = arith.addi %mul3A_149, %add3A_654 : i32
      %dma_wait3A_656 = arith.constant 0 : i32
      %dma_wait3A_657 = arith.constant 0 : i32
      %dma_wait3A_658 = tpu.memref_slice %arg13[%dma_wait3A_656, %dma_wait3A_657] : memref<80x128xf32, #tpu.memory_space<vmem>> -> memref<40x128xf32, #tpu.memory_space<vmem>>
      %dma_wait3A_659 = arith.constant 0 : i32
      %dma_wait3A_660 = tpu.memref_slice %arg8[%dma_wait3A_659] : memref<4000xi32, #tpu.memory_space<vmem>> -> memref<40xi32, #tpu.memory_space<vmem>>
      %dma_wait3A_661 = arith.constant 0 : i32
      %dma_wait3A_662 = arith.constant 0 : i32
      %dma_wait3A_663 = tpu.memref_slice %arg2[%dma_wait3A_661, %dma_wait3A_662] : memref<10000x128xf32, #tpu.memory_space<hbm>> -> memref<10000x128xf32, #tpu.memory_space<hbm>>
      tpu.wait_indirect_dma semaphore(%arg17 : memref<!tpu.dma_semaphore, #tpu.memory_space<semaphore_mem>>) src(%dma_wait3A_663 : memref<10000x128xf32, #tpu.memory_space<hbm>>) dst(%dma_wait3A_658 : memref<40x128xf32, #tpu.memory_space<vmem>>)
      %dma_wait3A_664 = arith.constant 40 : i32
      %dma_wait3A_665 = arith.constant 0 : i32
      %dma_wait3A_666 = tpu.memref_slice %arg13[%dma_wait3A_664, %dma_wait3A_665] : memref<80x128xf32, #tpu.memory_space<vmem>> -> memref<40x128xf32, #tpu.memory_space<vmem>>
      %dma_wait3A_667 = arith.constant 0 : i32
      %dma_wait3A_668 = tpu.memref_slice %arg8[%dma_wait3A_667] : memref<4000xi32, #tpu.memory_space<vmem>> -> memref<40xi32, #tpu.memory_space<vmem>>
      %dma_wait3A_669 = arith.constant 0 : i32
      %dma_wait3A_670 = arith.constant 0 : i32
      %dma_wait3A_671 = tpu.memref_slice %arg2[%dma_wait3A_669, %dma_wait3A_670] : memref<10000x128xf32, #tpu.memory_space<hbm>> -> memref<10000x128xf32, #tpu.memory_space<hbm>>
      tpu.wait_indirect_dma semaphore(%arg17 : memref<!tpu.dma_semaphore, #tpu.memory_space<semaphore_mem>>) src(%dma_wait3A_671 : memref<10000x128xf32, #tpu.memory_space<hbm>>) dst(%dma_wait3A_666 : memref<40x128xf32, #tpu.memory_space<vmem>>)
      %jit3A_672 = arith.constant 25 : i32
      %div3A_673 = arith.divsi %add3A_655, %jit3A_672 : i32
      %sign3A_674 = arith.constant 0 : i32
      %sign3A_675 = arith.cmpi sgt, %add3A_655, %sign3A_674 : i32
      %sign3A_676 = arith.extui %sign3A_675 : i1 to i32
      %sign3A_677 = arith.constant 0 : i32
      %sign3A_678 = arith.cmpi slt, %add3A_655, %sign3A_677 : i32
      %sign3A_679 = arith.extui %sign3A_678 : i1 to i32
      %sign3A_680 = arith.subi %sign3A_676, %sign3A_679 : i32
      %sign3A_681 = arith.constant 0 : i32
      %sign3A_682 = arith.cmpi sgt, %jit3A_672, %sign3A_681 : i32
      %sign3A_683 = arith.extui %sign3A_682 : i1 to i32
      %sign3A_684 = arith.constant 0 : i32
      %sign3A_685 = arith.cmpi slt, %jit3A_672, %sign3A_684 : i32
      %sign3A_686 = arith.extui %sign3A_685 : i1 to i32
      %sign3A_687 = arith.subi %sign3A_683, %sign3A_686 : i32
      %ne3A_688 = arith.cmpi ne, %sign3A_680, %sign3A_687 : i32
      %rem3A_689 = arith.remsi %add3A_655, %jit3A_672 : i32
      %ne3A_690 = arith.constant 0 : i32
      %ne3A_691 = arith.cmpi ne, %rem3A_689, %ne3A_690 : i32
      %and3A_692 = arith.andi %ne3A_688, %ne3A_691 : i1
      %sub3A_693 = arith.constant 1 : i32
      %sub3A_694 = arith.subi %div3A_673, %sub3A_693 : i32
      %select_n3A_695 = arith.select %and3A_692, %sub3A_694, %div3A_673 : i32
      %jit3A_696 = arith.constant 2 : i32
      %eq3A_697 = arith.constant 0 : i32
      %eq3A_698 = arith.cmpi eq, %jit3A_696, %eq3A_697 : i32
      %jit3A_699 = arith.constant 1 : i32
      %select_n3A_700 = arith.select %eq3A_698, %jit3A_699, %jit3A_696 : i32
      %rem3A_701 = arith.remsi %select_n3A_695, %select_n3A_700 : i32
      %ne3A_702 = arith.constant 0 : i32
      %ne3A_703 = arith.cmpi ne, %rem3A_701, %ne3A_702 : i32
      %lt3A_704 = arith.constant 0 : i32
      %lt3A_705 = arith.cmpi slt, %rem3A_701, %lt3A_704 : i32
      %lt3A_706 = arith.constant 0 : i32
      %lt3A_707 = arith.cmpi slt, %select_n3A_700, %lt3A_706 : i32
      %ne3A_708 = arith.xori %lt3A_705, %lt3A_707 : i1
      %and3A_709 = arith.andi %ne3A_708, %ne3A_703 : i1
      %add3A_710 = arith.addi %rem3A_701, %select_n3A_700 : i32
      %select_n3A_711 = arith.select %and3A_709, %add3A_710, %rem3A_701 : i32
      %mul3A_712 = arith.constant 2000 : i32
      %mul3A_713 = arith.muli %select_n3A_711, %mul3A_712 : i32
      %jit3A_714 = arith.constant 25 : i32
      %eq3A_715 = arith.constant 0 : i32
      %eq3A_716 = arith.cmpi eq, %jit3A_714, %eq3A_715 : i32
      %jit3A_717 = arith.constant 1 : i32
      %select_n3A_718 = arith.select %eq3A_716, %jit3A_717, %jit3A_714 : i32
      %rem3A_719 = arith.remsi %add3A_655, %select_n3A_718 : i32
      %ne3A_720 = arith.constant 0 : i32
      %ne3A_721 = arith.cmpi ne, %rem3A_719, %ne3A_720 : i32
      %lt3A_722 = arith.constant 0 : i32
      %lt3A_723 = arith.cmpi slt, %rem3A_719, %lt3A_722 : i32
      %lt3A_724 = arith.constant 0 : i32
      %lt3A_725 = arith.cmpi slt, %select_n3A_718, %lt3A_724 : i32
      %ne3A_726 = arith.xori %lt3A_723, %lt3A_725 : i1
      %and3A_727 = arith.andi %ne3A_726, %ne3A_721 : i1
      %add3A_728 = arith.addi %rem3A_719, %select_n3A_718 : i32
      %select_n3A_729 = arith.select %and3A_727, %add3A_728, %rem3A_719 : i32
      %mul3A_730 = arith.constant 80 : i32
      %mul3A_731 = arith.muli %select_n3A_729, %mul3A_730 : i32
      %add3A_732 = arith.addi %mul3A_713, %mul3A_731 : i32
      %scan3A_733 = arith.constant 0 : i32
      %scan3A_734 = arith.constant 0 : i32
      %scan3A_735 = arith.constant 20 : i32
      %scan3A_736 = arith.addi %scan3A_734, %scan3A_735 : i32
      %scan3A_737 = arith.constant 1 : i32
      scf.for %scan3A_913 = %scan3A_734 to %scan3A_736 step %scan3A_737  : i32 {
        %mul3A_914 = arith.constant 4 : i32
        %mul3A_915 = arith.muli %scan3A_913, %mul3A_914 : i32
        %add3A_916 = arith.constant 0 : i32
        %add3A_917 = arith.addi %mul3A_915, %add3A_916 : i32
        %add3A_918 = arith.addi %add3A_732, %add3A_917 : i32
        %broadcast_in_dim3A = vector.broadcast %add3A_918 : i32 to vector<16xi32>
        %gather3A = tpu.vector_load_idx %arg10[%broadcast_in_dim3A] : memref<4000xf32, #tpu.memory_space<vmem>>[vector<16xi32>], vector<16xf32>,
        %get3A = arith.index_cast %add3A_917 : i32 to index
        %get3A_919 = arith.constant 0 : index
        %get3A_920 = tpu.vector_load %arg13[%get3A, %get3A_919] {strides = array<i32>} : memref<80x128xf32, #tpu.memory_space<vmem>>, vector<16xf32>,
        %mul3A_921 = arith.mulf %get3A_920, %gather3A : vector<16xf32>
        %swap3A = arith.index_cast %add3A_917 : i32 to index
        %swap3A_922 = arith.constant 0 : index
        %swap3A_923 = tpu.vector_load %arg13[%swap3A, %swap3A_922] {strides = array<i32>} : memref<80x128xf32, #tpu.memory_space<vmem>>, vector<16xf32>,
        tpu.vector_store %arg13[%swap3A, %swap3A_922], %mul3A_921 {strides = array<i32>} : memref<80x128xf32, #tpu.memory_space<vmem>>, vector<16xf32>,
        %get3A_924 = arith.index_cast %add3A_917 : i32 to index
        %get3A_925 = arith.constant 16 : index
        %get3A_926 = tpu.vector_load %arg13[%get3A_924, %get3A_925] {strides = array<i32>} : memref<80x128xf32, #tpu.memory_space<vmem>>, vector<16xf32>,
        %mul3A_927 = arith.mulf %get3A_926, %gather3A : vector<16xf32>
        %swap3A_928 = arith.index_cast %add3A_917 : i32 to index
        %swap3A_929 = arith.constant 16 : index
        %swap3A_930 = tpu.vector_load %arg13[%swap3A_928, %swap3A_929] {strides = array<i32>} : memref<80x128xf32, #tpu.memory_space<vmem>>, vector<16xf32>,
        tpu.vector_store %arg13[%swap3A_928, %swap3A_929], %mul3A_927 {strides = array<i32>} : memref<80x128xf32, #tpu.memory_space<vmem>>, vector<16xf32>,
        %get3A_931 = arith.index_cast %add3A_917 : i32 to index
        %get3A_932 = arith.constant 32 : index
        %get3A_933 = tpu.vector_load %arg13[%get3A_931, %get3A_932] {strides = array<i32>} : memref<80x128xf32, #tpu.memory_space<vmem>>, vector<16xf32>,
        %mul3A_934 = arith.mulf %get3A_933, %gather3A : vector<16xf32>
        %swap3A_935 = arith.index_cast %add3A_917 : i32 to index
        %swap3A_936 = arith.constant 32 : index
        %swap3A_937 = tpu.vector_load %arg13[%swap3A_935, %swap3A_936] {strides = array<i32>} : memref<80x128xf32, #tpu.memory_space<vmem>>, vector<16xf32>,
        tpu.vector_store %arg13[%swap3A_935, %swap3A_936], %mul3A_934 {strides = array<i32>} : memref<80x128xf32, #tpu.memory_space<vmem>>, vector<16xf32>,
        %get3A_938 = arith.index_cast %add3A_917 : i32 to index
        %get3A_939 = arith.constant 48 : index
        %get3A_940 = tpu.vector_load %arg13[%get3A_938, %get3A_939] {strides = array<i32>} : memref<80x128xf32, #tpu.memory_space<vmem>>, vector<16xf32>,
        %mul3A_941 = arith.mulf %get3A_940, %gather3A : vector<16xf32>
        %swap3A_942 = arith.index_cast %add3A_917 : i32 to index
        %swap3A_943 = arith.constant 48 : index
        %swap3A_944 = tpu.vector_load %arg13[%swap3A_942, %swap3A_943] {strides = array<i32>} : memref<80x128xf32, #tpu.memory_space<vmem>>, vector<16xf32>,
        tpu.vector_store %arg13[%swap3A_942, %swap3A_943], %mul3A_941 {strides = array<i32>} : memref<80x128xf32, #tpu.memory_space<vmem>>, vector<16xf32>,
        %get3A_945 = arith.index_cast %add3A_917 : i32 to index
        %get3A_946 = arith.constant 64 : index
        %get3A_947 = tpu.vector_load %arg13[%get3A_945, %get3A_946] {strides = array<i32>} : memref<80x128xf32, #tpu.memory_space<vmem>>, vector<16xf32>,
        %mul3A_948 = arith.mulf %get3A_947, %gather3A : vector<16xf32>
        %swap3A_949 = arith.index_cast %add3A_917 : i32 to index
        %swap3A_950 = arith.constant 64 : index
        %swap3A_951 = tpu.vector_load %arg13[%swap3A_949, %swap3A_950] {strides = array<i32>} : memref<80x128xf32, #tpu.memory_space<vmem>>, vector<16xf32>,
        tpu.vector_store %arg13[%swap3A_949, %swap3A_950], %mul3A_948 {strides = array<i32>} : memref<80x128xf32, #tpu.memory_space<vmem>>, vector<16xf32>,
        %get3A_952 = arith.index_cast %add3A_917 : i32 to index
        %get3A_953 = arith.constant 80 : index
        %get3A_954 = tpu.vector_load %arg13[%get3A_952, %get3A_953] {strides = array<i32>} : memref<80x128xf32, #tpu.memory_space<vmem>>, vector<16xf32>,
        %mul3A_955 = arith.mulf %get3A_954, %gather3A : vector<16xf32>
        %swap3A_956 = arith.index_cast %add3A_917 : i32 to index
        %swap3A_957 = arith.constant 80 : index
        %swap3A_958 = tpu.vector_load %arg13[%swap3A_956, %swap3A_957] {strides = array<i32>} : memref<80x128xf32, #tpu.memory_space<vmem>>, vector<16xf32>,
        tpu.vector_store %arg13[%swap3A_956, %swap3A_957], %mul3A_955 {strides = array<i32>} : memref<80x128xf32, #tpu.memory_space<vmem>>, vector<16xf32>,
        %get3A_959 = arith.index_cast %add3A_917 : i32 to index
        %get3A_960 = arith.constant 96 : index
        %get3A_961 = tpu.vector_load %arg13[%get3A_959, %get3A_960] {strides = array<i32>} : memref<80x128xf32, #tpu.memory_space<vmem>>, vector<16xf32>,
        %mul3A_962 = arith.mulf %get3A_961, %gather3A : vector<16xf32>
        %swap3A_963 = arith.index_cast %add3A_917 : i32 to index
        %swap3A_964 = arith.constant 96 : index
        %swap3A_965 = tpu.vector_load %arg13[%swap3A_963, %swap3A_964] {strides = array<i32>} : memref<80x128xf32, #tpu.memory_space<vmem>>, vector<16xf32>,
        tpu.vector_store %arg13[%swap3A_963, %swap3A_964], %mul3A_962 {strides = array<i32>} : memref<80x128xf32, #tpu.memory_space<vmem>>, vector<16xf32>,
        %get3A_966 = arith.index_cast %add3A_917 : i32 to index
        %get3A_967 = arith.constant 112 : index
        %get3A_968 = tpu.vector_load %arg13[%get3A_966, %get3A_967] {strides = array<i32>} : memref<80x128xf32, #tpu.memory_space<vmem>>, vector<16xf32>,
        %mul3A_969 = arith.mulf %get3A_968, %gather3A : vector<16xf32>
        %swap3A_970 = arith.index_cast %add3A_917 : i32 to index
        %swap3A_971 = arith.constant 112 : index
        %swap3A_972 = tpu.vector_load %arg13[%swap3A_970, %swap3A_971] {strides = array<i32>} : memref<80x128xf32, #tpu.memory_space<vmem>>, vector<16xf32>,
        tpu.vector_store %arg13[%swap3A_970, %swap3A_971], %mul3A_969 {strides = array<i32>} : memref<80x128xf32, #tpu.memory_space<vmem>>, vector<16xf32>,
        %mul3A_973 = arith.constant 4 : i32
        %mul3A_974 = arith.muli %scan3A_913, %mul3A_973 : i32
        %add3A_975 = arith.constant 1 : i32
        %add3A_976 = arith.addi %mul3A_974, %add3A_975 : i32
        %add3A_977 = arith.addi %add3A_732, %add3A_976 : i32
        %broadcast_in_dim3A_978 = vector.broadcast %add3A_977 : i32 to vector<16xi32>
        %gather3A_979 = tpu.vector_load_idx %arg10[%broadcast_in_dim3A_978] : memref<4000xf32, #tpu.memory_space<vmem>>[vector<16xi32>], vector<16xf32>,
        %get3A_980 = arith.index_cast %add3A_976 : i32 to index
        %get3A_981 = arith.constant 0 : index
        %get3A_982 = tpu.vector_load %arg13[%get3A_980, %get3A_981] {strides = array<i32>} : memref<80x128xf32, #tpu.memory_space<vmem>>, vector<16xf32>,
        %mul3A_983 = arith.mulf %get3A_982, %gather3A_979 : vector<16xf32>
        %swap3A_984 = arith.index_cast %add3A_976 : i32 to index
        %swap3A_985 = arith.constant 0 : index
        %swap3A_986 = tpu.vector_load %arg13[%swap3A_984, %swap3A_985] {strides = array<i32>} : memref<80x128xf32, #tpu.memory_space<vmem>>, vector<16xf32>,
        tpu.vector_store %arg13[%swap3A_984, %swap3A_985], %mul3A_983 {strides = array<i32>} : memref<80x128xf32, #tpu.memory_space<vmem>>, vector<16xf32>,
        %get3A_987 = arith.index_cast %add3A_976 : i32 to index
        %get3A_988 = arith.constant 16 : index
        %get3A_989 = tpu.vector_load %arg13[%get3A_987, %get3A_988] {strides = array<i32>} : memref<80x128xf32, #tpu.memory_space<vmem>>, vector<16xf32>,
        %mul3A_990 = arith.mulf %get3A_989, %gather3A_979 : vector<16xf32>
        %swap3A_991 = arith.index_cast %add3A_976 : i32 to index
        %swap3A_992 = arith.constant 16 : index
        %swap3A_993 = tpu.vector_load %arg13[%swap3A_991, %swap3A_992] {strides = array<i32>} : memref<80x128xf32, #tpu.memory_space<vmem>>, vector<16xf32>,
        tpu.vector_store %arg13[%swap3A_991, %swap3A_992], %mul3A_990 {strides = array<i32>} : memref<80x128xf32, #tpu.memory_space<vmem>>, vector<16xf32>,
        %get3A_994 = arith.index_cast %add3A_976 : i32 to index
        %get3A_995 = arith.constant 32 : index
        %get3A_996 = tpu.vector_load %arg13[%get3A_994, %get3A_995] {strides = array<i32>} : memref<80x128xf32, #tpu.memory_space<vmem>>, vector<16xf32>,
        %mul3A_997 = arith.mulf %get3A_996, %gather3A_979 : vector<16xf32>
        %swap3A_998 = arith.index_cast %add3A_976 : i32 to index
        %swap3A_999 = arith.constant 32 : index
        %swap3A_1000 = tpu.vector_load %arg13[%swap3A_998, %swap3A_999] {strides = array<i32>} : memref<80x128xf32, #tpu.memory_space<vmem>>, vector<16xf32>,
        tpu.vector_store %arg13[%swap3A_998, %swap3A_999], %mul3A_997 {strides = array<i32>} : memref<80x128xf32, #tpu.memory_space<vmem>>, vector<16xf32>,
        %get3A_1001 = arith.index_cast %add3A_976 : i32 to index
        %get3A_1002 = arith.constant 48 : index
        %get3A_1003 = tpu.vector_load %arg13[%get3A_1001, %get3A_1002] {strides = array<i32>} : memref<80x128xf32, #tpu.memory_space<vmem>>, vector<16xf32>,
        %mul3A_1004 = arith.mulf %get3A_1003, %gather3A_979 : vector<16xf32>
        %swap3A_1005 = arith.index_cast %add3A_976 : i32 to index
        %swap3A_1006 = arith.constant 48 : index
        %swap3A_1007 = tpu.vector_load %arg13[%swap3A_1005, %swap3A_1006] {strides = array<i32>} : memref<80x128xf32, #tpu.memory_space<vmem>>, vector<16xf32>,
        tpu.vector_store %arg13[%swap3A_1005, %swap3A_1006], %mul3A_1004 {strides = array<i32>} : memref<80x128xf32, #tpu.memory_space<vmem>>, vector<16xf32>,
        %get3A_1008 = arith.index_cast %add3A_976 : i32 to index
        %get3A_1009 = arith.constant 64 : index
        %get3A_1010 = tpu.vector_load %arg13[%get3A_1008, %get3A_1009] {strides = array<i32>} : memref<80x128xf32, #tpu.memory_space<vmem>>, vector<16xf32>,
        %mul3A_1011 = arith.mulf %get3A_1010, %gather3A_979 : vector<16xf32>
        %swap3A_1012 = arith.index_cast %add3A_976 : i32 to index
        %swap3A_1013 = arith.constant 64 : index
        %swap3A_1014 = tpu.vector_load %arg13[%swap3A_1012, %swap3A_1013] {strides = array<i32>} : memref<80x128xf32, #tpu.memory_space<vmem>>, vector<16xf32>,
        tpu.vector_store %arg13[%swap3A_1012, %swap3A_1013], %mul3A_1011 {strides = array<i32>} : memref<80x128xf32, #tpu.memory_space<vmem>>, vector<16xf32>,
        %get3A_1015 = arith.index_cast %add3A_976 : i32 to index
        %get3A_1016 = arith.constant 80 : index
        %get3A_1017 = tpu.vector_load %arg13[%get3A_1015, %get3A_1016] {strides = array<i32>} : memref<80x128xf32, #tpu.memory_space<vmem>>, vector<16xf32>,
        %mul3A_1018 = arith.mulf %get3A_1017, %gather3A_979 : vector<16xf32>
        %swap3A_1019 = arith.index_cast %add3A_976 : i32 to index
        %swap3A_1020 = arith.constant 80 : index
        %swap3A_1021 = tpu.vector_load %arg13[%swap3A_1019, %swap3A_1020] {strides = array<i32>} : memref<80x128xf32, #tpu.memory_space<vmem>>, vector<16xf32>,
        tpu.vector_store %arg13[%swap3A_1019, %swap3A_1020], %mul3A_1018 {strides = array<i32>} : memref<80x128xf32, #tpu.memory_space<vmem>>, vector<16xf32>,
        %get3A_1022 = arith.index_cast %add3A_976 : i32 to index
        %get3A_1023 = arith.constant 96 : index
        %get3A_1024 = tpu.vector_load %arg13[%get3A_1022, %get3A_1023] {strides = array<i32>} : memref<80x128xf32, #tpu.memory_space<vmem>>, vector<16xf32>,
        %mul3A_1025 = arith.mulf %get3A_1024, %gather3A_979 : vector<16xf32>
        %swap3A_1026 = arith.index_cast %add3A_976 : i32 to index
        %swap3A_1027 = arith.constant 96 : index
        %swap3A_1028 = tpu.vector_load %arg13[%swap3A_1026, %swap3A_1027] {strides = array<i32>} : memref<80x128xf32, #tpu.memory_space<vmem>>, vector<16xf32>,
        tpu.vector_store %arg13[%swap3A_1026, %swap3A_1027], %mul3A_1025 {strides = array<i32>} : memref<80x128xf32, #tpu.memory_space<vmem>>, vector<16xf32>,
        %get3A_1029 = arith.index_cast %add3A_976 : i32 to index
        %get3A_1030 = arith.constant 112 : index
        %get3A_1031 = tpu.vector_load %arg13[%get3A_1029, %get3A_1030] {strides = array<i32>} : memref<80x128xf32, #tpu.memory_space<vmem>>, vector<16xf32>,
        %mul3A_1032 = arith.mulf %get3A_1031, %gather3A_979 : vector<16xf32>
        %swap3A_1033 = arith.index_cast %add3A_976 : i32 to index
        %swap3A_1034 = arith.constant 112 : index
        %swap3A_1035 = tpu.vector_load %arg13[%swap3A_1033, %swap3A_1034] {strides = array<i32>} : memref<80x128xf32, #tpu.memory_space<vmem>>, vector<16xf32>,
        tpu.vector_store %arg13[%swap3A_1033, %swap3A_1034], %mul3A_1032 {strides = array<i32>} : memref<80x128xf32, #tpu.memory_space<vmem>>, vector<16xf32>,
        %mul3A_1036 = arith.constant 4 : i32
        %mul3A_1037 = arith.muli %scan3A_913, %mul3A_1036 : i32
        %add3A_1038 = arith.constant 2 : i32
        %add3A_1039 = arith.addi %mul3A_1037, %add3A_1038 : i32
        %add3A_1040 = arith.addi %add3A_732, %add3A_1039 : i32
        %broadcast_in_dim3A_1041 = vector.broadcast %add3A_1040 : i32 to vector<16xi32>
        %gather3A_1042 = tpu.vector_load_idx %arg10[%broadcast_in_dim3A_1041] : memref<4000xf32, #tpu.memory_space<vmem>>[vector<16xi32>], vector<16xf32>,
        %get3A_1043 = arith.index_cast %add3A_1039 : i32 to index
        %get3A_1044 = arith.constant 0 : index
        %get3A_1045 = tpu.vector_load %arg13[%get3A_1043, %get3A_1044] {strides = array<i32>} : memref<80x128xf32, #tpu.memory_space<vmem>>, vector<16xf32>,
        %mul3A_1046 = arith.mulf %get3A_1045, %gather3A_1042 : vector<16xf32>
        %swap3A_1047 = arith.index_cast %add3A_1039 : i32 to index
        %swap3A_1048 = arith.constant 0 : index
        %swap3A_1049 = tpu.vector_load %arg13[%swap3A_1047, %swap3A_1048] {strides = array<i32>} : memref<80x128xf32, #tpu.memory_space<vmem>>, vector<16xf32>,
        tpu.vector_store %arg13[%swap3A_1047, %swap3A_1048], %mul3A_1046 {strides = array<i32>} : memref<80x128xf32, #tpu.memory_space<vmem>>, vector<16xf32>,
        %get3A_1050 = arith.index_cast %add3A_1039 : i32 to index
        %get3A_1051 = arith.constant 16 : index
        %get3A_1052 = tpu.vector_load %arg13[%get3A_1050, %get3A_1051] {strides = array<i32>} : memref<80x128xf32, #tpu.memory_space<vmem>>, vector<16xf32>,
        %mul3A_1053 = arith.mulf %get3A_1052, %gather3A_1042 : vector<16xf32>
        %swap3A_1054 = arith.index_cast %add3A_1039 : i32 to index
        %swap3A_1055 = arith.constant 16 : index
        %swap3A_1056 = tpu.vector_load %arg13[%swap3A_1054, %swap3A_1055] {strides = array<i32>} : memref<80x128xf32, #tpu.memory_space<vmem>>, vector<16xf32>,
        tpu.vector_store %arg13[%swap3A_1054, %swap3A_1055], %mul3A_1053 {strides = array<i32>} : memref<80x128xf32, #tpu.memory_space<vmem>>, vector<16xf32>,
        %get3A_1057 = arith.index_cast %add3A_1039 : i32 to index
        %get3A_1058 = arith.constant 32 : index
        %get3A_1059 = tpu.vector_load %arg13[%get3A_1057, %get3A_1058] {strides = array<i32>} : memref<80x128xf32, #tpu.memory_space<vmem>>, vector<16xf32>,
        %mul3A_1060 = arith.mulf %get3A_1059, %gather3A_1042 : vector<16xf32>
        %swap3A_1061 = arith.index_cast %add3A_1039 : i32 to index
        %swap3A_1062 = arith.constant 32 : index
        %swap3A_1063 = tpu.vector_load %arg13[%swap3A_1061, %swap3A_1062] {strides = array<i32>} : memref<80x128xf32, #tpu.memory_space<vmem>>, vector<16xf32>,
        tpu.vector_store %arg13[%swap3A_1061, %swap3A_1062], %mul3A_1060 {strides = array<i32>} : memref<80x128xf32, #tpu.memory_space<vmem>>, vector<16xf32>,
        %get3A_1064 = arith.index_cast %add3A_1039 : i32 to index
        %get3A_1065 = arith.constant 48 : index
        %get3A_1066 = tpu.vector_load %arg13[%get3A_1064, %get3A_1065] {strides = array<i32>} : memref<80x128xf32, #tpu.memory_space<vmem>>, vector<16xf32>,
        %mul3A_1067 = arith.mulf %get3A_1066, %gather3A_1042 : vector<16xf32>
        %swap3A_1068 = arith.index_cast %add3A_1039 : i32 to index
        %swap3A_1069 = arith.constant 48 : index
        %swap3A_1070 = tpu.vector_load %arg13[%swap3A_1068, %swap3A_1069] {strides = array<i32>} : memref<80x128xf32, #tpu.memory_space<vmem>>, vector<16xf32>,
        tpu.vector_store %arg13[%swap3A_1068, %swap3A_1069], %mul3A_1067 {strides = array<i32>} : memref<80x128xf32, #tpu.memory_space<vmem>>, vector<16xf32>,
        %get3A_1071 = arith.index_cast %add3A_1039 : i32 to index
        %get3A_1072 = arith.constant 64 : index
        %get3A_1073 = tpu.vector_load %arg13[%get3A_1071, %get3A_1072] {strides = array<i32>} : memref<80x128xf32, #tpu.memory_space<vmem>>, vector<16xf32>,
        %mul3A_1074 = arith.mulf %get3A_1073, %gather3A_1042 : vector<16xf32>
        %swap3A_1075 = arith.index_cast %add3A_1039 : i32 to index
        %swap3A_1076 = arith.constant 64 : index
        %swap3A_1077 = tpu.vector_load %arg13[%swap3A_1075, %swap3A_1076] {strides = array<i32>} : memref<80x128xf32, #tpu.memory_space<vmem>>, vector<16xf32>,
        tpu.vector_store %arg13[%swap3A_1075, %swap3A_1076], %mul3A_1074 {strides = array<i32>} : memref<80x128xf32, #tpu.memory_space<vmem>>, vector<16xf32>,
        %get3A_1078 = arith.index_cast %add3A_1039 : i32 to index
        %get3A_1079 = arith.constant 80 : index
        %get3A_1080 = tpu.vector_load %arg13[%get3A_1078, %get3A_1079] {strides = array<i32>} : memref<80x128xf32, #tpu.memory_space<vmem>>, vector<16xf32>,
        %mul3A_1081 = arith.mulf %get3A_1080, %gather3A_1042 : vector<16xf32>
        %swap3A_1082 = arith.index_cast %add3A_1039 : i32 to index
        %swap3A_1083 = arith.constant 80 : index
        %swap3A_1084 = tpu.vector_load %arg13[%swap3A_1082, %swap3A_1083] {strides = array<i32>} : memref<80x128xf32, #tpu.memory_space<vmem>>, vector<16xf32>,
        tpu.vector_store %arg13[%swap3A_1082, %swap3A_1083], %mul3A_1081 {strides = array<i32>} : memref<80x128xf32, #tpu.memory_space<vmem>>, vector<16xf32>,
        %get3A_1085 = arith.index_cast %add3A_1039 : i32 to index
        %get3A_1086 = arith.constant 96 : index
        %get3A_1087 = tpu.vector_load %arg13[%get3A_1085, %get3A_1086] {strides = array<i32>} : memref<80x128xf32, #tpu.memory_space<vmem>>, vector<16xf32>,
        %mul3A_1088 = arith.mulf %get3A_1087, %gather3A_1042 : vector<16xf32>
        %swap3A_1089 = arith.index_cast %add3A_1039 : i32 to index
        %swap3A_1090 = arith.constant 96 : index
        %swap3A_1091 = tpu.vector_load %arg13[%swap3A_1089, %swap3A_1090] {strides = array<i32>} : memref<80x128xf32, #tpu.memory_space<vmem>>, vector<16xf32>,
        tpu.vector_store %arg13[%swap3A_1089, %swap3A_1090], %mul3A_1088 {strides = array<i32>} : memref<80x128xf32, #tpu.memory_space<vmem>>, vector<16xf32>,
        %get3A_1092 = arith.index_cast %add3A_1039 : i32 to index
        %get3A_1093 = arith.constant 112 : index
        %get3A_1094 = tpu.vector_load %arg13[%get3A_1092, %get3A_1093] {strides = array<i32>} : memref<80x128xf32, #tpu.memory_space<vmem>>, vector<16xf32>,
        %mul3A_1095 = arith.mulf %get3A_1094, %gather3A_1042 : vector<16xf32>
        %swap3A_1096 = arith.index_cast %add3A_1039 : i32 to index
        %swap3A_1097 = arith.constant 112 : index
        %swap3A_1098 = tpu.vector_load %arg13[%swap3A_1096, %swap3A_1097] {strides = array<i32>} : memref<80x128xf32, #tpu.memory_space<vmem>>, vector<16xf32>,
        tpu.vector_store %arg13[%swap3A_1096, %swap3A_1097], %mul3A_1095 {strides = array<i32>} : memref<80x128xf32, #tpu.memory_space<vmem>>, vector<16xf32>,
        %mul3A_1099 = arith.constant 4 : i32
        %mul3A_1100 = arith.muli %scan3A_913, %mul3A_1099 : i32
        %add3A_1101 = arith.constant 3 : i32
        %add3A_1102 = arith.addi %mul3A_1100, %add3A_1101 : i32
        %add3A_1103 = arith.addi %add3A_732, %add3A_1102 : i32
        %broadcast_in_dim3A_1104 = vector.broadcast %add3A_1103 : i32 to vector<16xi32>
        %gather3A_1105 = tpu.vector_load_idx %arg10[%broadcast_in_dim3A_1104] : memref<4000xf32, #tpu.memory_space<vmem>>[vector<16xi32>], vector<16xf32>,
        %get3A_1106 = arith.index_cast %add3A_1102 : i32 to index
        %get3A_1107 = arith.constant 0 : index
        %get3A_1108 = tpu.vector_load %arg13[%get3A_1106, %get3A_1107] {strides = array<i32>} : memref<80x128xf32, #tpu.memory_space<vmem>>, vector<16xf32>,
        %mul3A_1109 = arith.mulf %get3A_1108, %gather3A_1105 : vector<16xf32>
        %swap3A_1110 = arith.index_cast %add3A_1102 : i32 to index
        %swap3A_1111 = arith.constant 0 : index
        %swap3A_1112 = tpu.vector_load %arg13[%swap3A_1110, %swap3A_1111] {strides = array<i32>} : memref<80x128xf32, #tpu.memory_space<vmem>>, vector<16xf32>,
        tpu.vector_store %arg13[%swap3A_1110, %swap3A_1111], %mul3A_1109 {strides = array<i32>} : memref<80x128xf32, #tpu.memory_space<vmem>>, vector<16xf32>,
        %get3A_1113 = arith.index_cast %add3A_1102 : i32 to index
        %get3A_1114 = arith.constant 16 : index
        %get3A_1115 = tpu.vector_load %arg13[%get3A_1113, %get3A_1114] {strides = array<i32>} : memref<80x128xf32, #tpu.memory_space<vmem>>, vector<16xf32>,
        %mul3A_1116 = arith.mulf %get3A_1115, %gather3A_1105 : vector<16xf32>
        %swap3A_1117 = arith.index_cast %add3A_1102 : i32 to index
        %swap3A_1118 = arith.constant 16 : index
        %swap3A_1119 = tpu.vector_load %arg13[%swap3A_1117, %swap3A_1118] {strides = array<i32>} : memref<80x128xf32, #tpu.memory_space<vmem>>, vector<16xf32>,
        tpu.vector_store %arg13[%swap3A_1117, %swap3A_1118], %mul3A_1116 {strides = array<i32>} : memref<80x128xf32, #tpu.memory_space<vmem>>, vector<16xf32>,
        %get3A_1120 = arith.index_cast %add3A_1102 : i32 to index
        %get3A_1121 = arith.constant 32 : index
        %get3A_1122 = tpu.vector_load %arg13[%get3A_1120, %get3A_1121] {strides = array<i32>} : memref<80x128xf32, #tpu.memory_space<vmem>>, vector<16xf32>,
        %mul3A_1123 = arith.mulf %get3A_1122, %gather3A_1105 : vector<16xf32>
        %swap3A_1124 = arith.index_cast %add3A_1102 : i32 to index
        %swap3A_1125 = arith.constant 32 : index
        %swap3A_1126 = tpu.vector_load %arg13[%swap3A_1124, %swap3A_1125] {strides = array<i32>} : memref<80x128xf32, #tpu.memory_space<vmem>>, vector<16xf32>,
        tpu.vector_store %arg13[%swap3A_1124, %swap3A_1125], %mul3A_1123 {strides = array<i32>} : memref<80x128xf32, #tpu.memory_space<vmem>>, vector<16xf32>,
        %get3A_1127 = arith.index_cast %add3A_1102 : i32 to index
        %get3A_1128 = arith.constant 48 : index
        %get3A_1129 = tpu.vector_load %arg13[%get3A_1127, %get3A_1128] {strides = array<i32>} : memref<80x128xf32, #tpu.memory_space<vmem>>, vector<16xf32>,
        %mul3A_1130 = arith.mulf %get3A_1129, %gather3A_1105 : vector<16xf32>
        %swap3A_1131 = arith.index_cast %add3A_1102 : i32 to index
        %swap3A_1132 = arith.constant 48 : index
        %swap3A_1133 = tpu.vector_load %arg13[%swap3A_1131, %swap3A_1132] {strides = array<i32>} : memref<80x128xf32, #tpu.memory_space<vmem>>, vector<16xf32>,
        tpu.vector_store %arg13[%swap3A_1131, %swap3A_1132], %mul3A_1130 {strides = array<i32>} : memref<80x128xf32, #tpu.memory_space<vmem>>, vector<16xf32>,
        %get3A_1134 = arith.index_cast %add3A_1102 : i32 to index
        %get3A_1135 = arith.constant 64 : index
        %get3A_1136 = tpu.vector_load %arg13[%get3A_1134, %get3A_1135] {strides = array<i32>} : memref<80x128xf32, #tpu.memory_space<vmem>>, vector<16xf32>,
        %mul3A_1137 = arith.mulf %get3A_1136, %gather3A_1105 : vector<16xf32>
        %swap3A_1138 = arith.index_cast %add3A_1102 : i32 to index
        %swap3A_1139 = arith.constant 64 : index
        %swap3A_1140 = tpu.vector_load %arg13[%swap3A_1138, %swap3A_1139] {strides = array<i32>} : memref<80x128xf32, #tpu.memory_space<vmem>>, vector<16xf32>,
        tpu.vector_store %arg13[%swap3A_1138, %swap3A_1139], %mul3A_1137 {strides = array<i32>} : memref<80x128xf32, #tpu.memory_space<vmem>>, vector<16xf32>,
        %get3A_1141 = arith.index_cast %add3A_1102 : i32 to index
        %get3A_1142 = arith.constant 80 : index
        %get3A_1143 = tpu.vector_load %arg13[%get3A_1141, %get3A_1142] {strides = array<i32>} : memref<80x128xf32, #tpu.memory_space<vmem>>, vector<16xf32>,
        %mul3A_1144 = arith.mulf %get3A_1143, %gather3A_1105 : vector<16xf32>
        %swap3A_1145 = arith.index_cast %add3A_1102 : i32 to index
        %swap3A_1146 = arith.constant 80 : index
        %swap3A_1147 = tpu.vector_load %arg13[%swap3A_1145, %swap3A_1146] {strides = array<i32>} : memref<80x128xf32, #tpu.memory_space<vmem>>, vector<16xf32>,
        tpu.vector_store %arg13[%swap3A_1145, %swap3A_1146], %mul3A_1144 {strides = array<i32>} : memref<80x128xf32, #tpu.memory_space<vmem>>, vector<16xf32>,
        %get3A_1148 = arith.index_cast %add3A_1102 : i32 to index
        %get3A_1149 = arith.constant 96 : index
        %get3A_1150 = tpu.vector_load %arg13[%get3A_1148, %get3A_1149] {strides = array<i32>} : memref<80x128xf32, #tpu.memory_space<vmem>>, vector<16xf32>,
        %mul3A_1151 = arith.mulf %get3A_1150, %gather3A_1105 : vector<16xf32>
        %swap3A_1152 = arith.index_cast %add3A_1102 : i32 to index
        %swap3A_1153 = arith.constant 96 : index
        %swap3A_1154 = tpu.vector_load %arg13[%swap3A_1152, %swap3A_1153] {strides = array<i32>} : memref<80x128xf32, #tpu.memory_space<vmem>>, vector<16xf32>,
        tpu.vector_store %arg13[%swap3A_1152, %swap3A_1153], %mul3A_1151 {strides = array<i32>} : memref<80x128xf32, #tpu.memory_space<vmem>>, vector<16xf32>,
        %get3A_1155 = arith.index_cast %add3A_1102 : i32 to index
        %get3A_1156 = arith.constant 112 : index
        %get3A_1157 = tpu.vector_load %arg13[%get3A_1155, %get3A_1156] {strides = array<i32>} : memref<80x128xf32, #tpu.memory_space<vmem>>, vector<16xf32>,
        %mul3A_1158 = arith.mulf %get3A_1157, %gather3A_1105 : vector<16xf32>
        %swap3A_1159 = arith.index_cast %add3A_1102 : i32 to index
        %swap3A_1160 = arith.constant 112 : index
        %swap3A_1161 = tpu.vector_load %arg13[%swap3A_1159, %swap3A_1160] {strides = array<i32>} : memref<80x128xf32, #tpu.memory_space<vmem>>, vector<16xf32>,
        tpu.vector_store %arg13[%swap3A_1159, %swap3A_1160], %mul3A_1158 {strides = array<i32>} : memref<80x128xf32, #tpu.memory_space<vmem>>, vector<16xf32>,
      }
      %scan3A_738 = arith.constant 20 : i32
      %dma_wait3A_739 = arith.constant 0 : i32
      %dma_wait3A_740 = arith.constant 0 : i32
      %dma_wait3A_741 = arith.constant 0 : i32
      %dma_wait3A_742 = arith.constant 0 : i32
      %dma_wait3A_743 = tpu.memref_slice %arg9[%dma_wait3A_739, %dma_wait3A_740, %dma_wait3A_741, %dma_wait3A_742] : memref<2x25x1x80xi32, #tpu.memory_space<vmem>> -> memref<1x1x1x80xi32, #tpu.memory_space<vmem>>
      %dma_wait3A_744 = tpu.memref_squeeze %dma_wait3A_743 : memref<1x1x1x80xi32, #tpu.memory_space<vmem>> -> memref<80xi32, #tpu.memory_space<vmem>>
      %dma_wait3A_745 = arith.constant 0 : i32
      %dma_wait3A_746 = arith.constant 0 : i32
      %dma_wait3A_747 = tpu.memref_slice %arg14[%dma_wait3A_745, %dma_wait3A_746] : memref<10000x128xf32, #tpu.memory_space<vmem_shared>> -> memref<10000x128xf32, #tpu.memory_space<vmem_shared>>
      tpu.wait_indirect_dma semaphore(%arg19 : memref<!tpu.dma_semaphore, #tpu.memory_space<semaphore_mem>>) src(%arg12 : memref<80x128xf32, #tpu.memory_space<vmem>>) dst(%dma_wait3A_747 : memref<10000x128xf32, #tpu.memory_space<vmem_shared>>)
      %add3A_748 = arith.constant 2 : i32
      %add3A_749 = arith.addi %add3A_655, %add3A_748 : i32
      %jit3A_750 = arith.constant 25 : i32
      %eq3A_751 = arith.constant 0 : i32
      %eq3A_752 = arith.cmpi eq, %jit3A_750, %eq3A_751 : i32
      %jit3A_753 = arith.constant 1 : i32
      %select_n3A_754 = arith.select %eq3A_752, %jit3A_753, %jit3A_750 : i32
      %rem3A_755 = arith.remsi %add3A_749, %select_n3A_754 : i32
      %ne3A_756 = arith.constant 0 : i32
      %ne3A_757 = arith.cmpi ne, %rem3A_755, %ne3A_756 : i32
      %lt3A_758 = arith.constant 0 : i32
      %lt3A_759 = arith.cmpi slt, %rem3A_755, %lt3A_758 : i32
      %lt3A_760 = arith.constant 0 : i32
      %lt3A_761 = arith.cmpi slt, %select_n3A_754, %lt3A_760 : i32
      %ne3A_762 = arith.xori %lt3A_759, %lt3A_761 : i1
      %and3A_763 = arith.andi %ne3A_762, %ne3A_757 : i1
      %add3A_764 = arith.addi %rem3A_755, %select_n3A_754 : i32
      %select_n3A_765 = arith.select %and3A_763, %add3A_764, %rem3A_755 : i32
      %eq3A_766 = arith.constant 0 : i32
      %eq3A_767 = arith.cmpi eq, %select_n3A_765, %eq3A_766 : i32
      %convert_element_type3A_768 = arith.extui %eq3A_767 : i1 to i32
      %cond3A_769 = arith.constant 0 : i32
      %cond3A_770 = arith.cmpi ne, %convert_element_type3A_768, %cond3A_769 : i32
      scf.if %cond3A_770 {
        %jit3A_913 = arith.constant 25 : i32
        %div3A_914 = arith.divsi %add3A_749, %jit3A_913 : i32
        %sign3A_915 = arith.constant 0 : i32
        %sign3A_916 = arith.cmpi sgt, %add3A_749, %sign3A_915 : i32
        %sign3A_917 = arith.extui %sign3A_916 : i1 to i32
        %sign3A_918 = arith.constant 0 : i32
        %sign3A_919 = arith.cmpi slt, %add3A_749, %sign3A_918 : i32
        %sign3A_920 = arith.extui %sign3A_919 : i1 to i32
        %sign3A_921 = arith.subi %sign3A_917, %sign3A_920 : i32
        %sign3A_922 = arith.constant 0 : i32
        %sign3A_923 = arith.cmpi sgt, %jit3A_913, %sign3A_922 : i32
        %sign3A_924 = arith.extui %sign3A_923 : i1 to i32
        %sign3A_925 = arith.constant 0 : i32
        %sign3A_926 = arith.cmpi slt, %jit3A_913, %sign3A_925 : i32
        %sign3A_927 = arith.extui %sign3A_926 : i1 to i32
        %sign3A_928 = arith.subi %sign3A_924, %sign3A_927 : i32
        %ne3A_929 = arith.cmpi ne, %sign3A_921, %sign3A_928 : i32
        %rem3A_930 = arith.remsi %add3A_749, %jit3A_913 : i32
        %ne3A_931 = arith.constant 0 : i32
        %ne3A_932 = arith.cmpi ne, %rem3A_930, %ne3A_931 : i32
        %and3A_933 = arith.andi %ne3A_929, %ne3A_932 : i1
        %sub3A_934 = arith.constant 1 : i32
        %sub3A_935 = arith.subi %div3A_914, %sub3A_934 : i32
        %select_n3A_936 = arith.select %and3A_933, %sub3A_935, %div3A_914 : i32
        %jit3A_937 = arith.constant 25 : i32
        %div3A_938 = arith.divsi %add3A_749, %jit3A_937 : i32
        %sign3A_939 = arith.constant 0 : i32
        %sign3A_940 = arith.cmpi sgt, %add3A_749, %sign3A_939 : i32
        %sign3A_941 = arith.extui %sign3A_940 : i1 to i32
        %sign3A_942 = arith.constant 0 : i32
        %sign3A_943 = arith.cmpi slt, %add3A_749, %sign3A_942 : i32
        %sign3A_944 = arith.extui %sign3A_943 : i1 to i32
        %sign3A_945 = arith.subi %sign3A_941, %sign3A_944 : i32
        %sign3A_946 = arith.constant 0 : i32
        %sign3A_947 = arith.cmpi sgt, %jit3A_937, %sign3A_946 : i32
        %sign3A_948 = arith.extui %sign3A_947 : i1 to i32
        %sign3A_949 = arith.constant 0 : i32
        %sign3A_950 = arith.cmpi slt, %jit3A_937, %sign3A_949 : i32
        %sign3A_951 = arith.extui %sign3A_950 : i1 to i32
        %sign3A_952 = arith.subi %sign3A_948, %sign3A_951 : i32
        %ne3A_953 = arith.cmpi ne, %sign3A_945, %sign3A_952 : i32
        %rem3A_954 = arith.remsi %add3A_749, %jit3A_937 : i32
        %ne3A_955 = arith.constant 0 : i32
        %ne3A_956 = arith.cmpi ne, %rem3A_954, %ne3A_955 : i32
        %and3A_957 = arith.andi %ne3A_953, %ne3A_956 : i1
        %sub3A_958 = arith.constant 1 : i32
        %sub3A_959 = arith.subi %div3A_938, %sub3A_958 : i32
        %select_n3A_960 = arith.select %and3A_957, %sub3A_959, %div3A_938 : i32
        %jit3A_961 = arith.constant 2 : i32
        %eq3A_962 = arith.constant 0 : i32
        %eq3A_963 = arith.cmpi eq, %jit3A_961, %eq3A_962 : i32
        %jit3A_964 = arith.constant 1 : i32
        %select_n3A_965 = arith.select %eq3A_963, %jit3A_964, %jit3A_961 : i32
        %rem3A_966 = arith.remsi %select_n3A_960, %select_n3A_965 : i32
        %ne3A_967 = arith.constant 0 : i32
        %ne3A_968 = arith.cmpi ne, %rem3A_966, %ne3A_967 : i32
        %lt3A_969 = arith.constant 0 : i32
        %lt3A_970 = arith.cmpi slt, %rem3A_966, %lt3A_969 : i32
        %lt3A_971 = arith.constant 0 : i32
        %lt3A_972 = arith.cmpi slt, %select_n3A_965, %lt3A_971 : i32
        %ne3A_973 = arith.xori %lt3A_970, %lt3A_972 : i1
        %and3A_974 = arith.andi %ne3A_973, %ne3A_968 : i1
        %add3A_975 = arith.addi %rem3A_966, %select_n3A_965 : i32
        %select_n3A_976 = arith.select %and3A_974, %add3A_975, %rem3A_966 : i32
        %mul3A_977 = arith.constant 25 : i32
        %mul3A_978 = arith.muli %select_n3A_936, %mul3A_977 : i32
        %add3A_979 = arith.addi %add3A_10, %mul3A_978 : i32
        %mul3A_980 = arith.constant 80 : i32
        %mul3A_981 = arith.muli %add3A_979, %mul3A_980 : i32
        %mul3A_982 = arith.constant 25 : i32
        %mul3A_983 = arith.muli %select_n3A_976, %mul3A_982 : i32
        %mul3A_984 = arith.constant 80 : i32
        %mul3A_985 = arith.muli %mul3A_983, %mul3A_984 : i32
        "tpu.region"() ({
          %run_scoped3A_992 = tpu.sem_alloc : memref<!tpu.dma_semaphore, #tpu.memory_space<semaphore_mem>>
          %dma_start3A_993 = tpu.memref_slice %arg8[%mul3A_985] : memref<4000xi32, #tpu.memory_space<vmem>> -> memref<2000xi32, #tpu.memory_space<vmem>>
          %dma_start3A_994 = tpu.memref_slice %arg3[%mul3A_981] : memref<320000xi32, #tpu.memory_space<hbm>> -> memref<2000xi32, #tpu.memory_space<hbm>>
          %dma_start3A_995 = tpu.memref_slice %arg8[%mul3A_985] : memref<4000xi32, #tpu.memory_space<vmem>> -> memref<2000xi32, #tpu.memory_space<vmem>>
          %dma_start3A_996 = tpu.memref_slice %arg3[%mul3A_981] : memref<320000xi32, #tpu.memory_space<hbm>> -> memref<2000xi32, #tpu.memory_space<hbm>>
          tpu.enqueue_dma source(%dma_start3A_996 : memref<2000xi32, #tpu.memory_space<hbm>>) target(%dma_start3A_995 : memref<2000xi32, #tpu.memory_space<vmem>>) target_semaphore(%run_scoped3A_992 : memref<!tpu.dma_semaphore, #tpu.memory_space<semaphore_mem>>)
          %dma_wait3A_997 = tpu.memref_slice %arg8[%mul3A_985] : memref<4000xi32, #tpu.memory_space<vmem>> -> memref<2000xi32, #tpu.memory_space<vmem>>
          %dma_wait3A_998 = tpu.memref_slice %arg3[%mul3A_981] : memref<320000xi32, #tpu.memory_space<hbm>> -> memref<2000xi32, #tpu.memory_space<hbm>>
          %dma_wait3A_999 = tpu.memref_slice %arg8[%mul3A_985] : memref<4000xi32, #tpu.memory_space<vmem>> -> memref<2000xi32, #tpu.memory_space<vmem>>
          %dma_wait3A_1000 = tpu.memref_slice %arg3[%mul3A_981] : memref<320000xi32, #tpu.memory_space<hbm>> -> memref<2000xi32, #tpu.memory_space<hbm>>
          tpu.wait_dma2 semaphore(%run_scoped3A_992 : memref<!tpu.dma_semaphore, #tpu.memory_space<semaphore_mem>>) src(%dma_wait3A_1000 : memref<2000xi32, #tpu.memory_space<hbm>>) dst(%dma_wait3A_999 : memref<2000xi32, #tpu.memory_space<vmem>>)
          tpu.yield
        }) : () -> ()
        "tpu.region"() ({
          %run_scoped3A_992 = tpu.sem_alloc : memref<!tpu.dma_semaphore, #tpu.memory_space<semaphore_mem>>
          %dma_start3A_993 = arith.constant 0 : i32
          %dma_start3A_994 = arith.constant 0 : i32
          %dma_start3A_995 = arith.constant 0 : i32
          %dma_start3A_996 = tpu.memref_slice %arg9[%select_n3A_976, %dma_start3A_993, %dma_start3A_994, %dma_start3A_995] : memref<2x25x1x80xi32, #tpu.memory_space<vmem>> -> memref<1x25x1x80xi32, #tpu.memory_space<vmem>>
          %dma_start3A_997 = tpu.memref_squeeze %dma_start3A_996 : memref<1x25x1x80xi32, #tpu.memory_space<vmem>> -> memref<25x1x80xi32, #tpu.memory_space<vmem>>
          %dma_start3A_998 = arith.constant 0 : i32
          %dma_start3A_999 = arith.constant 0 : i32
          %dma_start3A_1000 = tpu.memref_slice %arg4[%add3A_979, %dma_start3A_998, %dma_start3A_999] : memref<4000x1x80xi32, #tpu.memory_space<hbm>> -> memref<25x1x80xi32, #tpu.memory_space<hbm>>
          %dma_start3A_1001 = arith.constant 0 : i32
          %dma_start3A_1002 = arith.constant 0 : i32
          %dma_start3A_1003 = arith.constant 0 : i32
          %dma_start3A_1004 = tpu.memref_slice %arg9[%select_n3A_976, %dma_start3A_1001, %dma_start3A_1002, %dma_start3A_1003] : memref<2x25x1x80xi32, #tpu.memory_space<vmem>> -> memref<1x25x1x80xi32, #tpu.memory_space<vmem>>
          %dma_start3A_1005 = tpu.memref_squeeze %dma_start3A_1004 : memref<1x25x1x80xi32, #tpu.memory_space<vmem>> -> memref<25x1x80xi32, #tpu.memory_space<vmem>>
          %dma_start3A_1006 = arith.constant 0 : i32
          %dma_start3A_1007 = arith.constant 0 : i32
          %dma_start3A_1008 = tpu.memref_slice %arg4[%add3A_979, %dma_start3A_1006, %dma_start3A_1007] : memref<4000x1x80xi32, #tpu.memory_space<hbm>> -> memref<25x1x80xi32, #tpu.memory_space<hbm>>
          tpu.enqueue_dma source(%dma_start3A_1008 : memref<25x1x80xi32, #tpu.memory_space<hbm>>) target(%dma_start3A_1005 : memref<25x1x80xi32, #tpu.memory_space<vmem>>) target_semaphore(%run_scoped3A_992 : memref<!tpu.dma_semaphore, #tpu.memory_space<semaphore_mem>>)
          %dma_wait3A_1009 = arith.constant 0 : i32
          %dma_wait3A_1010 = arith.constant 0 : i32
          %dma_wait3A_1011 = arith.constant 0 : i32
          %dma_wait3A_1012 = tpu.memref_slice %arg9[%select_n3A_976, %dma_wait3A_1009, %dma_wait3A_1010, %dma_wait3A_1011] : memref<2x25x1x80xi32, #tpu.memory_space<vmem>> -> memref<1x25x1x80xi32, #tpu.memory_space<vmem>>
          %dma_wait3A_1013 = tpu.memref_squeeze %dma_wait3A_1012 : memref<1x25x1x80xi32, #tpu.memory_space<vmem>> -> memref<25x1x80xi32, #tpu.memory_space<vmem>>
          %dma_wait3A_1014 = arith.constant 0 : i32
          %dma_wait3A_1015 = arith.constant 0 : i32
          %dma_wait3A_1016 = tpu.memref_slice %arg4[%add3A_979, %dma_wait3A_1014, %dma_wait3A_1015] : memref<4000x1x80xi32, #tpu.memory_space<hbm>> -> memref<25x1x80xi32, #tpu.memory_space<hbm>>
          %dma_wait3A_1017 = arith.constant 0 : i32
          %dma_wait3A_1018 = arith.constant 0 : i32
          %dma_wait3A_1019 = arith.constant 0 : i32
          %dma_wait3A_1020 = tpu.memref_slice %arg9[%select_n3A_976, %dma_wait3A_1017, %dma_wait3A_1018, %dma_wait3A_1019] : memref<2x25x1x80xi32, #tpu.memory_space<vmem>> -> memref<1x25x1x80xi32, #tpu.memory_space<vmem>>
          %dma_wait3A_1021 = tpu.memref_squeeze %dma_wait3A_1020 : memref<1x25x1x80xi32, #tpu.memory_space<vmem>> -> memref<25x1x80xi32, #tpu.memory_space<vmem>>
          %dma_wait3A_1022 = arith.constant 0 : i32
          %dma_wait3A_1023 = arith.constant 0 : i32
          %dma_wait3A_1024 = tpu.memref_slice %arg4[%add3A_979, %dma_wait3A_1022, %dma_wait3A_1023] : memref<4000x1x80xi32, #tpu.memory_space<hbm>> -> memref<25x1x80xi32, #tpu.memory_space<hbm>>
          tpu.wait_dma2 semaphore(%run_scoped3A_992 : memref<!tpu.dma_semaphore, #tpu.memory_space<semaphore_mem>>) src(%dma_wait3A_1024 : memref<25x1x80xi32, #tpu.memory_space<hbm>>) dst(%dma_wait3A_1021 : memref<25x1x80xi32, #tpu.memory_space<vmem>>)
          tpu.yield
        }) : () -> ()
        %mul3A_986 = arith.constant 80 : i32
        %mul3A_987 = arith.muli %add3A_979, %mul3A_986 : i32
        %mul3A_988 = arith.constant 25 : i32
        %mul3A_989 = arith.muli %select_n3A_976, %mul3A_988 : i32
        %mul3A_990 = arith.constant 80 : i32
        %mul3A_991 = arith.muli %mul3A_989, %mul3A_990 : i32
        "tpu.region"() ({
          %run_scoped3A_992 = tpu.sem_alloc : memref<!tpu.dma_semaphore, #tpu.memory_space<semaphore_mem>>
          %dma_start3A_993 = tpu.memref_slice %arg10[%mul3A_991] : memref<4000xf32, #tpu.memory_space<vmem>> -> memref<2000xf32, #tpu.memory_space<vmem>>
          %dma_start3A_994 = tpu.memref_slice %arg5[%mul3A_987] : memref<320000xf32, #tpu.memory_space<hbm>> -> memref<2000xf32, #tpu.memory_space<hbm>>
          %dma_start3A_995 = tpu.memref_slice %arg10[%mul3A_991] : memref<4000xf32, #tpu.memory_space<vmem>> -> memref<2000xf32, #tpu.memory_space<vmem>>
          %dma_start3A_996 = tpu.memref_slice %arg5[%mul3A_987] : memref<320000xf32, #tpu.memory_space<hbm>> -> memref<2000xf32, #tpu.memory_space<hbm>>
          tpu.enqueue_dma source(%dma_start3A_996 : memref<2000xf32, #tpu.memory_space<hbm>>) target(%dma_start3A_995 : memref<2000xf32, #tpu.memory_space<vmem>>) target_semaphore(%run_scoped3A_992 : memref<!tpu.dma_semaphore, #tpu.memory_space<semaphore_mem>>)
          %dma_wait3A_997 = tpu.memref_slice %arg10[%mul3A_991] : memref<4000xf32, #tpu.memory_space<vmem>> -> memref<2000xf32, #tpu.memory_space<vmem>>
          %dma_wait3A_998 = tpu.memref_slice %arg5[%mul3A_987] : memref<320000xf32, #tpu.memory_space<hbm>> -> memref<2000xf32, #tpu.memory_space<hbm>>
          %dma_wait3A_999 = tpu.memref_slice %arg10[%mul3A_991] : memref<4000xf32, #tpu.memory_space<vmem>> -> memref<2000xf32, #tpu.memory_space<vmem>>
          %dma_wait3A_1000 = tpu.memref_slice %arg5[%mul3A_987] : memref<320000xf32, #tpu.memory_space<hbm>> -> memref<2000xf32, #tpu.memory_space<hbm>>
          tpu.wait_dma2 semaphore(%run_scoped3A_992 : memref<!tpu.dma_semaphore, #tpu.memory_space<semaphore_mem>>) src(%dma_wait3A_1000 : memref<2000xf32, #tpu.memory_space<hbm>>) dst(%dma_wait3A_999 : memref<2000xf32, #tpu.memory_space<vmem>>)
          tpu.yield
        }) : () -> ()
      } else {
      }
      %jit3A_771 = arith.constant 25 : i32
      %div3A_772 = arith.divsi %add3A_749, %jit3A_771 : i32
      %sign3A_773 = arith.constant 0 : i32
      %sign3A_774 = arith.cmpi sgt, %add3A_749, %sign3A_773 : i32
      %sign3A_775 = arith.extui %sign3A_774 : i1 to i32
      %sign3A_776 = arith.constant 0 : i32
      %sign3A_777 = arith.cmpi slt, %add3A_749, %sign3A_776 : i32
      %sign3A_778 = arith.extui %sign3A_777 : i1 to i32
      %sign3A_779 = arith.subi %sign3A_775, %sign3A_778 : i32
      %sign3A_780 = arith.constant 0 : i32
      %sign3A_781 = arith.cmpi sgt, %jit3A_771, %sign3A_780 : i32
      %sign3A_782 = arith.extui %sign3A_781 : i1 to i32
      %sign3A_783 = arith.constant 0 : i32
      %sign3A_784 = arith.cmpi slt, %jit3A_771, %sign3A_783 : i32
      %sign3A_785 = arith.extui %sign3A_784 : i1 to i32
      %sign3A_786 = arith.subi %sign3A_782, %sign3A_785 : i32
      %ne3A_787 = arith.cmpi ne, %sign3A_779, %sign3A_786 : i32
      %rem3A_788 = arith.remsi %add3A_749, %jit3A_771 : i32
      %ne3A_789 = arith.constant 0 : i32
      %ne3A_790 = arith.cmpi ne, %rem3A_788, %ne3A_789 : i32
      %and3A_791 = arith.andi %ne3A_787, %ne3A_790 : i1
      %sub3A_792 = arith.constant 1 : i32
      %sub3A_793 = arith.subi %div3A_772, %sub3A_792 : i32
      %select_n3A_794 = arith.select %and3A_791, %sub3A_793, %div3A_772 : i32
      %jit3A_795 = arith.constant 2 : i32
      %eq3A_796 = arith.constant 0 : i32
      %eq3A_797 = arith.cmpi eq, %jit3A_795, %eq3A_796 : i32
      %jit3A_798 = arith.constant 1 : i32
      %select_n3A_799 = arith.select %eq3A_797, %jit3A_798, %jit3A_795 : i32
      %rem3A_800 = arith.remsi %select_n3A_794, %select_n3A_799 : i32
      %ne3A_801 = arith.constant 0 : i32
      %ne3A_802 = arith.cmpi ne, %rem3A_800, %ne3A_801 : i32
      %lt3A_803 = arith.constant 0 : i32
      %lt3A_804 = arith.cmpi slt, %rem3A_800, %lt3A_803 : i32
      %lt3A_805 = arith.constant 0 : i32
      %lt3A_806 = arith.cmpi slt, %select_n3A_799, %lt3A_805 : i32
      %ne3A_807 = arith.xori %lt3A_804, %lt3A_806 : i1
      %and3A_808 = arith.andi %ne3A_807, %ne3A_802 : i1
      %add3A_809 = arith.addi %rem3A_800, %select_n3A_799 : i32
      %select_n3A_810 = arith.select %and3A_808, %add3A_809, %rem3A_800 : i32
      %mul3A_811 = arith.constant 2000 : i32
      %mul3A_812 = arith.muli %select_n3A_810, %mul3A_811 : i32
      %jit3A_813 = arith.constant 25 : i32
      %eq3A_814 = arith.constant 0 : i32
      %eq3A_815 = arith.cmpi eq, %jit3A_813, %eq3A_814 : i32
      %jit3A_816 = arith.constant 1 : i32
      %select_n3A_817 = arith.select %eq3A_815, %jit3A_816, %jit3A_813 : i32
      %rem3A_818 = arith.remsi %add3A_749, %select_n3A_817 : i32
      %ne3A_819 = arith.constant 0 : i32
      %ne3A_820 = arith.cmpi ne, %rem3A_818, %ne3A_819 : i32
      %lt3A_821 = arith.constant 0 : i32
      %lt3A_822 = arith.cmpi slt, %rem3A_818, %lt3A_821 : i32
      %lt3A_823 = arith.constant 0 : i32
      %lt3A_824 = arith.cmpi slt, %select_n3A_817, %lt3A_823 : i32
      %ne3A_825 = arith.xori %lt3A_822, %lt3A_824 : i1
      %and3A_826 = arith.andi %ne3A_825, %ne3A_820 : i1
      %add3A_827 = arith.addi %rem3A_818, %select_n3A_817 : i32
      %select_n3A_828 = arith.select %and3A_826, %add3A_827, %rem3A_818 : i32
      %mul3A_829 = arith.constant 80 : i32
      %mul3A_830 = arith.muli %select_n3A_828, %mul3A_829 : i32
      %add3A_831 = arith.addi %mul3A_812, %mul3A_830 : i32
      %add3A_832 = arith.constant 0 : i32
      %add3A_833 = arith.addi %add3A_831, %add3A_832 : i32
      %dma_start3A_834 = arith.constant 0 : i32
      %dma_start3A_835 = arith.constant 0 : i32
      %dma_start3A_836 = tpu.memref_slice %arg12[%dma_start3A_834, %dma_start3A_835] : memref<80x128xf32, #tpu.memory_space<vmem>> -> memref<40x128xf32, #tpu.memory_space<vmem>>
      %dma_start3A_837 = tpu.memref_slice %arg8[%add3A_833] : memref<4000xi32, #tpu.memory_space<vmem>> -> memref<40xi32, #tpu.memory_space<vmem>>
      %dma_start3A_838 = arith.constant 0 : i32
      %dma_start3A_839 = arith.constant 0 : i32
      %dma_start3A_840 = tpu.memref_slice %arg2[%dma_start3A_838, %dma_start3A_839] : memref<10000x128xf32, #tpu.memory_space<hbm>> -> memref<10000x128xf32, #tpu.memory_space<hbm>>
      tpu.enqueue_indirect_dma source(%dma_start3A_840 : memref<10000x128xf32, #tpu.memory_space<hbm>>) target(%dma_start3A_836 : memref<40x128xf32, #tpu.memory_space<vmem>>) offsets(%dma_start3A_837 : memref<40xi32, #tpu.memory_space<vmem>>) semaphore(%arg16 : memref<!tpu.dma_semaphore, #tpu.memory_space<semaphore_mem>>)
      %add3A_841 = arith.constant 40 : i32
      %add3A_842 = arith.addi %add3A_831, %add3A_841 : i32
      %dma_start3A_843 = arith.constant 40 : i32
      %dma_start3A_844 = arith.constant 0 : i32
      %dma_start3A_845 = tpu.memref_slice %arg12[%dma_start3A_843, %dma_start3A_844] : memref<80x128xf32, #tpu.memory_space<vmem>> -> memref<40x128xf32, #tpu.memory_space<vmem>>
      %dma_start3A_846 = tpu.memref_slice %arg8[%add3A_842] : memref<4000xi32, #tpu.memory_space<vmem>> -> memref<40xi32, #tpu.memory_space<vmem>>
      %dma_start3A_847 = arith.constant 0 : i32
      %dma_start3A_848 = arith.constant 0 : i32
      %dma_start3A_849 = tpu.memref_slice %arg2[%dma_start3A_847, %dma_start3A_848] : memref<10000x128xf32, #tpu.memory_space<hbm>> -> memref<10000x128xf32, #tpu.memory_space<hbm>>
      tpu.enqueue_indirect_dma source(%dma_start3A_849 : memref<10000x128xf32, #tpu.memory_space<hbm>>) target(%dma_start3A_845 : memref<40x128xf32, #tpu.memory_space<vmem>>) offsets(%dma_start3A_846 : memref<40xi32, #tpu.memory_space<vmem>>) semaphore(%arg16 : memref<!tpu.dma_semaphore, #tpu.memory_space<semaphore_mem>>)
      %jit3A_850 = arith.constant 25 : i32
      %div3A_851 = arith.divsi %add3A_655, %jit3A_850 : i32
      %sign3A_852 = arith.constant 0 : i32
      %sign3A_853 = arith.cmpi sgt, %add3A_655, %sign3A_852 : i32
      %sign3A_854 = arith.extui %sign3A_853 : i1 to i32
      %sign3A_855 = arith.constant 0 : i32
      %sign3A_856 = arith.cmpi slt, %add3A_655, %sign3A_855 : i32
      %sign3A_857 = arith.extui %sign3A_856 : i1 to i32
      %sign3A_858 = arith.subi %sign3A_854, %sign3A_857 : i32
      %sign3A_859 = arith.constant 0 : i32
      %sign3A_860 = arith.cmpi sgt, %jit3A_850, %sign3A_859 : i32
      %sign3A_861 = arith.extui %sign3A_860 : i1 to i32
      %sign3A_862 = arith.constant 0 : i32
      %sign3A_863 = arith.cmpi slt, %jit3A_850, %sign3A_862 : i32
      %sign3A_864 = arith.extui %sign3A_863 : i1 to i32
      %sign3A_865 = arith.subi %sign3A_861, %sign3A_864 : i32
      %ne3A_866 = arith.cmpi ne, %sign3A_858, %sign3A_865 : i32
      %rem3A_867 = arith.remsi %add3A_655, %jit3A_850 : i32
      %ne3A_868 = arith.constant 0 : i32
      %ne3A_869 = arith.cmpi ne, %rem3A_867, %ne3A_868 : i32
      %and3A_870 = arith.andi %ne3A_866, %ne3A_869 : i1
      %sub3A_871 = arith.constant 1 : i32
      %sub3A_872 = arith.subi %div3A_851, %sub3A_871 : i32
      %select_n3A_873 = arith.select %and3A_870, %sub3A_872, %div3A_851 : i32
      %jit3A_874 = arith.constant 2 : i32
      %eq3A_875 = arith.constant 0 : i32
      %eq3A_876 = arith.cmpi eq, %jit3A_874, %eq3A_875 : i32
      %jit3A_877 = arith.constant 1 : i32
      %select_n3A_878 = arith.select %eq3A_876, %jit3A_877, %jit3A_874 : i32
      %rem3A_879 = arith.remsi %select_n3A_873, %select_n3A_878 : i32
      %ne3A_880 = arith.constant 0 : i32
      %ne3A_881 = arith.cmpi ne, %rem3A_879, %ne3A_880 : i32
      %lt3A_882 = arith.constant 0 : i32
      %lt3A_883 = arith.cmpi slt, %rem3A_879, %lt3A_882 : i32
      %lt3A_884 = arith.constant 0 : i32
      %lt3A_885 = arith.cmpi slt, %select_n3A_878, %lt3A_884 : i32
      %ne3A_886 = arith.xori %lt3A_883, %lt3A_885 : i1
      %and3A_887 = arith.andi %ne3A_886, %ne3A_881 : i1
      %add3A_888 = arith.addi %rem3A_879, %select_n3A_878 : i32
      %select_n3A_889 = arith.select %and3A_887, %add3A_888, %rem3A_879 : i32
      %jit3A_890 = arith.constant 25 : i32
      %eq3A_891 = arith.constant 0 : i32
      %eq3A_892 = arith.cmpi eq, %jit3A_890, %eq3A_891 : i32
      %jit3A_893 = arith.constant 1 : i32
      %select_n3A_894 = arith.select %eq3A_892, %jit3A_893, %jit3A_890 : i32
      %rem3A_895 = arith.remsi %add3A_655, %select_n3A_894 : i32
      %ne3A_896 = arith.constant 0 : i32
      %ne3A_897 = arith.cmpi ne, %rem3A_895, %ne3A_896 : i32
      %lt3A_898 = arith.constant 0 : i32
      %lt3A_899 = arith.cmpi slt, %rem3A_895, %lt3A_898 : i32
      %lt3A_900 = arith.constant 0 : i32
      %lt3A_901 = arith.cmpi slt, %select_n3A_894, %lt3A_900 : i32
      %ne3A_902 = arith.xori %lt3A_899, %lt3A_901 : i1
      %and3A_903 = arith.andi %ne3A_902, %ne3A_897 : i1
      %add3A_904 = arith.addi %rem3A_895, %select_n3A_894 : i32
      %select_n3A_905 = arith.select %and3A_903, %add3A_904, %rem3A_895 : i32
      %dma_start3A_906 = arith.constant 0 : i32
      %dma_start3A_907 = arith.constant 0 : i32
      %dma_start3A_908 = tpu.memref_slice %arg9[%select_n3A_889, %select_n3A_905, %dma_start3A_906, %dma_start3A_907] : memref<2x25x1x80xi32, #tpu.memory_space<vmem>> -> memref<1x1x1x80xi32, #tpu.memory_space<vmem>>
      %dma_start3A_909 = tpu.memref_squeeze %dma_start3A_908 : memref<1x1x1x80xi32, #tpu.memory_space<vmem>> -> memref<80xi32, #tpu.memory_space<vmem>>
      %dma_start3A_910 = arith.constant 0 : i32
      %dma_start3A_911 = arith.constant 0 : i32
      %dma_start3A_912 = tpu.memref_slice %arg14[%dma_start3A_910, %dma_start3A_911] : memref<10000x128xf32, #tpu.memory_space<vmem_shared>> -> memref<10000x128xf32, #tpu.memory_space<vmem_shared>>
      tpu.enqueue_indirect_dma source(%arg13 : memref<80x128xf32, #tpu.memory_space<vmem>>) target(%dma_start3A_912 : memref<10000x128xf32, #tpu.memory_space<vmem_shared>>) offsets(%dma_start3A_909 : memref<80xi32, #tpu.memory_space<vmem>>) semaphore(%arg20 : memref<!tpu.dma_semaphore, #tpu.memory_space<semaphore_mem>>) {add = true}
    }
    %scan3A_52 = arith.constant 41 : i32
    %dma_wait3A = arith.constant 0 : i32
    %dma_wait3A_53 = arith.constant 0 : i32
    %dma_wait3A_54 = tpu.memref_slice %arg11[%dma_wait3A, %dma_wait3A_53] : memref<80x128xf32, #tpu.memory_space<vmem>> -> memref<40x128xf32, #tpu.memory_space<vmem>>
    %dma_wait3A_55 = arith.constant 0 : i32
    %dma_wait3A_56 = tpu.memref_slice %arg8[%dma_wait3A_55] : memref<4000xi32, #tpu.memory_space<vmem>> -> memref<40xi32, #tpu.memory_space<vmem>>
    %dma_wait3A_57 = arith.constant 0 : i32
    %dma_wait3A_58 = arith.constant 0 : i32
    %dma_wait3A_59 = tpu.memref_slice %arg2[%dma_wait3A_57, %dma_wait3A_58] : memref<10000x128xf32, #tpu.memory_space<hbm>> -> memref<10000x128xf32, #tpu.memory_space<hbm>>
    tpu.wait_indirect_dma semaphore(%arg15 : memref<!tpu.dma_semaphore, #tpu.memory_space<semaphore_mem>>) src(%dma_wait3A_59 : memref<10000x128xf32, #tpu.memory_space<hbm>>) dst(%dma_wait3A_54 : memref<40x128xf32, #tpu.memory_space<vmem>>)
    %dma_wait3A_60 = arith.constant 40 : i32
    %dma_wait3A_61 = arith.constant 0 : i32
    %dma_wait3A_62 = tpu.memref_slice %arg11[%dma_wait3A_60, %dma_wait3A_61] : memref<80x128xf32, #tpu.memory_space<vmem>> -> memref<40x128xf32, #tpu.memory_space<vmem>>
    %dma_wait3A_63 = arith.constant 0 : i32
    %dma_wait3A_64 = tpu.memref_slice %arg8[%dma_wait3A_63] : memref<4000xi32, #tpu.memory_space<vmem>> -> memref<40xi32, #tpu.memory_space<vmem>>
    %dma_wait3A_65 = arith.constant 0 : i32
    %dma_wait3A_66 = arith.constant 0 : i32
    %dma_wait3A_67 = tpu.memref_slice %arg2[%dma_wait3A_65, %dma_wait3A_66] : memref<10000x128xf32, #tpu.memory_space<hbm>> -> memref<10000x128xf32, #tpu.memory_space<hbm>>
    tpu.wait_indirect_dma semaphore(%arg15 : memref<!tpu.dma_semaphore, #tpu.memory_space<semaphore_mem>>) src(%dma_wait3A_67 : memref<10000x128xf32, #tpu.memory_space<hbm>>) dst(%dma_wait3A_62 : memref<40x128xf32, #tpu.memory_space<vmem>>)
    %scan3A_68 = arith.constant 0 : i32
    %scan3A_69 = arith.constant 0 : i32
    %scan3A_70 = arith.constant 20 : i32
    %scan3A_71 = arith.addi %scan3A_69, %scan3A_70 : i32
    %scan3A_72 = arith.constant 1 : i32
    scf.for %scan3A_147 = %scan3A_69 to %scan3A_71 step %scan3A_72  : i32 {
      %mul3A_148 = arith.constant 4 : i32
      %mul3A_149 = arith.muli %scan3A_147, %mul3A_148 : i32
      %add3A_150 = arith.constant 0 : i32
      %add3A_151 = arith.addi %mul3A_149, %add3A_150 : i32
      %add3A_152 = arith.constant 1840 : i32
      %add3A_153 = arith.addi %add3A_152, %add3A_151 : i32
      %broadcast_in_dim3A = vector.broadcast %add3A_153 : i32 to vector<16xi32>
      %gather3A = tpu.vector_load_idx %arg10[%broadcast_in_dim3A] : memref<4000xf32, #tpu.memory_space<vmem>>[vector<16xi32>], vector<16xf32>,
      %get3A = arith.index_cast %add3A_151 : i32 to index
      %get3A_154 = arith.constant 0 : index
      %get3A_155 = tpu.vector_load %arg11[%get3A, %get3A_154] {strides = array<i32>} : memref<80x128xf32, #tpu.memory_space<vmem>>, vector<16xf32>,
      %mul3A_156 = arith.mulf %get3A_155, %gather3A : vector<16xf32>
      %swap3A = arith.index_cast %add3A_151 : i32 to index
      %swap3A_157 = arith.constant 0 : index
      %swap3A_158 = tpu.vector_load %arg11[%swap3A, %swap3A_157] {strides = array<i32>} : memref<80x128xf32, #tpu.memory_space<vmem>>, vector<16xf32>,
      tpu.vector_store %arg11[%swap3A, %swap3A_157], %mul3A_156 {strides = array<i32>} : memref<80x128xf32, #tpu.memory_space<vmem>>, vector<16xf32>,
      %get3A_159 = arith.index_cast %add3A_151 : i32 to index
      %get3A_160 = arith.constant 16 : index
      %get3A_161 = tpu.vector_load %arg11[%get3A_159, %get3A_160] {strides = array<i32>} : memref<80x128xf32, #tpu.memory_space<vmem>>, vector<16xf32>,
      %mul3A_162 = arith.mulf %get3A_161, %gather3A : vector<16xf32>
      %swap3A_163 = arith.index_cast %add3A_151 : i32 to index
      %swap3A_164 = arith.constant 16 : index
      %swap3A_165 = tpu.vector_load %arg11[%swap3A_163, %swap3A_164] {strides = array<i32>} : memref<80x128xf32, #tpu.memory_space<vmem>>, vector<16xf32>,
      tpu.vector_store %arg11[%swap3A_163, %swap3A_164], %mul3A_162 {strides = array<i32>} : memref<80x128xf32, #tpu.memory_space<vmem>>, vector<16xf32>,
      %get3A_166 = arith.index_cast %add3A_151 : i32 to index
      %get3A_167 = arith.constant 32 : index
      %get3A_168 = tpu.vector_load %arg11[%get3A_166, %get3A_167] {strides = array<i32>} : memref<80x128xf32, #tpu.memory_space<vmem>>, vector<16xf32>,
      %mul3A_169 = arith.mulf %get3A_168, %gather3A : vector<16xf32>
      %swap3A_170 = arith.index_cast %add3A_151 : i32 to index
      %swap3A_171 = arith.constant 32 : index
      %swap3A_172 = tpu.vector_load %arg11[%swap3A_170, %swap3A_171] {strides = array<i32>} : memref<80x128xf32, #tpu.memory_space<vmem>>, vector<16xf32>,
      tpu.vector_store %arg11[%swap3A_170, %swap3A_171], %mul3A_169 {strides = array<i32>} : memref<80x128xf32, #tpu.memory_space<vmem>>, vector<16xf32>,
      %get3A_173 = arith.index_cast %add3A_151 : i32 to index
      %get3A_174 = arith.constant 48 : index
      %get3A_175 = tpu.vector_load %arg11[%get3A_173, %get3A_174] {strides = array<i32>} : memref<80x128xf32, #tpu.memory_space<vmem>>, vector<16xf32>,
      %mul3A_176 = arith.mulf %get3A_175, %gather3A : vector<16xf32>
      %swap3A_177 = arith.index_cast %add3A_151 : i32 to index
      %swap3A_178 = arith.constant 48 : index
      %swap3A_179 = tpu.vector_load %arg11[%swap3A_177, %swap3A_178] {strides = array<i32>} : memref<80x128xf32, #tpu.memory_space<vmem>>, vector<16xf32>,
      tpu.vector_store %arg11[%swap3A_177, %swap3A_178], %mul3A_176 {strides = array<i32>} : memref<80x128xf32, #tpu.memory_space<vmem>>, vector<16xf32>,
      %get3A_180 = arith.index_cast %add3A_151 : i32 to index
      %get3A_181 = arith.constant 64 : index
      %get3A_182 = tpu.vector_load %arg11[%get3A_180, %get3A_181] {strides = array<i32>} : memref<80x128xf32, #tpu.memory_space<vmem>>, vector<16xf32>,
      %mul3A_183 = arith.mulf %get3A_182, %gather3A : vector<16xf32>
      %swap3A_184 = arith.index_cast %add3A_151 : i32 to index
      %swap3A_185 = arith.constant 64 : index
      %swap3A_186 = tpu.vector_load %arg11[%swap3A_184, %swap3A_185] {strides = array<i32>} : memref<80x128xf32, #tpu.memory_space<vmem>>, vector<16xf32>,
      tpu.vector_store %arg11[%swap3A_184, %swap3A_185], %mul3A_183 {strides = array<i32>} : memref<80x128xf32, #tpu.memory_space<vmem>>, vector<16xf32>,
      %get3A_187 = arith.index_cast %add3A_151 : i32 to index
      %get3A_188 = arith.constant 80 : index
      %get3A_189 = tpu.vector_load %arg11[%get3A_187, %get3A_188] {strides = array<i32>} : memref<80x128xf32, #tpu.memory_space<vmem>>, vector<16xf32>,
      %mul3A_190 = arith.mulf %get3A_189, %gather3A : vector<16xf32>
      %swap3A_191 = arith.index_cast %add3A_151 : i32 to index
      %swap3A_192 = arith.constant 80 : index
      %swap3A_193 = tpu.vector_load %arg11[%swap3A_191, %swap3A_192] {strides = array<i32>} : memref<80x128xf32, #tpu.memory_space<vmem>>, vector<16xf32>,
      tpu.vector_store %arg11[%swap3A_191, %swap3A_192], %mul3A_190 {strides = array<i32>} : memref<80x128xf32, #tpu.memory_space<vmem>>, vector<16xf32>,
      %get3A_194 = arith.index_cast %add3A_151 : i32 to index
      %get3A_195 = arith.constant 96 : index
      %get3A_196 = tpu.vector_load %arg11[%get3A_194, %get3A_195] {strides = array<i32>} : memref<80x128xf32, #tpu.memory_space<vmem>>, vector<16xf32>,
      %mul3A_197 = arith.mulf %get3A_196, %gather3A : vector<16xf32>
      %swap3A_198 = arith.index_cast %add3A_151 : i32 to index
      %swap3A_199 = arith.constant 96 : index
      %swap3A_200 = tpu.vector_load %arg11[%swap3A_198, %swap3A_199] {strides = array<i32>} : memref<80x128xf32, #tpu.memory_space<vmem>>, vector<16xf32>,
      tpu.vector_store %arg11[%swap3A_198, %swap3A_199], %mul3A_197 {strides = array<i32>} : memref<80x128xf32, #tpu.memory_space<vmem>>, vector<16xf32>,
      %get3A_201 = arith.index_cast %add3A_151 : i32 to index
      %get3A_202 = arith.constant 112 : index
      %get3A_203 = tpu.vector_load %arg11[%get3A_201, %get3A_202] {strides = array<i32>} : memref<80x128xf32, #tpu.memory_space<vmem>>, vector<16xf32>,
      %mul3A_204 = arith.mulf %get3A_203, %gather3A : vector<16xf32>
      %swap3A_205 = arith.index_cast %add3A_151 : i32 to index
      %swap3A_206 = arith.constant 112 : index
      %swap3A_207 = tpu.vector_load %arg11[%swap3A_205, %swap3A_206] {strides = array<i32>} : memref<80x128xf32, #tpu.memory_space<vmem>>, vector<16xf32>,
      tpu.vector_store %arg11[%swap3A_205, %swap3A_206], %mul3A_204 {strides = array<i32>} : memref<80x128xf32, #tpu.memory_space<vmem>>, vector<16xf32>,
      %mul3A_208 = arith.constant 4 : i32
      %mul3A_209 = arith.muli %scan3A_147, %mul3A_208 : i32
      %add3A_210 = arith.constant 1 : i32
      %add3A_211 = arith.addi %mul3A_209, %add3A_210 : i32
      %add3A_212 = arith.constant 1840 : i32
      %add3A_213 = arith.addi %add3A_212, %add3A_211 : i32
      %broadcast_in_dim3A_214 = vector.broadcast %add3A_213 : i32 to vector<16xi32>
      %gather3A_215 = tpu.vector_load_idx %arg10[%broadcast_in_dim3A_214] : memref<4000xf32, #tpu.memory_space<vmem>>[vector<16xi32>], vector<16xf32>,
      %get3A_216 = arith.index_cast %add3A_211 : i32 to index
      %get3A_217 = arith.constant 0 : index
      %get3A_218 = tpu.vector_load %arg11[%get3A_216, %get3A_217] {strides = array<i32>} : memref<80x128xf32, #tpu.memory_space<vmem>>, vector<16xf32>,
      %mul3A_219 = arith.mulf %get3A_218, %gather3A_215 : vector<16xf32>
      %swap3A_220 = arith.index_cast %add3A_211 : i32 to index
      %swap3A_221 = arith.constant 0 : index
      %swap3A_222 = tpu.vector_load %arg11[%swap3A_220, %swap3A_221] {strides = array<i32>} : memref<80x128xf32, #tpu.memory_space<vmem>>, vector<16xf32>,
      tpu.vector_store %arg11[%swap3A_220, %swap3A_221], %mul3A_219 {strides = array<i32>} : memref<80x128xf32, #tpu.memory_space<vmem>>, vector<16xf32>,
      %get3A_223 = arith.index_cast %add3A_211 : i32 to index
      %get3A_224 = arith.constant 16 : index
      %get3A_225 = tpu.vector_load %arg11[%get3A_223, %get3A_224] {strides = array<i32>} : memref<80x128xf32, #tpu.memory_space<vmem>>, vector<16xf32>,
      %mul3A_226 = arith.mulf %get3A_225, %gather3A_215 : vector<16xf32>
      %swap3A_227 = arith.index_cast %add3A_211 : i32 to index
      %swap3A_228 = arith.constant 16 : index
      %swap3A_229 = tpu.vector_load %arg11[%swap3A_227, %swap3A_228] {strides = array<i32>} : memref<80x128xf32, #tpu.memory_space<vmem>>, vector<16xf32>,
      tpu.vector_store %arg11[%swap3A_227, %swap3A_228], %mul3A_226 {strides = array<i32>} : memref<80x128xf32, #tpu.memory_space<vmem>>, vector<16xf32>,
      %get3A_230 = arith.index_cast %add3A_211 : i32 to index
      %get3A_231 = arith.constant 32 : index
      %get3A_232 = tpu.vector_load %arg11[%get3A_230, %get3A_231] {strides = array<i32>} : memref<80x128xf32, #tpu.memory_space<vmem>>, vector<16xf32>,
      %mul3A_233 = arith.mulf %get3A_232, %gather3A_215 : vector<16xf32>
      %swap3A_234 = arith.index_cast %add3A_211 : i32 to index
      %swap3A_235 = arith.constant 32 : index
      %swap3A_236 = tpu.vector_load %arg11[%swap3A_234, %swap3A_235] {strides = array<i32>} : memref<80x128xf32, #tpu.memory_space<vmem>>, vector<16xf32>,
      tpu.vector_store %arg11[%swap3A_234, %swap3A_235], %mul3A_233 {strides = array<i32>} : memref<80x128xf32, #tpu.memory_space<vmem>>, vector<16xf32>,
      %get3A_237 = arith.index_cast %add3A_211 : i32 to index
      %get3A_238 = arith.constant 48 : index
      %get3A_239 = tpu.vector_load %arg11[%get3A_237, %get3A_238] {strides = array<i32>} : memref<80x128xf32, #tpu.memory_space<vmem>>, vector<16xf32>,
      %mul3A_240 = arith.mulf %get3A_239, %gather3A_215 : vector<16xf32>
      %swap3A_241 = arith.index_cast %add3A_211 : i32 to index
      %swap3A_242 = arith.constant 48 : index
      %swap3A_243 = tpu.vector_load %arg11[%swap3A_241, %swap3A_242] {strides = array<i32>} : memref<80x128xf32, #tpu.memory_space<vmem>>, vector<16xf32>,
      tpu.vector_store %arg11[%swap3A_241, %swap3A_242], %mul3A_240 {strides = array<i32>} : memref<80x128xf32, #tpu.memory_space<vmem>>, vector<16xf32>,
      %get3A_244 = arith.index_cast %add3A_211 : i32 to index
      %get3A_245 = arith.constant 64 : index
      %get3A_246 = tpu.vector_load %arg11[%get3A_244, %get3A_245] {strides = array<i32>} : memref<80x128xf32, #tpu.memory_space<vmem>>, vector<16xf32>,
      %mul3A_247 = arith.mulf %get3A_246, %gather3A_215 : vector<16xf32>
      %swap3A_248 = arith.index_cast %add3A_211 : i32 to index
      %swap3A_249 = arith.constant 64 : index
      %swap3A_250 = tpu.vector_load %arg11[%swap3A_248, %swap3A_249] {strides = array<i32>} : memref<80x128xf32, #tpu.memory_space<vmem>>, vector<16xf32>,
      tpu.vector_store %arg11[%swap3A_248, %swap3A_249], %mul3A_247 {strides = array<i32>} : memref<80x128xf32, #tpu.memory_space<vmem>>, vector<16xf32>,
      %get3A_251 = arith.index_cast %add3A_211 : i32 to index
      %get3A_252 = arith.constant 80 : index
      %get3A_253 = tpu.vector_load %arg11[%get3A_251, %get3A_252] {strides = array<i32>} : memref<80x128xf32, #tpu.memory_space<vmem>>, vector<16xf32>,
      %mul3A_254 = arith.mulf %get3A_253, %gather3A_215 : vector<16xf32>
      %swap3A_255 = arith.index_cast %add3A_211 : i32 to index
      %swap3A_256 = arith.constant 80 : index
      %swap3A_257 = tpu.vector_load %arg11[%swap3A_255, %swap3A_256] {strides = array<i32>} : memref<80x128xf32, #tpu.memory_space<vmem>>, vector<16xf32>,
      tpu.vector_store %arg11[%swap3A_255, %swap3A_256], %mul3A_254 {strides = array<i32>} : memref<80x128xf32, #tpu.memory_space<vmem>>, vector<16xf32>,
      %get3A_258 = arith.index_cast %add3A_211 : i32 to index
      %get3A_259 = arith.constant 96 : index
      %get3A_260 = tpu.vector_load %arg11[%get3A_258, %get3A_259] {strides = array<i32>} : memref<80x128xf32, #tpu.memory_space<vmem>>, vector<16xf32>,
      %mul3A_261 = arith.mulf %get3A_260, %gather3A_215 : vector<16xf32>
      %swap3A_262 = arith.index_cast %add3A_211 : i32 to index
      %swap3A_263 = arith.constant 96 : index
      %swap3A_264 = tpu.vector_load %arg11[%swap3A_262, %swap3A_263] {strides = array<i32>} : memref<80x128xf32, #tpu.memory_space<vmem>>, vector<16xf32>,
      tpu.vector_store %arg11[%swap3A_262, %swap3A_263], %mul3A_261 {strides = array<i32>} : memref<80x128xf32, #tpu.memory_space<vmem>>, vector<16xf32>,
      %get3A_265 = arith.index_cast %add3A_211 : i32 to index
      %get3A_266 = arith.constant 112 : index
      %get3A_267 = tpu.vector_load %arg11[%get3A_265, %get3A_266] {strides = array<i32>} : memref<80x128xf32, #tpu.memory_space<vmem>>, vector<16xf32>,
      %mul3A_268 = arith.mulf %get3A_267, %gather3A_215 : vector<16xf32>
      %swap3A_269 = arith.index_cast %add3A_211 : i32 to index
      %swap3A_270 = arith.constant 112 : index
      %swap3A_271 = tpu.vector_load %arg11[%swap3A_269, %swap3A_270] {strides = array<i32>} : memref<80x128xf32, #tpu.memory_space<vmem>>, vector<16xf32>,
      tpu.vector_store %arg11[%swap3A_269, %swap3A_270], %mul3A_268 {strides = array<i32>} : memref<80x128xf32, #tpu.memory_space<vmem>>, vector<16xf32>,
      %mul3A_272 = arith.constant 4 : i32
      %mul3A_273 = arith.muli %scan3A_147, %mul3A_272 : i32
      %add3A_274 = arith.constant 2 : i32
      %add3A_275 = arith.addi %mul3A_273, %add3A_274 : i32
      %add3A_276 = arith.constant 1840 : i32
      %add3A_277 = arith.addi %add3A_276, %add3A_275 : i32
      %broadcast_in_dim3A_278 = vector.broadcast %add3A_277 : i32 to vector<16xi32>
      %gather3A_279 = tpu.vector_load_idx %arg10[%broadcast_in_dim3A_278] : memref<4000xf32, #tpu.memory_space<vmem>>[vector<16xi32>], vector<16xf32>,
      %get3A_280 = arith.index_cast %add3A_275 : i32 to index
      %get3A_281 = arith.constant 0 : index
      %get3A_282 = tpu.vector_load %arg11[%get3A_280, %get3A_281] {strides = array<i32>} : memref<80x128xf32, #tpu.memory_space<vmem>>, vector<16xf32>,
      %mul3A_283 = arith.mulf %get3A_282, %gather3A_279 : vector<16xf32>
      %swap3A_284 = arith.index_cast %add3A_275 : i32 to index
      %swap3A_285 = arith.constant 0 : index
      %swap3A_286 = tpu.vector_load %arg11[%swap3A_284, %swap3A_285] {strides = array<i32>} : memref<80x128xf32, #tpu.memory_space<vmem>>, vector<16xf32>,
      tpu.vector_store %arg11[%swap3A_284, %swap3A_285], %mul3A_283 {strides = array<i32>} : memref<80x128xf32, #tpu.memory_space<vmem>>, vector<16xf32>,
      %get3A_287 = arith.index_cast %add3A_275 : i32 to index
      %get3A_288 = arith.constant 16 : index
      %get3A_289 = tpu.vector_load %arg11[%get3A_287, %get3A_288] {strides = array<i32>} : memref<80x128xf32, #tpu.memory_space<vmem>>, vector<16xf32>,
      %mul3A_290 = arith.mulf %get3A_289, %gather3A_279 : vector<16xf32>
      %swap3A_291 = arith.index_cast %add3A_275 : i32 to index
      %swap3A_292 = arith.constant 16 : index
      %swap3A_293 = tpu.vector_load %arg11[%swap3A_291, %swap3A_292] {strides = array<i32>} : memref<80x128xf32, #tpu.memory_space<vmem>>, vector<16xf32>,
      tpu.vector_store %arg11[%swap3A_291, %swap3A_292], %mul3A_290 {strides = array<i32>} : memref<80x128xf32, #tpu.memory_space<vmem>>, vector<16xf32>,
      %get3A_294 = arith.index_cast %add3A_275 : i32 to index
      %get3A_295 = arith.constant 32 : index
      %get3A_296 = tpu.vector_load %arg11[%get3A_294, %get3A_295] {strides = array<i32>} : memref<80x128xf32, #tpu.memory_space<vmem>>, vector<16xf32>,
      %mul3A_297 = arith.mulf %get3A_296, %gather3A_279 : vector<16xf32>
      %swap3A_298 = arith.index_cast %add3A_275 : i32 to index
      %swap3A_299 = arith.constant 32 : index
      %swap3A_300 = tpu.vector_load %arg11[%swap3A_298, %swap3A_299] {strides = array<i32>} : memref<80x128xf32, #tpu.memory_space<vmem>>, vector<16xf32>,
      tpu.vector_store %arg11[%swap3A_298, %swap3A_299], %mul3A_297 {strides = array<i32>} : memref<80x128xf32, #tpu.memory_space<vmem>>, vector<16xf32>,
      %get3A_301 = arith.index_cast %add3A_275 : i32 to index
      %get3A_302 = arith.constant 48 : index
      %get3A_303 = tpu.vector_load %arg11[%get3A_301, %get3A_302] {strides = array<i32>} : memref<80x128xf32, #tpu.memory_space<vmem>>, vector<16xf32>,
      %mul3A_304 = arith.mulf %get3A_303, %gather3A_279 : vector<16xf32>
      %swap3A_305 = arith.index_cast %add3A_275 : i32 to index
      %swap3A_306 = arith.constant 48 : index
      %swap3A_307 = tpu.vector_load %arg11[%swap3A_305, %swap3A_306] {strides = array<i32>} : memref<80x128xf32, #tpu.memory_space<vmem>>, vector<16xf32>,
      tpu.vector_store %arg11[%swap3A_305, %swap3A_306], %mul3A_304 {strides = array<i32>} : memref<80x128xf32, #tpu.memory_space<vmem>>, vector<16xf32>,
      %get3A_308 = arith.index_cast %add3A_275 : i32 to index
      %get3A_309 = arith.constant 64 : index
      %get3A_310 = tpu.vector_load %arg11[%get3A_308, %get3A_309] {strides = array<i32>} : memref<80x128xf32, #tpu.memory_space<vmem>>, vector<16xf32>,
      %mul3A_311 = arith.mulf %get3A_310, %gather3A_279 : vector<16xf32>
      %swap3A_312 = arith.index_cast %add3A_275 : i32 to index
      %swap3A_313 = arith.constant 64 : index
      %swap3A_314 = tpu.vector_load %arg11[%swap3A_312, %swap3A_313] {strides = array<i32>} : memref<80x128xf32, #tpu.memory_space<vmem>>, vector<16xf32>,
      tpu.vector_store %arg11[%swap3A_312, %swap3A_313], %mul3A_311 {strides = array<i32>} : memref<80x128xf32, #tpu.memory_space<vmem>>, vector<16xf32>,
      %get3A_315 = arith.index_cast %add3A_275 : i32 to index
      %get3A_316 = arith.constant 80 : index
      %get3A_317 = tpu.vector_load %arg11[%get3A_315, %get3A_316] {strides = array<i32>} : memref<80x128xf32, #tpu.memory_space<vmem>>, vector<16xf32>,
      %mul3A_318 = arith.mulf %get3A_317, %gather3A_279 : vector<16xf32>
      %swap3A_319 = arith.index_cast %add3A_275 : i32 to index
      %swap3A_320 = arith.constant 80 : index
      %swap3A_321 = tpu.vector_load %arg11[%swap3A_319, %swap3A_320] {strides = array<i32>} : memref<80x128xf32, #tpu.memory_space<vmem>>, vector<16xf32>,
      tpu.vector_store %arg11[%swap3A_319, %swap3A_320], %mul3A_318 {strides = array<i32>} : memref<80x128xf32, #tpu.memory_space<vmem>>, vector<16xf32>,
      %get3A_322 = arith.index_cast %add3A_275 : i32 to index
      %get3A_323 = arith.constant 96 : index
      %get3A_324 = tpu.vector_load %arg11[%get3A_322, %get3A_323] {strides = array<i32>} : memref<80x128xf32, #tpu.memory_space<vmem>>, vector<16xf32>,
      %mul3A_325 = arith.mulf %get3A_324, %gather3A_279 : vector<16xf32>
      %swap3A_326 = arith.index_cast %add3A_275 : i32 to index
      %swap3A_327 = arith.constant 96 : index
      %swap3A_328 = tpu.vector_load %arg11[%swap3A_326, %swap3A_327] {strides = array<i32>} : memref<80x128xf32, #tpu.memory_space<vmem>>, vector<16xf32>,
      tpu.vector_store %arg11[%swap3A_326, %swap3A_327], %mul3A_325 {strides = array<i32>} : memref<80x128xf32, #tpu.memory_space<vmem>>, vector<16xf32>,
      %get3A_329 = arith.index_cast %add3A_275 : i32 to index
      %get3A_330 = arith.constant 112 : index
      %get3A_331 = tpu.vector_load %arg11[%get3A_329, %get3A_330] {strides = array<i32>} : memref<80x128xf32, #tpu.memory_space<vmem>>, vector<16xf32>,
      %mul3A_332 = arith.mulf %get3A_331, %gather3A_279 : vector<16xf32>
      %swap3A_333 = arith.index_cast %add3A_275 : i32 to index
      %swap3A_334 = arith.constant 112 : index
      %swap3A_335 = tpu.vector_load %arg11[%swap3A_333, %swap3A_334] {strides = array<i32>} : memref<80x128xf32, #tpu.memory_space<vmem>>, vector<16xf32>,
      tpu.vector_store %arg11[%swap3A_333, %swap3A_334], %mul3A_332 {strides = array<i32>} : memref<80x128xf32, #tpu.memory_space<vmem>>, vector<16xf32>,
      %mul3A_336 = arith.constant 4 : i32
      %mul3A_337 = arith.muli %scan3A_147, %mul3A_336 : i32
      %add3A_338 = arith.constant 3 : i32
      %add3A_339 = arith.addi %mul3A_337, %add3A_338 : i32
      %add3A_340 = arith.constant 1840 : i32
      %add3A_341 = arith.addi %add3A_340, %add3A_339 : i32
      %broadcast_in_dim3A_342 = vector.broadcast %add3A_341 : i32 to vector<16xi32>
      %gather3A_343 = tpu.vector_load_idx %arg10[%broadcast_in_dim3A_342] : memref<4000xf32, #tpu.memory_space<vmem>>[vector<16xi32>], vector<16xf32>,
      %get3A_344 = arith.index_cast %add3A_339 : i32 to index
      %get3A_345 = arith.constant 0 : index
      %get3A_346 = tpu.vector_load %arg11[%get3A_344, %get3A_345] {strides = array<i32>} : memref<80x128xf32, #tpu.memory_space<vmem>>, vector<16xf32>,
      %mul3A_347 = arith.mulf %get3A_346, %gather3A_343 : vector<16xf32>
      %swap3A_348 = arith.index_cast %add3A_339 : i32 to index
      %swap3A_349 = arith.constant 0 : index
      %swap3A_350 = tpu.vector_load %arg11[%swap3A_348, %swap3A_349] {strides = array<i32>} : memref<80x128xf32, #tpu.memory_space<vmem>>, vector<16xf32>,
      tpu.vector_store %arg11[%swap3A_348, %swap3A_349], %mul3A_347 {strides = array<i32>} : memref<80x128xf32, #tpu.memory_space<vmem>>, vector<16xf32>,
      %get3A_351 = arith.index_cast %add3A_339 : i32 to index
      %get3A_352 = arith.constant 16 : index
      %get3A_353 = tpu.vector_load %arg11[%get3A_351, %get3A_352] {strides = array<i32>} : memref<80x128xf32, #tpu.memory_space<vmem>>, vector<16xf32>,
      %mul3A_354 = arith.mulf %get3A_353, %gather3A_343 : vector<16xf32>
      %swap3A_355 = arith.index_cast %add3A_339 : i32 to index
      %swap3A_356 = arith.constant 16 : index
      %swap3A_357 = tpu.vector_load %arg11[%swap3A_355, %swap3A_356] {strides = array<i32>} : memref<80x128xf32, #tpu.memory_space<vmem>>, vector<16xf32>,
      tpu.vector_store %arg11[%swap3A_355, %swap3A_356], %mul3A_354 {strides = array<i32>} : memref<80x128xf32, #tpu.memory_space<vmem>>, vector<16xf32>,
      %get3A_358 = arith.index_cast %add3A_339 : i32 to index
      %get3A_359 = arith.constant 32 : index
      %get3A_360 = tpu.vector_load %arg11[%get3A_358, %get3A_359] {strides = array<i32>} : memref<80x128xf32, #tpu.memory_space<vmem>>, vector<16xf32>,
      %mul3A_361 = arith.mulf %get3A_360, %gather3A_343 : vector<16xf32>
      %swap3A_362 = arith.index_cast %add3A_339 : i32 to index
      %swap3A_363 = arith.constant 32 : index
      %swap3A_364 = tpu.vector_load %arg11[%swap3A_362, %swap3A_363] {strides = array<i32>} : memref<80x128xf32, #tpu.memory_space<vmem>>, vector<16xf32>,
      tpu.vector_store %arg11[%swap3A_362, %swap3A_363], %mul3A_361 {strides = array<i32>} : memref<80x128xf32, #tpu.memory_space<vmem>>, vector<16xf32>,
      %get3A_365 = arith.index_cast %add3A_339 : i32 to index
      %get3A_366 = arith.constant 48 : index
      %get3A_367 = tpu.vector_load %arg11[%get3A_365, %get3A_366] {strides = array<i32>} : memref<80x128xf32, #tpu.memory_space<vmem>>, vector<16xf32>,
      %mul3A_368 = arith.mulf %get3A_367, %gather3A_343 : vector<16xf32>
      %swap3A_369 = arith.index_cast %add3A_339 : i32 to index
      %swap3A_370 = arith.constant 48 : index
      %swap3A_371 = tpu.vector_load %arg11[%swap3A_369, %swap3A_370] {strides = array<i32>} : memref<80x128xf32, #tpu.memory_space<vmem>>, vector<16xf32>,
      tpu.vector_store %arg11[%swap3A_369, %swap3A_370], %mul3A_368 {strides = array<i32>} : memref<80x128xf32, #tpu.memory_space<vmem>>, vector<16xf32>,
      %get3A_372 = arith.index_cast %add3A_339 : i32 to index
      %get3A_373 = arith.constant 64 : index
      %get3A_374 = tpu.vector_load %arg11[%get3A_372, %get3A_373] {strides = array<i32>} : memref<80x128xf32, #tpu.memory_space<vmem>>, vector<16xf32>,
      %mul3A_375 = arith.mulf %get3A_374, %gather3A_343 : vector<16xf32>
      %swap3A_376 = arith.index_cast %add3A_339 : i32 to index
      %swap3A_377 = arith.constant 64 : index
      %swap3A_378 = tpu.vector_load %arg11[%swap3A_376, %swap3A_377] {strides = array<i32>} : memref<80x128xf32, #tpu.memory_space<vmem>>, vector<16xf32>,
      tpu.vector_store %arg11[%swap3A_376, %swap3A_377], %mul3A_375 {strides = array<i32>} : memref<80x128xf32, #tpu.memory_space<vmem>>, vector<16xf32>,
      %get3A_379 = arith.index_cast %add3A_339 : i32 to index
      %get3A_380 = arith.constant 80 : index
      %get3A_381 = tpu.vector_load %arg11[%get3A_379, %get3A_380] {strides = array<i32>} : memref<80x128xf32, #tpu.memory_space<vmem>>, vector<16xf32>,
      %mul3A_382 = arith.mulf %get3A_381, %gather3A_343 : vector<16xf32>
      %swap3A_383 = arith.index_cast %add3A_339 : i32 to index
      %swap3A_384 = arith.constant 80 : index
      %swap3A_385 = tpu.vector_load %arg11[%swap3A_383, %swap3A_384] {strides = array<i32>} : memref<80x128xf32, #tpu.memory_space<vmem>>, vector<16xf32>,
      tpu.vector_store %arg11[%swap3A_383, %swap3A_384], %mul3A_382 {strides = array<i32>} : memref<80x128xf32, #tpu.memory_space<vmem>>, vector<16xf32>,
      %get3A_386 = arith.index_cast %add3A_339 : i32 to index
      %get3A_387 = arith.constant 96 : index
      %get3A_388 = tpu.vector_load %arg11[%get3A_386, %get3A_387] {strides = array<i32>} : memref<80x128xf32, #tpu.memory_space<vmem>>, vector<16xf32>,
      %mul3A_389 = arith.mulf %get3A_388, %gather3A_343 : vector<16xf32>
      %swap3A_390 = arith.index_cast %add3A_339 : i32 to index
      %swap3A_391 = arith.constant 96 : index
      %swap3A_392 = tpu.vector_load %arg11[%swap3A_390, %swap3A_391] {strides = array<i32>} : memref<80x128xf32, #tpu.memory_space<vmem>>, vector<16xf32>,
      tpu.vector_store %arg11[%swap3A_390, %swap3A_391], %mul3A_389 {strides = array<i32>} : memref<80x128xf32, #tpu.memory_space<vmem>>, vector<16xf32>,
      %get3A_393 = arith.index_cast %add3A_339 : i32 to index
      %get3A_394 = arith.constant 112 : index
      %get3A_395 = tpu.vector_load %arg11[%get3A_393, %get3A_394] {strides = array<i32>} : memref<80x128xf32, #tpu.memory_space<vmem>>, vector<16xf32>,
      %mul3A_396 = arith.mulf %get3A_395, %gather3A_343 : vector<16xf32>
      %swap3A_397 = arith.index_cast %add3A_339 : i32 to index
      %swap3A_398 = arith.constant 112 : index
      %swap3A_399 = tpu.vector_load %arg11[%swap3A_397, %swap3A_398] {strides = array<i32>} : memref<80x128xf32, #tpu.memory_space<vmem>>, vector<16xf32>,
      tpu.vector_store %arg11[%swap3A_397, %swap3A_398], %mul3A_396 {strides = array<i32>} : memref<80x128xf32, #tpu.memory_space<vmem>>, vector<16xf32>,
    }
    %scan3A_73 = arith.constant 20 : i32
    %dma_start3A_74 = arith.constant 0 : i32
    %dma_start3A_75 = arith.constant 23 : i32
    %dma_start3A_76 = arith.constant 0 : i32
    %dma_start3A_77 = arith.constant 0 : i32
    %dma_start3A_78 = tpu.memref_slice %arg9[%dma_start3A_74, %dma_start3A_75, %dma_start3A_76, %dma_start3A_77] : memref<2x25x1x80xi32, #tpu.memory_space<vmem>> -> memref<1x1x1x80xi32, #tpu.memory_space<vmem>>
    %dma_start3A_79 = tpu.memref_squeeze %dma_start3A_78 : memref<1x1x1x80xi32, #tpu.memory_space<vmem>> -> memref<80xi32, #tpu.memory_space<vmem>>
    %dma_start3A_80 = arith.constant 0 : i32
    %dma_start3A_81 = arith.constant 0 : i32
    %dma_start3A_82 = tpu.memref_slice %arg14[%dma_start3A_80, %dma_start3A_81] : memref<10000x128xf32, #tpu.memory_space<vmem_shared>> -> memref<10000x128xf32, #tpu.memory_space<vmem_shared>>
    tpu.enqueue_indirect_dma source(%arg11 : memref<80x128xf32, #tpu.memory_space<vmem>>) target(%dma_start3A_82 : memref<10000x128xf32, #tpu.memory_space<vmem_shared>>) offsets(%dma_start3A_79 : memref<80xi32, #tpu.memory_space<vmem>>) semaphore(%arg18 : memref<!tpu.dma_semaphore, #tpu.memory_space<semaphore_mem>>) {add = true}
    %dma_wait3A_83 = arith.constant 0 : i32
    %dma_wait3A_84 = arith.constant 0 : i32
    %dma_wait3A_85 = tpu.memref_slice %arg12[%dma_wait3A_83, %dma_wait3A_84] : memref<80x128xf32, #tpu.memory_space<vmem>> -> memref<40x128xf32, #tpu.memory_space<vmem>>
    %dma_wait3A_86 = arith.constant 0 : i32
    %dma_wait3A_87 = tpu.memref_slice %arg8[%dma_wait3A_86] : memref<4000xi32, #tpu.memory_space<vmem>> -> memref<40xi32, #tpu.memory_space<vmem>>
    %dma_wait3A_88 = arith.constant 0 : i32
    %dma_wait3A_89 = arith.constant 0 : i32
    %dma_wait3A_90 = tpu.memref_slice %arg2[%dma_wait3A_88, %dma_wait3A_89] : memref<10000x128xf32, #tpu.memory_space<hbm>> -> memref<10000x128xf32, #tpu.memory_space<hbm>>
    tpu.wait_indirect_dma semaphore(%arg16 : memref<!tpu.dma_semaphore, #tpu.memory_space<semaphore_mem>>) src(%dma_wait3A_90 : memref<10000x128xf32, #tpu.memory_space<hbm>>) dst(%dma_wait3A_85 : memref<40x128xf32, #tpu.memory_space<vmem>>)
    %dma_wait3A_91 = arith.constant 40 : i32
    %dma_wait3A_92 = arith.constant 0 : i32
    %dma_wait3A_93 = tpu.memref_slice %arg12[%dma_wait3A_91, %dma_wait3A_92] : memref<80x128xf32, #tpu.memory_space<vmem>> -> memref<40x128xf32, #tpu.memory_space<vmem>>
    %dma_wait3A_94 = arith.constant 0 : i32
    %dma_wait3A_95 = tpu.memref_slice %arg8[%dma_wait3A_94] : memref<4000xi32, #tpu.memory_space<vmem>> -> memref<40xi32, #tpu.memory_space<vmem>>
    %dma_wait3A_96 = arith.constant 0 : i32
    %dma_wait3A_97 = arith.constant 0 : i32
    %dma_wait3A_98 = tpu.memref_slice %arg2[%dma_wait3A_96, %dma_wait3A_97] : memref<10000x128xf32, #tpu.memory_space<hbm>> -> memref<10000x128xf32, #tpu.memory_space<hbm>>
    tpu.wait_indirect_dma semaphore(%arg16 : memref<!tpu.dma_semaphore, #tpu.memory_space<semaphore_mem>>) src(%dma_wait3A_98 : memref<10000x128xf32, #tpu.memory_space<hbm>>) dst(%dma_wait3A_93 : memref<40x128xf32, #tpu.memory_space<vmem>>)
    %scan3A_99 = arith.constant 0 : i32
    %scan3A_100 = arith.constant 0 : i32
    %scan3A_101 = arith.constant 20 : i32
    %scan3A_102 = arith.addi %scan3A_100, %scan3A_101 : i32
    %scan3A_103 = arith.constant 1 : i32
    scf.for %scan3A_147 = %scan3A_100 to %scan3A_102 step %scan3A_103  : i32 {
      %mul3A_148 = arith.constant 4 : i32
      %mul3A_149 = arith.muli %scan3A_147, %mul3A_148 : i32
      %add3A_150 = arith.constant 0 : i32
      %add3A_151 = arith.addi %mul3A_149, %add3A_150 : i32
      %add3A_152 = arith.constant 1920 : i32
      %add3A_153 = arith.addi %add3A_152, %add3A_151 : i32
      %broadcast_in_dim3A = vector.broadcast %add3A_153 : i32 to vector<16xi32>
      %gather3A = tpu.vector_load_idx %arg10[%broadcast_in_dim3A] : memref<4000xf32, #tpu.memory_space<vmem>>[vector<16xi32>], vector<16xf32>,
      %get3A = arith.index_cast %add3A_151 : i32 to index
      %get3A_154 = arith.constant 0 : index
      %get3A_155 = tpu.vector_load %arg12[%get3A, %get3A_154] {strides = array<i32>} : memref<80x128xf32, #tpu.memory_space<vmem>>, vector<16xf32>,
      %mul3A_156 = arith.mulf %get3A_155, %gather3A : vector<16xf32>
      %swap3A = arith.index_cast %add3A_151 : i32 to index
      %swap3A_157 = arith.constant 0 : index
      %swap3A_158 = tpu.vector_load %arg12[%swap3A, %swap3A_157] {strides = array<i32>} : memref<80x128xf32, #tpu.memory_space<vmem>>, vector<16xf32>,
      tpu.vector_store %arg12[%swap3A, %swap3A_157], %mul3A_156 {strides = array<i32>} : memref<80x128xf32, #tpu.memory_space<vmem>>, vector<16xf32>,
      %get3A_159 = arith.index_cast %add3A_151 : i32 to index
      %get3A_160 = arith.constant 16 : index
      %get3A_161 = tpu.vector_load %arg12[%get3A_159, %get3A_160] {strides = array<i32>} : memref<80x128xf32, #tpu.memory_space<vmem>>, vector<16xf32>,
      %mul3A_162 = arith.mulf %get3A_161, %gather3A : vector<16xf32>
      %swap3A_163 = arith.index_cast %add3A_151 : i32 to index
      %swap3A_164 = arith.constant 16 : index
      %swap3A_165 = tpu.vector_load %arg12[%swap3A_163, %swap3A_164] {strides = array<i32>} : memref<80x128xf32, #tpu.memory_space<vmem>>, vector<16xf32>,
      tpu.vector_store %arg12[%swap3A_163, %swap3A_164], %mul3A_162 {strides = array<i32>} : memref<80x128xf32, #tpu.memory_space<vmem>>, vector<16xf32>,
      %get3A_166 = arith.index_cast %add3A_151 : i32 to index
      %get3A_167 = arith.constant 32 : index
      %get3A_168 = tpu.vector_load %arg12[%get3A_166, %get3A_167] {strides = array<i32>} : memref<80x128xf32, #tpu.memory_space<vmem>>, vector<16xf32>,
      %mul3A_169 = arith.mulf %get3A_168, %gather3A : vector<16xf32>
      %swap3A_170 = arith.index_cast %add3A_151 : i32 to index
      %swap3A_171 = arith.constant 32 : index
      %swap3A_172 = tpu.vector_load %arg12[%swap3A_170, %swap3A_171] {strides = array<i32>} : memref<80x128xf32, #tpu.memory_space<vmem>>, vector<16xf32>,
      tpu.vector_store %arg12[%swap3A_170, %swap3A_171], %mul3A_169 {strides = array<i32>} : memref<80x128xf32, #tpu.memory_space<vmem>>, vector<16xf32>,
      %get3A_173 = arith.index_cast %add3A_151 : i32 to index
      %get3A_174 = arith.constant 48 : index
      %get3A_175 = tpu.vector_load %arg12[%get3A_173, %get3A_174] {strides = array<i32>} : memref<80x128xf32, #tpu.memory_space<vmem>>, vector<16xf32>,
      %mul3A_176 = arith.mulf %get3A_175, %gather3A : vector<16xf32>
      %swap3A_177 = arith.index_cast %add3A_151 : i32 to index
      %swap3A_178 = arith.constant 48 : index
      %swap3A_179 = tpu.vector_load %arg12[%swap3A_177, %swap3A_178] {strides = array<i32>} : memref<80x128xf32, #tpu.memory_space<vmem>>, vector<16xf32>,
      tpu.vector_store %arg12[%swap3A_177, %swap3A_178], %mul3A_176 {strides = array<i32>} : memref<80x128xf32, #tpu.memory_space<vmem>>, vector<16xf32>,
      %get3A_180 = arith.index_cast %add3A_151 : i32 to index
      %get3A_181 = arith.constant 64 : index
      %get3A_182 = tpu.vector_load %arg12[%get3A_180, %get3A_181] {strides = array<i32>} : memref<80x128xf32, #tpu.memory_space<vmem>>, vector<16xf32>,
      %mul3A_183 = arith.mulf %get3A_182, %gather3A : vector<16xf32>
      %swap3A_184 = arith.index_cast %add3A_151 : i32 to index
      %swap3A_185 = arith.constant 64 : index
      %swap3A_186 = tpu.vector_load %arg12[%swap3A_184, %swap3A_185] {strides = array<i32>} : memref<80x128xf32, #tpu.memory_space<vmem>>, vector<16xf32>,
      tpu.vector_store %arg12[%swap3A_184, %swap3A_185], %mul3A_183 {strides = array<i32>} : memref<80x128xf32, #tpu.memory_space<vmem>>, vector<16xf32>,
      %get3A_187 = arith.index_cast %add3A_151 : i32 to index
      %get3A_188 = arith.constant 80 : index
      %get3A_189 = tpu.vector_load %arg12[%get3A_187, %get3A_188] {strides = array<i32>} : memref<80x128xf32, #tpu.memory_space<vmem>>, vector<16xf32>,
      %mul3A_190 = arith.mulf %get3A_189, %gather3A : vector<16xf32>
      %swap3A_191 = arith.index_cast %add3A_151 : i32 to index
      %swap3A_192 = arith.constant 80 : index
      %swap3A_193 = tpu.vector_load %arg12[%swap3A_191, %swap3A_192] {strides = array<i32>} : memref<80x128xf32, #tpu.memory_space<vmem>>, vector<16xf32>,
      tpu.vector_store %arg12[%swap3A_191, %swap3A_192], %mul3A_190 {strides = array<i32>} : memref<80x128xf32, #tpu.memory_space<vmem>>, vector<16xf32>,
      %get3A_194 = arith.index_cast %add3A_151 : i32 to index
      %get3A_195 = arith.constant 96 : index
      %get3A_196 = tpu.vector_load %arg12[%get3A_194, %get3A_195] {strides = array<i32>} : memref<80x128xf32, #tpu.memory_space<vmem>>, vector<16xf32>,
      %mul3A_197 = arith.mulf %get3A_196, %gather3A : vector<16xf32>
      %swap3A_198 = arith.index_cast %add3A_151 : i32 to index
      %swap3A_199 = arith.constant 96 : index
      %swap3A_200 = tpu.vector_load %arg12[%swap3A_198, %swap3A_199] {strides = array<i32>} : memref<80x128xf32, #tpu.memory_space<vmem>>, vector<16xf32>,
      tpu.vector_store %arg12[%swap3A_198, %swap3A_199], %mul3A_197 {strides = array<i32>} : memref<80x128xf32, #tpu.memory_space<vmem>>, vector<16xf32>,
      %get3A_201 = arith.index_cast %add3A_151 : i32 to index
      %get3A_202 = arith.constant 112 : index
      %get3A_203 = tpu.vector_load %arg12[%get3A_201, %get3A_202] {strides = array<i32>} : memref<80x128xf32, #tpu.memory_space<vmem>>, vector<16xf32>,
      %mul3A_204 = arith.mulf %get3A_203, %gather3A : vector<16xf32>
      %swap3A_205 = arith.index_cast %add3A_151 : i32 to index
      %swap3A_206 = arith.constant 112 : index
      %swap3A_207 = tpu.vector_load %arg12[%swap3A_205, %swap3A_206] {strides = array<i32>} : memref<80x128xf32, #tpu.memory_space<vmem>>, vector<16xf32>,
      tpu.vector_store %arg12[%swap3A_205, %swap3A_206], %mul3A_204 {strides = array<i32>} : memref<80x128xf32, #tpu.memory_space<vmem>>, vector<16xf32>,
      %mul3A_208 = arith.constant 4 : i32
      %mul3A_209 = arith.muli %scan3A_147, %mul3A_208 : i32
      %add3A_210 = arith.constant 1 : i32
      %add3A_211 = arith.addi %mul3A_209, %add3A_210 : i32
      %add3A_212 = arith.constant 1920 : i32
      %add3A_213 = arith.addi %add3A_212, %add3A_211 : i32
      %broadcast_in_dim3A_214 = vector.broadcast %add3A_213 : i32 to vector<16xi32>
      %gather3A_215 = tpu.vector_load_idx %arg10[%broadcast_in_dim3A_214] : memref<4000xf32, #tpu.memory_space<vmem>>[vector<16xi32>], vector<16xf32>,
      %get3A_216 = arith.index_cast %add3A_211 : i32 to index
      %get3A_217 = arith.constant 0 : index
      %get3A_218 = tpu.vector_load %arg12[%get3A_216, %get3A_217] {strides = array<i32>} : memref<80x128xf32, #tpu.memory_space<vmem>>, vector<16xf32>,
      %mul3A_219 = arith.mulf %get3A_218, %gather3A_215 : vector<16xf32>
      %swap3A_220 = arith.index_cast %add3A_211 : i32 to index
      %swap3A_221 = arith.constant 0 : index
      %swap3A_222 = tpu.vector_load %arg12[%swap3A_220, %swap3A_221] {strides = array<i32>} : memref<80x128xf32, #tpu.memory_space<vmem>>, vector<16xf32>,
      tpu.vector_store %arg12[%swap3A_220, %swap3A_221], %mul3A_219 {strides = array<i32>} : memref<80x128xf32, #tpu.memory_space<vmem>>, vector<16xf32>,
      %get3A_223 = arith.index_cast %add3A_211 : i32 to index
      %get3A_224 = arith.constant 16 : index
      %get3A_225 = tpu.vector_load %arg12[%get3A_223, %get3A_224] {strides = array<i32>} : memref<80x128xf32, #tpu.memory_space<vmem>>, vector<16xf32>,
      %mul3A_226 = arith.mulf %get3A_225, %gather3A_215 : vector<16xf32>
      %swap3A_227 = arith.index_cast %add3A_211 : i32 to index
      %swap3A_228 = arith.constant 16 : index
      %swap3A_229 = tpu.vector_load %arg12[%swap3A_227, %swap3A_228] {strides = array<i32>} : memref<80x128xf32, #tpu.memory_space<vmem>>, vector<16xf32>,
      tpu.vector_store %arg12[%swap3A_227, %swap3A_228], %mul3A_226 {strides = array<i32>} : memref<80x128xf32, #tpu.memory_space<vmem>>, vector<16xf32>,
      %get3A_230 = arith.index_cast %add3A_211 : i32 to index
      %get3A_231 = arith.constant 32 : index
      %get3A_232 = tpu.vector_load %arg12[%get3A_230, %get3A_231] {strides = array<i32>} : memref<80x128xf32, #tpu.memory_space<vmem>>, vector<16xf32>,
      %mul3A_233 = arith.mulf %get3A_232, %gather3A_215 : vector<16xf32>
      %swap3A_234 = arith.index_cast %add3A_211 : i32 to index
      %swap3A_235 = arith.constant 32 : index
      %swap3A_236 = tpu.vector_load %arg12[%swap3A_234, %swap3A_235] {strides = array<i32>} : memref<80x128xf32, #tpu.memory_space<vmem>>, vector<16xf32>,
      tpu.vector_store %arg12[%swap3A_234, %swap3A_235], %mul3A_233 {strides = array<i32>} : memref<80x128xf32, #tpu.memory_space<vmem>>, vector<16xf32>,
      %get3A_237 = arith.index_cast %add3A_211 : i32 to index
      %get3A_238 = arith.constant 48 : index
      %get3A_239 = tpu.vector_load %arg12[%get3A_237, %get3A_238] {strides = array<i32>} : memref<80x128xf32, #tpu.memory_space<vmem>>, vector<16xf32>,
      %mul3A_240 = arith.mulf %get3A_239, %gather3A_215 : vector<16xf32>
      %swap3A_241 = arith.index_cast %add3A_211 : i32 to index
      %swap3A_242 = arith.constant 48 : index
      %swap3A_243 = tpu.vector_load %arg12[%swap3A_241, %swap3A_242] {strides = array<i32>} : memref<80x128xf32, #tpu.memory_space<vmem>>, vector<16xf32>,
      tpu.vector_store %arg12[%swap3A_241, %swap3A_242], %mul3A_240 {strides = array<i32>} : memref<80x128xf32, #tpu.memory_space<vmem>>, vector<16xf32>,
      %get3A_244 = arith.index_cast %add3A_211 : i32 to index
      %get3A_245 = arith.constant 64 : index
      %get3A_246 = tpu.vector_load %arg12[%get3A_244, %get3A_245] {strides = array<i32>} : memref<80x128xf32, #tpu.memory_space<vmem>>, vector<16xf32>,
      %mul3A_247 = arith.mulf %get3A_246, %gather3A_215 : vector<16xf32>
      %swap3A_248 = arith.index_cast %add3A_211 : i32 to index
      %swap3A_249 = arith.constant 64 : index
      %swap3A_250 = tpu.vector_load %arg12[%swap3A_248, %swap3A_249] {strides = array<i32>} : memref<80x128xf32, #tpu.memory_space<vmem>>, vector<16xf32>,
      tpu.vector_store %arg12[%swap3A_248, %swap3A_249], %mul3A_247 {strides = array<i32>} : memref<80x128xf32, #tpu.memory_space<vmem>>, vector<16xf32>,
      %get3A_251 = arith.index_cast %add3A_211 : i32 to index
      %get3A_252 = arith.constant 80 : index
      %get3A_253 = tpu.vector_load %arg12[%get3A_251, %get3A_252] {strides = array<i32>} : memref<80x128xf32, #tpu.memory_space<vmem>>, vector<16xf32>,
      %mul3A_254 = arith.mulf %get3A_253, %gather3A_215 : vector<16xf32>
      %swap3A_255 = arith.index_cast %add3A_211 : i32 to index
      %swap3A_256 = arith.constant 80 : index
      %swap3A_257 = tpu.vector_load %arg12[%swap3A_255, %swap3A_256] {strides = array<i32>} : memref<80x128xf32, #tpu.memory_space<vmem>>, vector<16xf32>,
      tpu.vector_store %arg12[%swap3A_255, %swap3A_256], %mul3A_254 {strides = array<i32>} : memref<80x128xf32, #tpu.memory_space<vmem>>, vector<16xf32>,
      %get3A_258 = arith.index_cast %add3A_211 : i32 to index
      %get3A_259 = arith.constant 96 : index
      %get3A_260 = tpu.vector_load %arg12[%get3A_258, %get3A_259] {strides = array<i32>} : memref<80x128xf32, #tpu.memory_space<vmem>>, vector<16xf32>,
      %mul3A_261 = arith.mulf %get3A_260, %gather3A_215 : vector<16xf32>
      %swap3A_262 = arith.index_cast %add3A_211 : i32 to index
      %swap3A_263 = arith.constant 96 : index
      %swap3A_264 = tpu.vector_load %arg12[%swap3A_262, %swap3A_263] {strides = array<i32>} : memref<80x128xf32, #tpu.memory_space<vmem>>, vector<16xf32>,
      tpu.vector_store %arg12[%swap3A_262, %swap3A_263], %mul3A_261 {strides = array<i32>} : memref<80x128xf32, #tpu.memory_space<vmem>>, vector<16xf32>,
      %get3A_265 = arith.index_cast %add3A_211 : i32 to index
      %get3A_266 = arith.constant 112 : index
      %get3A_267 = tpu.vector_load %arg12[%get3A_265, %get3A_266] {strides = array<i32>} : memref<80x128xf32, #tpu.memory_space<vmem>>, vector<16xf32>,
      %mul3A_268 = arith.mulf %get3A_267, %gather3A_215 : vector<16xf32>
      %swap3A_269 = arith.index_cast %add3A_211 : i32 to index
      %swap3A_270 = arith.constant 112 : index
      %swap3A_271 = tpu.vector_load %arg12[%swap3A_269, %swap3A_270] {strides = array<i32>} : memref<80x128xf32, #tpu.memory_space<vmem>>, vector<16xf32>,
      tpu.vector_store %arg12[%swap3A_269, %swap3A_270], %mul3A_268 {strides = array<i32>} : memref<80x128xf32, #tpu.memory_space<vmem>>, vector<16xf32>,
      %mul3A_272 = arith.constant 4 : i32
      %mul3A_273 = arith.muli %scan3A_147, %mul3A_272 : i32
      %add3A_274 = arith.constant 2 : i32
      %add3A_275 = arith.addi %mul3A_273, %add3A_274 : i32
      %add3A_276 = arith.constant 1920 : i32
      %add3A_277 = arith.addi %add3A_276, %add3A_275 : i32
      %broadcast_in_dim3A_278 = vector.broadcast %add3A_277 : i32 to vector<16xi32>
      %gather3A_279 = tpu.vector_load_idx %arg10[%broadcast_in_dim3A_278] : memref<4000xf32, #tpu.memory_space<vmem>>[vector<16xi32>], vector<16xf32>,
      %get3A_280 = arith.index_cast %add3A_275 : i32 to index
      %get3A_281 = arith.constant 0 : index
      %get3A_282 = tpu.vector_load %arg12[%get3A_280, %get3A_281] {strides = array<i32>} : memref<80x128xf32, #tpu.memory_space<vmem>>, vector<16xf32>,
      %mul3A_283 = arith.mulf %get3A_282, %gather3A_279 : vector<16xf32>
      %swap3A_284 = arith.index_cast %add3A_275 : i32 to index
      %swap3A_285 = arith.constant 0 : index
      %swap3A_286 = tpu.vector_load %arg12[%swap3A_284, %swap3A_285] {strides = array<i32>} : memref<80x128xf32, #tpu.memory_space<vmem>>, vector<16xf32>,
      tpu.vector_store %arg12[%swap3A_284, %swap3A_285], %mul3A_283 {strides = array<i32>} : memref<80x128xf32, #tpu.memory_space<vmem>>, vector<16xf32>,
      %get3A_287 = arith.index_cast %add3A_275 : i32 to index
      %get3A_288 = arith.constant 16 : index
      %get3A_289 = tpu.vector_load %arg12[%get3A_287, %get3A_288] {strides = array<i32>} : memref<80x128xf32, #tpu.memory_space<vmem>>, vector<16xf32>,
      %mul3A_290 = arith.mulf %get3A_289, %gather3A_279 : vector<16xf32>
      %swap3A_291 = arith.index_cast %add3A_275 : i32 to index
      %swap3A_292 = arith.constant 16 : index
      %swap3A_293 = tpu.vector_load %arg12[%swap3A_291, %swap3A_292] {strides = array<i32>} : memref<80x128xf32, #tpu.memory_space<vmem>>, vector<16xf32>,
      tpu.vector_store %arg12[%swap3A_291, %swap3A_292], %mul3A_290 {strides = array<i32>} : memref<80x128xf32, #tpu.memory_space<vmem>>, vector<16xf32>,
      %get3A_294 = arith.index_cast %add3A_275 : i32 to index
      %get3A_295 = arith.constant 32 : index
      %get3A_296 = tpu.vector_load %arg12[%get3A_294, %get3A_295] {strides = array<i32>} : memref<80x128xf32, #tpu.memory_space<vmem>>, vector<16xf32>,
      %mul3A_297 = arith.mulf %get3A_296, %gather3A_279 : vector<16xf32>
      %swap3A_298 = arith.index_cast %add3A_275 : i32 to index
      %swap3A_299 = arith.constant 32 : index
      %swap3A_300 = tpu.vector_load %arg12[%swap3A_298, %swap3A_299] {strides = array<i32>} : memref<80x128xf32, #tpu.memory_space<vmem>>, vector<16xf32>,
      tpu.vector_store %arg12[%swap3A_298, %swap3A_299], %mul3A_297 {strides = array<i32>} : memref<80x128xf32, #tpu.memory_space<vmem>>, vector<16xf32>,
      %get3A_301 = arith.index_cast %add3A_275 : i32 to index
      %get3A_302 = arith.constant 48 : index
      %get3A_303 = tpu.vector_load %arg12[%get3A_301, %get3A_302] {strides = array<i32>} : memref<80x128xf32, #tpu.memory_space<vmem>>, vector<16xf32>,
      %mul3A_304 = arith.mulf %get3A_303, %gather3A_279 : vector<16xf32>
      %swap3A_305 = arith.index_cast %add3A_275 : i32 to index
      %swap3A_306 = arith.constant 48 : index
      %swap3A_307 = tpu.vector_load %arg12[%swap3A_305, %swap3A_306] {strides = array<i32>} : memref<80x128xf32, #tpu.memory_space<vmem>>, vector<16xf32>,
      tpu.vector_store %arg12[%swap3A_305, %swap3A_306], %mul3A_304 {strides = array<i32>} : memref<80x128xf32, #tpu.memory_space<vmem>>, vector<16xf32>,
      %get3A_308 = arith.index_cast %add3A_275 : i32 to index
      %get3A_309 = arith.constant 64 : index
      %get3A_310 = tpu.vector_load %arg12[%get3A_308, %get3A_309] {strides = array<i32>} : memref<80x128xf32, #tpu.memory_space<vmem>>, vector<16xf32>,
      %mul3A_311 = arith.mulf %get3A_310, %gather3A_279 : vector<16xf32>
      %swap3A_312 = arith.index_cast %add3A_275 : i32 to index
      %swap3A_313 = arith.constant 64 : index
      %swap3A_314 = tpu.vector_load %arg12[%swap3A_312, %swap3A_313] {strides = array<i32>} : memref<80x128xf32, #tpu.memory_space<vmem>>, vector<16xf32>,
      tpu.vector_store %arg12[%swap3A_312, %swap3A_313], %mul3A_311 {strides = array<i32>} : memref<80x128xf32, #tpu.memory_space<vmem>>, vector<16xf32>,
      %get3A_315 = arith.index_cast %add3A_275 : i32 to index
      %get3A_316 = arith.constant 80 : index
      %get3A_317 = tpu.vector_load %arg12[%get3A_315, %get3A_316] {strides = array<i32>} : memref<80x128xf32, #tpu.memory_space<vmem>>, vector<16xf32>,
      %mul3A_318 = arith.mulf %get3A_317, %gather3A_279 : vector<16xf32>
      %swap3A_319 = arith.index_cast %add3A_275 : i32 to index
      %swap3A_320 = arith.constant 80 : index
      %swap3A_321 = tpu.vector_load %arg12[%swap3A_319, %swap3A_320] {strides = array<i32>} : memref<80x128xf32, #tpu.memory_space<vmem>>, vector<16xf32>,
      tpu.vector_store %arg12[%swap3A_319, %swap3A_320], %mul3A_318 {strides = array<i32>} : memref<80x128xf32, #tpu.memory_space<vmem>>, vector<16xf32>,
      %get3A_322 = arith.index_cast %add3A_275 : i32 to index
      %get3A_323 = arith.constant 96 : index
      %get3A_324 = tpu.vector_load %arg12[%get3A_322, %get3A_323] {strides = array<i32>} : memref<80x128xf32, #tpu.memory_space<vmem>>, vector<16xf32>,
      %mul3A_325 = arith.mulf %get3A_324, %gather3A_279 : vector<16xf32>
      %swap3A_326 = arith.index_cast %add3A_275 : i32 to index
      %swap3A_327 = arith.constant 96 : index
      %swap3A_328 = tpu.vector_load %arg12[%swap3A_326, %swap3A_327] {strides = array<i32>} : memref<80x128xf32, #tpu.memory_space<vmem>>, vector<16xf32>,
      tpu.vector_store %arg12[%swap3A_326, %swap3A_327], %mul3A_325 {strides = array<i32>} : memref<80x128xf32, #tpu.memory_space<vmem>>, vector<16xf32>,
      %get3A_329 = arith.index_cast %add3A_275 : i32 to index
      %get3A_330 = arith.constant 112 : index
      %get3A_331 = tpu.vector_load %arg12[%get3A_329, %get3A_330] {strides = array<i32>} : memref<80x128xf32, #tpu.memory_space<vmem>>, vector<16xf32>,
      %mul3A_332 = arith.mulf %get3A_331, %gather3A_279 : vector<16xf32>
      %swap3A_333 = arith.index_cast %add3A_275 : i32 to index
      %swap3A_334 = arith.constant 112 : index
      %swap3A_335 = tpu.vector_load %arg12[%swap3A_333, %swap3A_334] {strides = array<i32>} : memref<80x128xf32, #tpu.memory_space<vmem>>, vector<16xf32>,
      tpu.vector_store %arg12[%swap3A_333, %swap3A_334], %mul3A_332 {strides = array<i32>} : memref<80x128xf32, #tpu.memory_space<vmem>>, vector<16xf32>,
      %mul3A_336 = arith.constant 4 : i32
      %mul3A_337 = arith.muli %scan3A_147, %mul3A_336 : i32
      %add3A_338 = arith.constant 3 : i32
      %add3A_339 = arith.addi %mul3A_337, %add3A_338 : i32
      %add3A_340 = arith.constant 1920 : i32
      %add3A_341 = arith.addi %add3A_340, %add3A_339 : i32
      %broadcast_in_dim3A_342 = vector.broadcast %add3A_341 : i32 to vector<16xi32>
      %gather3A_343 = tpu.vector_load_idx %arg10[%broadcast_in_dim3A_342] : memref<4000xf32, #tpu.memory_space<vmem>>[vector<16xi32>], vector<16xf32>,
      %get3A_344 = arith.index_cast %add3A_339 : i32 to index
      %get3A_345 = arith.constant 0 : index
      %get3A_346 = tpu.vector_load %arg12[%get3A_344, %get3A_345] {strides = array<i32>} : memref<80x128xf32, #tpu.memory_space<vmem>>, vector<16xf32>,
      %mul3A_347 = arith.mulf %get3A_346, %gather3A_343 : vector<16xf32>
      %swap3A_348 = arith.index_cast %add3A_339 : i32 to index
      %swap3A_349 = arith.constant 0 : index
      %swap3A_350 = tpu.vector_load %arg12[%swap3A_348, %swap3A_349] {strides = array<i32>} : memref<80x128xf32, #tpu.memory_space<vmem>>, vector<16xf32>,
      tpu.vector_store %arg12[%swap3A_348, %swap3A_349], %mul3A_347 {strides = array<i32>} : memref<80x128xf32, #tpu.memory_space<vmem>>, vector<16xf32>,
      %get3A_351 = arith.index_cast %add3A_339 : i32 to index
      %get3A_352 = arith.constant 16 : index
      %get3A_353 = tpu.vector_load %arg12[%get3A_351, %get3A_352] {strides = array<i32>} : memref<80x128xf32, #tpu.memory_space<vmem>>, vector<16xf32>,
      %mul3A_354 = arith.mulf %get3A_353, %gather3A_343 : vector<16xf32>
      %swap3A_355 = arith.index_cast %add3A_339 : i32 to index
      %swap3A_356 = arith.constant 16 : index
      %swap3A_357 = tpu.vector_load %arg12[%swap3A_355, %swap3A_356] {strides = array<i32>} : memref<80x128xf32, #tpu.memory_space<vmem>>, vector<16xf32>,
      tpu.vector_store %arg12[%swap3A_355, %swap3A_356], %mul3A_354 {strides = array<i32>} : memref<80x128xf32, #tpu.memory_space<vmem>>, vector<16xf32>,
      %get3A_358 = arith.index_cast %add3A_339 : i32 to index
      %get3A_359 = arith.constant 32 : index
      %get3A_360 = tpu.vector_load %arg12[%get3A_358, %get3A_359] {strides = array<i32>} : memref<80x128xf32, #tpu.memory_space<vmem>>, vector<16xf32>,
      %mul3A_361 = arith.mulf %get3A_360, %gather3A_343 : vector<16xf32>
      %swap3A_362 = arith.index_cast %add3A_339 : i32 to index
      %swap3A_363 = arith.constant 32 : index
      %swap3A_364 = tpu.vector_load %arg12[%swap3A_362, %swap3A_363] {strides = array<i32>} : memref<80x128xf32, #tpu.memory_space<vmem>>, vector<16xf32>,
      tpu.vector_store %arg12[%swap3A_362, %swap3A_363], %mul3A_361 {strides = array<i32>} : memref<80x128xf32, #tpu.memory_space<vmem>>, vector<16xf32>,
      %get3A_365 = arith.index_cast %add3A_339 : i32 to index
      %get3A_366 = arith.constant 48 : index
      %get3A_367 = tpu.vector_load %arg12[%get3A_365, %get3A_366] {strides = array<i32>} : memref<80x128xf32, #tpu.memory_space<vmem>>, vector<16xf32>,
      %mul3A_368 = arith.mulf %get3A_367, %gather3A_343 : vector<16xf32>
      %swap3A_369 = arith.index_cast %add3A_339 : i32 to index
      %swap3A_370 = arith.constant 48 : index
      %swap3A_371 = tpu.vector_load %arg12[%swap3A_369, %swap3A_370] {strides = array<i32>} : memref<80x128xf32, #tpu.memory_space<vmem>>, vector<16xf32>,
      tpu.vector_store %arg12[%swap3A_369, %swap3A_370], %mul3A_368 {strides = array<i32>} : memref<80x128xf32, #tpu.memory_space<vmem>>, vector<16xf32>,
      %get3A_372 = arith.index_cast %add3A_339 : i32 to index
      %get3A_373 = arith.constant 64 : index
      %get3A_374 = tpu.vector_load %arg12[%get3A_372, %get3A_373] {strides = array<i32>} : memref<80x128xf32, #tpu.memory_space<vmem>>, vector<16xf32>,
      %mul3A_375 = arith.mulf %get3A_374, %gather3A_343 : vector<16xf32>
      %swap3A_376 = arith.index_cast %add3A_339 : i32 to index
      %swap3A_377 = arith.constant 64 : index
      %swap3A_378 = tpu.vector_load %arg12[%swap3A_376, %swap3A_377] {strides = array<i32>} : memref<80x128xf32, #tpu.memory_space<vmem>>, vector<16xf32>,
      tpu.vector_store %arg12[%swap3A_376, %swap3A_377], %mul3A_375 {strides = array<i32>} : memref<80x128xf32, #tpu.memory_space<vmem>>, vector<16xf32>,
      %get3A_379 = arith.index_cast %add3A_339 : i32 to index
      %get3A_380 = arith.constant 80 : index
      %get3A_381 = tpu.vector_load %arg12[%get3A_379, %get3A_380] {strides = array<i32>} : memref<80x128xf32, #tpu.memory_space<vmem>>, vector<16xf32>,
      %mul3A_382 = arith.mulf %get3A_381, %gather3A_343 : vector<16xf32>
      %swap3A_383 = arith.index_cast %add3A_339 : i32 to index
      %swap3A_384 = arith.constant 80 : index
      %swap3A_385 = tpu.vector_load %arg12[%swap3A_383, %swap3A_384] {strides = array<i32>} : memref<80x128xf32, #tpu.memory_space<vmem>>, vector<16xf32>,
      tpu.vector_store %arg12[%swap3A_383, %swap3A_384], %mul3A_382 {strides = array<i32>} : memref<80x128xf32, #tpu.memory_space<vmem>>, vector<16xf32>,
      %get3A_386 = arith.index_cast %add3A_339 : i32 to index
      %get3A_387 = arith.constant 96 : index
      %get3A_388 = tpu.vector_load %arg12[%get3A_386, %get3A_387] {strides = array<i32>} : memref<80x128xf32, #tpu.memory_space<vmem>>, vector<16xf32>,
      %mul3A_389 = arith.mulf %get3A_388, %gather3A_343 : vector<16xf32>
      %swap3A_390 = arith.index_cast %add3A_339 : i32 to index
      %swap3A_391 = arith.constant 96 : index
      %swap3A_392 = tpu.vector_load %arg12[%swap3A_390, %swap3A_391] {strides = array<i32>} : memref<80x128xf32, #tpu.memory_space<vmem>>, vector<16xf32>,
      tpu.vector_store %arg12[%swap3A_390, %swap3A_391], %mul3A_389 {strides = array<i32>} : memref<80x128xf32, #tpu.memory_space<vmem>>, vector<16xf32>,
      %get3A_393 = arith.index_cast %add3A_339 : i32 to index
      %get3A_394 = arith.constant 112 : index
      %get3A_395 = tpu.vector_load %arg12[%get3A_393, %get3A_394] {strides = array<i32>} : memref<80x128xf32, #tpu.memory_space<vmem>>, vector<16xf32>,
      %mul3A_396 = arith.mulf %get3A_395, %gather3A_343 : vector<16xf32>
      %swap3A_397 = arith.index_cast %add3A_339 : i32 to index
      %swap3A_398 = arith.constant 112 : index
      %swap3A_399 = tpu.vector_load %arg12[%swap3A_397, %swap3A_398] {strides = array<i32>} : memref<80x128xf32, #tpu.memory_space<vmem>>, vector<16xf32>,
      tpu.vector_store %arg12[%swap3A_397, %swap3A_398], %mul3A_396 {strides = array<i32>} : memref<80x128xf32, #tpu.memory_space<vmem>>, vector<16xf32>,
    }
    %scan3A_104 = arith.constant 20 : i32
    %dma_start3A_105 = arith.constant 0 : i32
    %dma_start3A_106 = arith.constant 24 : i32
    %dma_start3A_107 = arith.constant 0 : i32
    %dma_start3A_108 = arith.constant 0 : i32
    %dma_start3A_109 = tpu.memref_slice %arg9[%dma_start3A_105, %dma_start3A_106, %dma_start3A_107, %dma_start3A_108] : memref<2x25x1x80xi32, #tpu.memory_space<vmem>> -> memref<1x1x1x80xi32, #tpu.memory_space<vmem>>
    %dma_start3A_110 = tpu.memref_squeeze %dma_start3A_109 : memref<1x1x1x80xi32, #tpu.memory_space<vmem>> -> memref<80xi32, #tpu.memory_space<vmem>>
    %dma_start3A_111 = arith.constant 0 : i32
    %dma_start3A_112 = arith.constant 0 : i32
    %dma_start3A_113 = tpu.memref_slice %arg14[%dma_start3A_111, %dma_start3A_112] : memref<10000x128xf32, #tpu.memory_space<vmem_shared>> -> memref<10000x128xf32, #tpu.memory_space<vmem_shared>>
    tpu.enqueue_indirect_dma source(%arg12 : memref<80x128xf32, #tpu.memory_space<vmem>>) target(%dma_start3A_113 : memref<10000x128xf32, #tpu.memory_space<vmem_shared>>) offsets(%dma_start3A_110 : memref<80xi32, #tpu.memory_space<vmem>>) semaphore(%arg19 : memref<!tpu.dma_semaphore, #tpu.memory_space<semaphore_mem>>) {add = true}
    %dma_wait3A_114 = arith.constant 0 : i32
    %dma_wait3A_115 = arith.constant 0 : i32
    %dma_wait3A_116 = arith.constant 0 : i32
    %dma_wait3A_117 = arith.constant 0 : i32
    %dma_wait3A_118 = tpu.memref_slice %arg9[%dma_wait3A_114, %dma_wait3A_115, %dma_wait3A_116, %dma_wait3A_117] : memref<2x25x1x80xi32, #tpu.memory_space<vmem>> -> memref<1x1x1x80xi32, #tpu.memory_space<vmem>>
    %dma_wait3A_119 = tpu.memref_squeeze %dma_wait3A_118 : memref<1x1x1x80xi32, #tpu.memory_space<vmem>> -> memref<80xi32, #tpu.memory_space<vmem>>
    %dma_wait3A_120 = arith.constant 0 : i32
    %dma_wait3A_121 = arith.constant 0 : i32
    %dma_wait3A_122 = tpu.memref_slice %arg14[%dma_wait3A_120, %dma_wait3A_121] : memref<10000x128xf32, #tpu.memory_space<vmem_shared>> -> memref<10000x128xf32, #tpu.memory_space<vmem_shared>>
    tpu.wait_indirect_dma semaphore(%arg20 : memref<!tpu.dma_semaphore, #tpu.memory_space<semaphore_mem>>) src(%arg13 : memref<80x128xf32, #tpu.memory_space<vmem>>) dst(%dma_wait3A_122 : memref<10000x128xf32, #tpu.memory_space<vmem_shared>>)
    %dma_wait3A_123 = arith.constant 0 : i32
    %dma_wait3A_124 = arith.constant 0 : i32
    %dma_wait3A_125 = arith.constant 0 : i32
    %dma_wait3A_126 = arith.constant 0 : i32
    %dma_wait3A_127 = tpu.memref_slice %arg9[%dma_wait3A_123, %dma_wait3A_124, %dma_wait3A_125, %dma_wait3A_126] : memref<2x25x1x80xi32, #tpu.memory_space<vmem>> -> memref<1x1x1x80xi32, #tpu.memory_space<vmem>>
    %dma_wait3A_128 = tpu.memref_squeeze %dma_wait3A_127 : memref<1x1x1x80xi32, #tpu.memory_space<vmem>> -> memref<80xi32, #tpu.memory_space<vmem>>
    %dma_wait3A_129 = arith.constant 0 : i32
    %dma_wait3A_130 = arith.constant 0 : i32
    %dma_wait3A_131 = tpu.memref_slice %arg14[%dma_wait3A_129, %dma_wait3A_130] : memref<10000x128xf32, #tpu.memory_space<vmem_shared>> -> memref<10000x128xf32, #tpu.memory_space<vmem_shared>>
    tpu.wait_indirect_dma semaphore(%arg18 : memref<!tpu.dma_semaphore, #tpu.memory_space<semaphore_mem>>) src(%arg11 : memref<80x128xf32, #tpu.memory_space<vmem>>) dst(%dma_wait3A_131 : memref<10000x128xf32, #tpu.memory_space<vmem_shared>>)
    %dma_wait3A_132 = arith.constant 0 : i32
    %dma_wait3A_133 = arith.constant 0 : i32
    %dma_wait3A_134 = arith.constant 0 : i32
    %dma_wait3A_135 = arith.constant 0 : i32
    %dma_wait3A_136 = tpu.memref_slice %arg9[%dma_wait3A_132, %dma_wait3A_133, %dma_wait3A_134, %dma_wait3A_135] : memref<2x25x1x80xi32, #tpu.memory_space<vmem>> -> memref<1x1x1x80xi32, #tpu.memory_space<vmem>>
    %dma_wait3A_137 = tpu.memref_squeeze %dma_wait3A_136 : memref<1x1x1x80xi32, #tpu.memory_space<vmem>> -> memref<80xi32, #tpu.memory_space<vmem>>
    %dma_wait3A_138 = arith.constant 0 : i32
    %dma_wait3A_139 = arith.constant 0 : i32
    %dma_wait3A_140 = tpu.memref_slice %arg14[%dma_wait3A_138, %dma_wait3A_139] : memref<10000x128xf32, #tpu.memory_space<vmem_shared>> -> memref<10000x128xf32, #tpu.memory_space<vmem_shared>>
    tpu.wait_indirect_dma semaphore(%arg19 : memref<!tpu.dma_semaphore, #tpu.memory_space<semaphore_mem>>) src(%arg12 : memref<80x128xf32, #tpu.memory_space<vmem>>) dst(%dma_wait3A_140 : memref<10000x128xf32, #tpu.memory_space<vmem_shared>>)
    %barrier3A_141 = arith.constant 0 : index
    tpu.barrier barrier_id(%barrier3A_141)
    "tpu.region"() ({
      %run_scoped3A_147 = tpu.sem_alloc : memref<!tpu.dma_semaphore, #tpu.memory_space<semaphore_mem>>
      %dma_start3A_148 = arith.constant 0 : i32
      %dma_start3A_149 = tpu.memref_slice %arg7[%arg0, %mul3A_3, %dma_start3A_148] : memref<2x10000x128xf32, #tpu.memory_space<hbm>> -> memref<1x624x128xf32, #tpu.memory_space<hbm>>
      %dma_start3A_150 = tpu.memref_squeeze %dma_start3A_149 : memref<1x624x128xf32, #tpu.memory_space<hbm>> -> memref<624x128xf32, #tpu.memory_space<hbm>>
      %dma_start3A_151 = arith.constant 0 : i32
      %dma_start3A_152 = tpu.memref_slice %arg14[%mul3A_3, %dma_start3A_151] : memref<10000x128xf32, #tpu.memory_space<vmem_shared>> -> memref<624x128xf32, #tpu.memory_space<vmem_shared>>
      tpu.enqueue_dma source(%dma_start3A_152 : memref<624x128xf32, #tpu.memory_space<vmem_shared>>) target(%dma_start3A_150 : memref<624x128xf32, #tpu.memory_space<hbm>>) target_semaphore(%run_scoped3A_147 : memref<!tpu.dma_semaphore, #tpu.memory_space<semaphore_mem>>)
      %dma_wait3A_153 = arith.constant 0 : i32
      %dma_wait3A_154 = tpu.memref_slice %arg7[%arg0, %mul3A_3, %dma_wait3A_153] : memref<2x10000x128xf32, #tpu.memory_space<hbm>> -> memref<1x624x128xf32, #tpu.memory_space<hbm>>
      %dma_wait3A_155 = tpu.memref_squeeze %dma_wait3A_154 : memref<1x624x128xf32, #tpu.memory_space<hbm>> -> memref<624x128xf32, #tpu.memory_space<hbm>>
      %dma_wait3A_156 = arith.constant 0 : i32
      %dma_wait3A_157 = tpu.memref_slice %arg14[%mul3A_3, %dma_wait3A_156] : memref<10000x128xf32, #tpu.memory_space<vmem_shared>> -> memref<624x128xf32, #tpu.memory_space<vmem_shared>>
      tpu.wait_dma2 semaphore(%run_scoped3A_147 : memref<!tpu.dma_semaphore, #tpu.memory_space<semaphore_mem>>) src(%dma_wait3A_157 : memref<624x128xf32, #tpu.memory_space<vmem_shared>>) dst(%dma_wait3A_155 : memref<624x128xf32, #tpu.memory_space<hbm>>)
      tpu.yield
    }) : () -> ()
    %lt3A_142 = arith.constant 2 : i32
    %lt3A_143 = arith.cmpi slt, %arg1, %lt3A_142 : i32
    %convert_element_type3A_144 = arith.extui %lt3A_143 : i1 to i32
    %cond3A_145 = arith.constant 0 : i32
    %cond3A_146 = arith.cmpi ne, %convert_element_type3A_144, %cond3A_145 : i32
    scf.if %cond3A_146 {
      %add3A_147 = arith.constant 624 : i32
      %add3A_148 = arith.addi %mul3A_3, %add3A_147 : i32
      %add3A_149 = arith.constant 624 : i32
      %add3A_150 = arith.addi %mul3A_3, %add3A_149 : i32
      "tpu.region"() ({
        %run_scoped3A_151 = tpu.sem_alloc : memref<!tpu.dma_semaphore, #tpu.memory_space<semaphore_mem>>
        %dma_start3A_152 = arith.constant 0 : i32
        %dma_start3A_153 = tpu.memref_slice %arg7[%arg0, %add3A_150, %dma_start3A_152] : memref<2x10000x128xf32, #tpu.memory_space<hbm>> -> memref<1x8x128xf32, #tpu.memory_space<hbm>>
        %dma_start3A_154 = tpu.memref_squeeze %dma_start3A_153 : memref<1x8x128xf32, #tpu.memory_space<hbm>> -> memref<8x128xf32, #tpu.memory_space<hbm>>
        %dma_start3A_155 = arith.constant 0 : i32
        %dma_start3A_156 = tpu.memref_slice %arg14[%add3A_148, %dma_start3A_155] : memref<10000x128xf32, #tpu.memory_space<vmem_shared>> -> memref<8x128xf32, #tpu.memory_space<vmem_shared>>
        tpu.enqueue_dma source(%dma_start3A_156 : memref<8x128xf32, #tpu.memory_space<vmem_shared>>) target(%dma_start3A_154 : memref<8x128xf32, #tpu.memory_space<hbm>>) target_semaphore(%run_scoped3A_151 : memref<!tpu.dma_semaphore, #tpu.memory_space<semaphore_mem>>)
        %dma_wait3A_157 = arith.constant 0 : i32
        %dma_wait3A_158 = tpu.memref_slice %arg7[%arg0, %add3A_150, %dma_wait3A_157] : memref<2x10000x128xf32, #tpu.memory_space<hbm>> -> memref<1x8x128xf32, #tpu.memory_space<hbm>>
        %dma_wait3A_159 = tpu.memref_squeeze %dma_wait3A_158 : memref<1x8x128xf32, #tpu.memory_space<hbm>> -> memref<8x128xf32, #tpu.memory_space<hbm>>
        %dma_wait3A_160 = arith.constant 0 : i32
        %dma_wait3A_161 = tpu.memref_slice %arg14[%add3A_148, %dma_wait3A_160] : memref<10000x128xf32, #tpu.memory_space<vmem_shared>> -> memref<8x128xf32, #tpu.memory_space<vmem_shared>>
        tpu.wait_dma2 semaphore(%run_scoped3A_151 : memref<!tpu.dma_semaphore, #tpu.memory_space<semaphore_mem>>) src(%dma_wait3A_161 : memref<8x128xf32, #tpu.memory_space<vmem_shared>>) dst(%dma_wait3A_159 : memref<8x128xf32, #tpu.memory_space<hbm>>)
        tpu.yield
      }) : () -> ()
    } else {
    }
    return
  }
}

module attributes {stable_mosaic.version = 14 : i64} {
  func.func @_linear_body(%arg0: i32, %arg1: memref<1000x128xf32, #tpu.memory_space<vmem>>, %arg2: memref<128x128xf32, #tpu.memory_space<vmem>>, %arg3: memref<1x128xf32, #tpu.memory_space<vmem>>, %arg4: memref<1000x128xf32, #tpu.memory_space<vmem>>) attributes {dimension_semantics = [#tpu.dimension_semantics<arbitrary>], iteration_bounds = array<i64: 10>, scalar_prefetch = 0 : i64, scratch_operands = 0 : i64, tpu.core_type = #tpu.core_type<tc>, window_params = [{transform_indices = @transform_0, window_bounds = array<i64: 1000, 128>}, {pipeline_mode = #tpu.pipeline_mode<synchronous>, transform_indices = @transform_1, window_bounds = array<i64: 128, 128>}, {pipeline_mode = #tpu.pipeline_mode<synchronous>, transform_indices = @transform_2, window_bounds = array<i64: 1, 128>}, {transform_indices = @transform_3, window_bounds = array<i64: 1000, 128>}]} {
    %get3A = arith.constant 0 : index
    %get3A_0 = arith.constant 0 : index
    %get3A_1 = vector.load %arg1[%get3A, %get3A_0] : memref<1000x128xf32, #tpu.memory_space<vmem>>, vector<1000x128xf32>
    %get3A_2 = arith.constant 0 : index
    %get3A_3 = arith.constant 0 : index
    %get3A_4 = vector.load %arg2[%get3A_2, %get3A_3] : memref<128x128xf32, #tpu.memory_space<vmem>>, vector<128x128xf32>
    %dot_general3A = arith.constant dense<0.000000e+00> : vector<1000x128xf32>
    %dot_general3A_5 = tpu.matmul %get3A_1, %get3A_4, %dot_general3A {dimension_numbers = #tpu.dot_dimension_numbers<[1], [1], [0], [0], [0, 0, 1, 0], [], []>, transpose_lhs_hint = false} : vector<1000x128xf32>, vector<128x128xf32>, vector<1000x128xf32> -> vector<1000x128xf32>
    %get3A_6 = arith.constant 0 : index
    %get3A_7 = arith.constant 0 : index
    %get3A_8 = vector.load %arg3[%get3A_6, %get3A_7] : memref<1x128xf32, #tpu.memory_space<vmem>>, vector<1x128xf32>
    %add3A = vector.broadcast %get3A_8 : vector<1x128xf32> to vector<1000x128xf32>
    %add3A_9 = arith.addf %dot_general3A_5, %add3A : vector<1000x128xf32>
    %swap3A = arith.constant 0 : index
    %swap3A_10 = arith.constant 0 : index
    %swap3A_11 = vector.load %arg4[%swap3A, %swap3A_10] : memref<1000x128xf32, #tpu.memory_space<vmem>>, vector<1000x128xf32>
    tpu.vector_store %arg4[%swap3A, %swap3A_10], %add3A_9 {strides = array<i32>} : memref<1000x128xf32, #tpu.memory_space<vmem>>, vector<1000x128xf32>,
    return
  }
  func.func @transform_0(%arg0: i32) -> (i32, i32) {
    %c0_i32 = arith.constant 0 : i32
    %c0_i32_0 = arith.constant 0 : i32
    return %arg0, %c0_i32 : i32, i32
  }
  func.func @transform_1(%arg0: i32) -> (i32, i32) {
    %c0_i32 = arith.constant 0 : i32
    %c0_i32_0 = arith.constant 0 : i32
    %c0_i32_1 = arith.constant 0 : i32
    return %c0_i32, %c0_i32_0 : i32, i32
  }
  func.func @transform_2(%arg0: i32) -> (i32, i32) {
    %c0_i32 = arith.constant 0 : i32
    %c0_i32_0 = arith.constant 0 : i32
    %c0_i32_1 = arith.constant 0 : i32
    return %c0_i32, %c0_i32_0 : i32, i32
  }
  func.func @transform_3(%arg0: i32) -> (i32, i32) {
    %c0_i32 = arith.constant 0 : i32
    %c0_i32_0 = arith.constant 0 : i32
    return %arg0, %c0_i32 : i32, i32
  }
}

module attributes {stable_mosaic.version = 14 : i64} {
  func.func @_add_body(%arg0: i32, %arg1: memref<1000x128xf32, #tpu.memory_space<vmem>>, %arg2: memref<1000x128xf32, #tpu.memory_space<vmem>>, %arg3: memref<1000x128xf32, #tpu.memory_space<vmem>>) attributes {dimension_semantics = [#tpu.dimension_semantics<arbitrary>], iteration_bounds = array<i64: 10>, scalar_prefetch = 0 : i64, scratch_operands = 0 : i64, tpu.core_type = #tpu.core_type<tc>, window_params = [{transform_indices = @transform_0, window_bounds = array<i64: 1000, 128>}, {transform_indices = @transform_1, window_bounds = array<i64: 1000, 128>}, {transform_indices = @transform_2, window_bounds = array<i64: 1000, 128>}]} {
    %get3A = arith.constant 0 : index
    %get3A_0 = arith.constant 0 : index
    %get3A_1 = vector.load %arg1[%get3A, %get3A_0] : memref<1000x128xf32, #tpu.memory_space<vmem>>, vector<1000x128xf32>
    %get3A_2 = arith.constant 0 : index
    %get3A_3 = arith.constant 0 : index
    %get3A_4 = vector.load %arg2[%get3A_2, %get3A_3] : memref<1000x128xf32, #tpu.memory_space<vmem>>, vector<1000x128xf32>
    %add3A = arith.addf %get3A_1, %get3A_4 : vector<1000x128xf32>
    %swap3A = arith.constant 0 : index
    %swap3A_5 = arith.constant 0 : index
    %swap3A_6 = vector.load %arg3[%swap3A, %swap3A_5] : memref<1000x128xf32, #tpu.memory_space<vmem>>, vector<1000x128xf32>
    tpu.vector_store %arg3[%swap3A, %swap3A_5], %add3A {strides = array<i32>} : memref<1000x128xf32, #tpu.memory_space<vmem>>, vector<1000x128xf32>,
    return
  }
  func.func @transform_0(%arg0: i32) -> (i32, i32) {
    %c0_i32 = arith.constant 0 : i32
    %c0_i32_0 = arith.constant 0 : i32
    return %arg0, %c0_i32 : i32, i32
  }
  func.func @transform_1(%arg0: i32) -> (i32, i32) {
    %c0_i32 = arith.constant 0 : i32
    %c0_i32_0 = arith.constant 0 : i32
    return %arg0, %c0_i32 : i32, i32
  }
  func.func @transform_2(%arg0: i32) -> (i32, i32) {
    %c0_i32 = arith.constant 0 : i32
    %c0_i32_0 = arith.constant 0 : i32
    return %arg0, %c0_i32 : i32, i32
  }
}

</mosaic_0001>

<sc_bundles>
// kernel: kernel.5.cloned.1.call-start
scs
__scs_entry_jumppad:
0x0: {  	(pc) =	sbr.rel $0x88, $3  }
0x1: {  	(tag) =	ssettag $0x0;
	lr =	simm.s32 $0x1  }
0x2: {  	[smem:$0x3F9C] =	sst lr;
	_ =	strace $0xD0000000  }
0x3: {  	_ = 	snop  }
0x4: {  	_ = 	snop  }
0x5: {  	_ = 	snop  }
0x6: {  	_ = 	snop  }
0x7: {  	_ = 	snop  }
__scs_overlays_trampoline_lowered:
0x8: {  	[smem:$0x3FAB] =	sst s0  }
0x9: {  	[smem:$0x3FAC] =	sst s1  }
0xa: {  	[smem:$0x3FAD] =	sst s2  }
0xb: {  	[smem:$0x3FAE] =	sst s3  }
0xc: {  	[smem:$0x3FAF] =	sst s4  }
0xd: {  	[smem:$0x3FB0] =	sst s5  }
0xe: {  	[smem:$0x3FB1] =	sst s6  }
0xf: {  	[smem:$0x3FB2] =	sst s7  }
0x10: {  	[smem:$0x3FB3] =	sst s8  }
0x11: {  	[smem:$0x3FB4] =	sst s9;
	s0 =	simm.s32 @!p0 $0x0  }
0x12: {  	s1 =	sld [smem:$0x3F9A];
	s0 =	simm.s32 @p0 $0x1  }
0x13: {  	[smem:$0x3FB5] =	sst s0;
	s0 =	simm.s32 @!p1 $0x0  }
0x14: {  	s2 =	sld [smem:$0x3F99];
	s0 =	simm.s32 @p1 $0x1  }
0x15: {  	[smem:$0x3FB6] =	sst s0;
	s0 =	simm.s32 @!p2 $0x0  }
0x16: {  	s3 =	sld [smem:$0x3FDB];
	s0 =	simm.s32 @p2 $0x1  }
0x17: {  	s4 =	simm.s32 $0x1BF5;
	[smem:$0x3FB8] =	sst s0  }
0x18: {  	s0 =	sld [smem:$0x3F9B];
	_ =	swait.ge [sflag:s4], $0x0  }
0x19: {  	s7 =	sld [smem:$0x3F9C]  }
0x1a: {  	s8 =	sadd.s32 $0xFFFFE003, lr  }
0x1b: {  	s9 =	sadd.s32 $0xFFFFFEF7, lr;
	s5 =	simm.s32 $0xFFFFFFFF;
	p2 =	slt.u32 s8, $0xFFFFF086  }
0x1c: {  	p1 =	slt.u32 s9, $0xF7A;
	s5 =	simm.s32 @!p2 $0x0  }
0x1d: {  	s5 =	simm.s32 @p1 $0x1;
	p0 =	seq.s32 s7, s2  }
0x1e: {  	s7 =	smul.u32 @!p0 $0xF7A, s2;
	p2 =	seq.s32 @!p0 s5, $0x0  }
0x1f: {  	s9 =	smul.u32 $0xF7A, s1;
	s8 =	simm.s32 @!p0 $0x1BF5;
	p2 =	por !p2, p0  }
0x20: {  	[sflag:s8] =	ssyncset.s32 @!p0 $0xFFFFF086;
	s6 =	sadd.s32 @!p0 s3, s7;
	s7 =	simm.s32 @!p0 $0x108  }
0x21: {  	s3 =	sadd.s32 s3, s9;
	s6 =	sadd.s32 @!p0 $0x88, s6;
	s7 =	simm.s32 @p2 $0x1082  }
0x22: {  	[simem:s7], [sflag:s8] =	dma.local @!p0 [hbm:s6], $0xF7A  }
0x23: {  	s9 =	sor.u32 $0xD0000000, s2;
	s6 =	simm.s32 $0x108;
	_ =	swait.ge @!p0 [sflag:s8], $0x0  }
0x24: {  	s3 =	sadd.s32 $0x88, s3;
	s6 =	simm.s32 @!p1 $0x1082;
	[sflag:s4] =	ssyncset.s32 $0xFFFFF086  }
0x25: {  	[simem:s6], [sflag:s4] =	dma.local [hbm:s3], $0xF7A  }
0x26: {  	[smem:$0x3F9C] =	sst s1;
	(tag) =	ssettag s2;
	_ =	strace s9  }
0x27: {  	s1 =	sld [smem:$0x3FAC]  }
0x28: {  	s2 =	sld [smem:$0x3FAD]  }
0x29: {  	s4 =	sld [smem:$0x3FAF]  }
0x2a: {  	p0 =	seq.s32 s5, $0x0;
	s5 =	sld [smem:$0x3FB0]  }
0x2b: {  	s6 =	sld [smem:$0x3FB1]  }
0x2c: {  	s7 =	sld [smem:$0x3FB2]  }
0x2d: {  	s3 =	simm.s32 $0x108;
	s8 =	sld [smem:$0x3FB3]  }
0x2e: {  	s3 =	simm.s32 @!p0 $0x1082;
	s9 =	sld [smem:$0x3FB4]  }
0x2f: {  	lr =	sadd.s32 s0, s3;
	s0 =	sld [smem:$0x3FAB]  }
0x30: {  	s3 =	sld [smem:$0x3FAE]  }
0x31: {  	[smem:$0x3FB7] =	sst s10  }
0x32: {  	s10 =	sld [smem:$0x3FB5];
	_ =	sdelay $0x3  }
0x33: {  	p0 =	seq.s32 s10, $0x1;
	s10 =	sld [smem:$0x3FB7];
	_ =	sdelay $0x3  }
0x34: {  	[smem:$0x3FB7] =	sst s10  }
0x35: {  	s10 =	sld [smem:$0x3FB6];
	_ =	sdelay $0x3  }
0x36: {  	p1 =	seq.s32 s10, $0x1;
	s10 =	sld [smem:$0x3FB7];
	_ =	sdelay $0x3  }
0x37: {  	[smem:$0x3FB7] =	sst s10  }
0x38: {  	s10 =	sld [smem:$0x3FB8]  }
0x39: {  	_ = 	snop;
	(pc) =	sbr.ind lr, $3  }
0x3a: {  	_ = 	snop  }
0x3b: {  	_ = 	snop  }
0x3c: {  	p2 =	seq.s32 s10, $0x1;
	s10 =	sld [smem:$0x3FB7]  }
0x3d: {  	_ =	shalt  }
0x3e: {  	_ =	shalt  }
0x3f: {  	_ =	shalt  }
0x40: {  	_ =	shalt  }
0x41: {  	_ =	shalt  }
0x42: {  	_ =	shalt  }
0x43: {  	_ =	shalt  }
0x44: {  	_ =	shalt  }
0x45: {  	_ =	shalt  }
0x46: {  	_ =	shalt  }
0x47: {  	_ =	shalt  }
0x48: {  	_ =	shalt  }
0x49: {  	_ =	shalt  }
0x4a: {  	_ =	shalt  }
0x4b: {  	_ =	shalt  }
0x4c: {  	_ =	shalt  }
0x4d: {  	_ =	shalt  }
0x4e: {  	_ =	shalt  }
0x4f: {  	_ =	shalt  }
0x50: {  	_ =	shalt  }
0x51: {  	_ =	shalt  }
0x52: {  	_ =	shalt  }
0x53: {  	_ =	shalt  }
0x54: {  	_ =	shalt  }
0x55: {  	_ =	shalt  }
0x56: {  	_ =	shalt  }
0x57: {  	_ =	shalt  }
0x58: {  	_ =	shalt  }
0x59: {  	_ =	shalt  }
0x5a: {  	_ =	shalt  }
0x5b: {  	_ =	shalt  }
0x5c: {  	_ =	shalt  }
0x5d: {  	_ =	shalt  }
0x5e: {  	_ =	shalt  }
0x5f: {  	_ =	shalt  }
0x60: {  	_ =	shalt  }
0x61: {  	_ =	shalt  }
0x62: {  	_ =	shalt  }
0x63: {  	_ =	shalt  }
0x64: {  	_ =	shalt  }
0x65: {  	_ =	shalt  }
0x66: {  	_ =	shalt  }
0x67: {  	_ =	shalt  }
0x68: {  	_ =	shalt  }
0x69: {  	_ =	shalt  }
0x6a: {  	_ =	shalt  }
0x6b: {  	_ =	shalt  }
0x6c: {  	_ =	shalt  }
0x6d: {  	_ =	shalt  }
0x6e: {  	_ =	shalt  }
0x6f: {  	_ =	shalt  }
0x70: {  	_ =	shalt  }
0x71: {  	_ =	shalt  }
0x72: {  	_ =	shalt  }
0x73: {  	_ =	shalt  }
0x74: {  	_ =	shalt  }
0x75: {  	_ =	shalt  }
0x76: {  	_ =	shalt  }
0x77: {  	_ =	shalt  }
0x78: {  	_ =	shalt  }
0x79: {  	_ =	shalt  }
0x7a: {  	_ =	shalt  }
0x7b: {  	_ =	shalt  }
0x7c: {  	_ =	shalt  }
0x7d: {  	_ =	shalt  }
0x7e: {  	_ =	shalt  }
0x7f: {  	_ =	shalt  }
0x80: {  	_ =	shalt  }
0x81: {  	_ =	shalt  }
0x82: {  	_ =	shalt  }
0x83: {  	_ =	shalt  }
0x84: {  	_ =	shalt  }
0x85: {  	_ =	shalt  }
0x86: {  	_ =	shalt  }
0x87: {  	_ =	shalt  }
.Lfunc_end0:
.L_simem_size_0:
called_computation_lowered:
.L_overlay_start_0:
0x88: {  	s2 =	sld [smem:$0x3FD9]  }
0x89: {  	s3 =	sld [smem:$0x3FFE];
	_ =	sdelay $0x1  }
0x8a: {  	s1 =	srdreg.scid  }
0x8b: {  	s0 =	sand.u32 $0x1, s1  }
0x8c: {  	s17 =	sshll.u32 s0, $0xA;
	s2 =	sadd.s32 s3, s2  }
0x8d: {  	s2 =	sadd.s32 s2, s17  }
0x8e: {  	[smem:$0x3FC3] =	sst s2  }
0x8f: {  	_ = 	snop  }
0x90: {  	s2 =	sld [smem:$0x3FC7]  }
0x91: {  	s18 =	sld [smem:$0x3FD0];
	(tm) =	ssettm $0x1  }
0x92: {  	s4 =	sld [smem:$0x3FFB];
	_ =	sdelay $0x3  }
0x93: {  	_ =	strace s4  }
0x94: {  	s4 =	sld [smem:$0x3FFC];
	_ =	sdelay $0x3  }
0x95: {  	_ =	strace s4  }
0x96: {  	s4 =	sld [smem:$0x3FFD];
	_ =	sdelay $0x3  }
0x97: {  	_ =	strace s4  }
0x98: {  	_ =	strace $0x8FFFFFFF  }
0x99: {  	s19 =	sld [smem:$0x3FDB];
	_ =	sdelay $0x1  }
0x9a: {  	s5 =	simm.s32 $_scs_section_size  }
0x9b: {  	s6 =	simm.s32 $_size__tile_overlayer_lowered;
	s7 =	simm.s32 $_tile_overlayer_lowered  }
0x9c: {  	s22 =	simm.s32 $0x1BFF;
	s21 =	sshll.u32 s7, $0x1;
	s4 =	sadd.s32 s5, s19  }
0x9d: {  	s8 =	simm.s32 $0x0;
	s20 =	sshll.u32 s6, $0x1;
	s6 =	sadd.s32 s21, s4  }
0x9e: {  	[timem:s8], [sflag:s22] =	dma.local [hbm:s6], s20  }
0x9f: {  	_ =	swait.ge [sflag:s22], s20  }
0xa0: {  	s5 =	ssub.s32 $0x0, s20;
	[sflag:s22] =	ssyncset.done $0x0  }
0xa1: {  	[sflag:s22] =	ssyncadd.s32 s5;
	_ =	sdelay $0x1  }
0xa2: {  	s23 =	simm.s32 $0x1B8B  }
0xa3: {  	_ =	swait.ge [sflag:s23], $0x1  }
0xa4: {  	[sflag:s23] =	ssyncset.done $0x0  }
0xa5: {  	s25 =	simm.s32 $0x1B8E;
	s24 =	sld [smem:$0x3FFE];
	[sflag:s23] =	ssyncadd.s32 $0xFFFFFFFF  }
0xa6: {  	s26 =	simm.s32 $execute0_lowered;
	[smem:$0x3FD2] =	sst s25  }
0xa7: {  	s6 =	sshll.u32 s26, $0x1;
	_ =	strace $0x80000046;
	[dreg:$0x1] =	wrdreg $0xFFFFFFFF  }
0xa8: {  	s28 =	simm.s32 $_size_execute0_lowered;
	s4 =	sadd.s32 s4, s6;
	[dreg:$0x0] =	wrdreg $0x0  }
0xa9: {  	s6 =	sshll.u32 s28, $0x1;
	[dreg:$0x2] =	wrdreg s4  }
0xaa: {  	[dreg:$0x3] =	wrdreg s6  }
0xab: {  	[dreg:$0x4] =	wrdreg $0xC0  }
0xac: {  	_ =	task [dreg:s8], $0x5FFFF  }
0xad: {  	[dreg:$0x1] =	wrdreg $0xFFFFFFFF  }
0xae: {  	[dreg:$0x0] =	wrdreg $0x60  }
0xaf: {  	[dreg:$0x2] =	wrdreg s18  }
0xb0: {  	[dreg:$0x3] =	wrdreg s24  }
0xb1: {  	[dreg:$0x4] =	wrdreg s2  }
0xb2: {  	[dreg:$0x5] =	wrdreg $0xB1000  }
0xb3: {  	[dreg:$0x6] =	wrdreg $0x9  }
0xb4: {  	_ =	task.clear_ibuf [dreg:s8], $0x7FFFF;
	_ =	strace $0x90000046  }
0xb5: {  	s29 =	simm.s32 $0x9;
	_ =	strace $0x80000048  }
0xb6: {  	_ =	swait.ge [sflag:s29], $0x1  }
0xb7: {  	[sflag:s29] =	ssyncadd.s32 $0xFFFFFFFF  }
0xb8: {  	_ =	strace $0x90000048  }
0xb9: {  	_ =	sfence  }
0xba: {  	s30 =	sld [smem:$0x0];
	_ =	sdelay $0x2  }
0xbb: {  	s31 =	sshll.u32 s1, $0xD;
	s1 =	sshrl.u32 s1, $0x2  }
0xbc: {  	s3 =	sand.u32 $0x4000, s31;
	s1 =	sadd.s32 s1, s30  }
0xbd: {  	s0 =	sor.u32 s3, s0;
	s1 =	sshll.u32 s1, $0x11  }
0xbe: {  	s0 =	sor.u32 s1, s0  }
0xbf: {  	s0 =	sadd.s32 $0x8F2B, s0  }
0xc0: {  	[sflag:s0] =	ssyncadd.remote.s32 $0x1  }
0xc1: {  	_ =	sfence.sel $0xFFFF  }
0xc2: {  	[dreg:$0x0] =	wrdreg $0xFFFFFFFF;
	(pc) =	sbr.abs _section_cstart, $3  }
0xc3: {  	[dreg:$0x1] =	wrdreg $0xFFFFFFFF  }
0xc4: {  	_ =	task.clear_ibuf [dreg:s8], $0x2FFFF;
	_ =	strace $0x9FFFFFFF  }
0xc5: {  	(tm) =	ssettm $0x7FFFFFFF  }
tec
execute0_lowered:
.L_overlay_start_1:
0x0: {  	(tag) =	ssettag $0x1  }
0x1: {  	s1 =	rddreg [dreg:$0x0]  }
0x2: {  	s0 =	rddreg [dreg:$0x1]  }
0x3: {  	s2 =	rddreg [dreg:$0x2]  }
0x4: {  	s3 =	rddreg [dreg:$0x3];
	s4 =	simm.s32 $0x0;
	s20 =	srdreg.scid  }
0x5: {  	s15 =	stileid.u32;
	s28 =	simm.s32 $0x50;
	s29 =	simm.s32 $0x6100  }
0x6: {  	[smem:$0x7FF] =	sst s4;
	s6 =	sadd.s32 $0x600, s0;
	s4 =	sand.u32 $0x1, s20  }
0x7: {  	s5 =	smul.u32 $0x4E, s15;
	s7 =	sadd.s32 $0xA400, s0;
	s8 =	sadd.s32 $0x19E00, s0  }
0x8: {  	s10 =	smin.u32 s15, $0x2;
	s11 =	smul.u32 $0x7D, s15;
	s12 =	sadd.s32 $0x1C600, s0  }
0x9: {  	s24 =	sshll.u32 s15, $0x6;
	s0 =	sadd.s32 $0x1C500, s0;
	p0 =	sgt.u32 s15, $0x1  }
0xa: {  	s15 =	simm.s32 $0x0;
	_ =	strace $0x80000047;
	[dreg:$0x5] =	wrdreg s8  }
0xb: {  	s21 =	smul.u32 $0x7D0, s4;
	s9 =	ssub.s32 $0x2, s4;
	s16 =	sor.u32 $0x1C07, s24  }
0xc: {  	s4 =	smul.u32 $0x138800, s4;
	[dreg:$0x7] =	wrdreg s0;
	s24 =	simm.s32 $0x8900  }
0xd: {  	s8 =	simm.s32 $0x4;
	s13 =	sshrl.u32 s9, $0x1;
	s5 =	sadd.s32 s10, s5  }
0xe: {  	s22 =	ssub.s32 s9, s13;
	s5 =	sshll.u32 s5, $0xA;
	s9 =	sadd.s32 s11, s21  }
0xf: {  	[dreg:$0x6] =	wrdreg s16;
	s23 =	sadd.s32 s5, s3;
	s25 =	smul.u32 $0xA, s9  }
0x10: {  	s30 =	sadd.s32 $0x13800, s5;
	s14 =	sshll.u32 s9, $0x4;
	s5 =	sadd.s32 s4, s5  }
0x11: {  	s31 =	smax.u32 s22, $0x1;
	s22 =	simm.s32 $0x2900;
	s11 =	sadd.s32 $0x13800, s23  }
0x12: {  	s4 =	sadd.s32 s4, s30;
	s14 =	sadd.s32 s7, s14;
	[dreg:$0xd] =	wrdreg s31  }
0x13: {  	s5 =	sshrl.u32 s5, $0x3;
	s26 =	sadd.s32 s6, s25;
	[dreg:$0x9] =	wrdreg s14  }
0x14: {  	s0 =	sadd.s32 s30, s3;
	s13 =	sadd.s32 s2, s25;
	[dreg:$0x8] =	wrdreg s26  }
0x15: {  	s4 =	sshrl.u32 s4, $0x3;
	s5 =	sadd.s32 s12, s5;
	[dreg:$0xa] =	wrdreg s13  }
0x16: {  	s14 =	simm.s32 $0x7;
	s0 =	sshrl.u32 @!p0 s0, $0x3;
	[dreg:$0xb] =	wrdreg s5  }
0x17: {  	s4 =	sadd.s32 s12, s4;
	s13 =	sshrl.u32 s23, $0x3;
	[dreg:$0x10] =	wrdreg s0  }
0x18: {  	s23 =	simm.s32 $0x28;
	s0 =	simm.s32 $0x1;
	[dreg:$0xc] =	wrdreg s4  }
0x19: {  	s12 =	simm.s32 $0x5;
	s4 =	sshrl.u32 @!p0 s11, $0x3;
	[dreg:$0xe] =	wrdreg s13  }
0x1a: {  	s11 =	simm.s32 $0x3;
	[dreg:$0xf] =	wrdreg s4;
	s4 =	simm.s32 $0x2  }
.LBB2_1:
0x1b: {  	[dreg:$0x11] =	wrdreg s15  }
0x1c: {  	s5 =	rddreg [dreg:$0x5]  }
0x1d: {  	[spmem:s13], [sflag:s16] =	dma.local [hbm:s5], $0x2700  }
0x1e: {  	_ =	swait.ge [sflag:s14], $0x2700  }
0x1f: {  	[sflag:s14] =	ssyncset.done $0x0;
	s5 =	rddreg [dreg:$0x7]  }
0x20: {  	s10 =	rddreg [dreg:$0xf];
	[sflag:s14] =	ssyncadd.s32 $0xFFFFD900  }
0x21: {  	[spmem:s10], [sflag:s16] =	dma.local @!p0 [hbm:s5], $0x80  }
0x22: {  	s5 =	simm.s32 @!p0 $0x7  }
0x23: {  	_ =	swait.ge @!p0 [sflag:s5], $0x80  }
0x24: {  	[sflag:s5] =	ssyncset.done @!p0 $0x0  }
0x25: {  	s17 =	simm.s32 $0x0;
	s18 =	rddreg [dreg:$0x8];
	[sflag:s5] =	ssyncadd.s32 @!p0 $0xFFFFFF80  }
0x26: {  	[tilespmem:s17], [sflag:$0x7] =	stream.linear.gather [hbm4b:s18+s17], $0x7D0, $0x38;
	[tilespmem:$0x1E980] =	vst v63  }
0x27: {  	_ =	swait.ge [sflag:s14], $0x7D0  }
0x28: {  	[sflag:s14] =	ssyncset.done $0x0  }
0x29: {  	s20 =	simm.s32 $0x1000;
	s19 =	rddreg [dreg:$0x9];
	[sflag:s14] =	ssyncadd.s32 $0xFFFFF830  }
0x2a: {  	[tilespmem:s20], [sflag:$0x7] =	stream.linear.gather [hbm4b:s19+s17], $0xC80, $0x38;
	[tilespmem:$0x1E980] =	vst v63  }
0x2b: {  	_ =	swait.ge [sflag:s14], $0xC80  }
0x2c: {  	[sflag:s14] =	ssyncset.done $0x0  }
0x2d: {  	s21 =	rddreg [dreg:$0xa];
	[sflag:s14] =	ssyncadd.s32 $0xFFFFF380  }
0x2e: {  	[tilespmem:s22], [sflag:$0x7] =	stream.linear.gather [hbm4b:s21+s17], $0x7D0, $0x38;
	[tilespmem:$0x1E980] =	vst v63  }
0x2f: {  	_ =	swait.ge [sflag:s14], $0x7D0  }
0x30: {  	[sflag:s14] =	ssyncset.done $0x0  }
0x31: {  	[sflag:s14] =	ssyncadd.s32 $0xFFFFF830  }
0x32: {  	s25 =	simm.s32 $0x3900;
	[bflag:$0x0] =	sbarrier.arrive $0xFFFF  }
0x33: {  	[tilespmem:s25], [sflag:$0x1] =	stream.indirect.gather [hbm4b:s1+s23], $0x80, s17, s23, $0xb8;
	[tilespmem:$0x1E980] =	vst v63  }
0x34: {  	s26 =	simm.s32 $0x4D00  }
0x35: {  	[tilespmem:s26], [sflag:$0x1] =	stream.indirect.gather [hbm4b:s1+s23], $0x80, s23, s23, $0xb8;
	[tilespmem:$0x1E980] =	vst v63  }
0x36: {  	s30 =	simm.s32 $0x78;
	s31 =	simm.s32 $0x7500;
	s15 =	simm.s32 $0x1  }
0x37: {  	[tilespmem:s29], [sflag:$0x2] =	stream.indirect.gather [hbm4b:s1+s23], $0x80, s28, s23, $0xb8;
	[tilespmem:$0x1E980] =	vst v63  }
0x38: {  	s16 =	simm.s32 $0x0;
	s20 =	simm.s32 $0x0;
	s17 =	simm.s32 $0x0  }
0x39: {  	[tilespmem:s31], [sflag:$0x2] =	stream.indirect.gather [hbm4b:s1+s23], $0x80, s30, s23, $0xb8;
	[tilespmem:$0x1E980] =	vst v63  }
.LBB2_2:
0x3a: {  	s5 =	smul.u32 $0x7B, s20;
	_ =	sdelay $0x1  }
0x3b: {  	s13 =	smulhi.u32 $0x51EB851F, s16;
	s10 =	sshrl.u32 s5, $0xA  }
0x3c: {  	s5 =	sand.u32 $0x1, s10  }
0x3d: {  	s13 =	sshrl.u32 s13, $0x3;
	p2 =	seq.s32 s5, $0x1;
	s5 =	simm.s32 $0x7D0  }
0x3e: {  	s13 =	smul.u32 $0x7D0, s13;
	s5 =	simm.s32 @!p2 $0x0  }
0x3f: {  	s5 =	sadd.s32 s17, s5  }
0x40: {  	s13 =	ssub.s32 s5, s13  }
0x41: {  	s19 =	sadd.s32 $0x0, s13  }
0x42: {  	v0 =	vmov s19  }
0x43: {  	_ =	swait.ge [sflag:s0], $0x1400;
	v0 =	vand.u32 $0xFFFFFFFC, v0  }
0x44: {  	[sflag:s0] =	ssyncset.done $0x0;
	v0 =	vbroadcast v0, $0x0  }
0x45: {  	[sflag:s0] =	ssyncadd.s32 $0xFFFFEC00  }
0x46: {  	_ =	swait.ge [sflag:s0], $0x1400  }
0x47: {  	[sflag:s0] =	ssyncset.done $0x0  }
0x48: {  	[sflag:s0] =	ssyncadd.s32 $0xFFFFEC00;
	s5 =	simm.s32 $0x3A00  }
0x49: {  	v1 =	vld [tilespmem:s5+$0xFFFFFF70]  }
0x4a: {  	v0 =	vld.idx.msk [tilespmem:v0+s22+$0x0], $0xffff  }
0x4b: {  	v2 =	vld [tilespmem:s5+$0xFFFFFF00]  }
0x4c: {  	v3 =	vld [tilespmem:s5+$0xFFFFFF20]  }
0x4d: {  	v4 =	vld [tilespmem:s5+$0xFFFFFF50]  }
0x4e: {  	v5 =	vld [tilespmem:s5+$0xFFFFFF40]  }
0x4f: {  	v6 =	vld [tilespmem:s5+$0xFFFFFF60];
	v1 =	vmul.f32 v1, v0  }
0x50: {  	v7 =	vld [tilespmem:s5+$0xFFFFFF30];
	s14 =	sadd.s32 $0x1, s19;
	v2 =	vmul.f32 v2, v0  }
0x51: {  	v9 =	vld [tilespmem:s5+$0xFFFFFF10];
	v8 =	vmov s14;
	v3 =	vmul.f32 v3, v0;
	[tilespmem:s5+$0xFFFFFF70] =	vst v1  }
0x52: {  	v4 =	vmul.f32 v4, v0;
	v1 =	vand.u32 $0xFFFFFFFD, v8;
	[tilespmem:s5+$0xFFFFFF00] =	vst v2  }
0x53: {  	v2 =	vmul.f32 v5, v0;
	[tilespmem:s5+$0xFFFFFF20] =	vst v3;
	v1 =	vbroadcast v1, $0x0  }
0x54: {  	v3 =	vmul.f32 v6, v0;
	[tilespmem:s5+$0xFFFFFF50] =	vst v4  }
0x55: {  	v4 =	vmul.f32 v7, v0;
	[tilespmem:s5+$0xFFFFFF40] =	vst v2  }
0x56: {  	v0 =	vmul.f32 v9, v0;
	[tilespmem:s5+$0xFFFFFF60] =	vst v3  }
0x57: {  	[tilespmem:s5+$0xFFFFFF30] =	vst v4  }
0x58: {  	[tilespmem:s5+$0xFFFFFF10] =	vst v0;
	v0 =	vld [tilespmem:s5+$0xFFFFFF90]  }
0x59: {  	v2 =	vld.idx.msk [tilespmem:v1+s22+$0x0], $0xffff  }
0x5a: {  	v1 =	vld [tilespmem:s5+$0xFFFFFFA0]  }
0x5b: {  	v3 =	vld [tilespmem:s5+$0xFFFFFF80]  }
0x5c: {  	v4 =	vld [tilespmem:s5+$0xFFFFFFB0]  }
0x5d: {  	v5 =	vld [tilespmem:s5+$0xFFFFFFC0]  }
0x5e: {  	v6 =	vld [tilespmem:s5+$0xFFFFFFD0];
	v0 =	vmul.f32 v0, v2  }
0x5f: {  	s26 =	sadd.s32 $0x2, s19;
	v7 =	vld [tilespmem:s5+$0xFFFFFFF0];
	v1 =	vmul.f32 v1, v2  }
0x60: {  	v63 =	vld [tilespmem:s5+$0xFFFFFFE0];
	v8 =	vmov s26;
	v3 =	vmul.f32 v3, v2;
	[tilespmem:s5+$0xFFFFFF90] =	vst v0  }
0x61: {  	v4 =	vmul.f32 v4, v2;
	v0 =	vand.u32 $0xFFFFFFFE, v8;
	[tilespmem:s5+$0xFFFFFFA0] =	vst v1  }
0x62: {  	v1 =	vmul.f32 v5, v2;
	[tilespmem:s5+$0xFFFFFF80] =	vst v3;
	v5 =	vbroadcast v0, $0x0  }
0x63: {  	v3 =	vmul.f32 v6, v2;
	[tilespmem:s5+$0xFFFFFFB0] =	vst v4;
	v6 =	vld [tilespmem:s5+$0x0]  }
0x64: {  	s25 =	smul.u32 $0x3, s20;
	s10 =	sand.u32 $0x3F, s10;
	v4 =	vmul.f32 v7, v2;
	v0 =	vld [tilespmem:s5+$0x20];
	[tilespmem:s5+$0xFFFFFFC0] =	vst v1  }
0x65: {  	s10 =	smul.u32 $0x19, s10;
	v2 =	vmul.f32 v63, v2;
	v1 =	vld [tilespmem:s5+$0x30];
	[tilespmem:s5+$0xFFFFFFD0] =	vst v3  }
0x66: {  	s31 =	smulhi.u32 $0x51EB851F, s15;
	[tilespmem:s5+$0xFFFFFFF0] =	vst v4;
	v3 =	vld [tilespmem:s5+$0x40]  }
0x67: {  	s10 =	ssub.s32 s25, s10;
	[tilespmem:s5+$0xFFFFFFE0] =	vst v2;
	v4 =	vld [tilespmem:s5+$0x60]  }
0x68: {  	s10 =	sand.u32 $0xFF, s10;
	s30 =	sadd.s32 $0x3, s19;
	s14 =	sshrl.u32 s31, $0x3;
	v2 =	vld.idx.msk [tilespmem:v5+s22+$0x0], $0xffff  }
0x69: {  	s19 =	simm.s32 $0x3A00;
	s18 =	smul.u32 $0x7D0, s14;
	s14 =	simm.s32 $0x4;
	v5 =	vld [tilespmem:s5+$0x10]  }
.LBB2_3:
0x6a: {  	p1 =	sne.s32 s14, $0x4C  }
0x6b: {  	v7 =	vld [tilespmem:s5+$0x50];
	s19 =	sadd.s32 $0x200, s19;
	s26 =	smov.u32 s14;
	s14 =	sadd.s32 $0x4, s14  }
0x6c: {  	v8 =	vld [tilespmem:s5+$0x70];
	_ =	sdelay $0x1  }
0x6d: {  	v4 =	vmul.f32 v4, v2;
	v6 =	vmul.f32 v6, v2  }
0x6e: {  	v3 =	vmul.f32 v3, v2;
	v5 =	vmul.f32 v5, v2  }
0x6f: {  	v0 =	vmul.f32 v0, v2;
	v1 =	vmul.f32 v1, v2;
	[tilespmem:s5+$0x60] =	vst v4  }
0x70: {  	[tilespmem:s5+$0x40] =	vst v3;
	v3 =	vmul.f32 v7, v2;
	v2 =	vmul.f32 v8, v2  }
0x71: {  	[tilespmem:s5+$0x20] =	vst v0;
	v4 =	vld [tilespmem:s5+$0x80]  }
0x72: {  	v0 =	vld [tilespmem:s19+$0x20];
	[tilespmem:s5+$0x0] =	vst v6;
	v6 =	vmov s30  }
0x73: {  	[tilespmem:s5+$0x50] =	vst v3;
	v3 =	vld [tilespmem:s5+$0xE0]  }
0x74: {  	[tilespmem:s5+$0x30] =	vst v1;
	v7 =	vld [tilespmem:s5+$0xC0]  }
0x75: {  	v1 =	vld [tilespmem:s19+$0x30];
	[tilespmem:s5+$0x10] =	vst v5  }
0x76: {  	[tilespmem:s5+$0x70] =	vst v2;
	v2 =	vld [tilespmem:s5+$0xA0]  }
0x77: {  	v5 =	vld.idx.msk [tilespmem:v6+s22+$0x0], $0xffff  }
0x78: {  	v6 =	vld [tilespmem:s5+$0x90]  }
0x79: {  	v8 =	vld [tilespmem:s5+$0xB0]  }
0x7a: {  	v9 =	vld [tilespmem:s5+$0xD0]  }
0x7b: {  	v10 =	vld [tilespmem:s5+$0xF0];
	_ =	sdelay $0x1  }
0x7c: {  	v4 =	vmul.f32 v4, v5;
	v6 =	vmul.f32 v6, v5  }
0x7d: {  	s26 =	sadd.s32 s26, s13;
	v2 =	vmul.f32 v2, v5;
	v8 =	vmul.f32 v8, v5  }
0x7e: {  	v11 =	vmov s26;
	s31 =	sadd.s32 $0x1, s26;
	s21 =	sadd.s32 $0x2, s26;
	s30 =	sadd.s32 $0x3, s26;
	[tilespmem:s5+$0x80] =	vst v4;
	v4 =	vmul.f32 v7, v5;
	v7 =	vmul.f32 v9, v5  }
0x7f: {  	v9 =	vand.u32 $0xFFFFFFFC, v11;
	[tilespmem:s5+$0xA0] =	vst v2;
	v2 =	vmul.f32 v3, v5;
	v3 =	vmul.f32 v10, v5  }
0x80: {  	v5 =	vbroadcast v9, $0x0;
	v9 =	vmov s31;
	v10 =	vmov s21;
	[tilespmem:s5+$0xC0] =	vst v4  }
0x81: {  	v4 =	vand.u32 $0xFFFFFFFD, v9;
	v9 =	vand.u32 $0xFFFFFFFE, v10;
	[tilespmem:s5+$0xF0] =	vst v3  }
0x82: {  	v3 =	vld [tilespmem:s19+$0xFFFFFF40];
	[tilespmem:s5+$0xE0] =	vst v2  }
0x83: {  	v2 =	vld [tilespmem:s19+$0xFFFFFF50];
	[tilespmem:s5+$0x90] =	vst v6  }
0x84: {  	v6 =	vld [tilespmem:s19+$0xFFFFFF60];
	[tilespmem:s5+$0xB0] =	vst v8  }
0x85: {  	v8 =	vld [tilespmem:s19+$0xFFFFFF70];
	[tilespmem:s5+$0xD0] =	vst v7;
	s5 =	smov.u32 s19  }
0x86: {  	v5 =	vld.idx.msk [tilespmem:v5+s22+$0x0], $0xffff  }
0x87: {  	v7 =	vld [tilespmem:s19+$0xFFFFFF00]  }
0x88: {  	v10 =	vld [tilespmem:s19+$0xFFFFFF20]  }
0x89: {  	v11 =	vld [tilespmem:s19+$0xFFFFFF10]  }
0x8a: {  	v12 =	vld [tilespmem:s19+$0xFFFFFF30];
	_ =	sdelay $0x1  }
0x8b: {  	v8 =	vmul.f32 v8, v5;
	v7 =	vmul.f32 v7, v5  }
0x8c: {  	v6 =	vmul.f32 v6, v5;
	v10 =	vmul.f32 v10, v5  }
0x8d: {  	v2 =	vmul.f32 v2, v5;
	v11 =	vmul.f32 v11, v5;
	[tilespmem:s19+$0xFFFFFF70] =	vst v8  }
0x8e: {  	v3 =	vmul.f32 v3, v5;
	[tilespmem:s19+$0xFFFFFF00] =	vst v7;
	v7 =	vmul.f32 v12, v5  }
0x8f: {  	v4 =	vbroadcast v4, $0x0;
	[tilespmem:s19+$0xFFFFFF20] =	vst v10  }
0x90: {  	[tilespmem:s19+$0xFFFFFF50] =	vst v2  }
0x91: {  	[tilespmem:s19+$0xFFFFFF40] =	vst v3;
	v2 =	vld [tilespmem:s19+$0xFFFFFFF0]  }
0x92: {  	[tilespmem:s19+$0xFFFFFF60] =	vst v6;
	v3 =	vld [tilespmem:s19+$0xFFFFFFC0]  }
0x93: {  	[tilespmem:s19+$0xFFFFFF30] =	vst v7;
	v5 =	vld [tilespmem:s19+$0xFFFFFFD0]  }
0x94: {  	[tilespmem:s19+$0xFFFFFF10] =	vst v11;
	v6 =	vld [tilespmem:s19+$0xFFFFFF90]  }
0x95: {  	v4 =	vld.idx.msk [tilespmem:v4+s22+$0x0], $0xffff  }
0x96: {  	v7 =	vld [tilespmem:s19+$0xFFFFFF80]  }
0x97: {  	v8 =	vld [tilespmem:s19+$0xFFFFFFA0]  }
0x98: {  	v10 =	vld [tilespmem:s19+$0xFFFFFFB0]  }
0x99: {  	v11 =	vld [tilespmem:s19+$0xFFFFFFE0];
	_ =	sdelay $0x1  }
0x9a: {  	v6 =	vmul.f32 v6, v4;
	v7 =	vmul.f32 v7, v4  }
0x9b: {  	v5 =	vmul.f32 v5, v4;
	v8 =	vmul.f32 v8, v4  }
0x9c: {  	v3 =	vmul.f32 v3, v4;
	[tilespmem:s19+$0xFFFFFF90] =	vst v6;
	v6 =	vmul.f32 v10, v4  }
0x9d: {  	v2 =	vmul.f32 v2, v4;
	[tilespmem:s19+$0xFFFFFFA0] =	vst v8;
	v8 =	vmul.f32 v11, v4  }
0x9e: {  	[tilespmem:s19+$0xFFFFFF80] =	vst v7;
	v7 =	vbroadcast v9, $0x0  }
0x9f: {  	[tilespmem:s19+$0xFFFFFFB0] =	vst v6  }
0xa0: {  	[tilespmem:s19+$0xFFFFFFC0] =	vst v3  }
0xa1: {  	[tilespmem:s19+$0xFFFFFFD0] =	vst v5  }
.Ltmp0:
0xa2: {  	[tilespmem:s19+$0xFFFFFFF0] =	vst v2;
	v3 =	vld [tilespmem:s19+$0x40];
	(pc) =	sbr.rel @p1 .LBB2_3-.Ltmp0, $4  }
0xa3: {  	[tilespmem:s19+$0xFFFFFFE0] =	vst v8;
	v4 =	vld [tilespmem:s19+$0x60]  }
0xa4: {  	v2 =	vld.idx.msk [tilespmem:v7+s22+$0x0], $0xffff  }
0xa5: {  	v6 =	vld [tilespmem:s19+$0x0]  }
0xa6: {  	v5 =	vld [tilespmem:s19+$0x10]  }
0xa7: {  	_ =	sdelay $0x1  }
0xa8: {  	v4 =	vmul.f32 v4, v2  }
0xa9: {  	v7 =	vld [tilespmem:s5+$0x50];
	v3 =	vmul.f32 v3, v2  }
0xaa: {  	v8 =	vld [tilespmem:s5+$0x70];
	v0 =	vmul.f32 v0, v2;
	[tilespmem:s5+$0x60] =	vst v4  }
0xab: {  	v4 =	vmul.f32 v6, v2;
	[tilespmem:s5+$0x40] =	vst v3  }
0xac: {  	[tilespmem:s5+$0x20] =	vst v0;
	v0 =	vmul.f32 v1, v2  }
0xad: {  	v5 =	vmul.f32 v5, v2;
	[tilespmem:s5+$0x0] =	vst v4;
	v4 =	vmov s30  }
0xae: {  	v3 =	vmul.f32 v7, v2;
	[tilespmem:s5+$0x30] =	vst v0  }
0xaf: {  	v2 =	vmul.f32 v8, v2;
	[tilespmem:s5+$0x10] =	vst v5  }
0xb0: {  	[tilespmem:s5+$0x50] =	vst v3  }
0xb1: {  	p1 =	seq.s32 s20, $0x0;
	v1 =	vld [tilespmem:s5+$0x80];
	[tilespmem:s5+$0x70] =	vst v2  }
0xb2: {  	s14 =	sadd.s32 @!p1 $0x2, s25;
	v0 =	vld.idx.msk [tilespmem:v4+s22+$0x0], $0xffff  }
0xb3: {  	s13 =	smulhi.u32 @!p1 $0x51EB851F, s14;
	v2 =	vld [tilespmem:s5+$0xA0]  }
0xb4: {  	v3 =	vld [tilespmem:s5+$0xC0]  }
0xb5: {  	s13 =	sshrl.u32 @!p1 s13, $0x3;
	v4 =	vld [tilespmem:s5+$0xF0]  }
0xb6: {  	s13 =	smul.u32 @!p1 $0x19, s13;
	v5 =	vld [tilespmem:s5+$0xE0]  }
0xb7: {  	v6 =	vld [tilespmem:s5+$0x90];
	v1 =	vmul.f32 v1, v0  }
0xb8: {  	v7 =	vld [tilespmem:s5+$0xB0];
	s13 =	ssub.s32 @!p1 s14, s13;
	v2 =	vmul.f32 v2, v0  }
0xb9: {  	v8 =	vld [tilespmem:s5+$0xD0];
	p4 =	sne.s32 @!p1 s13, $0x0;
	[tilespmem:s5+$0x80] =	vst v1;
	v1 =	vmul.f32 v3, v0  }
0xba: {  	p3 =	por p4, p1;
	[tilespmem:s5+$0xA0] =	vst v2;
	v2 =	vmul.f32 v4, v0  }
0xbb: {  	s19 =	smulhi.u32 @!p3 $0x51EB851F, s14;
	v3 =	vmul.f32 v5, v0;
	[tilespmem:s5+$0xC0] =	vst v1  }
0xbc: {  	v1 =	vmul.f32 v6, v0;
	[tilespmem:s5+$0xF0] =	vst v2  }
0xbd: {  	s19 =	sshrl.u32 @!p3 s19, $0x3;
	v2 =	vmul.f32 v7, v0;
	[tilespmem:s5+$0xE0] =	vst v3  }
0xbe: {  	s21 =	smul.u32 @!p3 $0x19, s19;
	v0 =	vmul.f32 v8, v0;
	[tilespmem:s5+$0x90] =	vst v1  }
0xbf: {  	[tilespmem:s5+$0xB0] =	vst v2  }
0xc0: {  	s21 =	sadd.s32 @!p3 s9, s21;
	[tilespmem:s5+$0xD0] =	vst v0;
	s5 =	simm.s32 @!p1 $0x6  }
0xc1: {  	s19 =	sand.u32 @!p3 $0x1, s19;
	s26 =	smul.u32 @!p3 $0xA, s21;
	_ =	swait.ge @!p1 [sflag:s5], $0x2800  }
0xc2: {  	p4 =	por !p4, p1;
	s30 =	smul.u32 @!p3 $0x7D0, s19;
	[sflag:s5] =	ssyncset.done @!p1 $0x0  }
0xc3: {  	s31 =	simm.s32 @!p3 $0x0;
	[sflag:s5] =	ssyncadd.s32 @!p1 $0xFFFFD800;
	s5 =	sadd.s32 @!p3 s6, s26  }
0xc4: {  	[tilespmem:s30], [sflag:$0x7] =	stream.linear.gather @!p3 [hbm4b:s5+s31], $0x7D0, $0x38;
	[tilespmem:$0x1E980] =	vst v63  }
0xc5: {  	s14 =	simm.s32 @p1 $0x2;
	s19 =	smul.u32 @!p3 $0x3200, s19;
	s5 =	simm.s32 @!p3 $0x7  }
0xc6: {  	s14 =	smulhi.u32 $0x51EB851F, s14;
	s21 =	sshll.u32 @!p3 s21, $0x4;
	_ =	swait.ge @!p3 [sflag:s5], $0x7D0  }
0xc7: {  	s19 =	sshrl.u32 @!p3 s19, $0x2;
	s21 =	sand.u32 @!p3 $0x1FFFFFF0, s21;
	[sflag:s5] =	ssyncset.done @!p3 $0x0  }
0xc8: {  	s19 =	sor.u32 @!p3 $0x1000, s19;
	s21 =	sadd.s32 @!p3 s7, s21;
	[sflag:s5] =	ssyncadd.s32 @!p3 $0xFFFFF830  }
0xc9: {  	[tilespmem:s19], [sflag:$0x7] =	stream.linear.gather @!p3 [hbm4b:s21+s31], $0xC80, $0x38;
	[tilespmem:$0x1E980] =	vst v63  }
0xca: {  	s13 =	simm.s32 @p4 $0x0;
	s14 =	sshrl.u32 s14, $0x3;
	_ =	swait.ge @!p3 [sflag:s5], $0xC80  }
0xcb: {  	s13 =	simm.s32 @p1 $0x2;
	s14 =	sand.u32 $0x1, s14;
	[sflag:s5] =	ssyncset.done @!p3 $0x0  }
0xcc: {  	s19 =	sadd.s32 @!p3 $0x2900, s30;
	s21 =	sadd.s32 @!p3 s2, s26;
	[sflag:s5] =	ssyncadd.s32 @!p3 $0xFFFFF380  }
0xcd: {  	[tilespmem:s19], [sflag:$0x7] =	stream.linear.gather @!p3 [hbm4b:s21+s31], $0x7D0, $0x38;
	[tilespmem:$0x1E980] =	vst v63  }
0xce: {  	p1 =	seq.s32 s14, $0x1;
	s21 =	smul.u32 $0x50, s13;
	s19 =	sadd.s32 $0x1, s25  }
0xcf: {  	s14 =	simm.s32 $0x7D0;
	_ =	swait.ge @!p3 [sflag:s5], $0x7D0;
	s26 =	smulhi.u32 $0x51EB851F, s19  }
0xd0: {  	s14 =	simm.s32 @!p1 $0x0;
	[sflag:s5] =	ssyncset.done @!p3 $0x0  }
0xd1: {  	[sflag:s5] =	ssyncadd.s32 @!p3 $0xFFFFF830;
	s5 =	sadd.s32 s21, s14;
	s26 =	sshrl.u32 s26, $0x3  }
0xd2: {  	[tilespmem:s24], [sflag:$0x3] =	stream.indirect.gather [hbm4b:s1+s23], $0x80, s5, s23, $0xb8;
	[tilespmem:$0x1E980] =	vst v63  }
0xd3: {  	s31 =	simm.s32 $0x9D00;
	s14 =	sadd.s32 $0x28, s5;
	s21 =	sand.u32 $0x1, s26  }
0xd4: {  	[tilespmem:s31], [sflag:$0x3] =	stream.indirect.gather [hbm4b:s1+s23], $0x80, s14, s23, $0xb8;
	[tilespmem:$0x1E980] =	vst v63  }
0xd5: {  	p3 =	seq.s32 s21, $0x1;
	s14 =	simm.s32 $0x7D0  }
0xd6: {  	s14 =	simm.s32 @!p3 $0x0  }
0xd7: {  	s21 =	simm.s32 $0xC80;
	s14 =	sadd.s32 s17, s14  }
0xd8: {  	s10 =	sshll.u32 s10, $0x7;
	s21 =	simm.s32 @!p2 $0x0;
	s14 =	ssub.s32 s14, s18  }
0xd9: {  	s10 =	sadd.s32 s10, s21;
	s30 =	sadd.s32 $0x0, s14  }
0xda: {  	s31 =	simm.s32 $0x3900;
	s10 =	sadd.s32 $0x1000, s10;
	s24 =	sadd.s32 $0x50, s30  }
0xdb: {  	[spmem:s3] =	stream.indirect.scatter.add.f32 [tilespmem:s31], [sflag:$0x4], $0x80, s10, s28, $0xb8;
	v0 =	vmov s24;
	[tilespmem:$0x1E980] =	vst v63  }
0xdc: {  	_ =	swait.ge [sflag:s4], $0x1400;
	v0 =	vand.u32 $0xFFFFFFFC, v0  }
0xdd: {  	[sflag:s4] =	ssyncset.done $0x0;
	v0 =	vbroadcast v0, $0x0  }
0xde: {  	[sflag:s4] =	ssyncadd.s32 $0xFFFFEC00  }
0xdf: {  	_ =	swait.ge [sflag:s4], $0x1400  }
0xe0: {  	[sflag:s4] =	ssyncset.done $0x0  }
0xe1: {  	s18 =	simm.s32 $0x6200;
	[sflag:s4] =	ssyncadd.s32 $0xFFFFEC00  }
0xe2: {  	v1 =	vld [tilespmem:s18+$0xFFFFFF70]  }
0xe3: {  	v0 =	vld.idx.msk [tilespmem:v0+s22+$0x0], $0xffff  }
0xe4: {  	v2 =	vld [tilespmem:s18+$0xFFFFFF00]  }
0xe5: {  	v3 =	vld [tilespmem:s18+$0xFFFFFF20]  }
0xe6: {  	v4 =	vld [tilespmem:s18+$0xFFFFFF50]  }
0xe7: {  	v5 =	vld [tilespmem:s18+$0xFFFFFF40]  }
0xe8: {  	v6 =	vld [tilespmem:s18+$0xFFFFFF60];
	v1 =	vmul.f32 v1, v0  }
0xe9: {  	s21 =	sadd.s32 $0x51, s30;
	v7 =	vld [tilespmem:s18+$0xFFFFFF30];
	v2 =	vmul.f32 v2, v0  }
0xea: {  	v8 =	vmov s21;
	v9 =	vld [tilespmem:s18+$0xFFFFFF10];
	v3 =	vmul.f32 v3, v0;
	[tilespmem:s18+$0xFFFFFF70] =	vst v1  }
0xeb: {  	v4 =	vmul.f32 v4, v0;
	v1 =	vand.u32 $0xFFFFFFFD, v8;
	[tilespmem:s18+$0xFFFFFF00] =	vst v2  }
0xec: {  	v2 =	vmul.f32 v5, v0;
	[tilespmem:s18+$0xFFFFFF20] =	vst v3;
	v1 =	vbroadcast v1, $0x0  }
0xed: {  	v3 =	vmul.f32 v6, v0;
	[tilespmem:s18+$0xFFFFFF50] =	vst v4  }
0xee: {  	v4 =	vmul.f32 v7, v0;
	[tilespmem:s18+$0xFFFFFF40] =	vst v2  }
0xef: {  	v0 =	vmul.f32 v9, v0;
	[tilespmem:s18+$0xFFFFFF60] =	vst v3  }
0xf0: {  	[tilespmem:s18+$0xFFFFFF30] =	vst v4  }
0xf1: {  	[tilespmem:s18+$0xFFFFFF10] =	vst v0;
	v0 =	vld [tilespmem:s18+$0xFFFFFF90]  }
0xf2: {  	v2 =	vld.idx.msk [tilespmem:v1+s22+$0x0], $0xffff  }
0xf3: {  	v1 =	vld [tilespmem:s18+$0xFFFFFFA0]  }
0xf4: {  	v3 =	vld [tilespmem:s18+$0xFFFFFF80]  }
0xf5: {  	v4 =	vld [tilespmem:s18+$0xFFFFFFB0]  }
0xf6: {  	v5 =	vld [tilespmem:s18+$0xFFFFFFC0]  }
0xf7: {  	v6 =	vld [tilespmem:s18+$0xFFFFFFD0];
	v0 =	vmul.f32 v0, v2  }
0xf8: {  	s24 =	sadd.s32 $0x52, s30;
	v7 =	vld [tilespmem:s18+$0xFFFFFFF0];
	v1 =	vmul.f32 v1, v2  }
0xf9: {  	v63 =	vld [tilespmem:s18+$0xFFFFFFE0];
	v8 =	vmov s24;
	v3 =	vmul.f32 v3, v2;
	[tilespmem:s18+$0xFFFFFF90] =	vst v0  }
0xfa: {  	v4 =	vmul.f32 v4, v2;
	v0 =	vand.u32 $0xFFFFFFFE, v8;
	[tilespmem:s18+$0xFFFFFFA0] =	vst v1  }
0xfb: {  	v1 =	vmul.f32 v5, v2;
	[tilespmem:s18+$0xFFFFFF80] =	vst v3;
	v5 =	vld [tilespmem:s18+$0x60];
	v8 =	vbroadcast v0, $0x0  }
0xfc: {  	v3 =	vmul.f32 v6, v2;
	[tilespmem:s18+$0xFFFFFFB0] =	vst v4;
	v6 =	vld [tilespmem:s18+$0x0]  }
0xfd: {  	v4 =	vmul.f32 v7, v2;
	v0 =	vld [tilespmem:s18+$0x20];
	[tilespmem:s18+$0xFFFFFFC0] =	vst v1  }
0xfe: {  	s31 =	smul.u32 $0x19, s26;
	v2 =	vmul.f32 v63, v2;
	v1 =	vld [tilespmem:s18+$0x30];
	[tilespmem:s18+$0xFFFFFFD0] =	vst v3  }
0xff: {  	[tilespmem:s18+$0xFFFFFFF0] =	vst v4;
	v3 =	vld [tilespmem:s18+$0x40]  }
0x100: {  	s10 =	ssub.s32 s19, s31;
	[tilespmem:s18+$0xFFFFFFE0] =	vst v2;
	v4 =	vld [tilespmem:s18+$0x10]  }
0x101: {  	s19 =	simm.s32 $0x4;
	s26 =	sadd.s32 $0x53, s30;
	s30 =	simm.s32 $0x6200;
	v2 =	vld.idx.msk [tilespmem:v8+s22+$0x0], $0xffff  }
.LBB2_5:
0x102: {  	p2 =	sne.s32 s19, $0x4C  }
0x103: {  	v7 =	vld [tilespmem:s18+$0x50];
	s30 =	sadd.s32 $0x200, s30;
	s21 =	smov.u32 s19;
	s19 =	sadd.s32 $0x4, s19  }
0x104: {  	v8 =	vld [tilespmem:s18+$0x70];
	_ =	sdelay $0x1  }
0x105: {  	v5 =	vmul.f32 v5, v2;
	v6 =	vmul.f32 v6, v2  }
0x106: {  	v3 =	vmul.f32 v3, v2;
	v4 =	vmul.f32 v4, v2  }
0x107: {  	v0 =	vmul.f32 v0, v2;
	v1 =	vmul.f32 v1, v2;
	[tilespmem:s18+$0x60] =	vst v5  }
0x108: {  	[tilespmem:s18+$0x40] =	vst v3;
	v3 =	vmul.f32 v7, v2;
	v2 =	vmul.f32 v8, v2  }
0x109: {  	[tilespmem:s18+$0x20] =	vst v0;
	v5 =	vld [tilespmem:s18+$0x80]  }
0x10a: {  	v0 =	vld [tilespmem:s30+$0x20];
	[tilespmem:s18+$0x0] =	vst v6;
	v6 =	vmov s26  }
0x10b: {  	[tilespmem:s18+$0x50] =	vst v3;
	v3 =	vld [tilespmem:s18+$0xE0]  }
0x10c: {  	[tilespmem:s18+$0x30] =	vst v1;
	v7 =	vld [tilespmem:s18+$0xC0]  }
0x10d: {  	v1 =	vld [tilespmem:s30+$0x30];
	[tilespmem:s18+$0x10] =	vst v4  }
0x10e: {  	[tilespmem:s18+$0x70] =	vst v2;
	v2 =	vld [tilespmem:s18+$0xA0]  }
0x10f: {  	v4 =	vld.idx.msk [tilespmem:v6+s22+$0x0], $0xffff  }
0x110: {  	v6 =	vld [tilespmem:s18+$0x90]  }
0x111: {  	v8 =	vld [tilespmem:s18+$0xB0]  }
0x112: {  	v9 =	vld [tilespmem:s18+$0xD0]  }
0x113: {  	v10 =	vld [tilespmem:s18+$0xF0];
	_ =	sdelay $0x1  }
0x114: {  	s21 =	sadd.s32 s21, s14;
	v5 =	vmul.f32 v5, v4;
	v6 =	vmul.f32 v6, v4  }
0x115: {  	s31 =	sadd.s32 $0x51, s21;
	s24 =	sadd.s32 $0x52, s21;
	s26 =	sadd.s32 $0x50, s21;
	v2 =	vmul.f32 v2, v4;
	v8 =	vmul.f32 v8, v4  }
0x116: {  	v11 =	vmov s26;
	s26 =	sadd.s32 $0x53, s21;
	[tilespmem:s18+$0x80] =	vst v5;
	v5 =	vmul.f32 v7, v4;
	v7 =	vmul.f32 v9, v4  }
0x117: {  	v9 =	vand.u32 $0xFFFFFFFC, v11;
	[tilespmem:s18+$0xA0] =	vst v2;
	v2 =	vmul.f32 v3, v4;
	v3 =	vmul.f32 v10, v4  }
0x118: {  	v4 =	vbroadcast v9, $0x0;
	v9 =	vmov s31;
	v10 =	vmov s24;
	[tilespmem:s18+$0xC0] =	vst v5  }
0x119: {  	v5 =	vand.u32 $0xFFFFFFFD, v9;
	v9 =	vand.u32 $0xFFFFFFFE, v10;
	[tilespmem:s18+$0xF0] =	vst v3  }
0x11a: {  	v3 =	vld [tilespmem:s30+$0xFFFFFF40];
	[tilespmem:s18+$0xE0] =	vst v2  }
0x11b: {  	v2 =	vld [tilespmem:s30+$0xFFFFFF50];
	[tilespmem:s18+$0x90] =	vst v6  }
0x11c: {  	v6 =	vld [tilespmem:s30+$0xFFFFFF60];
	[tilespmem:s18+$0xB0] =	vst v8  }
0x11d: {  	v8 =	vld [tilespmem:s30+$0xFFFFFF70];
	[tilespmem:s18+$0xD0] =	vst v7;
	s18 =	smov.u32 s30  }
0x11e: {  	v4 =	vld.idx.msk [tilespmem:v4+s22+$0x0], $0xffff  }
0x11f: {  	v7 =	vld [tilespmem:s30+$0xFFFFFF00]  }
0x120: {  	v10 =	vld [tilespmem:s30+$0xFFFFFF20]  }
0x121: {  	v11 =	vld [tilespmem:s30+$0xFFFFFF10]  }
0x122: {  	v12 =	vld [tilespmem:s30+$0xFFFFFF30];
	_ =	sdelay $0x1  }
0x123: {  	v8 =	vmul.f32 v8, v4;
	v7 =	vmul.f32 v7, v4  }
0x124: {  	v6 =	vmul.f32 v6, v4;
	v10 =	vmul.f32 v10, v4  }
0x125: {  	v2 =	vmul.f32 v2, v4;
	v11 =	vmul.f32 v11, v4;
	[tilespmem:s30+$0xFFFFFF70] =	vst v8  }
0x126: {  	v3 =	vmul.f32 v3, v4;
	[tilespmem:s30+$0xFFFFFF00] =	vst v7;
	v7 =	vmul.f32 v12, v4  }
0x127: {  	v4 =	vbroadcast v5, $0x0;
	[tilespmem:s30+$0xFFFFFF20] =	vst v10  }
0x128: {  	[tilespmem:s30+$0xFFFFFF50] =	vst v2  }
0x129: {  	[tilespmem:s30+$0xFFFFFF40] =	vst v3;
	v2 =	vld [tilespmem:s30+$0xFFFFFFF0]  }
0x12a: {  	[tilespmem:s30+$0xFFFFFF60] =	vst v6;
	v3 =	vld [tilespmem:s30+$0xFFFFFFC0]  }
0x12b: {  	[tilespmem:s30+$0xFFFFFF30] =	vst v7;
	v5 =	vld [tilespmem:s30+$0xFFFFFFD0]  }
0x12c: {  	[tilespmem:s30+$0xFFFFFF10] =	vst v11;
	v6 =	vld [tilespmem:s30+$0xFFFFFF90]  }
0x12d: {  	v4 =	vld.idx.msk [tilespmem:v4+s22+$0x0], $0xffff  }
0x12e: {  	v7 =	vld [tilespmem:s30+$0xFFFFFF80]  }
0x12f: {  	v8 =	vld [tilespmem:s30+$0xFFFFFFA0]  }
0x130: {  	v10 =	vld [tilespmem:s30+$0xFFFFFFB0]  }
0x131: {  	v11 =	vld [tilespmem:s30+$0xFFFFFFE0];
	_ =	sdelay $0x1  }
0x132: {  	v6 =	vmul.f32 v6, v4;
	v7 =	vmul.f32 v7, v4  }
0x133: {  	v5 =	vmul.f32 v5, v4;
	v8 =	vmul.f32 v8, v4  }
0x134: {  	v3 =	vmul.f32 v3, v4;
	[tilespmem:s30+$0xFFFFFF90] =	vst v6;
	v6 =	vmul.f32 v10, v4  }
0x135: {  	v2 =	vmul.f32 v2, v4;
	[tilespmem:s30+$0xFFFFFFA0] =	vst v8;
	v8 =	vmul.f32 v11, v4  }
0x136: {  	v4 =	vbroadcast v9, $0x0;
	[tilespmem:s30+$0xFFFFFF80] =	vst v7  }
0x137: {  	[tilespmem:s30+$0xFFFFFFB0] =	vst v6  }
0x138: {  	[tilespmem:s30+$0xFFFFFFC0] =	vst v3  }
0x139: {  	[tilespmem:s30+$0xFFFFFFD0] =	vst v5  }
.Ltmp1:
0x13a: {  	[tilespmem:s30+$0xFFFFFFF0] =	vst v2;
	v3 =	vld [tilespmem:s30+$0x40];
	(pc) =	sbr.rel @p2 .LBB2_5-.Ltmp1, $4  }
0x13b: {  	[tilespmem:s30+$0xFFFFFFE0] =	vst v8;
	v5 =	vld [tilespmem:s30+$0x60]  }
0x13c: {  	v2 =	vld.idx.msk [tilespmem:v4+s22+$0x0], $0xffff  }
0x13d: {  	v6 =	vld [tilespmem:s30+$0x0]  }
0x13e: {  	v4 =	vld [tilespmem:s30+$0x10]  }
0x13f: {  	_ =	sdelay $0x1  }
0x140: {  	v5 =	vmul.f32 v5, v2  }
0x141: {  	v7 =	vld [tilespmem:s18+$0x50];
	v3 =	vmul.f32 v3, v2  }
0x142: {  	v8 =	vld [tilespmem:s18+$0x70];
	v0 =	vmul.f32 v0, v2;
	[tilespmem:s18+$0x60] =	vst v5  }
0x143: {  	v5 =	vmul.f32 v6, v2;
	[tilespmem:s18+$0x40] =	vst v3  }
0x144: {  	[tilespmem:s18+$0x20] =	vst v0;
	v0 =	vmul.f32 v1, v2  }
0x145: {  	v4 =	vmul.f32 v4, v2;
	[tilespmem:s18+$0x0] =	vst v5;
	v5 =	vmov s26  }
0x146: {  	v3 =	vmul.f32 v7, v2;
	[tilespmem:s18+$0x30] =	vst v0  }
0x147: {  	v2 =	vmul.f32 v8, v2;
	[tilespmem:s18+$0x10] =	vst v4  }
0x148: {  	[tilespmem:s18+$0x50] =	vst v3  }
0x149: {  	v1 =	vld [tilespmem:s18+$0x80];
	[tilespmem:s18+$0x70] =	vst v2  }
0x14a: {  	v0 =	vld.idx.msk [tilespmem:v5+s22+$0x0], $0xffff  }
0x14b: {  	v2 =	vld [tilespmem:s18+$0xA0]  }
0x14c: {  	v3 =	vld [tilespmem:s18+$0xC0]  }
0x14d: {  	v4 =	vld [tilespmem:s18+$0xF0]  }
0x14e: {  	s14 =	sadd.s32 $0x3, s25;
	v5 =	vld [tilespmem:s18+$0xE0]  }
0x14f: {  	s19 =	smulhi.u32 $0x51EB851F, s14;
	v6 =	vld [tilespmem:s18+$0x90];
	v1 =	vmul.f32 v1, v0  }
0x150: {  	v7 =	vld [tilespmem:s18+$0xB0];
	v2 =	vmul.f32 v2, v0  }
0x151: {  	s19 =	sshrl.u32 s19, $0x3;
	v8 =	vld [tilespmem:s18+$0xD0];
	[tilespmem:s18+$0x80] =	vst v1;
	v1 =	vmul.f32 v3, v0  }
0x152: {  	s21 =	smul.u32 $0x19, s19;
	[tilespmem:s18+$0xA0] =	vst v2;
	v2 =	vmul.f32 v4, v0  }
0x153: {  	v3 =	vmul.f32 v5, v0;
	[tilespmem:s18+$0xC0] =	vst v1  }
0x154: {  	s14 =	ssub.s32 s14, s21;
	v1 =	vmul.f32 v6, v0;
	[tilespmem:s18+$0xF0] =	vst v2  }
0x155: {  	p2 =	sne.s32 s14, $0x0;
	v2 =	vmul.f32 v7, v0;
	[tilespmem:s18+$0xE0] =	vst v3  }
0x156: {  	s21 =	smul.u32 @!p2 $0x19, s19;
	v0 =	vmul.f32 v8, v0;
	[tilespmem:s18+$0x90] =	vst v1  }
0x157: {  	[tilespmem:s18+$0xB0] =	vst v2  }
0x158: {  	[tilespmem:s18+$0xD0] =	vst v0;
	s18 =	sadd.s32 @!p2 s9, s21  }
0x159: {  	s21 =	sand.u32 @!p2 $0x1, s19;
	_ =	swait.ge [sflag:s8], $0x2800;
	s24 =	smul.u32 @!p2 $0xA, s18  }
0x15a: {  	s26 =	smul.u32 @!p2 $0x7D0, s21;
	[sflag:s8] =	ssyncset.done $0x0  }
0x15b: {  	s31 =	simm.s32 @!p2 $0x0;
	[sflag:s8] =	ssyncadd.s32 $0xFFFFD800;
	s30 =	sadd.s32 @!p2 s6, s24  }
0x15c: {  	[tilespmem:s26], [sflag:$0x7] =	stream.linear.gather @!p2 [hbm4b:s30+s31], $0x7D0, $0x38;
	[tilespmem:$0x1E980] =	vst v63  }
0x15d: {  	s21 =	smul.u32 @!p2 $0x3200, s21;
	s30 =	simm.s32 @!p2 $0x7  }
0x15e: {  	s18 =	sshll.u32 @!p2 s18, $0x4;
	_ =	swait.ge @!p2 [sflag:s30], $0x7D0  }
0x15f: {  	s18 =	sand.u32 @!p2 $0x1FFFFFF0, s18;
	s21 =	sshrl.u32 @!p2 s21, $0x2;
	[sflag:s30] =	ssyncset.done @!p2 $0x0  }
0x160: {  	s18 =	sadd.s32 @!p2 s7, s18;
	s21 =	sor.u32 @!p2 $0x1000, s21;
	[sflag:s30] =	ssyncadd.s32 @!p2 $0xFFFFF830  }
0x161: {  	[tilespmem:s21], [sflag:$0x7] =	stream.linear.gather @!p2 [hbm4b:s18+s31], $0xC80, $0x38;
	[tilespmem:$0x1E980] =	vst v63  }
0x162: {  	_ =	swait.ge @!p2 [sflag:s30], $0xC80  }
0x163: {  	s14 =	smul.u32 $0x140, s14;
	s19 =	sand.u32 $0x1, s19;
	[sflag:s30] =	ssyncset.done @!p2 $0x0  }
0x164: {  	s18 =	sadd.s32 @!p2 $0x2900, s26;
	s21 =	sadd.s32 @!p2 s2, s24;
	[sflag:s30] =	ssyncadd.s32 @!p2 $0xFFFFF380  }
0x165: {  	[tilespmem:s18], [sflag:$0x7] =	stream.linear.gather @!p2 [hbm4b:s21+s31], $0x7D0, $0x38;
	[tilespmem:$0x1E980] =	vst v63  }
0x166: {  	p4 =	seq.s32 s19, $0x1;
	s18 =	simm.s32 $0x7D0;
	_ =	swait.ge @!p2 [sflag:s30], $0x7D0  }
0x167: {  	s14 =	sshra.s32 s14, $0x2;
	s18 =	simm.s32 @!p4 $0x0;
	[sflag:s30] =	ssyncset.done @!p2 $0x0  }
0x168: {  	s21 =	simm.s32 $0x3900;
	s14 =	sadd.s32 s14, s18;
	[sflag:s30] =	ssyncadd.s32 @!p2 $0xFFFFF830  }
0x169: {  	[tilespmem:s21], [sflag:$0x1] =	stream.indirect.gather [hbm4b:s1+s23], $0x80, s14, s23, $0xb8;
	[tilespmem:$0x1E980] =	vst v63  }
0x16a: {  	s24 =	simm.s32 $0x4D00;
	s14 =	sadd.s32 $0x28, s14  }
0x16b: {  	[tilespmem:s24], [sflag:$0x1] =	stream.indirect.gather [hbm4b:s1+s23], $0x80, s14, s23, $0xb8;
	[tilespmem:$0x1E980] =	vst v63  }
0x16c: {  	s10 =	sshll.u32 s10, $0x7;
	s14 =	simm.s32 $0xC80  }
0x16d: {  	s10 =	sand.u32 $0x3FFFFF80, s10;
	s14 =	simm.s32 @!p3 $0x0  }
0x16e: {  	s10 =	sadd.s32 s10, s14  }
0x16f: {  	s26 =	sadd.s32 $0x0, s5;
	s10 =	sadd.s32 $0x1000, s10  }
0x170: {  	v0 =	vmov s26;
	[spmem:s3] =	stream.indirect.scatter.add.f32 [tilespmem:s29], [sflag:$0x5], $0x80, s10, s28, $0xb8;
	[tilespmem:$0x1E980] =	vst v63  }
0x171: {  	v0 =	vand.u32 $0xFFFFFFFC, v0;
	_ =	swait.ge [sflag:s11], $0x1400  }
0x172: {  	v0 =	vbroadcast v0, $0x0;
	[sflag:s11] =	ssyncset.done $0x0  }
0x173: {  	[sflag:s11] =	ssyncadd.s32 $0xFFFFEC00  }
0x174: {  	_ =	swait.ge [sflag:s11], $0x1400  }
0x175: {  	[sflag:s11] =	ssyncset.done $0x0  }
0x176: {  	s18 =	simm.s32 $0x8A00;
	[sflag:s11] =	ssyncadd.s32 $0xFFFFEC00  }
0x177: {  	v1 =	vld [tilespmem:s18+$0xFFFFFF70]  }
0x178: {  	v0 =	vld.idx.msk [tilespmem:v0+s22+$0x0], $0xffff  }
0x179: {  	v2 =	vld [tilespmem:s18+$0xFFFFFF00]  }
0x17a: {  	v3 =	vld [tilespmem:s18+$0xFFFFFF20]  }
0x17b: {  	v4 =	vld [tilespmem:s18+$0xFFFFFF50]  }
0x17c: {  	v5 =	vld [tilespmem:s18+$0xFFFFFF40]  }
0x17d: {  	v6 =	vld [tilespmem:s18+$0xFFFFFF60];
	v1 =	vmul.f32 v1, v0  }
0x17e: {  	s30 =	sadd.s32 $0x1, s26;
	v7 =	vld [tilespmem:s18+$0xFFFFFF30];
	v2 =	vmul.f32 v2, v0  }
0x17f: {  	v8 =	vmov s30;
	v9 =	vld [tilespmem:s18+$0xFFFFFF10];
	v3 =	vmul.f32 v3, v0;
	[tilespmem:s18+$0xFFFFFF70] =	vst v1  }
0x180: {  	v4 =	vmul.f32 v4, v0;
	v1 =	vand.u32 $0xFFFFFFFD, v8;
	[tilespmem:s18+$0xFFFFFF00] =	vst v2  }
0x181: {  	v2 =	vmul.f32 v5, v0;
	[tilespmem:s18+$0xFFFFFF20] =	vst v3;
	v1 =	vbroadcast v1, $0x0  }
0x182: {  	v3 =	vmul.f32 v6, v0;
	[tilespmem:s18+$0xFFFFFF50] =	vst v4  }
0x183: {  	v4 =	vmul.f32 v7, v0;
	[tilespmem:s18+$0xFFFFFF40] =	vst v2  }
0x184: {  	v0 =	vmul.f32 v9, v0;
	[tilespmem:s18+$0xFFFFFF60] =	vst v3  }
0x185: {  	[tilespmem:s18+$0xFFFFFF30] =	vst v4  }
0x186: {  	[tilespmem:s18+$0xFFFFFF10] =	vst v0;
	v0 =	vld [tilespmem:s18+$0xFFFFFF90]  }
0x187: {  	v2 =	vld.idx.msk [tilespmem:v1+s22+$0x0], $0xffff  }
0x188: {  	v1 =	vld [tilespmem:s18+$0xFFFFFFA0]  }
0x189: {  	v3 =	vld [tilespmem:s18+$0xFFFFFF80]  }
0x18a: {  	v4 =	vld [tilespmem:s18+$0xFFFFFFB0]  }
0x18b: {  	v5 =	vld [tilespmem:s18+$0xFFFFFFC0]  }
0x18c: {  	v6 =	vld [tilespmem:s18+$0xFFFFFFD0];
	v0 =	vmul.f32 v0, v2  }
0x18d: {  	s31 =	sadd.s32 $0x2, s26;
	v7 =	vld [tilespmem:s18+$0xFFFFFFF0];
	v1 =	vmul.f32 v1, v2  }
0x18e: {  	v63 =	vld [tilespmem:s18+$0xFFFFFFE0];
	v8 =	vmov s31;
	v3 =	vmul.f32 v3, v2;
	[tilespmem:s18+$0xFFFFFF90] =	vst v0  }
0x18f: {  	v4 =	vmul.f32 v4, v2;
	v0 =	vand.u32 $0xFFFFFFFE, v8;
	[tilespmem:s18+$0xFFFFFFA0] =	vst v1  }
0x190: {  	v1 =	vmul.f32 v5, v2;
	[tilespmem:s18+$0xFFFFFF80] =	vst v3;
	v5 =	vld [tilespmem:s18+$0x60];
	v8 =	vbroadcast v0, $0x0  }
0x191: {  	v3 =	vmul.f32 v6, v2;
	[tilespmem:s18+$0xFFFFFFB0] =	vst v4;
	v6 =	vld [tilespmem:s18+$0x0]  }
0x192: {  	v4 =	vmul.f32 v7, v2;
	v0 =	vld [tilespmem:s18+$0x20];
	[tilespmem:s18+$0xFFFFFFC0] =	vst v1  }
0x193: {  	v2 =	vmul.f32 v63, v2;
	v1 =	vld [tilespmem:s18+$0x30];
	[tilespmem:s18+$0xFFFFFFD0] =	vst v3  }
0x194: {  	[tilespmem:s18+$0xFFFFFFF0] =	vst v4;
	v3 =	vld [tilespmem:s18+$0x40]  }
0x195: {  	[tilespmem:s18+$0xFFFFFFE0] =	vst v2;
	v4 =	vld [tilespmem:s18+$0x10]  }
0x196: {  	s19 =	sadd.s32 $0x3, s26;
	s14 =	simm.s32 $0x8A00;
	s10 =	simm.s32 $0x4;
	v2 =	vld.idx.msk [tilespmem:v8+s22+$0x0], $0xffff  }
.LBB2_7:
0x197: {  	p2 =	sne.s32 s10, $0x4C  }
0x198: {  	v7 =	vld [tilespmem:s18+$0x50];
	s14 =	sadd.s32 $0x200, s14;
	s21 =	smov.u32 s10;
	s10 =	sadd.s32 $0x4, s10  }
0x199: {  	v8 =	vld [tilespmem:s18+$0x70];
	_ =	sdelay $0x1  }
0x19a: {  	v5 =	vmul.f32 v5, v2;
	v6 =	vmul.f32 v6, v2  }
0x19b: {  	v3 =	vmul.f32 v3, v2;
	v4 =	vmul.f32 v4, v2  }
0x19c: {  	v0 =	vmul.f32 v0, v2;
	v1 =	vmul.f32 v1, v2;
	[tilespmem:s18+$0x60] =	vst v5  }
0x19d: {  	[tilespmem:s18+$0x40] =	vst v3;
	v3 =	vmul.f32 v7, v2;
	v2 =	vmul.f32 v8, v2  }
0x19e: {  	[tilespmem:s18+$0x20] =	vst v0;
	v5 =	vld [tilespmem:s18+$0x80]  }
0x19f: {  	v0 =	vld [tilespmem:s14+$0x20];
	[tilespmem:s18+$0x0] =	vst v6;
	v6 =	vmov s19  }
0x1a0: {  	[tilespmem:s18+$0x50] =	vst v3;
	v3 =	vld [tilespmem:s18+$0xE0]  }
0x1a1: {  	[tilespmem:s18+$0x30] =	vst v1;
	v7 =	vld [tilespmem:s18+$0xC0]  }
0x1a2: {  	v1 =	vld [tilespmem:s14+$0x30];
	[tilespmem:s18+$0x10] =	vst v4  }
0x1a3: {  	[tilespmem:s18+$0x70] =	vst v2;
	v2 =	vld [tilespmem:s18+$0xA0]  }
0x1a4: {  	v4 =	vld.idx.msk [tilespmem:v6+s22+$0x0], $0xffff  }
0x1a5: {  	v6 =	vld [tilespmem:s18+$0x90]  }
0x1a6: {  	v8 =	vld [tilespmem:s18+$0xB0]  }
0x1a7: {  	v9 =	vld [tilespmem:s18+$0xD0]  }
0x1a8: {  	v10 =	vld [tilespmem:s18+$0xF0];
	_ =	sdelay $0x1  }
0x1a9: {  	v5 =	vmul.f32 v5, v4;
	v6 =	vmul.f32 v6, v4  }
0x1aa: {  	s19 =	sadd.s32 s21, s5;
	v2 =	vmul.f32 v2, v4;
	v8 =	vmul.f32 v8, v4  }
0x1ab: {  	v11 =	vmov s19;
	s21 =	sadd.s32 $0x1, s19;
	s24 =	sadd.s32 $0x2, s19;
	s19 =	sadd.s32 $0x3, s19;
	[tilespmem:s18+$0x80] =	vst v5;
	v5 =	vmul.f32 v7, v4;
	v7 =	vmul.f32 v9, v4  }
0x1ac: {  	v9 =	vand.u32 $0xFFFFFFFC, v11;
	[tilespmem:s18+$0xA0] =	vst v2;
	v2 =	vmul.f32 v3, v4;
	v3 =	vmul.f32 v10, v4  }
0x1ad: {  	v4 =	vbroadcast v9, $0x0;
	v9 =	vmov s21;
	v10 =	vmov s24;
	[tilespmem:s18+$0xC0] =	vst v5  }
0x1ae: {  	v5 =	vand.u32 $0xFFFFFFFD, v9;
	v9 =	vand.u32 $0xFFFFFFFE, v10;
	[tilespmem:s18+$0xF0] =	vst v3  }
0x1af: {  	v3 =	vld [tilespmem:s14+$0xFFFFFF40];
	[tilespmem:s18+$0xE0] =	vst v2  }
0x1b0: {  	v2 =	vld [tilespmem:s14+$0xFFFFFF50];
	[tilespmem:s18+$0x90] =	vst v6  }
0x1b1: {  	v6 =	vld [tilespmem:s14+$0xFFFFFF60];
	[tilespmem:s18+$0xB0] =	vst v8  }
0x1b2: {  	v8 =	vld [tilespmem:s14+$0xFFFFFF70];
	[tilespmem:s18+$0xD0] =	vst v7;
	s18 =	smov.u32 s14  }
0x1b3: {  	v4 =	vld.idx.msk [tilespmem:v4+s22+$0x0], $0xffff  }
0x1b4: {  	v7 =	vld [tilespmem:s14+$0xFFFFFF00]  }
0x1b5: {  	v10 =	vld [tilespmem:s14+$0xFFFFFF20]  }
0x1b6: {  	v11 =	vld [tilespmem:s14+$0xFFFFFF10]  }
0x1b7: {  	v12 =	vld [tilespmem:s14+$0xFFFFFF30];
	_ =	sdelay $0x1  }
0x1b8: {  	v8 =	vmul.f32 v8, v4;
	v7 =	vmul.f32 v7, v4  }
0x1b9: {  	v6 =	vmul.f32 v6, v4;
	v10 =	vmul.f32 v10, v4  }
0x1ba: {  	v2 =	vmul.f32 v2, v4;
	v11 =	vmul.f32 v11, v4;
	[tilespmem:s14+$0xFFFFFF70] =	vst v8  }
0x1bb: {  	v3 =	vmul.f32 v3, v4;
	[tilespmem:s14+$0xFFFFFF00] =	vst v7;
	v7 =	vmul.f32 v12, v4  }
0x1bc: {  	v4 =	vbroadcast v5, $0x0;
	[tilespmem:s14+$0xFFFFFF20] =	vst v10  }
0x1bd: {  	[tilespmem:s14+$0xFFFFFF50] =	vst v2  }
0x1be: {  	[tilespmem:s14+$0xFFFFFF40] =	vst v3;
	v2 =	vld [tilespmem:s14+$0xFFFFFFF0]  }
0x1bf: {  	[tilespmem:s14+$0xFFFFFF60] =	vst v6;
	v3 =	vld [tilespmem:s14+$0xFFFFFFC0]  }
0x1c0: {  	[tilespmem:s14+$0xFFFFFF30] =	vst v7;
	v5 =	vld [tilespmem:s14+$0xFFFFFFD0]  }
0x1c1: {  	[tilespmem:s14+$0xFFFFFF10] =	vst v11;
	v6 =	vld [tilespmem:s14+$0xFFFFFF90]  }
0x1c2: {  	v4 =	vld.idx.msk [tilespmem:v4+s22+$0x0], $0xffff  }
0x1c3: {  	v7 =	vld [tilespmem:s14+$0xFFFFFF80]  }
0x1c4: {  	v8 =	vld [tilespmem:s14+$0xFFFFFFA0]  }
0x1c5: {  	v10 =	vld [tilespmem:s14+$0xFFFFFFB0]  }
0x1c6: {  	v11 =	vld [tilespmem:s14+$0xFFFFFFE0];
	_ =	sdelay $0x1  }
0x1c7: {  	v6 =	vmul.f32 v6, v4;
	v7 =	vmul.f32 v7, v4  }
0x1c8: {  	v5 =	vmul.f32 v5, v4;
	v8 =	vmul.f32 v8, v4  }
0x1c9: {  	v3 =	vmul.f32 v3, v4;
	[tilespmem:s14+$0xFFFFFF90] =	vst v6;
	v6 =	vmul.f32 v10, v4  }
0x1ca: {  	v2 =	vmul.f32 v2, v4;
	[tilespmem:s14+$0xFFFFFFA0] =	vst v8;
	v8 =	vmul.f32 v11, v4  }
0x1cb: {  	v4 =	vbroadcast v9, $0x0;
	[tilespmem:s14+$0xFFFFFF80] =	vst v7  }
0x1cc: {  	[tilespmem:s14+$0xFFFFFFB0] =	vst v6  }
0x1cd: {  	[tilespmem:s14+$0xFFFFFFC0] =	vst v3  }
0x1ce: {  	[tilespmem:s14+$0xFFFFFFD0] =	vst v5  }
.Ltmp2:
0x1cf: {  	[tilespmem:s14+$0xFFFFFFF0] =	vst v2;
	v3 =	vld [tilespmem:s14+$0x40];
	(pc) =	sbr.rel @p2 .LBB2_7-.Ltmp2, $4  }
0x1d0: {  	[tilespmem:s14+$0xFFFFFFE0] =	vst v8;
	v5 =	vld [tilespmem:s14+$0x60]  }
0x1d1: {  	v2 =	vld.idx.msk [tilespmem:v4+s22+$0x0], $0xffff  }
0x1d2: {  	v6 =	vld [tilespmem:s14+$0x0]  }
0x1d3: {  	v4 =	vld [tilespmem:s14+$0x10]  }
0x1d4: {  	_ =	sdelay $0x1  }
0x1d5: {  	v5 =	vmul.f32 v5, v2  }
0x1d6: {  	v7 =	vld [tilespmem:s18+$0x50];
	v3 =	vmul.f32 v3, v2  }
0x1d7: {  	v8 =	vld [tilespmem:s18+$0x70];
	v0 =	vmul.f32 v0, v2;
	[tilespmem:s18+$0x60] =	vst v5  }
0x1d8: {  	v48 =	vmul.f32 v1, v2;
	[tilespmem:s18+$0x40] =	vst v3  }
0x1d9: {  	v46 =	vmul.f32 v6, v2;
	[tilespmem:s18+$0x20] =	vst v0  }
0x1da: {  	v50 =	vmov s19;
	v4 =	vmul.f32 v4, v2;
	[tilespmem:s18+$0x30] =	vst v48  }
0x1db: {  	v47 =	vmul.f32 v7, v2;
	[tilespmem:s18+$0x0] =	vst v46  }
0x1dc: {  	v51 =	vmul.f32 v8, v2;
	[tilespmem:s18+$0x10] =	vst v4  }
0x1dd: {  	[tilespmem:s18+$0x50] =	vst v47  }
0x1de: {  	v49 =	vld [tilespmem:s18+$0x80];
	[tilespmem:s18+$0x70] =	vst v51  }
0x1df: {  	v0 =	vld.idx.msk [tilespmem:v50+s22+$0x0], $0xffff  }
0x1e0: {  	v52 =	vld [tilespmem:s18+$0xA0]  }
0x1e1: {  	v53 =	vld [tilespmem:s18+$0xC0]  }
0x1e2: {  	v54 =	vld [tilespmem:s18+$0xF0]  }
0x1e3: {  	v55 =	vld [tilespmem:s18+$0xE0];
	s5 =	sadd.s32 $0x4, s25  }
0x1e4: {  	v56 =	vld [tilespmem:s18+$0x90];
	s10 =	smulhi.u32 $0x51EB851F, s5;
	v1 =	vmul.f32 v49, v0  }
0x1e5: {  	v57 =	vld [tilespmem:s18+$0xB0];
	v2 =	vmul.f32 v52, v0  }
0x1e6: {  	v58 =	vld [tilespmem:s18+$0xD0];
	s10 =	sshrl.u32 s10, $0x3;
	v59 =	vmul.f32 v53, v0;
	[tilespmem:s18+$0x80] =	vst v1  }
0x1e7: {  	s14 =	smul.u32 $0x19, s10;
	v60 =	vmul.f32 v54, v0;
	[tilespmem:s18+$0xA0] =	vst v2  }
0x1e8: {  	v61 =	vmul.f32 v55, v0;
	[tilespmem:s18+$0xC0] =	vst v59  }
0x1e9: {  	s5 =	ssub.s32 s5, s14;
	v62 =	vmul.f32 v56, v0;
	[tilespmem:s18+$0xF0] =	vst v60  }
0x1ea: {  	p2 =	sne.s32 s5, $0x0;
	v63 =	vmul.f32 v57, v0;
	[tilespmem:s18+$0xE0] =	vst v61  }
0x1eb: {  	s14 =	smul.u32 @!p2 $0x19, s10;
	v0 =	vmul.f32 v58, v0;
	[tilespmem:s18+$0x90] =	vst v62  }
0x1ec: {  	[tilespmem:s18+$0xB0] =	vst v63  }
0x1ed: {  	s14 =	sadd.s32 @!p2 s9, s14;
	[tilespmem:s18+$0xD0] =	vst v0  }
0x1ee: {  	s19 =	smul.u32 @!p2 $0xA, s14;
	s18 =	sand.u32 @!p2 $0x1, s10;
	_ =	swait.ge [sflag:s12], $0x2800  }
0x1ef: {  	s21 =	smul.u32 @!p2 $0x7D0, s18;
	[sflag:s12] =	ssyncset.done $0x0  }
0x1f0: {  	s25 =	simm.s32 @!p2 $0x0;
	s24 =	sadd.s32 @!p2 s6, s19;
	[sflag:s12] =	ssyncadd.s32 $0xFFFFD800  }
0x1f1: {  	[tilespmem:s21], [sflag:$0x7] =	stream.linear.gather @!p2 [hbm4b:s24+s25], $0x7D0, $0x38;
	[tilespmem:$0x1E980] =	vst v63  }
0x1f2: {  	s18 =	smul.u32 @!p2 $0x3200, s18;
	s24 =	simm.s32 @!p2 $0x7  }
0x1f3: {  	s14 =	sshll.u32 @!p2 s14, $0x4;
	_ =	swait.ge @!p2 [sflag:s24], $0x7D0  }
0x1f4: {  	s14 =	sand.u32 @!p2 $0x1FFFFFF0, s14;
	s18 =	sshrl.u32 @!p2 s18, $0x2;
	[sflag:s24] =	ssyncset.done @!p2 $0x0  }
0x1f5: {  	s14 =	sadd.s32 @!p2 s7, s14;
	s18 =	sor.u32 @!p2 $0x1000, s18;
	[sflag:s24] =	ssyncadd.s32 @!p2 $0xFFFFF830  }
0x1f6: {  	[tilespmem:s18], [sflag:$0x7] =	stream.linear.gather @!p2 [hbm4b:s14+s25], $0xC80, $0x38;
	[tilespmem:$0x1E980] =	vst v63  }
0x1f7: {  	_ =	swait.ge @!p2 [sflag:s24], $0xC80  }
0x1f8: {  	s5 =	smul.u32 $0x140, s5;
	s10 =	sand.u32 $0x1, s10;
	[sflag:s24] =	ssyncset.done @!p2 $0x0  }
0x1f9: {  	s14 =	sadd.s32 @!p2 $0x2900, s21;
	s18 =	sadd.s32 @!p2 s2, s19;
	[sflag:s24] =	ssyncadd.s32 @!p2 $0xFFFFF380  }
0x1fa: {  	[tilespmem:s14], [sflag:$0x7] =	stream.linear.gather @!p2 [hbm4b:s18+s25], $0x7D0, $0x38;
	[tilespmem:$0x1E980] =	vst v63  }
0x1fb: {  	p3 =	seq.s32 s10, $0x1;
	s10 =	simm.s32 $0x7D0;
	_ =	swait.ge @!p2 [sflag:s24], $0x7D0  }
0x1fc: {  	s5 =	sshra.s32 s5, $0x2;
	s10 =	simm.s32 @!p3 $0x0;
	[sflag:s24] =	ssyncset.done @!p2 $0x0  }
0x1fd: {  	s5 =	sadd.s32 s5, s10;
	[sflag:s24] =	ssyncadd.s32 @!p2 $0xFFFFF830  }
0x1fe: {  	[tilespmem:s29], [sflag:$0x2] =	stream.indirect.gather [hbm4b:s1+s23], $0x80, s5, s23, $0xb8;
	[tilespmem:$0x1E980] =	vst v63  }
0x1ff: {  	s30 =	simm.s32 $0x7500;
	s5 =	sadd.s32 $0x28, s5  }
0x200: {  	[tilespmem:s30], [sflag:$0x2] =	stream.indirect.gather [hbm4b:s1+s23], $0x80, s5, s23, $0xb8;
	[tilespmem:$0x1E980] =	vst v63  }
0x201: {  	s20 =	sadd.s32 $0x1, s20;
	s5 =	simm.s32 $0xC80  }
0x202: {  	s5 =	simm.s32 @!p1 $0x0;
	p1 =	sne.s32 s20, $0x29  }
.Ltmp3:
0x203: {  	s31 =	sshll.u32 s13, $0x7;
	(pc) =	sbr.rel @p1 .LBB2_2-.Ltmp3, $4  }
0x204: {  	s10 =	sand.u32 $0x3FFFFF80, s31  }
0x205: {  	s17 =	sadd.s32 $0xF0, s17;
	s16 =	sadd.s32 $0x3, s16;
	s5 =	sadd.s32 s10, s5  }
0x206: {  	s15 =	sadd.s32 $0x3, s15;
	s24 =	simm.s32 $0x8900;
	s5 =	sadd.s32 $0x1000, s5  }
0x207: {  	[spmem:s3] =	stream.indirect.scatter.add.f32 [tilespmem:s24], [sflag:$0x6], $0x80, s5, s28, $0xb8;
	[tilespmem:$0x1E980] =	vst v63  }
0x208: {  	s10 =	simm.s32 $0x730  }
0x209: {  	v0 =	vmov s10  }
0x20a: {  	_ =	swait.ge [sflag:s0], $0x1400;
	v0 =	vand.u32 $0xFFFFFFFC, v0  }
0x20b: {  	[sflag:s0] =	ssyncset.done $0x0;
	v0 =	vbroadcast v0, $0x0  }
0x20c: {  	[sflag:s0] =	ssyncadd.s32 $0xFFFFEC00  }
0x20d: {  	_ =	swait.ge [sflag:s0], $0x1400  }
0x20e: {  	[sflag:s0] =	ssyncset.done $0x0  }
0x20f: {  	s5 =	simm.s32 $0x3A00;
	[sflag:s0] =	ssyncadd.s32 $0xFFFFEC00  }
0x210: {  	v1 =	vld [tilespmem:s5+$0xFFFFFF70]  }
0x211: {  	v0 =	vld.idx.msk [tilespmem:v0+s22+$0x0], $0xffff  }
0x212: {  	v2 =	vld [tilespmem:s5+$0xFFFFFF00]  }
0x213: {  	v3 =	vld [tilespmem:s5+$0xFFFFFF20]  }
0x214: {  	v4 =	vld [tilespmem:s5+$0xFFFFFF50]  }
0x215: {  	v5 =	vld [tilespmem:s5+$0xFFFFFF40]  }
0x216: {  	v6 =	vld [tilespmem:s5+$0xFFFFFF60];
	v1 =	vmul.f32 v1, v0  }
0x217: {  	s13 =	simm.s32 $0x731;
	v7 =	vld [tilespmem:s5+$0xFFFFFF30];
	v2 =	vmul.f32 v2, v0  }
0x218: {  	v8 =	vld [tilespmem:s5+$0xFFFFFF10];
	v3 =	vmul.f32 v3, v0;
	[tilespmem:s5+$0xFFFFFF70] =	vst v1;
	v1 =	vmov s13  }
0x219: {  	v4 =	vmul.f32 v4, v0;
	[tilespmem:s5+$0xFFFFFF00] =	vst v2;
	v1 =	vand.u32 $0xFFFFFFFD, v1  }
0x21a: {  	v2 =	vmul.f32 v5, v0;
	[tilespmem:s5+$0xFFFFFF20] =	vst v3;
	v1 =	vbroadcast v1, $0x0  }
0x21b: {  	v3 =	vmul.f32 v6, v0;
	[tilespmem:s5+$0xFFFFFF50] =	vst v4  }
0x21c: {  	v4 =	vmul.f32 v7, v0;
	[tilespmem:s5+$0xFFFFFF40] =	vst v2  }
0x21d: {  	v0 =	vmul.f32 v8, v0;
	[tilespmem:s5+$0xFFFFFF60] =	vst v3  }
0x21e: {  	[tilespmem:s5+$0xFFFFFF30] =	vst v4  }
0x21f: {  	[tilespmem:s5+$0xFFFFFF10] =	vst v0;
	v0 =	vld [tilespmem:s5+$0xFFFFFF90]  }
0x220: {  	v2 =	vld.idx.msk [tilespmem:v1+s22+$0x0], $0xffff  }
0x221: {  	v1 =	vld [tilespmem:s5+$0xFFFFFFA0]  }
0x222: {  	v3 =	vld [tilespmem:s5+$0xFFFFFF80]  }
0x223: {  	v4 =	vld [tilespmem:s5+$0xFFFFFFB0]  }
0x224: {  	v5 =	vld [tilespmem:s5+$0xFFFFFFC0]  }
0x225: {  	v6 =	vld [tilespmem:s5+$0xFFFFFFD0];
	v0 =	vmul.f32 v0, v2  }
0x226: {  	s31 =	simm.s32 $0x732;
	v7 =	vld [tilespmem:s5+$0xFFFFFFF0];
	v1 =	vmul.f32 v1, v2  }
0x227: {  	v8 =	vld [tilespmem:s5+$0xFFFFFFE0];
	v3 =	vmul.f32 v3, v2;
	[tilespmem:s5+$0xFFFFFF90] =	vst v0;
	v0 =	vmov s31  }
0x228: {  	v4 =	vmul.f32 v4, v2;
	[tilespmem:s5+$0xFFFFFFA0] =	vst v1;
	v0 =	vand.u32 $0xFFFFFFFE, v0  }
0x229: {  	v1 =	vmul.f32 v5, v2;
	[tilespmem:s5+$0xFFFFFF80] =	vst v3;
	v5 =	vld [tilespmem:s5+$0x60];
	v9 =	vbroadcast v0, $0x0  }
0x22a: {  	v3 =	vmul.f32 v6, v2;
	[tilespmem:s5+$0xFFFFFFB0] =	vst v4;
	v6 =	vld [tilespmem:s5+$0x0]  }
0x22b: {  	v4 =	vmul.f32 v7, v2;
	v0 =	vld [tilespmem:s5+$0x20];
	[tilespmem:s5+$0xFFFFFFC0] =	vst v1  }
0x22c: {  	v2 =	vmul.f32 v8, v2;
	v1 =	vld [tilespmem:s5+$0x30];
	[tilespmem:s5+$0xFFFFFFD0] =	vst v3  }
0x22d: {  	[tilespmem:s5+$0xFFFFFFF0] =	vst v4;
	v3 =	vld [tilespmem:s5+$0x40]  }
0x22e: {  	[tilespmem:s5+$0xFFFFFFE0] =	vst v2;
	v4 =	vld [tilespmem:s5+$0x10]  }
0x22f: {  	s14 =	simm.s32 $0x3A00;
	s13 =	simm.s32 $0x734;
	v2 =	vld.idx.msk [tilespmem:v9+s22+$0x0], $0xffff  }
.LBB2_10:
0x230: {  	p1 =	sne.s32 s13, $0x77C  }
0x231: {  	v7 =	vld [tilespmem:s5+$0x50];
	s14 =	sadd.s32 $0x200, s14;
	s15 =	smov.u32 s13;
	s13 =	sadd.s32 $0x4, s13  }
0x232: {  	v8 =	vld [tilespmem:s5+$0x70];
	_ =	sdelay $0x1  }
0x233: {  	v5 =	vmul.f32 v5, v2;
	v6 =	vmul.f32 v6, v2  }
0x234: {  	v3 =	vmul.f32 v3, v2;
	v4 =	vmul.f32 v4, v2  }
0x235: {  	v0 =	vmul.f32 v0, v2;
	v1 =	vmul.f32 v1, v2;
	[tilespmem:s5+$0x60] =	vst v5  }
0x236: {  	[tilespmem:s5+$0x40] =	vst v3;
	v3 =	vmul.f32 v7, v2;
	v2 =	vmul.f32 v8, v2  }
0x237: {  	s16 =	sadd.s32 $0x3, s10;
	s10 =	smov.u32 s15;
	[tilespmem:s5+$0x20] =	vst v0;
	v5 =	vld [tilespmem:s5+$0x80]  }
0x238: {  	v0 =	vld [tilespmem:s14+$0x20];
	[tilespmem:s5+$0x0] =	vst v6;
	v6 =	vmov s16  }
0x239: {  	[tilespmem:s5+$0x50] =	vst v3;
	v3 =	vld [tilespmem:s5+$0xE0]  }
0x23a: {  	[tilespmem:s5+$0x30] =	vst v1;
	v7 =	vld [tilespmem:s5+$0xC0]  }
0x23b: {  	v1 =	vld [tilespmem:s14+$0x30];
	[tilespmem:s5+$0x10] =	vst v4  }
0x23c: {  	[tilespmem:s5+$0x70] =	vst v2;
	v2 =	vld [tilespmem:s5+$0xA0]  }
0x23d: {  	v4 =	vld.idx.msk [tilespmem:v6+s22+$0x0], $0xffff  }
0x23e: {  	v6 =	vld [tilespmem:s5+$0x90]  }
0x23f: {  	v8 =	vld [tilespmem:s5+$0xB0]  }
0x240: {  	v9 =	vld [tilespmem:s5+$0xD0]  }
0x241: {  	v10 =	vld [tilespmem:s5+$0xF0];
	_ =	sdelay $0x1  }
0x242: {  	v5 =	vmul.f32 v5, v4;
	v6 =	vmul.f32 v6, v4  }
0x243: {  	v2 =	vmul.f32 v2, v4;
	v8 =	vmul.f32 v8, v4  }
0x244: {  	v11 =	vmov s10;
	[tilespmem:s5+$0x80] =	vst v5;
	v5 =	vmul.f32 v7, v4;
	v7 =	vmul.f32 v9, v4  }
0x245: {  	v9 =	vand.u32 $0xFFFFFFFC, v11;
	[tilespmem:s5+$0xA0] =	vst v2;
	v2 =	vmul.f32 v3, v4;
	v3 =	vmul.f32 v10, v4  }
0x246: {  	v4 =	vbroadcast v9, $0x0;
	[tilespmem:s5+$0xC0] =	vst v5  }
0x247: {  	[tilespmem:s5+$0xF0] =	vst v3  }
0x248: {  	v3 =	vld [tilespmem:s14+$0xFFFFFF40];
	[tilespmem:s5+$0xE0] =	vst v2  }
0x249: {  	v2 =	vld [tilespmem:s14+$0xFFFFFF50];
	[tilespmem:s5+$0x90] =	vst v6  }
0x24a: {  	v5 =	vld [tilespmem:s14+$0xFFFFFF60];
	[tilespmem:s5+$0xB0] =	vst v8  }
0x24b: {  	v6 =	vld [tilespmem:s14+$0xFFFFFF70];
	[tilespmem:s5+$0xD0] =	vst v7;
	s5 =	smov.u32 s14  }
0x24c: {  	v4 =	vld.idx.msk [tilespmem:v4+s22+$0x0], $0xffff  }
0x24d: {  	v7 =	vld [tilespmem:s14+$0xFFFFFF00]  }
0x24e: {  	v8 =	vld [tilespmem:s14+$0xFFFFFF20]  }
0x24f: {  	v9 =	vld [tilespmem:s14+$0xFFFFFF10]  }
0x250: {  	v10 =	vld [tilespmem:s14+$0xFFFFFF30];
	_ =	sdelay $0x1  }
0x251: {  	v6 =	vmul.f32 v6, v4;
	v7 =	vmul.f32 v7, v4  }
0x252: {  	s15 =	sadd.s32 $0x1, s10;
	v5 =	vmul.f32 v5, v4;
	v8 =	vmul.f32 v8, v4  }
0x253: {  	v2 =	vmul.f32 v2, v4;
	v9 =	vmul.f32 v9, v4;
	[tilespmem:s14+$0xFFFFFF70] =	vst v6;
	v6 =	vmov s15  }
0x254: {  	v3 =	vmul.f32 v3, v4;
	[tilespmem:s14+$0xFFFFFF00] =	vst v7;
	v7 =	vmul.f32 v10, v4;
	v4 =	vand.u32 $0xFFFFFFFD, v6  }
0x255: {  	[tilespmem:s14+$0xFFFFFF20] =	vst v8;
	v4 =	vbroadcast v4, $0x0  }
0x256: {  	[tilespmem:s14+$0xFFFFFF50] =	vst v2  }
0x257: {  	[tilespmem:s14+$0xFFFFFF40] =	vst v3;
	v2 =	vld [tilespmem:s14+$0xFFFFFFF0]  }
0x258: {  	[tilespmem:s14+$0xFFFFFF60] =	vst v5;
	v3 =	vld [tilespmem:s14+$0xFFFFFFC0]  }
0x259: {  	[tilespmem:s14+$0xFFFFFF30] =	vst v7;
	v5 =	vld [tilespmem:s14+$0xFFFFFFD0]  }
0x25a: {  	[tilespmem:s14+$0xFFFFFF10] =	vst v9;
	v6 =	vld [tilespmem:s14+$0xFFFFFF90]  }
0x25b: {  	v4 =	vld.idx.msk [tilespmem:v4+s22+$0x0], $0xffff  }
0x25c: {  	v7 =	vld [tilespmem:s14+$0xFFFFFF80]  }
0x25d: {  	v8 =	vld [tilespmem:s14+$0xFFFFFFA0]  }
0x25e: {  	v9 =	vld [tilespmem:s14+$0xFFFFFFB0]  }
0x25f: {  	v10 =	vld [tilespmem:s14+$0xFFFFFFE0];
	_ =	sdelay $0x1  }
0x260: {  	v6 =	vmul.f32 v6, v4;
	v7 =	vmul.f32 v7, v4  }
0x261: {  	s15 =	sadd.s32 $0x2, s10;
	v5 =	vmul.f32 v5, v4;
	v8 =	vmul.f32 v8, v4  }
0x262: {  	v3 =	vmul.f32 v3, v4;
	[tilespmem:s14+$0xFFFFFF90] =	vst v6;
	v6 =	vmul.f32 v9, v4;
	v9 =	vmov s15  }
0x263: {  	v2 =	vmul.f32 v2, v4;
	[tilespmem:s14+$0xFFFFFFA0] =	vst v8;
	v8 =	vmul.f32 v10, v4;
	v4 =	vand.u32 $0xFFFFFFFE, v9  }
0x264: {  	[tilespmem:s14+$0xFFFFFF80] =	vst v7;
	v4 =	vbroadcast v4, $0x0  }
0x265: {  	[tilespmem:s14+$0xFFFFFFB0] =	vst v6  }
0x266: {  	[tilespmem:s14+$0xFFFFFFC0] =	vst v3  }
0x267: {  	[tilespmem:s14+$0xFFFFFFD0] =	vst v5  }
.Ltmp4:
0x268: {  	[tilespmem:s14+$0xFFFFFFF0] =	vst v2;
	v3 =	vld [tilespmem:s14+$0x40];
	(pc) =	sbr.rel @p1 .LBB2_10-.Ltmp4, $4  }
0x269: {  	[tilespmem:s14+$0xFFFFFFE0] =	vst v8;
	v5 =	vld [tilespmem:s14+$0x60]  }
0x26a: {  	v2 =	vld.idx.msk [tilespmem:v4+s22+$0x0], $0xffff  }
0x26b: {  	v6 =	vld [tilespmem:s14+$0x0]  }
0x26c: {  	v4 =	vld [tilespmem:s14+$0x10]  }
0x26d: {  	_ =	sdelay $0x1  }
0x26e: {  	v5 =	vmul.f32 v5, v2  }
0x26f: {  	v7 =	vld [tilespmem:s5+$0x50];
	v3 =	vmul.f32 v3, v2  }
0x270: {  	v8 =	vld [tilespmem:s5+$0x70];
	v0 =	vmul.f32 v0, v2;
	[tilespmem:s5+$0x60] =	vst v5  }
0x271: {  	v5 =	vmul.f32 v6, v2;
	[tilespmem:s5+$0x40] =	vst v3  }
0x272: {  	s10 =	sadd.s32 $0x3, s10;
	[tilespmem:s5+$0x20] =	vst v0;
	v0 =	vmul.f32 v1, v2  }
0x273: {  	v4 =	vmul.f32 v4, v2;
	[tilespmem:s5+$0x0] =	vst v5;
	v5 =	vmov s10  }
0x274: {  	v3 =	vmul.f32 v7, v2;
	[tilespmem:s5+$0x30] =	vst v0  }
0x275: {  	v2 =	vmul.f32 v8, v2;
	[tilespmem:s5+$0x10] =	vst v4  }
0x276: {  	[tilespmem:s5+$0x50] =	vst v3  }
0x277: {  	v1 =	vld [tilespmem:s5+$0x80];
	[tilespmem:s5+$0x70] =	vst v2  }
0x278: {  	v0 =	vld.idx.msk [tilespmem:v5+s22+$0x0], $0xffff  }
0x279: {  	v2 =	vld [tilespmem:s5+$0xA0]  }
0x27a: {  	v3 =	vld [tilespmem:s5+$0xC0]  }
0x27b: {  	v4 =	vld [tilespmem:s5+$0xF0]  }
0x27c: {  	v5 =	vld [tilespmem:s5+$0xE0]  }
0x27d: {  	v6 =	vld [tilespmem:s5+$0x90];
	v1 =	vmul.f32 v1, v0  }
0x27e: {  	v7 =	vld [tilespmem:s5+$0xB0];
	v2 =	vmul.f32 v2, v0  }
0x27f: {  	v8 =	vld [tilespmem:s5+$0xD0];
	[tilespmem:s5+$0x80] =	vst v1;
	v1 =	vmul.f32 v3, v0  }
0x280: {  	[tilespmem:s5+$0xA0] =	vst v2;
	v2 =	vmul.f32 v4, v0  }
0x281: {  	v3 =	vmul.f32 v5, v0;
	[tilespmem:s5+$0xC0] =	vst v1  }
0x282: {  	v1 =	vmul.f32 v6, v0;
	[tilespmem:s5+$0xF0] =	vst v2  }
0x283: {  	v2 =	vmul.f32 v7, v0;
	[tilespmem:s5+$0xE0] =	vst v3  }
0x284: {  	v0 =	vmul.f32 v8, v0;
	[tilespmem:s5+$0x90] =	vst v1  }
0x285: {  	[tilespmem:s5+$0xB0] =	vst v2  }
0x286: {  	s26 =	simm.s32 $0x3900;
	s13 =	simm.s32 $0x1B80;
	s10 =	simm.s32 $0x780;
	[tilespmem:s5+$0xD0] =	vst v0  }
0x287: {  	v0 =	vmov s10;
	[spmem:s3] =	stream.indirect.scatter.add.f32 [tilespmem:s26], [sflag:$0x4], $0x80, s13, s28, $0xb8;
	[tilespmem:$0x1E980] =	vst v63  }
0x288: {  	v0 =	vand.u32 $0xFFFFFFFC, v0;
	_ =	swait.ge [sflag:s4], $0x1400  }
0x289: {  	v0 =	vbroadcast v0, $0x0;
	[sflag:s4] =	ssyncset.done $0x0  }
0x28a: {  	[sflag:s4] =	ssyncadd.s32 $0xFFFFEC00  }
0x28b: {  	_ =	swait.ge [sflag:s4], $0x1400  }
0x28c: {  	[sflag:s4] =	ssyncset.done $0x0  }
0x28d: {  	s5 =	simm.s32 $0x6200;
	[sflag:s4] =	ssyncadd.s32 $0xFFFFEC00  }
0x28e: {  	v1 =	vld [tilespmem:s5+$0xFFFFFF70]  }
0x28f: {  	v0 =	vld.idx.msk [tilespmem:v0+s22+$0x0], $0xffff  }
0x290: {  	v2 =	vld [tilespmem:s5+$0xFFFFFF00]  }
0x291: {  	v3 =	vld [tilespmem:s5+$0xFFFFFF20]  }
0x292: {  	v4 =	vld [tilespmem:s5+$0xFFFFFF50]  }
0x293: {  	v5 =	vld [tilespmem:s5+$0xFFFFFF40]  }
0x294: {  	v6 =	vld [tilespmem:s5+$0xFFFFFF60];
	v1 =	vmul.f32 v1, v0  }
0x295: {  	s30 =	simm.s32 $0x781;
	v7 =	vld [tilespmem:s5+$0xFFFFFF30];
	v2 =	vmul.f32 v2, v0  }
0x296: {  	v8 =	vld [tilespmem:s5+$0xFFFFFF10];
	v3 =	vmul.f32 v3, v0;
	[tilespmem:s5+$0xFFFFFF70] =	vst v1;
	v1 =	vmov s30  }
0x297: {  	v4 =	vmul.f32 v4, v0;
	[tilespmem:s5+$0xFFFFFF00] =	vst v2;
	v1 =	vand.u32 $0xFFFFFFFD, v1  }
0x298: {  	v2 =	vmul.f32 v5, v0;
	[tilespmem:s5+$0xFFFFFF20] =	vst v3;
	v1 =	vbroadcast v1, $0x0  }
0x299: {  	v3 =	vmul.f32 v6, v0;
	[tilespmem:s5+$0xFFFFFF50] =	vst v4  }
0x29a: {  	v4 =	vmul.f32 v7, v0;
	[tilespmem:s5+$0xFFFFFF40] =	vst v2  }
0x29b: {  	v0 =	vmul.f32 v8, v0;
	[tilespmem:s5+$0xFFFFFF60] =	vst v3  }
0x29c: {  	[tilespmem:s5+$0xFFFFFF30] =	vst v4  }
0x29d: {  	[tilespmem:s5+$0xFFFFFF10] =	vst v0;
	v0 =	vld [tilespmem:s5+$0xFFFFFF90]  }
0x29e: {  	v2 =	vld.idx.msk [tilespmem:v1+s22+$0x0], $0xffff  }
0x29f: {  	v1 =	vld [tilespmem:s5+$0xFFFFFFA0]  }
0x2a0: {  	v3 =	vld [tilespmem:s5+$0xFFFFFF80]  }
0x2a1: {  	v4 =	vld [tilespmem:s5+$0xFFFFFFB0]  }
0x2a2: {  	v5 =	vld [tilespmem:s5+$0xFFFFFFC0]  }
0x2a3: {  	v6 =	vld [tilespmem:s5+$0xFFFFFFD0];
	v0 =	vmul.f32 v0, v2  }
0x2a4: {  	s31 =	simm.s32 $0x782;
	v7 =	vld [tilespmem:s5+$0xFFFFFFF0];
	v1 =	vmul.f32 v1, v2  }
0x2a5: {  	v8 =	vld [tilespmem:s5+$0xFFFFFFE0];
	v3 =	vmul.f32 v3, v2;
	[tilespmem:s5+$0xFFFFFF90] =	vst v0;
	v0 =	vmov s31  }
0x2a6: {  	v4 =	vmul.f32 v4, v2;
	[tilespmem:s5+$0xFFFFFFA0] =	vst v1;
	v0 =	vand.u32 $0xFFFFFFFE, v0  }
0x2a7: {  	v1 =	vmul.f32 v5, v2;
	[tilespmem:s5+$0xFFFFFF80] =	vst v3;
	v5 =	vld [tilespmem:s5+$0x60];
	v9 =	vbroadcast v0, $0x0  }
0x2a8: {  	v3 =	vmul.f32 v6, v2;
	[tilespmem:s5+$0xFFFFFFB0] =	vst v4;
	v6 =	vld [tilespmem:s5+$0x0]  }
0x2a9: {  	v4 =	vmul.f32 v7, v2;
	v0 =	vld [tilespmem:s5+$0x20];
	[tilespmem:s5+$0xFFFFFFC0] =	vst v1  }
0x2aa: {  	v2 =	vmul.f32 v8, v2;
	v1 =	vld [tilespmem:s5+$0x30];
	[tilespmem:s5+$0xFFFFFFD0] =	vst v3  }
0x2ab: {  	[tilespmem:s5+$0xFFFFFFF0] =	vst v4;
	v3 =	vld [tilespmem:s5+$0x40]  }
0x2ac: {  	[tilespmem:s5+$0xFFFFFFE0] =	vst v2;
	v4 =	vld [tilespmem:s5+$0x10]  }
0x2ad: {  	s14 =	simm.s32 $0x6200;
	s13 =	simm.s32 $0x784;
	v2 =	vld.idx.msk [tilespmem:v9+s22+$0x0], $0xffff  }
.LBB2_12:
0x2ae: {  	p1 =	sne.s32 s13, $0x7CC  }
0x2af: {  	v7 =	vld [tilespmem:s5+$0x50];
	s14 =	sadd.s32 $0x200, s14;
	s15 =	smov.u32 s13;
	s13 =	sadd.s32 $0x4, s13  }
0x2b0: {  	v8 =	vld [tilespmem:s5+$0x70];
	_ =	sdelay $0x1  }
0x2b1: {  	v5 =	vmul.f32 v5, v2;
	v6 =	vmul.f32 v6, v2  }
0x2b2: {  	v3 =	vmul.f32 v3, v2;
	v4 =	vmul.f32 v4, v2  }
0x2b3: {  	v0 =	vmul.f32 v0, v2;
	v1 =	vmul.f32 v1, v2;
	[tilespmem:s5+$0x60] =	vst v5  }
0x2b4: {  	[tilespmem:s5+$0x40] =	vst v3;
	v3 =	vmul.f32 v7, v2;
	v2 =	vmul.f32 v8, v2  }
0x2b5: {  	s16 =	sadd.s32 $0x3, s10;
	s10 =	smov.u32 s15;
	[tilespmem:s5+$0x20] =	vst v0;
	v5 =	vld [tilespmem:s5+$0x80]  }
0x2b6: {  	v0 =	vld [tilespmem:s14+$0x20];
	[tilespmem:s5+$0x0] =	vst v6;
	v6 =	vmov s16  }
0x2b7: {  	[tilespmem:s5+$0x50] =	vst v3;
	v3 =	vld [tilespmem:s5+$0xE0]  }
0x2b8: {  	[tilespmem:s5+$0x30] =	vst v1;
	v7 =	vld [tilespmem:s5+$0xC0]  }
0x2b9: {  	v1 =	vld [tilespmem:s14+$0x30];
	[tilespmem:s5+$0x10] =	vst v4  }
0x2ba: {  	[tilespmem:s5+$0x70] =	vst v2;
	v2 =	vld [tilespmem:s5+$0xA0]  }
0x2bb: {  	v4 =	vld.idx.msk [tilespmem:v6+s22+$0x0], $0xffff  }
0x2bc: {  	v6 =	vld [tilespmem:s5+$0x90]  }
0x2bd: {  	v8 =	vld [tilespmem:s5+$0xB0]  }
0x2be: {  	v9 =	vld [tilespmem:s5+$0xD0]  }
0x2bf: {  	v10 =	vld [tilespmem:s5+$0xF0];
	_ =	sdelay $0x1  }
0x2c0: {  	v5 =	vmul.f32 v5, v4;
	v6 =	vmul.f32 v6, v4  }
0x2c1: {  	v2 =	vmul.f32 v2, v4;
	v8 =	vmul.f32 v8, v4  }
0x2c2: {  	v11 =	vmov s10;
	[tilespmem:s5+$0x80] =	vst v5;
	v5 =	vmul.f32 v7, v4;
	v7 =	vmul.f32 v9, v4  }
0x2c3: {  	v9 =	vand.u32 $0xFFFFFFFC, v11;
	[tilespmem:s5+$0xA0] =	vst v2;
	v2 =	vmul.f32 v3, v4;
	v3 =	vmul.f32 v10, v4  }
0x2c4: {  	v4 =	vbroadcast v9, $0x0;
	[tilespmem:s5+$0xC0] =	vst v5  }
0x2c5: {  	[tilespmem:s5+$0xF0] =	vst v3  }
0x2c6: {  	v3 =	vld [tilespmem:s14+$0xFFFFFF40];
	[tilespmem:s5+$0xE0] =	vst v2  }
0x2c7: {  	v2 =	vld [tilespmem:s14+$0xFFFFFF50];
	[tilespmem:s5+$0x90] =	vst v6  }
0x2c8: {  	v5 =	vld [tilespmem:s14+$0xFFFFFF60];
	[tilespmem:s5+$0xB0] =	vst v8  }
0x2c9: {  	v6 =	vld [tilespmem:s14+$0xFFFFFF70];
	[tilespmem:s5+$0xD0] =	vst v7;
	s5 =	smov.u32 s14  }
0x2ca: {  	v4 =	vld.idx.msk [tilespmem:v4+s22+$0x0], $0xffff  }
0x2cb: {  	v7 =	vld [tilespmem:s14+$0xFFFFFF00]  }
0x2cc: {  	v8 =	vld [tilespmem:s14+$0xFFFFFF20]  }
0x2cd: {  	v9 =	vld [tilespmem:s14+$0xFFFFFF10]  }
0x2ce: {  	v10 =	vld [tilespmem:s14+$0xFFFFFF30];
	_ =	sdelay $0x1  }
0x2cf: {  	v6 =	vmul.f32 v6, v4;
	v7 =	vmul.f32 v7, v4  }
0x2d0: {  	s15 =	sadd.s32 $0x1, s10;
	v5 =	vmul.f32 v5, v4;
	v8 =	vmul.f32 v8, v4  }
0x2d1: {  	v2 =	vmul.f32 v2, v4;
	v9 =	vmul.f32 v9, v4;
	[tilespmem:s14+$0xFFFFFF70] =	vst v6;
	v6 =	vmov s15  }
0x2d2: {  	v3 =	vmul.f32 v3, v4;
	[tilespmem:s14+$0xFFFFFF00] =	vst v7;
	v7 =	vmul.f32 v10, v4;
	v4 =	vand.u32 $0xFFFFFFFD, v6  }
0x2d3: {  	[tilespmem:s14+$0xFFFFFF20] =	vst v8;
	v4 =	vbroadcast v4, $0x0  }
0x2d4: {  	[tilespmem:s14+$0xFFFFFF50] =	vst v2  }
0x2d5: {  	[tilespmem:s14+$0xFFFFFF40] =	vst v3;
	v2 =	vld [tilespmem:s14+$0xFFFFFFF0]  }
0x2d6: {  	[tilespmem:s14+$0xFFFFFF60] =	vst v5;
	v3 =	vld [tilespmem:s14+$0xFFFFFFC0]  }
0x2d7: {  	[tilespmem:s14+$0xFFFFFF30] =	vst v7;
	v5 =	vld [tilespmem:s14+$0xFFFFFFD0]  }
0x2d8: {  	[tilespmem:s14+$0xFFFFFF10] =	vst v9;
	v6 =	vld [tilespmem:s14+$0xFFFFFF90]  }
0x2d9: {  	v4 =	vld.idx.msk [tilespmem:v4+s22+$0x0], $0xffff  }
0x2da: {  	v7 =	vld [tilespmem:s14+$0xFFFFFF80]  }
0x2db: {  	v8 =	vld [tilespmem:s14+$0xFFFFFFA0]  }
0x2dc: {  	v9 =	vld [tilespmem:s14+$0xFFFFFFB0]  }
0x2dd: {  	v10 =	vld [tilespmem:s14+$0xFFFFFFE0];
	_ =	sdelay $0x1  }
0x2de: {  	v6 =	vmul.f32 v6, v4;
	v7 =	vmul.f32 v7, v4  }
0x2df: {  	s15 =	sadd.s32 $0x2, s10;
	v5 =	vmul.f32 v5, v4;
	v8 =	vmul.f32 v8, v4  }
0x2e0: {  	v3 =	vmul.f32 v3, v4;
	[tilespmem:s14+$0xFFFFFF90] =	vst v6;
	v6 =	vmul.f32 v9, v4;
	v9 =	vmov s15  }
0x2e1: {  	v2 =	vmul.f32 v2, v4;
	[tilespmem:s14+$0xFFFFFFA0] =	vst v8;
	v8 =	vmul.f32 v10, v4;
	v4 =	vand.u32 $0xFFFFFFFE, v9  }
0x2e2: {  	[tilespmem:s14+$0xFFFFFF80] =	vst v7;
	v4 =	vbroadcast v4, $0x0  }
0x2e3: {  	[tilespmem:s14+$0xFFFFFFB0] =	vst v6  }
0x2e4: {  	[tilespmem:s14+$0xFFFFFFC0] =	vst v3  }
0x2e5: {  	[tilespmem:s14+$0xFFFFFFD0] =	vst v5  }
.Ltmp5:
0x2e6: {  	[tilespmem:s14+$0xFFFFFFF0] =	vst v2;
	v3 =	vld [tilespmem:s14+$0x40];
	(pc) =	sbr.rel @p1 .LBB2_12-.Ltmp5, $4  }
0x2e7: {  	[tilespmem:s14+$0xFFFFFFE0] =	vst v8;
	v5 =	vld [tilespmem:s14+$0x60]  }
0x2e8: {  	v2 =	vld.idx.msk [tilespmem:v4+s22+$0x0], $0xffff  }
0x2e9: {  	v6 =	vld [tilespmem:s14+$0x0]  }
0x2ea: {  	v4 =	vld [tilespmem:s14+$0x10]  }
0x2eb: {  	_ =	sdelay $0x1  }
0x2ec: {  	v5 =	vmul.f32 v5, v2  }
0x2ed: {  	v7 =	vld [tilespmem:s5+$0x50];
	v3 =	vmul.f32 v3, v2  }
0x2ee: {  	v8 =	vld [tilespmem:s5+$0x70];
	v0 =	vmul.f32 v0, v2;
	[tilespmem:s5+$0x60] =	vst v5  }
0x2ef: {  	v48 =	vmul.f32 v1, v2;
	[tilespmem:s5+$0x40] =	vst v3  }
0x2f0: {  	s10 =	sadd.s32 $0x3, s10;
	v46 =	vmul.f32 v6, v2;
	[tilespmem:s5+$0x20] =	vst v0  }
0x2f1: {  	v50 =	vmov s10;
	v4 =	vmul.f32 v4, v2;
	[tilespmem:s5+$0x30] =	vst v48  }
0x2f2: {  	v47 =	vmul.f32 v7, v2;
	[tilespmem:s5+$0x0] =	vst v46  }
0x2f3: {  	v51 =	vmul.f32 v8, v2;
	[tilespmem:s5+$0x10] =	vst v4  }
0x2f4: {  	[tilespmem:s5+$0x50] =	vst v47  }
0x2f5: {  	v49 =	vld [tilespmem:s5+$0x80];
	[tilespmem:s5+$0x70] =	vst v51  }
0x2f6: {  	v0 =	vld.idx.msk [tilespmem:v50+s22+$0x0], $0xffff  }
0x2f7: {  	v52 =	vld [tilespmem:s5+$0xA0]  }
0x2f8: {  	v53 =	vld [tilespmem:s5+$0xC0]  }
0x2f9: {  	v54 =	vld [tilespmem:s5+$0xF0]  }
0x2fa: {  	v55 =	vld [tilespmem:s5+$0xE0]  }
0x2fb: {  	v56 =	vld [tilespmem:s5+$0x90];
	v1 =	vmul.f32 v49, v0  }
0x2fc: {  	v57 =	vld [tilespmem:s5+$0xB0];
	v2 =	vmul.f32 v52, v0  }
0x2fd: {  	v58 =	vld [tilespmem:s5+$0xD0];
	v59 =	vmul.f32 v53, v0;
	[tilespmem:s5+$0x80] =	vst v1  }
0x2fe: {  	v60 =	vmul.f32 v54, v0;
	[tilespmem:s5+$0xA0] =	vst v2  }
0x2ff: {  	v61 =	vmul.f32 v55, v0;
	[tilespmem:s5+$0xC0] =	vst v59  }
0x300: {  	v62 =	vmul.f32 v56, v0;
	[tilespmem:s5+$0xF0] =	vst v60  }
0x301: {  	v63 =	vmul.f32 v57, v0;
	[tilespmem:s5+$0xE0] =	vst v61  }
0x302: {  	v0 =	vmul.f32 v58, v0;
	[tilespmem:s5+$0x90] =	vst v62  }
0x303: {  	[tilespmem:s5+$0xB0] =	vst v63  }
0x304: {  	s25 =	simm.s32 $0x1C00;
	s26 =	simm.s32 $0x6;
	[tilespmem:s5+$0xD0] =	vst v0  }
0x305: {  	[spmem:s3] =	stream.indirect.scatter.add.f32 [tilespmem:s29], [sflag:$0x5], $0x80, s25, s28, $0xb8;
	[tilespmem:$0x1E980] =	vst v63  }
0x306: {  	_ =	swait.ge [sflag:s26], $0x2800  }
0x307: {  	[sflag:s26] =	ssyncset.done $0x0  }
0x308: {  	[sflag:s26] =	ssyncadd.s32 $0xFFFFD800  }
0x309: {  	_ =	swait.ge [sflag:s8], $0x2800  }
0x30a: {  	[sflag:s8] =	ssyncset.done $0x0  }
0x30b: {  	[sflag:s8] =	ssyncadd.s32 $0xFFFFD800  }
0x30c: {  	_ =	swait.ge [sflag:s12], $0x2800  }
0x30d: {  	[sflag:s12] =	ssyncset.done $0x0  }
0x30e: {  	[sflag:s12] =	ssyncadd.s32 $0xFFFFD800  }
0x30f: {  	[bflag:$0x0] =	sbarrier.arrive $0xFFFF  }
0x310: {  	s16 =	rddreg [dreg:$0x6]  }
0x311: {  	s30 =	rddreg [dreg:$0xb]  }
0x312: {  	s14 =	simm.s32 $0x7;
	s13 =	rddreg [dreg:$0xe]  }
0x313: {  	[hbm:s30], [sflag:s16] =	dma.local [spmem:s13], $0x2700  }
0x314: {  	_ =	swait.ge [sflag:s14], $0x2700  }
0x315: {  	[sflag:s14] =	ssyncset.done $0x0;
	s5 =	rddreg [dreg:$0xc]  }
0x316: {  	s10 =	rddreg [dreg:$0x10];
	[sflag:s14] =	ssyncadd.s32 $0xFFFFD900  }
0x317: {  	[hbm:s5], [sflag:s16] =	dma.local @!p0 [spmem:s10], $0x80  }
0x318: {  	s5 =	simm.s32 @!p0 $0x7  }
0x319: {  	_ =	swait.ge @!p0 [sflag:s5], $0x80  }
0x31a: {  	s15 =	rddreg [dreg:$0x11]  }
0x31b: {  	s31 =	rddreg [dreg:$0xd];
	s15 =	sadd.s32 $0x1, s15  }
0x31c: {  	p1 =	sne.s32 s15, s31  }
.Ltmp6:
0x31d: {  	_ = 	snop;
	(pc) =	sbr.rel @p1 .LBB2_1-.Ltmp6, $3  }
0x31e: {  	_ =	sdelay $0x1  }
0x31f: {  	[sflag:s5] =	ssyncset.done @!p0 $0x0  }
0x320: {  	[sflag:s5] =	ssyncadd.s32 @!p0 $0xFFFFFF80  }
0x321: {  	_ =	sfence.sel $0x180000  }
0x322: {  	[bflag:$0x0] =	sbarrier.arrive $0xFFFF  }
0x323: {  	_ =	strace $0x90000047  }
0x324: {  	s0 =	stileid.u32;
	[bflag:$0x2] =	sbarrier.arrive $0xFFFF  }
0x325: {  	p0 =	sne.s32 s0, $0x0;
	s0 =	rddreg [dreg:$0x4]  }
0x326: {  	s0 =	sadd.s32 @!p0 $0x100000, s0  }
0x327: {  	[sflag:s0] =	ssyncadd.tile.s32 @!p0 $0x1;
	_ =	shalt  }
.Lfunc_end2:
_tile_overlayer_lowered:
.L_overlay_start_2:
0x328: {  	(tag) =	ssettag $0x2  }
0x329: {  	s0 =	rddreg [dreg:$0x0];
	s2 =	stileid.u32  }
0x32a: {  	s1 =	rddreg [dreg:$0x1];
	p0 =	sne.s32 s2, $0x0  }
0x32b: {  	s3 =	rddreg [dreg:$0x2];
	[bflag:$0x3] =	sbarrier.arrive $0xFFFF;
	s2 =	simm.s32 @!p0 $0x1C07  }
0x32c: {  	[timem:s3], [sflag:s2] =	dma.local @!p0 [hbm:s0], s1  }
0x32d: {  	s0 =	simm.s32 @!p0 $0x7  }
0x32e: {  	_ =	swait.ge @!p0 [sflag:s0], s1  }
0x32f: {  	s1 =	ssub.s32 @!p0 $0x0, s1;
	[sflag:s0] =	ssyncset.done @!p0 $0x0  }
0x330: {  	[sflag:s0] =	ssyncadd.s32 @!p0 s1  }
0x331: {  	[bflag:$0x3] =	sbarrier.arrive $0xFFFF  }
0x332: {  	_ =	shalt  }

</sc_bundles>
